<compile_context>
chip_gen: v7x
topology: tpu7x:2x2x1
jax: 0.10.2.dev20260603
libtpu: 0.0.44.dev20260713+nightly
codegen_flags: <defaults>
</compile_context>

<pallas_src>
import functools

import jax
import jax.numpy as jnp
from jax import lax
from jax.experimental import pallas as pl
from jax.experimental.pallas import tpu as pltpu
from jax.experimental.pallas import tpu_sc as plsc

N = 10000
F = 128
E = 320000
NC, NS = 2, 16
B = 125
EPT = E // (NC * NS)
IT = EPT // B
RPT = 624
TAIL = N - NS * RPT

_MESH = dict(core_axis_name="c", subcore_axis_name="s", num_cores=NC,
             num_subcores=NS)



def _edge_body(hs, srcr, dstr, out, si_a, si_b, di_a, di_b, rows_a, rows_b,
               z_a, z_b, acc, sg_a, sg_b, ss_a, ss_b, sd_a, sd_b, zs_a, zs_b):
    c = lax.axis_index("c")
    s = lax.axis_index("s")

    def zb(j, carry):
        for k in range(8):
            z_a[j, pl.ds(k * 16, 16)] = jnp.zeros((16,), jnp.float32)
        return carry
    lax.fori_loop(0, 16, zb, 0)

    def zc(r, carry):
        pltpu.sync_copy(z_a, acc.at[pl.ds(s * RPT + r * 16, 16)])
        return carry
    lax.fori_loop(0, RPT // 16, zc, 0)

    @pl.when(s == NS - 1)
    def _():
        pltpu.sync_copy(z_a, acc.at[pl.ds(NS * RPT, TAIL)])

    plsc.subcore_barrier()

    sidx = (si_a, si_b)
    didx = (di_a, di_b)
    rows = (rows_a, rows_b)
    gsem = (sg_a, sg_b)
    isem = (ss_a, ss_b)
    dsem = (sd_a, sd_b)

    def wait_gather(p):
        pltpu.make_async_copy(hs.at[sidx[p].at[0]], rows[p], gsem[p]).wait()

    def wait_idx(q):
        pltpu.make_async_copy(srcr.at[0, 0, 0], sidx[q], isem[q]).wait()

    def wait_didx(p):
        pltpu.make_async_copy(dstr.at[0, 0, 0], didx[p], dsem[p]).wait()

    pltpu.sync_copy(srcr.at[c, s, 0], si_a)
    pltpu.async_copy(dstr.at[c, s, 0], di_a, sd_a)
    pltpu.async_copy(hs.at[si_a.at[0]], rows_a, sg_a)
    pltpu.async_copy(srcr.at[c, s, 1], si_b, ss_b)
    pltpu.async_copy(dstr.at[c, s, 1], di_b, sd_b)

    def step(i, carry):
        for p in (0, 1):
            ii = 2 * i + p
            q = 1 - p
            wait_gather(p)
            wait_idx(q)
            pltpu.async_copy(hs.at[sidx[q].at[0]], rows[q], gsem[q])
            pltpu.async_copy(srcr.at[c, s, ii + 2], sidx[p], isem[p])
            wait_didx(p)
            pltpu.sync_copy(rows[p], acc.at[didx[p].at[0]], add=True)
            pltpu.async_copy(dstr.at[c, s, ii + 2], didx[p], dsem[p])
        return carry
    lax.fori_loop(0, (IT - 2) // 2, step, 0)

    wait_gather(0)
    wait_idx(1)
    pltpu.async_copy(hs.at[si_b.at[0]], rows_b, sg_b)
    wait_didx(0)
    pltpu.sync_copy(rows_a, acc.at[di_a.at[0]], add=True)
    wait_gather(1)
    wait_didx(1)
    pltpu.sync_copy(rows_b, acc.at[di_b.at[0]], add=True)

    plsc.subcore_barrier()

    def co(r, carry):
        pltpu.sync_copy(acc.at[pl.ds(s * RPT + r * 16, 16)], z_a)
        pltpu.sync_copy(z_a, out.at[c, pl.ds(s * RPT + r * 16, 16)])
        return carry
    lax.fori_loop(0, RPT // 16, co, 0)

    @pl.when(s == NS - 1)
    def _():
        pltpu.sync_copy(acc.at[pl.ds(NS * RPT, TAIL)], z_a)
        pltpu.sync_copy(z_a, out.at[c, pl.ds(NS * RPT, TAIL)])


_edge_pass = pl.kernel(
    _edge_body,
    out_type=jax.ShapeDtypeStruct((NC, N, F), jnp.float32),
    mesh=plsc.VectorSubcoreMesh(**_MESH),
    scratch_types=[
        pltpu.VMEM((1, B), jnp.int32),
        pltpu.VMEM((1, B), jnp.int32),
        pltpu.VMEM((1, B), jnp.int32),
        pltpu.VMEM((1, B), jnp.int32),
        pltpu.VMEM((B, F), jnp.float32),
        pltpu.VMEM((B, F), jnp.float32),
        pltpu.VMEM((16, F), jnp.float32),
        pltpu.VMEM((16, F), jnp.float32),
        pltpu.VMEM_SHARED((N, F), jnp.float32),
        pltpu.SemaphoreType.DMA,
        pltpu.SemaphoreType.DMA,
        pltpu.SemaphoreType.DMA,
        pltpu.SemaphoreType.DMA,
        pltpu.SemaphoreType.DMA,
        pltpu.SemaphoreType.DMA,
        pltpu.SemaphoreType.DMA,
        pltpu.SemaphoreType.DMA,
    ],
)


def _deg_body(dstr, out, dst_v, ones_v, z_v, acc):
    c = lax.axis_index("c")
    s = lax.axis_index("s")

    def zb(j, carry):
        for k in range(8):
            z_v[j, pl.ds(k * 16, 16)] = jnp.zeros((16,), jnp.float32)
        return carry
    lax.fori_loop(0, 16, zb, 0)

    def zc(r, carry):
        pltpu.sync_copy(z_v, acc.at[pl.ds(s * RPT + r * 16, 16)])
        return carry
    lax.fori_loop(0, RPT // 16, zc, 0)

    @pl.when(s == NS - 1)
    def _():
        pltpu.sync_copy(z_v, acc.at[pl.ds(NS * RPT, TAIL)])

    def ob(j, carry):
        for k in range(8):
            ones_v[j, pl.ds(k * 16, 16)] = jnp.ones((16,), jnp.float32)
        return carry
    lax.fori_loop(0, B, ob, 0)

    plsc.subcore_barrier()

    def step(i, carry):
        pltpu.sync_copy(dstr.at[c, s, i], dst_v)
        pltpu.sync_copy(ones_v, acc.at[dst_v.at[0]], add=True)
        return carry
    lax.fori_loop(0, IT, step, 0)

    plsc.subcore_barrier()

    def co(r, carry):
        pltpu.sync_copy(acc.at[pl.ds(s * RPT + r * 16, 16)], z_v)
        pltpu.sync_copy(z_v, out.at[c, pl.ds(s * RPT + r * 16, 16)])
        return carry
    lax.fori_loop(0, RPT // 16, co, 0)

    @pl.when(s == NS - 1)
    def _():
        pltpu.sync_copy(acc.at[pl.ds(NS * RPT, TAIL)], z_v)
        pltpu.sync_copy(z_v, out.at[c, pl.ds(NS * RPT, TAIL)])


_deg_pass = pl.kernel(
    _deg_body,
    out_type=jax.ShapeDtypeStruct((NC, N, F), jnp.float32),
    mesh=plsc.VectorSubcoreMesh(**_MESH),
    scratch_types=[
        pltpu.VMEM((1, B), jnp.int32),
        pltpu.VMEM((B, F), jnp.float32),
        pltpu.VMEM((16, F), jnp.float32),
        pltpu.VMEM_SHARED((N, F), jnp.float32),
    ],
)



R = 1000


def _dis(d0_ref, d1_ref):
    deg = d0_ref[...] + d1_ref[...] + 1.0
    return lax.rsqrt(deg)


def _elu(x):
    return jnp.where(x > 0, x, jnp.exp(jnp.minimum(x, 0.0)) - 1.0)


def _tc_first_body(x_ref, w_ref, d0_ref, d1_ref, o_ref):
    dis = _dis(d0_ref, d1_ref)
    o_ref[...] = dis * jnp.dot(x_ref[...], w_ref[...],
                               preferred_element_type=jnp.float32)


def _tc_mid_body(agg_ref, hs_ref, d0_ref, d1_ref, w_ref, b_ref, o_ref):
    dis = _dis(d0_ref, d1_ref)
    pre = (agg_ref[0] + agg_ref[1] + hs_ref[...]) * dis + b_ref[...]
    h = _elu(pre)
    o_ref[...] = dis * jnp.dot(h, w_ref[...],
                               preferred_element_type=jnp.float32)


def _tc_last_body(agg_ref, hs_ref, d0_ref, d1_ref, b_ref, wl_ref, bl_ref,
                  o_ref):
    dis = _dis(d0_ref, d1_ref)
    pre = (agg_ref[0] + agg_ref[1] + hs_ref[...]) * dis + b_ref[...]
    h = _elu(pre)
    o_ref[...] = jnp.dot(h, wl_ref[...],
                         preferred_element_type=jnp.float32) + bl_ref[...]


_row_spec = pl.BlockSpec((R, F), lambda i: (i, 0))
_agg_spec = pl.BlockSpec((NC, R, F), lambda i: (0, i, 0))
_deg_spec = pl.BlockSpec((R, 1), lambda i: (i, 0))
_w_spec = pl.BlockSpec((F, F), lambda i: (0, 0))
_b_spec = pl.BlockSpec((1, F), lambda i: (0, 0))
_wl_spec = pl.BlockSpec((F, 1), lambda i: (0, 0))
_bl_spec = pl.BlockSpec((1, 1), lambda i: (0, 0))
_o1_spec = pl.BlockSpec((R, 1), lambda i: (i, 0))

_tc_first = pl.pallas_call(
    _tc_first_body,
    grid=(N // R,),
    in_specs=[_row_spec, _w_spec, _deg_spec, _deg_spec],
    out_specs=_row_spec,
    out_shape=jax.ShapeDtypeStruct((N, F), jnp.float32),
)

_tc_mid = pl.pallas_call(
    _tc_mid_body,
    grid=(N // R,),
    in_specs=[_agg_spec, _row_spec, _deg_spec, _deg_spec, _w_spec, _b_spec],
    out_specs=_row_spec,
    out_shape=jax.ShapeDtypeStruct((N, F), jnp.float32),
)

_tc_last = pl.pallas_call(
    _tc_last_body,
    grid=(N // R,),
    in_specs=[_agg_spec, _row_spec, _deg_spec, _deg_spec, _b_spec, _wl_spec,
              _bl_spec],
    out_specs=_o1_spec,
    out_shape=jax.ShapeDtypeStruct((N, 1), jnp.float32),
)



@jax.jit
def kernel(x, edge_index, W0, b0, W1, b1, W2, b2, Wl, bl):
    src = edge_index[0].astype(jnp.int32).reshape(NC, NS, IT, 1, B)
    dst = edge_index[1].astype(jnp.int32).reshape(NC, NS, IT, 1, B)

    degp = _deg_pass(dst)
    d0 = degp[0, :, 0:1]
    d1 = degp[1, :, 0:1]

    hs = _tc_first(x, W0, d0, d1)
    agg = _edge_pass(hs, src, dst)
    hs = _tc_mid(agg, hs, d0, d1, W1, b0.reshape(1, F))
    agg = _edge_pass(hs, src, dst)
    hs = _tc_mid(agg, hs, d0, d1, W2, b1.reshape(1, F))
    agg = _edge_pass(hs, src, dst)
    out = _tc_last(agg, hs, d0, d1, b2.reshape(1, F), Wl,
                   bl.reshape(1, 1))
    return out

# --- scband reference (transcript-rebuilt; emitter-appended) ---
"""Pipeline reference for scband-net2-128849019558 (READ-ONLY COPY).

The authoritative reference and input builder live on the scoring server;
editing this copy changes nothing except your own understanding.
"""

import jax, jax.numpy as jnp
import numpy as np

N_NODES = 10000


def gcn_conv(x, edge_index, W, b):
    n = x.shape[0]
    src = edge_index[0]
    dst = edge_index[1]
    # add self loops (PyG GCNConv default: add_self_loops=True)
    loops = jnp.arange(n, dtype=edge_index.dtype)
    src = jnp.concatenate([src, loops])
    dst = jnp.concatenate([dst, loops])
    ones = jnp.ones(src.shape[0], dtype=x.dtype)
    # symmetric normalization: deg over dst (col) with self loops
    deg = jnp.zeros((n,), dtype=x.dtype).at[dst].add(ones)
    deg_inv_sqrt = 1.0 / jnp.sqrt(deg)
    deg_inv_sqrt = jnp.where(jnp.isinf(deg_inv_sqrt), 0.0, deg_inv_sqrt)
    norm = deg_inv_sqrt[src] * deg_inv_sqrt[dst]
    # linear transform, then gather-message-scatter
    h = x @ W
    msg = h[src] * norm[:, None]
    out = jnp.zeros_like(h).at[dst].add(msg)
    return out + b


def setup_inputs(seed: int = 0) -> dict:
    key = jax.random.key(seed)
    ks = jax.random.split(key, 12)
    num_features, hidden = 128, 128
    x = jax.random.normal(ks[0], (N_NODES, num_features), dtype=jnp.float32)
    edge_index = jax.random.randint(ks[1], (2, 320000), 0, N_NODES, dtype=jnp.int64)
    s0 = 1.0 / np.sqrt(num_features)
    s1 = 1.0 / np.sqrt(hidden)
    W0 = jax.random.uniform(ks[2], (num_features, hidden), jnp.float32, -s0, s0)
    b0 = jnp.zeros((hidden,), jnp.float32)
    W1 = jax.random.uniform(ks[3], (hidden, hidden), jnp.float32, -s1, s1)
    b1 = jnp.zeros((hidden,), jnp.float32)
    W2 = jax.random.uniform(ks[4], (hidden, hidden), jnp.float32, -s1, s1)
    b2 = jnp.zeros((hidden,), jnp.float32)
    Wl = jax.random.uniform(ks[5], (hidden, 1), jnp.float32, -s1, s1)
    bl = jax.random.uniform(ks[6], (1,), jnp.float32, -s1, s1)
    return {"x": x, "edge_index": edge_index, "W0": W0, "b0": b0, "W1": W1, "b1": b1, "W2": W2, "b2": b2, "Wl": Wl, "bl": bl}


def reference(x, edge_index, W0, b0, W1, b1, W2, b2, Wl, bl):
    h = x
    for W, b in ((W0, b0), (W1, b1), (W2, b2)):
        h = gcn_conv(h, edge_index, W, b)
        h = jax.nn.elu(h)
        # dropout is identity in eval / deterministic reference
    out = h @ Wl + bl
    return out

if __name__ == "__main__":
    import jax
    _d = setup_inputs()
    print(jax.jit(kernel)(*tuple(_d.values())))

</pallas_src>

<mosaic_0001>
#map = affine_map<(d0, d1) -> (0, 0)>
#map1 = affine_map<(d0, d1) -> (0, 0, 0, 0, 0)>
#map2 = affine_map<(d0, d1) -> (0, 0, 0)>
module attributes {stable_mosaic.version = 14 : i64} {
  func.func @_edge_body(%arg0: i32, %arg1: i32, %arg2: memref<10000x128xf32, #tpu.memory_space<hbm>>, %arg3: memref<2x16x80x1x125xi32, #tpu.memory_space<hbm>>, %arg4: memref<2x16x80x1x125xi32, #tpu.memory_space<hbm>>, %arg5: memref<2x10000x128xf32, #tpu.memory_space<hbm>>, %arg6: memref<1x125xi32, #tpu.memory_space<vmem>>, %arg7: memref<1x125xi32, #tpu.memory_space<vmem>>, %arg8: memref<1x125xi32, #tpu.memory_space<vmem>>, %arg9: memref<1x125xi32, #tpu.memory_space<vmem>>, %arg10: memref<125x128xf32, #tpu.memory_space<vmem>>, %arg11: memref<125x128xf32, #tpu.memory_space<vmem>>, %arg12: memref<16x128xf32, #tpu.memory_space<vmem>>, %arg13: memref<16x128xf32, #tpu.memory_space<vmem>>, %arg14: memref<10000x128xf32, #tpu.memory_space<vmem_shared>>, %arg15: memref<!tpu.dma_semaphore, #tpu.memory_space<semaphore_mem>>, %arg16: memref<!tpu.dma_semaphore, #tpu.memory_space<semaphore_mem>>, %arg17: memref<!tpu.dma_semaphore, #tpu.memory_space<semaphore_mem>>, %arg18: memref<!tpu.dma_semaphore, #tpu.memory_space<semaphore_mem>>, %arg19: memref<!tpu.dma_semaphore, #tpu.memory_space<semaphore_mem>>, %arg20: memref<!tpu.dma_semaphore, #tpu.memory_space<semaphore_mem>>, %arg21: memref<!tpu.dma_semaphore, #tpu.memory_space<semaphore_mem>>, %arg22: memref<!tpu.dma_semaphore, #tpu.memory_space<semaphore_mem>>) attributes {dimension_semantics = [#tpu.dimension_semantics<core_parallel>, #tpu.dimension_semantics<subcore_parallel>], iteration_bounds = array<i64: 2, 16>, scalar_prefetch = 0 : i64, scratch_operands = 17 : i64, tpu.core_type = #tpu.core_type<sc_vector_subcore>, window_params = [{transform_indices = #map}, {transform_indices = #map1}, {transform_indices = #map1}, {transform_indices = #map2}]} {
    %scan3A = arith.constant 0 : i32
    %scan3A_0 = arith.constant 0 : i32
    %scan3A_1 = arith.constant 16 : i32
    %scan3A_2 = arith.addi %scan3A_0, %scan3A_1 : i32
    %scan3A_3 = arith.constant 1 : i32
    scf.for %scan3A_119 = %scan3A_0 to %scan3A_2 step %scan3A_3  : i32 {
      %broadcast_in_dim3A = arith.constant 0.000000e+00 : f32
      %broadcast_in_dim3A_120 = vector.broadcast %broadcast_in_dim3A : f32 to vector<16xf32>
      %swap3A = arith.index_cast %scan3A_119 : i32 to index
      %swap3A_121 = arith.constant 0 : index
      %swap3A_122 = tpu.vector_load %arg12[%swap3A, %swap3A_121] {strides = array<i32>} : memref<16x128xf32, #tpu.memory_space<vmem>>, vector<1x16xf32>,
      %swap3A_123 = vector.shape_cast %swap3A_122 : vector<1x16xf32> to vector<16xf32>
      %swap3A_124 = vector.shape_cast %broadcast_in_dim3A_120 : vector<16xf32> to vector<1x16xf32>
      tpu.vector_store %arg12[%swap3A, %swap3A_121], %swap3A_124 {strides = array<i32>} : memref<16x128xf32, #tpu.memory_space<vmem>>, vector<1x16xf32>,
      %broadcast_in_dim3A_125 = arith.constant 0.000000e+00 : f32
      %broadcast_in_dim3A_126 = vector.broadcast %broadcast_in_dim3A_125 : f32 to vector<16xf32>
      %swap3A_127 = arith.index_cast %scan3A_119 : i32 to index
      %swap3A_128 = arith.constant 16 : index
      %swap3A_129 = tpu.vector_load %arg12[%swap3A_127, %swap3A_128] {strides = array<i32>} : memref<16x128xf32, #tpu.memory_space<vmem>>, vector<1x16xf32>,
      %swap3A_130 = vector.shape_cast %swap3A_129 : vector<1x16xf32> to vector<16xf32>
      %swap3A_131 = vector.shape_cast %broadcast_in_dim3A_126 : vector<16xf32> to vector<1x16xf32>
      tpu.vector_store %arg12[%swap3A_127, %swap3A_128], %swap3A_131 {strides = array<i32>} : memref<16x128xf32, #tpu.memory_space<vmem>>, vector<1x16xf32>,
      %broadcast_in_dim3A_132 = arith.constant 0.000000e+00 : f32
      %broadcast_in_dim3A_133 = vector.broadcast %broadcast_in_dim3A_132 : f32 to vector<16xf32>
      %swap3A_134 = arith.index_cast %scan3A_119 : i32 to index
      %swap3A_135 = arith.constant 32 : index
      %swap3A_136 = tpu.vector_load %arg12[%swap3A_134, %swap3A_135] {strides = array<i32>} : memref<16x128xf32, #tpu.memory_space<vmem>>, vector<1x16xf32>,
      %swap3A_137 = vector.shape_cast %swap3A_136 : vector<1x16xf32> to vector<16xf32>
      %swap3A_138 = vector.shape_cast %broadcast_in_dim3A_133 : vector<16xf32> to vector<1x16xf32>
      tpu.vector_store %arg12[%swap3A_134, %swap3A_135], %swap3A_138 {strides = array<i32>} : memref<16x128xf32, #tpu.memory_space<vmem>>, vector<1x16xf32>,
      %broadcast_in_dim3A_139 = arith.constant 0.000000e+00 : f32
      %broadcast_in_dim3A_140 = vector.broadcast %broadcast_in_dim3A_139 : f32 to vector<16xf32>
      %swap3A_141 = arith.index_cast %scan3A_119 : i32 to index
      %swap3A_142 = arith.constant 48 : index
      %swap3A_143 = tpu.vector_load %arg12[%swap3A_141, %swap3A_142] {strides = array<i32>} : memref<16x128xf32, #tpu.memory_space<vmem>>, vector<1x16xf32>,
      %swap3A_144 = vector.shape_cast %swap3A_143 : vector<1x16xf32> to vector<16xf32>
      %swap3A_145 = vector.shape_cast %broadcast_in_dim3A_140 : vector<16xf32> to vector<1x16xf32>
      tpu.vector_store %arg12[%swap3A_141, %swap3A_142], %swap3A_145 {strides = array<i32>} : memref<16x128xf32, #tpu.memory_space<vmem>>, vector<1x16xf32>,
      %broadcast_in_dim3A_146 = arith.constant 0.000000e+00 : f32
      %broadcast_in_dim3A_147 = vector.broadcast %broadcast_in_dim3A_146 : f32 to vector<16xf32>
      %swap3A_148 = arith.index_cast %scan3A_119 : i32 to index
      %swap3A_149 = arith.constant 64 : index
      %swap3A_150 = tpu.vector_load %arg12[%swap3A_148, %swap3A_149] {strides = array<i32>} : memref<16x128xf32, #tpu.memory_space<vmem>>, vector<1x16xf32>,
      %swap3A_151 = vector.shape_cast %swap3A_150 : vector<1x16xf32> to vector<16xf32>
      %swap3A_152 = vector.shape_cast %broadcast_in_dim3A_147 : vector<16xf32> to vector<1x16xf32>
      tpu.vector_store %arg12[%swap3A_148, %swap3A_149], %swap3A_152 {strides = array<i32>} : memref<16x128xf32, #tpu.memory_space<vmem>>, vector<1x16xf32>,
      %broadcast_in_dim3A_153 = arith.constant 0.000000e+00 : f32
      %broadcast_in_dim3A_154 = vector.broadcast %broadcast_in_dim3A_153 : f32 to vector<16xf32>
      %swap3A_155 = arith.index_cast %scan3A_119 : i32 to index
      %swap3A_156 = arith.constant 80 : index
      %swap3A_157 = tpu.vector_load %arg12[%swap3A_155, %swap3A_156] {strides = array<i32>} : memref<16x128xf32, #tpu.memory_space<vmem>>, vector<1x16xf32>,
      %swap3A_158 = vector.shape_cast %swap3A_157 : vector<1x16xf32> to vector<16xf32>
      %swap3A_159 = vector.shape_cast %broadcast_in_dim3A_154 : vector<16xf32> to vector<1x16xf32>
      tpu.vector_store %arg12[%swap3A_155, %swap3A_156], %swap3A_159 {strides = array<i32>} : memref<16x128xf32, #tpu.memory_space<vmem>>, vector<1x16xf32>,
      %broadcast_in_dim3A_160 = arith.constant 0.000000e+00 : f32
      %broadcast_in_dim3A_161 = vector.broadcast %broadcast_in_dim3A_160 : f32 to vector<16xf32>
      %swap3A_162 = arith.index_cast %scan3A_119 : i32 to index
      %swap3A_163 = arith.constant 96 : index
      %swap3A_164 = tpu.vector_load %arg12[%swap3A_162, %swap3A_163] {strides = array<i32>} : memref<16x128xf32, #tpu.memory_space<vmem>>, vector<1x16xf32>,
      %swap3A_165 = vector.shape_cast %swap3A_164 : vector<1x16xf32> to vector<16xf32>
      %swap3A_166 = vector.shape_cast %broadcast_in_dim3A_161 : vector<16xf32> to vector<1x16xf32>
      tpu.vector_store %arg12[%swap3A_162, %swap3A_163], %swap3A_166 {strides = array<i32>} : memref<16x128xf32, #tpu.memory_space<vmem>>, vector<1x16xf32>,
      %broadcast_in_dim3A_167 = arith.constant 0.000000e+00 : f32
      %broadcast_in_dim3A_168 = vector.broadcast %broadcast_in_dim3A_167 : f32 to vector<16xf32>
      %swap3A_169 = arith.index_cast %scan3A_119 : i32 to index
      %swap3A_170 = arith.constant 112 : index
      %swap3A_171 = tpu.vector_load %arg12[%swap3A_169, %swap3A_170] {strides = array<i32>} : memref<16x128xf32, #tpu.memory_space<vmem>>, vector<1x16xf32>,
      %swap3A_172 = vector.shape_cast %swap3A_171 : vector<1x16xf32> to vector<16xf32>
      %swap3A_173 = vector.shape_cast %broadcast_in_dim3A_168 : vector<16xf32> to vector<1x16xf32>
      tpu.vector_store %arg12[%swap3A_169, %swap3A_170], %swap3A_173 {strides = array<i32>} : memref<16x128xf32, #tpu.memory_space<vmem>>, vector<1x16xf32>,
    }
    %scan3A_4 = arith.constant 16 : i32
    %scan3A_5 = arith.constant 0 : i32
    %scan3A_6 = arith.constant 0 : i32
    %scan3A_7 = arith.constant 39 : i32
    %scan3A_8 = arith.addi %scan3A_6, %scan3A_7 : i32
    %scan3A_9 = arith.constant 1 : i32
    scf.for %scan3A_119 = %scan3A_6 to %scan3A_8 step %scan3A_9  : i32 {
      %mul3A = arith.constant 624 : i32
      %mul3A_120 = arith.muli %arg1, %mul3A : i32
      %mul3A_121 = arith.constant 16 : i32
      %mul3A_122 = arith.muli %scan3A_119, %mul3A_121 : i32
      %add3A = arith.addi %mul3A_120, %mul3A_122 : i32
      "tpu.region"() ({
        %run_scoped3A_123 = tpu.sem_alloc : memref<!tpu.dma_semaphore, #tpu.memory_space<semaphore_mem>>
        %dma_start3A_124 = arith.constant 0 : i32
        %dma_start3A_125 = tpu.memref_slice %arg14[%add3A, %dma_start3A_124] : memref<10000x128xf32, #tpu.memory_space<vmem_shared>> -> memref<16x128xf32, #tpu.memory_space<vmem_shared>>
        %dma_start3A_126 = arith.constant 0 : i32
        %dma_start3A_127 = tpu.memref_slice %arg14[%add3A, %dma_start3A_126] : memref<10000x128xf32, #tpu.memory_space<vmem_shared>> -> memref<16x128xf32, #tpu.memory_space<vmem_shared>>
        tpu.enqueue_dma source(%arg12 : memref<16x128xf32, #tpu.memory_space<vmem>>) target(%dma_start3A_127 : memref<16x128xf32, #tpu.memory_space<vmem_shared>>) target_semaphore(%run_scoped3A_123 : memref<!tpu.dma_semaphore, #tpu.memory_space<semaphore_mem>>)
        %dma_wait3A_128 = arith.constant 0 : i32
        %dma_wait3A_129 = tpu.memref_slice %arg14[%add3A, %dma_wait3A_128] : memref<10000x128xf32, #tpu.memory_space<vmem_shared>> -> memref<16x128xf32, #tpu.memory_space<vmem_shared>>
        %dma_wait3A_130 = arith.constant 0 : i32
        %dma_wait3A_131 = tpu.memref_slice %arg14[%add3A, %dma_wait3A_130] : memref<10000x128xf32, #tpu.memory_space<vmem_shared>> -> memref<16x128xf32, #tpu.memory_space<vmem_shared>>
        tpu.wait_dma2 semaphore(%run_scoped3A_123 : memref<!tpu.dma_semaphore, #tpu.memory_space<semaphore_mem>>) src(%arg12 : memref<16x128xf32, #tpu.memory_space<vmem>>) dst(%dma_wait3A_131 : memref<16x128xf32, #tpu.memory_space<vmem_shared>>)
        tpu.yield
      }) : () -> ()
    }
    %scan3A_10 = arith.constant 39 : i32
    %eq3A = arith.constant 15 : i32
    %eq3A_11 = arith.cmpi eq, %arg1, %eq3A : i32
    %convert_element_type3A = arith.extui %eq3A_11 : i1 to i32
    %cond3A = arith.constant 0 : i32
    %cond3A_12 = arith.cmpi ne, %convert_element_type3A, %cond3A : i32
    scf.if %cond3A_12 {
      "tpu.region"() ({
        %run_scoped3A_119 = tpu.sem_alloc : memref<!tpu.dma_semaphore, #tpu.memory_space<semaphore_mem>>
        %dma_start3A_120 = arith.constant 9984 : i32
        %dma_start3A_121 = arith.constant 0 : i32
        %dma_start3A_122 = tpu.memref_slice %arg14[%dma_start3A_120, %dma_start3A_121] : memref<10000x128xf32, #tpu.memory_space<vmem_shared>> -> memref<16x128xf32, #tpu.memory_space<vmem_shared>>
        %dma_start3A_123 = arith.constant 9984 : i32
        %dma_start3A_124 = arith.constant 0 : i32
        %dma_start3A_125 = tpu.memref_slice %arg14[%dma_start3A_123, %dma_start3A_124] : memref<10000x128xf32, #tpu.memory_space<vmem_shared>> -> memref<16x128xf32, #tpu.memory_space<vmem_shared>>
        tpu.enqueue_dma source(%arg12 : memref<16x128xf32, #tpu.memory_space<vmem>>) target(%dma_start3A_125 : memref<16x128xf32, #tpu.memory_space<vmem_shared>>) target_semaphore(%run_scoped3A_119 : memref<!tpu.dma_semaphore, #tpu.memory_space<semaphore_mem>>)
        %dma_wait3A_126 = arith.constant 9984 : i32
        %dma_wait3A_127 = arith.constant 0 : i32
        %dma_wait3A_128 = tpu.memref_slice %arg14[%dma_wait3A_126, %dma_wait3A_127] : memref<10000x128xf32, #tpu.memory_space<vmem_shared>> -> memref<16x128xf32, #tpu.memory_space<vmem_shared>>
        %dma_wait3A_129 = arith.constant 9984 : i32
        %dma_wait3A_130 = arith.constant 0 : i32
        %dma_wait3A_131 = tpu.memref_slice %arg14[%dma_wait3A_129, %dma_wait3A_130] : memref<10000x128xf32, #tpu.memory_space<vmem_shared>> -> memref<16x128xf32, #tpu.memory_space<vmem_shared>>
        tpu.wait_dma2 semaphore(%run_scoped3A_119 : memref<!tpu.dma_semaphore, #tpu.memory_space<semaphore_mem>>) src(%arg12 : memref<16x128xf32, #tpu.memory_space<vmem>>) dst(%dma_wait3A_131 : memref<16x128xf32, #tpu.memory_space<vmem_shared>>)
        tpu.yield
      }) : () -> ()
    } else {
    }
    %barrier3A = arith.constant 0 : index
    tpu.barrier barrier_id(%barrier3A)
    %run_scoped3A = arith.constant 0 : i32
    "tpu.region"() ({
      %run_scoped3A_119 = tpu.sem_alloc : memref<!tpu.dma_semaphore, #tpu.memory_space<semaphore_mem>>
      %dma_start3A_120 = arith.constant 0 : i32
      %dma_start3A_121 = arith.constant 0 : i32
      %dma_start3A_122 = tpu.memref_slice %arg3[%arg0, %arg1, %run_scoped3A, %dma_start3A_120, %dma_start3A_121] : memref<2x16x80x1x125xi32, #tpu.memory_space<hbm>> -> memref<1x1x1x1x125xi32, #tpu.memory_space<hbm>>
      %dma_start3A_123 = tpu.memref_squeeze %dma_start3A_122 : memref<1x1x1x1x125xi32, #tpu.memory_space<hbm>> -> memref<1x125xi32, #tpu.memory_space<hbm>>
      %dma_start3A_124 = arith.constant 0 : i32
      %dma_start3A_125 = arith.constant 0 : i32
      %dma_start3A_126 = tpu.memref_slice %arg3[%arg0, %arg1, %run_scoped3A, %dma_start3A_124, %dma_start3A_125] : memref<2x16x80x1x125xi32, #tpu.memory_space<hbm>> -> memref<1x1x1x1x125xi32, #tpu.memory_space<hbm>>
      %dma_start3A_127 = tpu.memref_squeeze %dma_start3A_126 : memref<1x1x1x1x125xi32, #tpu.memory_space<hbm>> -> memref<1x125xi32, #tpu.memory_space<hbm>>
      tpu.enqueue_dma source(%dma_start3A_127 : memref<1x125xi32, #tpu.memory_space<hbm>>) target(%arg6 : memref<1x125xi32, #tpu.memory_space<vmem>>) target_semaphore(%run_scoped3A_119 : memref<!tpu.dma_semaphore, #tpu.memory_space<semaphore_mem>>)
      %dma_wait3A_128 = arith.constant 0 : i32
      %dma_wait3A_129 = arith.constant 0 : i32
      %dma_wait3A_130 = tpu.memref_slice %arg3[%arg0, %arg1, %run_scoped3A, %dma_wait3A_128, %dma_wait3A_129] : memref<2x16x80x1x125xi32, #tpu.memory_space<hbm>> -> memref<1x1x1x1x125xi32, #tpu.memory_space<hbm>>
      %dma_wait3A_131 = tpu.memref_squeeze %dma_wait3A_130 : memref<1x1x1x1x125xi32, #tpu.memory_space<hbm>> -> memref<1x125xi32, #tpu.memory_space<hbm>>
      %dma_wait3A_132 = arith.constant 0 : i32
      %dma_wait3A_133 = arith.constant 0 : i32
      %dma_wait3A_134 = tpu.memref_slice %arg3[%arg0, %arg1, %run_scoped3A, %dma_wait3A_132, %dma_wait3A_133] : memref<2x16x80x1x125xi32, #tpu.memory_space<hbm>> -> memref<1x1x1x1x125xi32, #tpu.memory_space<hbm>>
      %dma_wait3A_135 = tpu.memref_squeeze %dma_wait3A_134 : memref<1x1x1x1x125xi32, #tpu.memory_space<hbm>> -> memref<1x125xi32, #tpu.memory_space<hbm>>
      tpu.wait_dma2 semaphore(%run_scoped3A_119 : memref<!tpu.dma_semaphore, #tpu.memory_space<semaphore_mem>>) src(%dma_wait3A_135 : memref<1x125xi32, #tpu.memory_space<hbm>>) dst(%arg6 : memref<1x125xi32, #tpu.memory_space<vmem>>)
      tpu.yield
    }) : () -> ()
    %dma_start3A = arith.constant 0 : i32
    %dma_start3A_13 = arith.constant 0 : i32
    %dma_start3A_14 = arith.constant 0 : i32
    %dma_start3A_15 = tpu.memref_slice %arg4[%arg0, %arg1, %dma_start3A, %dma_start3A_13, %dma_start3A_14] : memref<2x16x80x1x125xi32, #tpu.memory_space<hbm>> -> memref<1x1x1x1x125xi32, #tpu.memory_space<hbm>>
    %dma_start3A_16 = tpu.memref_squeeze %dma_start3A_15 : memref<1x1x1x1x125xi32, #tpu.memory_space<hbm>> -> memref<1x125xi32, #tpu.memory_space<hbm>>
    %dma_start3A_17 = arith.constant 0 : i32
    %dma_start3A_18 = arith.constant 0 : i32
    %dma_start3A_19 = tpu.memref_slice %arg4[%arg0, %arg1, %dma_start3A, %dma_start3A_17, %dma_start3A_18] : memref<2x16x80x1x125xi32, #tpu.memory_space<hbm>> -> memref<1x1x1x1x125xi32, #tpu.memory_space<hbm>>
    %dma_start3A_20 = tpu.memref_squeeze %dma_start3A_19 : memref<1x1x1x1x125xi32, #tpu.memory_space<hbm>> -> memref<1x125xi32, #tpu.memory_space<hbm>>
    tpu.enqueue_dma source(%dma_start3A_20 : memref<1x125xi32, #tpu.memory_space<hbm>>) target(%arg8 : memref<1x125xi32, #tpu.memory_space<vmem>>) target_semaphore(%arg19 : memref<!tpu.dma_semaphore, #tpu.memory_space<semaphore_mem>>)
    %dma_start3A_21 = arith.constant 0 : i32
    %dma_start3A_22 = arith.constant 0 : i32
    %dma_start3A_23 = tpu.memref_slice %arg6[%dma_start3A_21, %dma_start3A_22] : memref<1x125xi32, #tpu.memory_space<vmem>> -> memref<1x125xi32, #tpu.memory_space<vmem>>
    %dma_start3A_24 = tpu.memref_squeeze %dma_start3A_23 : memref<1x125xi32, #tpu.memory_space<vmem>> -> memref<125xi32, #tpu.memory_space<vmem>>
    %dma_start3A_25 = arith.constant 0 : i32
    %dma_start3A_26 = arith.constant 0 : i32
    %dma_start3A_27 = tpu.memref_slice %arg2[%dma_start3A_25, %dma_start3A_26] : memref<10000x128xf32, #tpu.memory_space<hbm>> -> memref<10000x128xf32, #tpu.memory_space<hbm>>
    tpu.enqueue_indirect_dma source(%dma_start3A_27 : memref<10000x128xf32, #tpu.memory_space<hbm>>) target(%arg10 : memref<125x128xf32, #tpu.memory_space<vmem>>) offsets(%dma_start3A_24 : memref<125xi32, #tpu.memory_space<vmem>>) semaphore(%arg15 : memref<!tpu.dma_semaphore, #tpu.memory_space<semaphore_mem>>)
    %dma_start3A_28 = arith.constant 1 : i32
    %dma_start3A_29 = arith.constant 0 : i32
    %dma_start3A_30 = arith.constant 0 : i32
    %dma_start3A_31 = tpu.memref_slice %arg3[%arg0, %arg1, %dma_start3A_28, %dma_start3A_29, %dma_start3A_30] : memref<2x16x80x1x125xi32, #tpu.memory_space<hbm>> -> memref<1x1x1x1x125xi32, #tpu.memory_space<hbm>>
    %dma_start3A_32 = tpu.memref_squeeze %dma_start3A_31 : memref<1x1x1x1x125xi32, #tpu.memory_space<hbm>> -> memref<1x125xi32, #tpu.memory_space<hbm>>
    %dma_start3A_33 = arith.constant 0 : i32
    %dma_start3A_34 = arith.constant 0 : i32
    %dma_start3A_35 = tpu.memref_slice %arg3[%arg0, %arg1, %dma_start3A_28, %dma_start3A_33, %dma_start3A_34] : memref<2x16x80x1x125xi32, #tpu.memory_space<hbm>> -> memref<1x1x1x1x125xi32, #tpu.memory_space<hbm>>
    %dma_start3A_36 = tpu.memref_squeeze %dma_start3A_35 : memref<1x1x1x1x125xi32, #tpu.memory_space<hbm>> -> memref<1x125xi32, #tpu.memory_space<hbm>>
    tpu.enqueue_dma source(%dma_start3A_36 : memref<1x125xi32, #tpu.memory_space<hbm>>) target(%arg7 : memref<1x125xi32, #tpu.memory_space<vmem>>) target_semaphore(%arg18 : memref<!tpu.dma_semaphore, #tpu.memory_space<semaphore_mem>>)
    %dma_start3A_37 = arith.constant 1 : i32
    %dma_start3A_38 = arith.constant 0 : i32
    %dma_start3A_39 = arith.constant 0 : i32
    %dma_start3A_40 = tpu.memref_slice %arg4[%arg0, %arg1, %dma_start3A_37, %dma_start3A_38, %dma_start3A_39] : memref<2x16x80x1x125xi32, #tpu.memory_space<hbm>> -> memref<1x1x1x1x125xi32, #tpu.memory_space<hbm>>
    %dma_start3A_41 = tpu.memref_squeeze %dma_start3A_40 : memref<1x1x1x1x125xi32, #tpu.memory_space<hbm>> -> memref<1x125xi32, #tpu.memory_space<hbm>>
    %dma_start3A_42 = arith.constant 0 : i32
    %dma_start3A_43 = arith.constant 0 : i32
    %dma_start3A_44 = tpu.memref_slice %arg4[%arg0, %arg1, %dma_start3A_37, %dma_start3A_42, %dma_start3A_43] : memref<2x16x80x1x125xi32, #tpu.memory_space<hbm>> -> memref<1x1x1x1x125xi32, #tpu.memory_space<hbm>>
    %dma_start3A_45 = tpu.memref_squeeze %dma_start3A_44 : memref<1x1x1x1x125xi32, #tpu.memory_space<hbm>> -> memref<1x125xi32, #tpu.memory_space<hbm>>
    tpu.enqueue_dma source(%dma_start3A_45 : memref<1x125xi32, #tpu.memory_space<hbm>>) target(%arg9 : memref<1x125xi32, #tpu.memory_space<vmem>>) target_semaphore(%arg20 : memref<!tpu.dma_semaphore, #tpu.memory_space<semaphore_mem>>)
    %scan3A_46 = arith.constant 0 : i32
    %scan3A_47 = arith.constant 0 : i32
    %scan3A_48 = arith.constant 39 : i32
    %scan3A_49 = arith.addi %scan3A_47, %scan3A_48 : i32
    %scan3A_50 = arith.constant 1 : i32
    scf.for %scan3A_119 = %scan3A_47 to %scan3A_49 step %scan3A_50  : i32 {
      %mul3A = arith.constant 2 : i32
      %mul3A_120 = arith.muli %mul3A, %scan3A_119 : i32
      %add3A = arith.constant 0 : i32
      %add3A_121 = arith.addi %mul3A_120, %add3A : i32
      %dma_wait3A_122 = arith.constant 0 : i32
      %dma_wait3A_123 = arith.constant 0 : i32
      %dma_wait3A_124 = tpu.memref_slice %arg6[%dma_wait3A_122, %dma_wait3A_123] : memref<1x125xi32, #tpu.memory_space<vmem>> -> memref<1x125xi32, #tpu.memory_space<vmem>>
      %dma_wait3A_125 = tpu.memref_squeeze %dma_wait3A_124 : memref<1x125xi32, #tpu.memory_space<vmem>> -> memref<125xi32, #tpu.memory_space<vmem>>
      %dma_wait3A_126 = arith.constant 0 : i32
      %dma_wait3A_127 = arith.constant 0 : i32
      %dma_wait3A_128 = tpu.memref_slice %arg2[%dma_wait3A_126, %dma_wait3A_127] : memref<10000x128xf32, #tpu.memory_space<hbm>> -> memref<10000x128xf32, #tpu.memory_space<hbm>>
      tpu.wait_indirect_dma semaphore(%arg15 : memref<!tpu.dma_semaphore, #tpu.memory_space<semaphore_mem>>) src(%dma_wait3A_128 : memref<10000x128xf32, #tpu.memory_space<hbm>>) dst(%arg10 : memref<125x128xf32, #tpu.memory_space<vmem>>)
      %dma_wait3A_129 = arith.constant 0 : i32
      %dma_wait3A_130 = arith.constant 0 : i32
      %dma_wait3A_131 = arith.constant 0 : i32
      %dma_wait3A_132 = arith.constant 0 : i32
      %dma_wait3A_133 = arith.constant 0 : i32
      %dma_wait3A_134 = tpu.memref_slice %arg3[%dma_wait3A_129, %dma_wait3A_130, %dma_wait3A_131, %dma_wait3A_132, %dma_wait3A_133] : memref<2x16x80x1x125xi32, #tpu.memory_space<hbm>> -> memref<1x1x1x1x125xi32, #tpu.memory_space<hbm>>
      %dma_wait3A_135 = tpu.memref_squeeze %dma_wait3A_134 : memref<1x1x1x1x125xi32, #tpu.memory_space<hbm>> -> memref<1x125xi32, #tpu.memory_space<hbm>>
      %dma_wait3A_136 = arith.constant 0 : i32
      %dma_wait3A_137 = arith.constant 0 : i32
      %dma_wait3A_138 = tpu.memref_slice %arg3[%dma_wait3A_129, %dma_wait3A_130, %dma_wait3A_131, %dma_wait3A_136, %dma_wait3A_137] : memref<2x16x80x1x125xi32, #tpu.memory_space<hbm>> -> memref<1x1x1x1x125xi32, #tpu.memory_space<hbm>>
      %dma_wait3A_139 = tpu.memref_squeeze %dma_wait3A_138 : memref<1x1x1x1x125xi32, #tpu.memory_space<hbm>> -> memref<1x125xi32, #tpu.memory_space<hbm>>
      tpu.wait_dma2 semaphore(%arg18 : memref<!tpu.dma_semaphore, #tpu.memory_space<semaphore_mem>>) src(%dma_wait3A_139 : memref<1x125xi32, #tpu.memory_space<hbm>>) dst(%arg7 : memref<1x125xi32, #tpu.memory_space<vmem>>)
      %dma_start3A_140 = arith.constant 0 : i32
      %dma_start3A_141 = arith.constant 0 : i32
      %dma_start3A_142 = tpu.memref_slice %arg7[%dma_start3A_140, %dma_start3A_141] : memref<1x125xi32, #tpu.memory_space<vmem>> -> memref<1x125xi32, #tpu.memory_space<vmem>>
      %dma_start3A_143 = tpu.memref_squeeze %dma_start3A_142 : memref<1x125xi32, #tpu.memory_space<vmem>> -> memref<125xi32, #tpu.memory_space<vmem>>
      %dma_start3A_144 = arith.constant 0 : i32
      %dma_start3A_145 = arith.constant 0 : i32
      %dma_start3A_146 = tpu.memref_slice %arg2[%dma_start3A_144, %dma_start3A_145] : memref<10000x128xf32, #tpu.memory_space<hbm>> -> memref<10000x128xf32, #tpu.memory_space<hbm>>
      tpu.enqueue_indirect_dma source(%dma_start3A_146 : memref<10000x128xf32, #tpu.memory_space<hbm>>) target(%arg11 : memref<125x128xf32, #tpu.memory_space<vmem>>) offsets(%dma_start3A_143 : memref<125xi32, #tpu.memory_space<vmem>>) semaphore(%arg16 : memref<!tpu.dma_semaphore, #tpu.memory_space<semaphore_mem>>)
      %add3A_147 = arith.constant 2 : i32
      %add3A_148 = arith.addi %add3A_121, %add3A_147 : i32
      %dma_start3A_149 = arith.constant 0 : i32
      %dma_start3A_150 = arith.constant 0 : i32
      %dma_start3A_151 = tpu.memref_slice %arg3[%arg0, %arg1, %add3A_148, %dma_start3A_149, %dma_start3A_150] : memref<2x16x80x1x125xi32, #tpu.memory_space<hbm>> -> memref<1x1x1x1x125xi32, #tpu.memory_space<hbm>>
      %dma_start3A_152 = tpu.memref_squeeze %dma_start3A_151 : memref<1x1x1x1x125xi32, #tpu.memory_space<hbm>> -> memref<1x125xi32, #tpu.memory_space<hbm>>
      %dma_start3A_153 = arith.constant 0 : i32
      %dma_start3A_154 = arith.constant 0 : i32
      %dma_start3A_155 = tpu.memref_slice %arg3[%arg0, %arg1, %add3A_148, %dma_start3A_153, %dma_start3A_154] : memref<2x16x80x1x125xi32, #tpu.memory_space<hbm>> -> memref<1x1x1x1x125xi32, #tpu.memory_space<hbm>>
      %dma_start3A_156 = tpu.memref_squeeze %dma_start3A_155 : memref<1x1x1x1x125xi32, #tpu.memory_space<hbm>> -> memref<1x125xi32, #tpu.memory_space<hbm>>
      tpu.enqueue_dma source(%dma_start3A_156 : memref<1x125xi32, #tpu.memory_space<hbm>>) target(%arg6 : memref<1x125xi32, #tpu.memory_space<vmem>>) target_semaphore(%arg17 : memref<!tpu.dma_semaphore, #tpu.memory_space<semaphore_mem>>)
      %dma_wait3A_157 = arith.constant 0 : i32
      %dma_wait3A_158 = arith.constant 0 : i32
      %dma_wait3A_159 = arith.constant 0 : i32
      %dma_wait3A_160 = arith.constant 0 : i32
      %dma_wait3A_161 = arith.constant 0 : i32
      %dma_wait3A_162 = tpu.memref_slice %arg4[%dma_wait3A_157, %dma_wait3A_158, %dma_wait3A_159, %dma_wait3A_160, %dma_wait3A_161] : memref<2x16x80x1x125xi32, #tpu.memory_space<hbm>> -> memref<1x1x1x1x125xi32, #tpu.memory_space<hbm>>
      %dma_wait3A_163 = tpu.memref_squeeze %dma_wait3A_162 : memref<1x1x1x1x125xi32, #tpu.memory_space<hbm>> -> memref<1x125xi32, #tpu.memory_space<hbm>>
      %dma_wait3A_164 = arith.constant 0 : i32
      %dma_wait3A_165 = arith.constant 0 : i32
      %dma_wait3A_166 = tpu.memref_slice %arg4[%dma_wait3A_157, %dma_wait3A_158, %dma_wait3A_159, %dma_wait3A_164, %dma_wait3A_165] : memref<2x16x80x1x125xi32, #tpu.memory_space<hbm>> -> memref<1x1x1x1x125xi32, #tpu.memory_space<hbm>>
      %dma_wait3A_167 = tpu.memref_squeeze %dma_wait3A_166 : memref<1x1x1x1x125xi32, #tpu.memory_space<hbm>> -> memref<1x125xi32, #tpu.memory_space<hbm>>
      tpu.wait_dma2 semaphore(%arg19 : memref<!tpu.dma_semaphore, #tpu.memory_space<semaphore_mem>>) src(%dma_wait3A_167 : memref<1x125xi32, #tpu.memory_space<hbm>>) dst(%arg8 : memref<1x125xi32, #tpu.memory_space<vmem>>)
      %run_scoped3A_168 = arith.constant 0 : i32
      "tpu.region"() ({
        %run_scoped3A_240 = tpu.sem_alloc : memref<!tpu.dma_semaphore, #tpu.memory_space<semaphore_mem>>
        %dma_start3A_241 = arith.constant 0 : i32
        %dma_start3A_242 = tpu.memref_slice %arg8[%run_scoped3A_168, %dma_start3A_241] : memref<1x125xi32, #tpu.memory_space<vmem>> -> memref<1x125xi32, #tpu.memory_space<vmem>>
        %dma_start3A_243 = tpu.memref_squeeze %dma_start3A_242 : memref<1x125xi32, #tpu.memory_space<vmem>> -> memref<125xi32, #tpu.memory_space<vmem>>
        %dma_start3A_244 = arith.constant 0 : i32
        %dma_start3A_245 = arith.constant 0 : i32
        %dma_start3A_246 = tpu.memref_slice %arg14[%dma_start3A_244, %dma_start3A_245] : memref<10000x128xf32, #tpu.memory_space<vmem_shared>> -> memref<10000x128xf32, #tpu.memory_space<vmem_shared>>
        tpu.enqueue_indirect_dma source(%arg10 : memref<125x128xf32, #tpu.memory_space<vmem>>) target(%dma_start3A_246 : memref<10000x128xf32, #tpu.memory_space<vmem_shared>>) offsets(%dma_start3A_243 : memref<125xi32, #tpu.memory_space<vmem>>) semaphore(%run_scoped3A_240 : memref<!tpu.dma_semaphore, #tpu.memory_space<semaphore_mem>>) {add = true}
        %dma_wait3A_247 = arith.constant 0 : i32
        %dma_wait3A_248 = tpu.memref_slice %arg8[%run_scoped3A_168, %dma_wait3A_247] : memref<1x125xi32, #tpu.memory_space<vmem>> -> memref<1x125xi32, #tpu.memory_space<vmem>>
        %dma_wait3A_249 = tpu.memref_squeeze %dma_wait3A_248 : memref<1x125xi32, #tpu.memory_space<vmem>> -> memref<125xi32, #tpu.memory_space<vmem>>
        %dma_wait3A_250 = arith.constant 0 : i32
        %dma_wait3A_251 = arith.constant 0 : i32
        %dma_wait3A_252 = tpu.memref_slice %arg14[%dma_wait3A_250, %dma_wait3A_251] : memref<10000x128xf32, #tpu.memory_space<vmem_shared>> -> memref<10000x128xf32, #tpu.memory_space<vmem_shared>>
        tpu.wait_indirect_dma semaphore(%run_scoped3A_240 : memref<!tpu.dma_semaphore, #tpu.memory_space<semaphore_mem>>) src(%arg10 : memref<125x128xf32, #tpu.memory_space<vmem>>) dst(%dma_wait3A_252 : memref<10000x128xf32, #tpu.memory_space<vmem_shared>>)
        tpu.yield
      }) : () -> ()
      %add3A_169 = arith.constant 2 : i32
      %add3A_170 = arith.addi %add3A_121, %add3A_169 : i32
      %dma_start3A_171 = arith.constant 0 : i32
      %dma_start3A_172 = arith.constant 0 : i32
      %dma_start3A_173 = tpu.memref_slice %arg4[%arg0, %arg1, %add3A_170, %dma_start3A_171, %dma_start3A_172] : memref<2x16x80x1x125xi32, #tpu.memory_space<hbm>> -> memref<1x1x1x1x125xi32, #tpu.memory_space<hbm>>
      %dma_start3A_174 = tpu.memref_squeeze %dma_start3A_173 : memref<1x1x1x1x125xi32, #tpu.memory_space<hbm>> -> memref<1x125xi32, #tpu.memory_space<hbm>>
      %dma_start3A_175 = arith.constant 0 : i32
      %dma_start3A_176 = arith.constant 0 : i32
      %dma_start3A_177 = tpu.memref_slice %arg4[%arg0, %arg1, %add3A_170, %dma_start3A_175, %dma_start3A_176] : memref<2x16x80x1x125xi32, #tpu.memory_space<hbm>> -> memref<1x1x1x1x125xi32, #tpu.memory_space<hbm>>
      %dma_start3A_178 = tpu.memref_squeeze %dma_start3A_177 : memref<1x1x1x1x125xi32, #tpu.memory_space<hbm>> -> memref<1x125xi32, #tpu.memory_space<hbm>>
      tpu.enqueue_dma source(%dma_start3A_178 : memref<1x125xi32, #tpu.memory_space<hbm>>) target(%arg8 : memref<1x125xi32, #tpu.memory_space<vmem>>) target_semaphore(%arg19 : memref<!tpu.dma_semaphore, #tpu.memory_space<semaphore_mem>>)
      %mul3A_179 = arith.constant 2 : i32
      %mul3A_180 = arith.muli %mul3A_179, %scan3A_119 : i32
      %add3A_181 = arith.constant 1 : i32
      %add3A_182 = arith.addi %mul3A_180, %add3A_181 : i32
      %dma_wait3A_183 = arith.constant 0 : i32
      %dma_wait3A_184 = arith.constant 0 : i32
      %dma_wait3A_185 = tpu.memref_slice %arg7[%dma_wait3A_183, %dma_wait3A_184] : memref<1x125xi32, #tpu.memory_space<vmem>> -> memref<1x125xi32, #tpu.memory_space<vmem>>
      %dma_wait3A_186 = tpu.memref_squeeze %dma_wait3A_185 : memref<1x125xi32, #tpu.memory_space<vmem>> -> memref<125xi32, #tpu.memory_space<vmem>>
      %dma_wait3A_187 = arith.constant 0 : i32
      %dma_wait3A_188 = arith.constant 0 : i32
      %dma_wait3A_189 = tpu.memref_slice %arg2[%dma_wait3A_187, %dma_wait3A_188] : memref<10000x128xf32, #tpu.memory_space<hbm>> -> memref<10000x128xf32, #tpu.memory_space<hbm>>
      tpu.wait_indirect_dma semaphore(%arg16 : memref<!tpu.dma_semaphore, #tpu.memory_space<semaphore_mem>>) src(%dma_wait3A_189 : memref<10000x128xf32, #tpu.memory_space<hbm>>) dst(%arg11 : memref<125x128xf32, #tpu.memory_space<vmem>>)
      %dma_wait3A_190 = arith.constant 0 : i32
      %dma_wait3A_191 = arith.constant 0 : i32
      %dma_wait3A_192 = arith.constant 0 : i32
      %dma_wait3A_193 = arith.constant 0 : i32
      %dma_wait3A_194 = arith.constant 0 : i32
      %dma_wait3A_195 = tpu.memref_slice %arg3[%dma_wait3A_190, %dma_wait3A_191, %dma_wait3A_192, %dma_wait3A_193, %dma_wait3A_194] : memref<2x16x80x1x125xi32, #tpu.memory_space<hbm>> -> memref<1x1x1x1x125xi32, #tpu.memory_space<hbm>>
      %dma_wait3A_196 = tpu.memref_squeeze %dma_wait3A_195 : memref<1x1x1x1x125xi32, #tpu.memory_space<hbm>> -> memref<1x125xi32, #tpu.memory_space<hbm>>
      %dma_wait3A_197 = arith.constant 0 : i32
      %dma_wait3A_198 = arith.constant 0 : i32
      %dma_wait3A_199 = tpu.memref_slice %arg3[%dma_wait3A_190, %dma_wait3A_191, %dma_wait3A_192, %dma_wait3A_197, %dma_wait3A_198] : memref<2x16x80x1x125xi32, #tpu.memory_space<hbm>> -> memref<1x1x1x1x125xi32, #tpu.memory_space<hbm>>
      %dma_wait3A_200 = tpu.memref_squeeze %dma_wait3A_199 : memref<1x1x1x1x125xi32, #tpu.memory_space<hbm>> -> memref<1x125xi32, #tpu.memory_space<hbm>>
      tpu.wait_dma2 semaphore(%arg17 : memref<!tpu.dma_semaphore, #tpu.memory_space<semaphore_mem>>) src(%dma_wait3A_200 : memref<1x125xi32, #tpu.memory_space<hbm>>) dst(%arg6 : memref<1x125xi32, #tpu.memory_space<vmem>>)
      %dma_start3A_201 = arith.constant 0 : i32
      %dma_start3A_202 = arith.constant 0 : i32
      %dma_start3A_203 = tpu.memref_slice %arg6[%dma_start3A_201, %dma_start3A_202] : memref<1x125xi32, #tpu.memory_space<vmem>> -> memref<1x125xi32, #tpu.memory_space<vmem>>
      %dma_start3A_204 = tpu.memref_squeeze %dma_start3A_203 : memref<1x125xi32, #tpu.memory_space<vmem>> -> memref<125xi32, #tpu.memory_space<vmem>>
      %dma_start3A_205 = arith.constant 0 : i32
      %dma_start3A_206 = arith.constant 0 : i32
      %dma_start3A_207 = tpu.memref_slice %arg2[%dma_start3A_205, %dma_start3A_206] : memref<10000x128xf32, #tpu.memory_space<hbm>> -> memref<10000x128xf32, #tpu.memory_space<hbm>>
      tpu.enqueue_indirect_dma source(%dma_start3A_207 : memref<10000x128xf32, #tpu.memory_space<hbm>>) target(%arg10 : memref<125x128xf32, #tpu.memory_space<vmem>>) offsets(%dma_start3A_204 : memref<125xi32, #tpu.memory_space<vmem>>) semaphore(%arg15 : memref<!tpu.dma_semaphore, #tpu.memory_space<semaphore_mem>>)
      %add3A_208 = arith.constant 2 : i32
      %add3A_209 = arith.addi %add3A_182, %add3A_208 : i32
      %dma_start3A_210 = arith.constant 0 : i32
      %dma_start3A_211 = arith.constant 0 : i32
      %dma_start3A_212 = tpu.memref_slice %arg3[%arg0, %arg1, %add3A_209, %dma_start3A_210, %dma_start3A_211] : memref<2x16x80x1x125xi32, #tpu.memory_space<hbm>> -> memref<1x1x1x1x125xi32, #tpu.memory_space<hbm>>
      %dma_start3A_213 = tpu.memref_squeeze %dma_start3A_212 : memref<1x1x1x1x125xi32, #tpu.memory_space<hbm>> -> memref<1x125xi32, #tpu.memory_space<hbm>>
      %dma_start3A_214 = arith.constant 0 : i32
      %dma_start3A_215 = arith.constant 0 : i32
      %dma_start3A_216 = tpu.memref_slice %arg3[%arg0, %arg1, %add3A_209, %dma_start3A_214, %dma_start3A_215] : memref<2x16x80x1x125xi32, #tpu.memory_space<hbm>> -> memref<1x1x1x1x125xi32, #tpu.memory_space<hbm>>
      %dma_start3A_217 = tpu.memref_squeeze %dma_start3A_216 : memref<1x1x1x1x125xi32, #tpu.memory_space<hbm>> -> memref<1x125xi32, #tpu.memory_space<hbm>>
      tpu.enqueue_dma source(%dma_start3A_217 : memref<1x125xi32, #tpu.memory_space<hbm>>) target(%arg7 : memref<1x125xi32, #tpu.memory_space<vmem>>) target_semaphore(%arg18 : memref<!tpu.dma_semaphore, #tpu.memory_space<semaphore_mem>>)
      %dma_wait3A_218 = arith.constant 0 : i32
      %dma_wait3A_219 = arith.constant 0 : i32
      %dma_wait3A_220 = arith.constant 0 : i32
      %dma_wait3A_221 = arith.constant 0 : i32
      %dma_wait3A_222 = arith.constant 0 : i32
      %dma_wait3A_223 = tpu.memref_slice %arg4[%dma_wait3A_218, %dma_wait3A_219, %dma_wait3A_220, %dma_wait3A_221, %dma_wait3A_222] : memref<2x16x80x1x125xi32, #tpu.memory_space<hbm>> -> memref<1x1x1x1x125xi32, #tpu.memory_space<hbm>>
      %dma_wait3A_224 = tpu.memref_squeeze %dma_wait3A_223 : memref<1x1x1x1x125xi32, #tpu.memory_space<hbm>> -> memref<1x125xi32, #tpu.memory_space<hbm>>
      %dma_wait3A_225 = arith.constant 0 : i32
      %dma_wait3A_226 = arith.constant 0 : i32
      %dma_wait3A_227 = tpu.memref_slice %arg4[%dma_wait3A_218, %dma_wait3A_219, %dma_wait3A_220, %dma_wait3A_225, %dma_wait3A_226] : memref<2x16x80x1x125xi32, #tpu.memory_space<hbm>> -> memref<1x1x1x1x125xi32, #tpu.memory_space<hbm>>
      %dma_wait3A_228 = tpu.memref_squeeze %dma_wait3A_227 : memref<1x1x1x1x125xi32, #tpu.memory_space<hbm>> -> memref<1x125xi32, #tpu.memory_space<hbm>>
      tpu.wait_dma2 semaphore(%arg20 : memref<!tpu.dma_semaphore, #tpu.memory_space<semaphore_mem>>) src(%dma_wait3A_228 : memref<1x125xi32, #tpu.memory_space<hbm>>) dst(%arg9 : memref<1x125xi32, #tpu.memory_space<vmem>>)
      %run_scoped3A_229 = arith.constant 0 : i32
      "tpu.region"() ({
        %run_scoped3A_240 = tpu.sem_alloc : memref<!tpu.dma_semaphore, #tpu.memory_space<semaphore_mem>>
        %dma_start3A_241 = arith.constant 0 : i32
        %dma_start3A_242 = tpu.memref_slice %arg9[%run_scoped3A_229, %dma_start3A_241] : memref<1x125xi32, #tpu.memory_space<vmem>> -> memref<1x125xi32, #tpu.memory_space<vmem>>
        %dma_start3A_243 = tpu.memref_squeeze %dma_start3A_242 : memref<1x125xi32, #tpu.memory_space<vmem>> -> memref<125xi32, #tpu.memory_space<vmem>>
        %dma_start3A_244 = arith.constant 0 : i32
        %dma_start3A_245 = arith.constant 0 : i32
        %dma_start3A_246 = tpu.memref_slice %arg14[%dma_start3A_244, %dma_start3A_245] : memref<10000x128xf32, #tpu.memory_space<vmem_shared>> -> memref<10000x128xf32, #tpu.memory_space<vmem_shared>>
        tpu.enqueue_indirect_dma source(%arg11 : memref<125x128xf32, #tpu.memory_space<vmem>>) target(%dma_start3A_246 : memref<10000x128xf32, #tpu.memory_space<vmem_shared>>) offsets(%dma_start3A_243 : memref<125xi32, #tpu.memory_space<vmem>>) semaphore(%run_scoped3A_240 : memref<!tpu.dma_semaphore, #tpu.memory_space<semaphore_mem>>) {add = true}
        %dma_wait3A_247 = arith.constant 0 : i32
        %dma_wait3A_248 = tpu.memref_slice %arg9[%run_scoped3A_229, %dma_wait3A_247] : memref<1x125xi32, #tpu.memory_space<vmem>> -> memref<1x125xi32, #tpu.memory_space<vmem>>
        %dma_wait3A_249 = tpu.memref_squeeze %dma_wait3A_248 : memref<1x125xi32, #tpu.memory_space<vmem>> -> memref<125xi32, #tpu.memory_space<vmem>>
        %dma_wait3A_250 = arith.constant 0 : i32
        %dma_wait3A_251 = arith.constant 0 : i32
        %dma_wait3A_252 = tpu.memref_slice %arg14[%dma_wait3A_250, %dma_wait3A_251] : memref<10000x128xf32, #tpu.memory_space<vmem_shared>> -> memref<10000x128xf32, #tpu.memory_space<vmem_shared>>
        tpu.wait_indirect_dma semaphore(%run_scoped3A_240 : memref<!tpu.dma_semaphore, #tpu.memory_space<semaphore_mem>>) src(%arg11 : memref<125x128xf32, #tpu.memory_space<vmem>>) dst(%dma_wait3A_252 : memref<10000x128xf32, #tpu.memory_space<vmem_shared>>)
        tpu.yield
      }) : () -> ()
      %add3A_230 = arith.constant 2 : i32
      %add3A_231 = arith.addi %add3A_182, %add3A_230 : i32
      %dma_start3A_232 = arith.constant 0 : i32
      %dma_start3A_233 = arith.constant 0 : i32
      %dma_start3A_234 = tpu.memref_slice %arg4[%arg0, %arg1, %add3A_231, %dma_start3A_232, %dma_start3A_233] : memref<2x16x80x1x125xi32, #tpu.memory_space<hbm>> -> memref<1x1x1x1x125xi32, #tpu.memory_space<hbm>>
      %dma_start3A_235 = tpu.memref_squeeze %dma_start3A_234 : memref<1x1x1x1x125xi32, #tpu.memory_space<hbm>> -> memref<1x125xi32, #tpu.memory_space<hbm>>
      %dma_start3A_236 = arith.constant 0 : i32
      %dma_start3A_237 = arith.constant 0 : i32
      %dma_start3A_238 = tpu.memref_slice %arg4[%arg0, %arg1, %add3A_231, %dma_start3A_236, %dma_start3A_237] : memref<2x16x80x1x125xi32, #tpu.memory_space<hbm>> -> memref<1x1x1x1x125xi32, #tpu.memory_space<hbm>>
      %dma_start3A_239 = tpu.memref_squeeze %dma_start3A_238 : memref<1x1x1x1x125xi32, #tpu.memory_space<hbm>> -> memref<1x125xi32, #tpu.memory_space<hbm>>
      tpu.enqueue_dma source(%dma_start3A_239 : memref<1x125xi32, #tpu.memory_space<hbm>>) target(%arg9 : memref<1x125xi32, #tpu.memory_space<vmem>>) target_semaphore(%arg20 : memref<!tpu.dma_semaphore, #tpu.memory_space<semaphore_mem>>)
    }
    %scan3A_51 = arith.constant 39 : i32
    %dma_wait3A = arith.constant 0 : i32
    %dma_wait3A_52 = arith.constant 0 : i32
    %dma_wait3A_53 = tpu.memref_slice %arg6[%dma_wait3A, %dma_wait3A_52] : memref<1x125xi32, #tpu.memory_space<vmem>> -> memref<1x125xi32, #tpu.memory_space<vmem>>
    %dma_wait3A_54 = tpu.memref_squeeze %dma_wait3A_53 : memref<1x125xi32, #tpu.memory_space<vmem>> -> memref<125xi32, #tpu.memory_space<vmem>>
    %dma_wait3A_55 = arith.constant 0 : i32
    %dma_wait3A_56 = arith.constant 0 : i32
    %dma_wait3A_57 = tpu.memref_slice %arg2[%dma_wait3A_55, %dma_wait3A_56] : memref<10000x128xf32, #tpu.memory_space<hbm>> -> memref<10000x128xf32, #tpu.memory_space<hbm>>
    tpu.wait_indirect_dma semaphore(%arg15 : memref<!tpu.dma_semaphore, #tpu.memory_space<semaphore_mem>>) src(%dma_wait3A_57 : memref<10000x128xf32, #tpu.memory_space<hbm>>) dst(%arg10 : memref<125x128xf32, #tpu.memory_space<vmem>>)
    %dma_wait3A_58 = arith.constant 0 : i32
    %dma_wait3A_59 = arith.constant 0 : i32
    %dma_wait3A_60 = arith.constant 0 : i32
    %dma_wait3A_61 = arith.constant 0 : i32
    %dma_wait3A_62 = arith.constant 0 : i32
    %dma_wait3A_63 = tpu.memref_slice %arg3[%dma_wait3A_58, %dma_wait3A_59, %dma_wait3A_60, %dma_wait3A_61, %dma_wait3A_62] : memref<2x16x80x1x125xi32, #tpu.memory_space<hbm>> -> memref<1x1x1x1x125xi32, #tpu.memory_space<hbm>>
    %dma_wait3A_64 = tpu.memref_squeeze %dma_wait3A_63 : memref<1x1x1x1x125xi32, #tpu.memory_space<hbm>> -> memref<1x125xi32, #tpu.memory_space<hbm>>
    %dma_wait3A_65 = arith.constant 0 : i32
    %dma_wait3A_66 = arith.constant 0 : i32
    %dma_wait3A_67 = tpu.memref_slice %arg3[%dma_wait3A_58, %dma_wait3A_59, %dma_wait3A_60, %dma_wait3A_65, %dma_wait3A_66] : memref<2x16x80x1x125xi32, #tpu.memory_space<hbm>> -> memref<1x1x1x1x125xi32, #tpu.memory_space<hbm>>
    %dma_wait3A_68 = tpu.memref_squeeze %dma_wait3A_67 : memref<1x1x1x1x125xi32, #tpu.memory_space<hbm>> -> memref<1x125xi32, #tpu.memory_space<hbm>>
    tpu.wait_dma2 semaphore(%arg18 : memref<!tpu.dma_semaphore, #tpu.memory_space<semaphore_mem>>) src(%dma_wait3A_68 : memref<1x125xi32, #tpu.memory_space<hbm>>) dst(%arg7 : memref<1x125xi32, #tpu.memory_space<vmem>>)
    %dma_start3A_69 = arith.constant 0 : i32
    %dma_start3A_70 = arith.constant 0 : i32
    %dma_start3A_71 = tpu.memref_slice %arg7[%dma_start3A_69, %dma_start3A_70] : memref<1x125xi32, #tpu.memory_space<vmem>> -> memref<1x125xi32, #tpu.memory_space<vmem>>
    %dma_start3A_72 = tpu.memref_squeeze %dma_start3A_71 : memref<1x125xi32, #tpu.memory_space<vmem>> -> memref<125xi32, #tpu.memory_space<vmem>>
    %dma_start3A_73 = arith.constant 0 : i32
    %dma_start3A_74 = arith.constant 0 : i32
    %dma_start3A_75 = tpu.memref_slice %arg2[%dma_start3A_73, %dma_start3A_74] : memref<10000x128xf32, #tpu.memory_space<hbm>> -> memref<10000x128xf32, #tpu.memory_space<hbm>>
    tpu.enqueue_indirect_dma source(%dma_start3A_75 : memref<10000x128xf32, #tpu.memory_space<hbm>>) target(%arg11 : memref<125x128xf32, #tpu.memory_space<vmem>>) offsets(%dma_start3A_72 : memref<125xi32, #tpu.memory_space<vmem>>) semaphore(%arg16 : memref<!tpu.dma_semaphore, #tpu.memory_space<semaphore_mem>>)
    %dma_wait3A_76 = arith.constant 0 : i32
    %dma_wait3A_77 = arith.constant 0 : i32
    %dma_wait3A_78 = arith.constant 0 : i32
    %dma_wait3A_79 = arith.constant 0 : i32
    %dma_wait3A_80 = arith.constant 0 : i32
    %dma_wait3A_81 = tpu.memref_slice %arg4[%dma_wait3A_76, %dma_wait3A_77, %dma_wait3A_78, %dma_wait3A_79, %dma_wait3A_80] : memref<2x16x80x1x125xi32, #tpu.memory_space<hbm>> -> memref<1x1x1x1x125xi32, #tpu.memory_space<hbm>>
    %dma_wait3A_82 = tpu.memref_squeeze %dma_wait3A_81 : memref<1x1x1x1x125xi32, #tpu.memory_space<hbm>> -> memref<1x125xi32, #tpu.memory_space<hbm>>
    %dma_wait3A_83 = arith.constant 0 : i32
    %dma_wait3A_84 = arith.constant 0 : i32
    %dma_wait3A_85 = tpu.memref_slice %arg4[%dma_wait3A_76, %dma_wait3A_77, %dma_wait3A_78, %dma_wait3A_83, %dma_wait3A_84] : memref<2x16x80x1x125xi32, #tpu.memory_space<hbm>> -> memref<1x1x1x1x125xi32, #tpu.memory_space<hbm>>
    %dma_wait3A_86 = tpu.memref_squeeze %dma_wait3A_85 : memref<1x1x1x1x125xi32, #tpu.memory_space<hbm>> -> memref<1x125xi32, #tpu.memory_space<hbm>>
    tpu.wait_dma2 semaphore(%arg19 : memref<!tpu.dma_semaphore, #tpu.memory_space<semaphore_mem>>) src(%dma_wait3A_86 : memref<1x125xi32, #tpu.memory_space<hbm>>) dst(%arg8 : memref<1x125xi32, #tpu.memory_space<vmem>>)
    %run_scoped3A_87 = arith.constant 0 : i32
    "tpu.region"() ({
      %run_scoped3A_119 = tpu.sem_alloc : memref<!tpu.dma_semaphore, #tpu.memory_space<semaphore_mem>>
      %dma_start3A_120 = arith.constant 0 : i32
      %dma_start3A_121 = tpu.memref_slice %arg8[%run_scoped3A_87, %dma_start3A_120] : memref<1x125xi32, #tpu.memory_space<vmem>> -> memref<1x125xi32, #tpu.memory_space<vmem>>
      %dma_start3A_122 = tpu.memref_squeeze %dma_start3A_121 : memref<1x125xi32, #tpu.memory_space<vmem>> -> memref<125xi32, #tpu.memory_space<vmem>>
      %dma_start3A_123 = arith.constant 0 : i32
      %dma_start3A_124 = arith.constant 0 : i32
      %dma_start3A_125 = tpu.memref_slice %arg14[%dma_start3A_123, %dma_start3A_124] : memref<10000x128xf32, #tpu.memory_space<vmem_shared>> -> memref<10000x128xf32, #tpu.memory_space<vmem_shared>>
      tpu.enqueue_indirect_dma source(%arg10 : memref<125x128xf32, #tpu.memory_space<vmem>>) target(%dma_start3A_125 : memref<10000x128xf32, #tpu.memory_space<vmem_shared>>) offsets(%dma_start3A_122 : memref<125xi32, #tpu.memory_space<vmem>>) semaphore(%run_scoped3A_119 : memref<!tpu.dma_semaphore, #tpu.memory_space<semaphore_mem>>) {add = true}
      %dma_wait3A_126 = arith.constant 0 : i32
      %dma_wait3A_127 = tpu.memref_slice %arg8[%run_scoped3A_87, %dma_wait3A_126] : memref<1x125xi32, #tpu.memory_space<vmem>> -> memref<1x125xi32, #tpu.memory_space<vmem>>
      %dma_wait3A_128 = tpu.memref_squeeze %dma_wait3A_127 : memref<1x125xi32, #tpu.memory_space<vmem>> -> memref<125xi32, #tpu.memory_space<vmem>>
      %dma_wait3A_129 = arith.constant 0 : i32
      %dma_wait3A_130 = arith.constant 0 : i32
      %dma_wait3A_131 = tpu.memref_slice %arg14[%dma_wait3A_129, %dma_wait3A_130] : memref<10000x128xf32, #tpu.memory_space<vmem_shared>> -> memref<10000x128xf32, #tpu.memory_space<vmem_shared>>
      tpu.wait_indirect_dma semaphore(%run_scoped3A_119 : memref<!tpu.dma_semaphore, #tpu.memory_space<semaphore_mem>>) src(%arg10 : memref<125x128xf32, #tpu.memory_space<vmem>>) dst(%dma_wait3A_131 : memref<10000x128xf32, #tpu.memory_space<vmem_shared>>)
      tpu.yield
    }) : () -> ()
    %dma_wait3A_88 = arith.constant 0 : i32
    %dma_wait3A_89 = arith.constant 0 : i32
    %dma_wait3A_90 = tpu.memref_slice %arg7[%dma_wait3A_88, %dma_wait3A_89] : memref<1x125xi32, #tpu.memory_space<vmem>> -> memref<1x125xi32, #tpu.memory_space<vmem>>
    %dma_wait3A_91 = tpu.memref_squeeze %dma_wait3A_90 : memref<1x125xi32, #tpu.memory_space<vmem>> -> memref<125xi32, #tpu.memory_space<vmem>>
    %dma_wait3A_92 = arith.constant 0 : i32
    %dma_wait3A_93 = arith.constant 0 : i32
    %dma_wait3A_94 = tpu.memref_slice %arg2[%dma_wait3A_92, %dma_wait3A_93] : memref<10000x128xf32, #tpu.memory_space<hbm>> -> memref<10000x128xf32, #tpu.memory_space<hbm>>
    tpu.wait_indirect_dma semaphore(%arg16 : memref<!tpu.dma_semaphore, #tpu.memory_space<semaphore_mem>>) src(%dma_wait3A_94 : memref<10000x128xf32, #tpu.memory_space<hbm>>) dst(%arg11 : memref<125x128xf32, #tpu.memory_space<vmem>>)
    %dma_wait3A_95 = arith.constant 0 : i32
    %dma_wait3A_96 = arith.constant 0 : i32
    %dma_wait3A_97 = arith.constant 0 : i32
    %dma_wait3A_98 = arith.constant 0 : i32
    %dma_wait3A_99 = arith.constant 0 : i32
    %dma_wait3A_100 = tpu.memref_slice %arg4[%dma_wait3A_95, %dma_wait3A_96, %dma_wait3A_97, %dma_wait3A_98, %dma_wait3A_99] : memref<2x16x80x1x125xi32, #tpu.memory_space<hbm>> -> memref<1x1x1x1x125xi32, #tpu.memory_space<hbm>>
    %dma_wait3A_101 = tpu.memref_squeeze %dma_wait3A_100 : memref<1x1x1x1x125xi32, #tpu.memory_space<hbm>> -> memref<1x125xi32, #tpu.memory_space<hbm>>
    %dma_wait3A_102 = arith.constant 0 : i32
    %dma_wait3A_103 = arith.constant 0 : i32
    %dma_wait3A_104 = tpu.memref_slice %arg4[%dma_wait3A_95, %dma_wait3A_96, %dma_wait3A_97, %dma_wait3A_102, %dma_wait3A_103] : memref<2x16x80x1x125xi32, #tpu.memory_space<hbm>> -> memref<1x1x1x1x125xi32, #tpu.memory_space<hbm>>
    %dma_wait3A_105 = tpu.memref_squeeze %dma_wait3A_104 : memref<1x1x1x1x125xi32, #tpu.memory_space<hbm>> -> memref<1x125xi32, #tpu.memory_space<hbm>>
    tpu.wait_dma2 semaphore(%arg20 : memref<!tpu.dma_semaphore, #tpu.memory_space<semaphore_mem>>) src(%dma_wait3A_105 : memref<1x125xi32, #tpu.memory_space<hbm>>) dst(%arg9 : memref<1x125xi32, #tpu.memory_space<vmem>>)
    %run_scoped3A_106 = arith.constant 0 : i32
    "tpu.region"() ({
      %run_scoped3A_119 = tpu.sem_alloc : memref<!tpu.dma_semaphore, #tpu.memory_space<semaphore_mem>>
      %dma_start3A_120 = arith.constant 0 : i32
      %dma_start3A_121 = tpu.memref_slice %arg9[%run_scoped3A_106, %dma_start3A_120] : memref<1x125xi32, #tpu.memory_space<vmem>> -> memref<1x125xi32, #tpu.memory_space<vmem>>
      %dma_start3A_122 = tpu.memref_squeeze %dma_start3A_121 : memref<1x125xi32, #tpu.memory_space<vmem>> -> memref<125xi32, #tpu.memory_space<vmem>>
      %dma_start3A_123 = arith.constant 0 : i32
      %dma_start3A_124 = arith.constant 0 : i32
      %dma_start3A_125 = tpu.memref_slice %arg14[%dma_start3A_123, %dma_start3A_124] : memref<10000x128xf32, #tpu.memory_space<vmem_shared>> -> memref<10000x128xf32, #tpu.memory_space<vmem_shared>>
      tpu.enqueue_indirect_dma source(%arg11 : memref<125x128xf32, #tpu.memory_space<vmem>>) target(%dma_start3A_125 : memref<10000x128xf32, #tpu.memory_space<vmem_shared>>) offsets(%dma_start3A_122 : memref<125xi32, #tpu.memory_space<vmem>>) semaphore(%run_scoped3A_119 : memref<!tpu.dma_semaphore, #tpu.memory_space<semaphore_mem>>) {add = true}
      %dma_wait3A_126 = arith.constant 0 : i32
      %dma_wait3A_127 = tpu.memref_slice %arg9[%run_scoped3A_106, %dma_wait3A_126] : memref<1x125xi32, #tpu.memory_space<vmem>> -> memref<1x125xi32, #tpu.memory_space<vmem>>
      %dma_wait3A_128 = tpu.memref_squeeze %dma_wait3A_127 : memref<1x125xi32, #tpu.memory_space<vmem>> -> memref<125xi32, #tpu.memory_space<vmem>>
      %dma_wait3A_129 = arith.constant 0 : i32
      %dma_wait3A_130 = arith.constant 0 : i32
      %dma_wait3A_131 = tpu.memref_slice %arg14[%dma_wait3A_129, %dma_wait3A_130] : memref<10000x128xf32, #tpu.memory_space<vmem_shared>> -> memref<10000x128xf32, #tpu.memory_space<vmem_shared>>
      tpu.wait_indirect_dma semaphore(%run_scoped3A_119 : memref<!tpu.dma_semaphore, #tpu.memory_space<semaphore_mem>>) src(%arg11 : memref<125x128xf32, #tpu.memory_space<vmem>>) dst(%dma_wait3A_131 : memref<10000x128xf32, #tpu.memory_space<vmem_shared>>)
      tpu.yield
    }) : () -> ()
    %barrier3A_107 = arith.constant 0 : index
    tpu.barrier barrier_id(%barrier3A_107)
    %scan3A_108 = arith.constant 0 : i32
    %scan3A_109 = arith.constant 0 : i32
    %scan3A_110 = arith.constant 39 : i32
    %scan3A_111 = arith.addi %scan3A_109, %scan3A_110 : i32
    %scan3A_112 = arith.constant 1 : i32
    scf.for %scan3A_119 = %scan3A_109 to %scan3A_111 step %scan3A_112  : i32 {
      %mul3A = arith.constant 624 : i32
      %mul3A_120 = arith.muli %arg1, %mul3A : i32
      %mul3A_121 = arith.constant 16 : i32
      %mul3A_122 = arith.muli %scan3A_119, %mul3A_121 : i32
      %add3A = arith.addi %mul3A_120, %mul3A_122 : i32
      "tpu.region"() ({
        %run_scoped3A_128 = tpu.sem_alloc : memref<!tpu.dma_semaphore, #tpu.memory_space<semaphore_mem>>
        %dma_start3A_129 = arith.constant 0 : i32
        %dma_start3A_130 = tpu.memref_slice %arg14[%add3A, %dma_start3A_129] : memref<10000x128xf32, #tpu.memory_space<vmem_shared>> -> memref<16x128xf32, #tpu.memory_space<vmem_shared>>
        %dma_start3A_131 = arith.constant 0 : i32
        %dma_start3A_132 = tpu.memref_slice %arg14[%add3A, %dma_start3A_131] : memref<10000x128xf32, #tpu.memory_space<vmem_shared>> -> memref<16x128xf32, #tpu.memory_space<vmem_shared>>
        tpu.enqueue_dma source(%dma_start3A_132 : memref<16x128xf32, #tpu.memory_space<vmem_shared>>) target(%arg12 : memref<16x128xf32, #tpu.memory_space<vmem>>) target_semaphore(%run_scoped3A_128 : memref<!tpu.dma_semaphore, #tpu.memory_space<semaphore_mem>>)
        %dma_wait3A_133 = arith.constant 0 : i32
        %dma_wait3A_134 = tpu.memref_slice %arg14[%add3A, %dma_wait3A_133] : memref<10000x128xf32, #tpu.memory_space<vmem_shared>> -> memref<16x128xf32, #tpu.memory_space<vmem_shared>>
        %dma_wait3A_135 = arith.constant 0 : i32
        %dma_wait3A_136 = tpu.memref_slice %arg14[%add3A, %dma_wait3A_135] : memref<10000x128xf32, #tpu.memory_space<vmem_shared>> -> memref<16x128xf32, #tpu.memory_space<vmem_shared>>
        tpu.wait_dma2 semaphore(%run_scoped3A_128 : memref<!tpu.dma_semaphore, #tpu.memory_space<semaphore_mem>>) src(%dma_wait3A_136 : memref<16x128xf32, #tpu.memory_space<vmem_shared>>) dst(%arg12 : memref<16x128xf32, #tpu.memory_space<vmem>>)
        tpu.yield
      }) : () -> ()
      %mul3A_123 = arith.constant 624 : i32
      %mul3A_124 = arith.muli %arg1, %mul3A_123 : i32
      %mul3A_125 = arith.constant 16 : i32
      %mul3A_126 = arith.muli %scan3A_119, %mul3A_125 : i32
      %add3A_127 = arith.addi %mul3A_124, %mul3A_126 : i32
      "tpu.region"() ({
        %run_scoped3A_128 = tpu.sem_alloc : memref<!tpu.dma_semaphore, #tpu.memory_space<semaphore_mem>>
        %dma_start3A_129 = arith.constant 0 : i32
        %dma_start3A_130 = tpu.memref_slice %arg5[%arg0, %add3A_127, %dma_start3A_129] : memref<2x10000x128xf32, #tpu.memory_space<hbm>> -> memref<1x16x128xf32, #tpu.memory_space<hbm>>
        %dma_start3A_131 = tpu.memref_squeeze %dma_start3A_130 : memref<1x16x128xf32, #tpu.memory_space<hbm>> -> memref<16x128xf32, #tpu.memory_space<hbm>>
        %dma_start3A_132 = arith.constant 0 : i32
        %dma_start3A_133 = tpu.memref_slice %arg5[%arg0, %add3A_127, %dma_start3A_132] : memref<2x10000x128xf32, #tpu.memory_space<hbm>> -> memref<1x16x128xf32, #tpu.memory_space<hbm>>
        %dma_start3A_134 = tpu.memref_squeeze %dma_start3A_133 : memref<1x16x128xf32, #tpu.memory_space<hbm>> -> memref<16x128xf32, #tpu.memory_space<hbm>>
        tpu.enqueue_dma source(%arg12 : memref<16x128xf32, #tpu.memory_space<vmem>>) target(%dma_start3A_134 : memref<16x128xf32, #tpu.memory_space<hbm>>) target_semaphore(%run_scoped3A_128 : memref<!tpu.dma_semaphore, #tpu.memory_space<semaphore_mem>>)
        %dma_wait3A_135 = arith.constant 0 : i32
        %dma_wait3A_136 = tpu.memref_slice %arg5[%arg0, %add3A_127, %dma_wait3A_135] : memref<2x10000x128xf32, #tpu.memory_space<hbm>> -> memref<1x16x128xf32, #tpu.memory_space<hbm>>
        %dma_wait3A_137 = tpu.memref_squeeze %dma_wait3A_136 : memref<1x16x128xf32, #tpu.memory_space<hbm>> -> memref<16x128xf32, #tpu.memory_space<hbm>>
        %dma_wait3A_138 = arith.constant 0 : i32
        %dma_wait3A_139 = tpu.memref_slice %arg5[%arg0, %add3A_127, %dma_wait3A_138] : memref<2x10000x128xf32, #tpu.memory_space<hbm>> -> memref<1x16x128xf32, #tpu.memory_space<hbm>>
        %dma_wait3A_140 = tpu.memref_squeeze %dma_wait3A_139 : memref<1x16x128xf32, #tpu.memory_space<hbm>> -> memref<16x128xf32, #tpu.memory_space<hbm>>
        tpu.wait_dma2 semaphore(%run_scoped3A_128 : memref<!tpu.dma_semaphore, #tpu.memory_space<semaphore_mem>>) src(%arg12 : memref<16x128xf32, #tpu.memory_space<vmem>>) dst(%dma_wait3A_140 : memref<16x128xf32, #tpu.memory_space<hbm>>)
        tpu.yield
      }) : () -> ()
    }
    %scan3A_113 = arith.constant 39 : i32
    %eq3A_114 = arith.constant 15 : i32
    %eq3A_115 = arith.cmpi eq, %arg1, %eq3A_114 : i32
    %convert_element_type3A_116 = arith.extui %eq3A_115 : i1 to i32
    %cond3A_117 = arith.constant 0 : i32
    %cond3A_118 = arith.cmpi ne, %convert_element_type3A_116, %cond3A_117 : i32
    scf.if %cond3A_118 {
      "tpu.region"() ({
        %run_scoped3A_119 = tpu.sem_alloc : memref<!tpu.dma_semaphore, #tpu.memory_space<semaphore_mem>>
        %dma_start3A_120 = arith.constant 9984 : i32
        %dma_start3A_121 = arith.constant 0 : i32
        %dma_start3A_122 = tpu.memref_slice %arg14[%dma_start3A_120, %dma_start3A_121] : memref<10000x128xf32, #tpu.memory_space<vmem_shared>> -> memref<16x128xf32, #tpu.memory_space<vmem_shared>>
        %dma_start3A_123 = arith.constant 9984 : i32
        %dma_start3A_124 = arith.constant 0 : i32
        %dma_start3A_125 = tpu.memref_slice %arg14[%dma_start3A_123, %dma_start3A_124] : memref<10000x128xf32, #tpu.memory_space<vmem_shared>> -> memref<16x128xf32, #tpu.memory_space<vmem_shared>>
        tpu.enqueue_dma source(%dma_start3A_125 : memref<16x128xf32, #tpu.memory_space<vmem_shared>>) target(%arg12 : memref<16x128xf32, #tpu.memory_space<vmem>>) target_semaphore(%run_scoped3A_119 : memref<!tpu.dma_semaphore, #tpu.memory_space<semaphore_mem>>)
        %dma_wait3A_126 = arith.constant 9984 : i32
        %dma_wait3A_127 = arith.constant 0 : i32
        %dma_wait3A_128 = tpu.memref_slice %arg14[%dma_wait3A_126, %dma_wait3A_127] : memref<10000x128xf32, #tpu.memory_space<vmem_shared>> -> memref<16x128xf32, #tpu.memory_space<vmem_shared>>
        %dma_wait3A_129 = arith.constant 9984 : i32
        %dma_wait3A_130 = arith.constant 0 : i32
        %dma_wait3A_131 = tpu.memref_slice %arg14[%dma_wait3A_129, %dma_wait3A_130] : memref<10000x128xf32, #tpu.memory_space<vmem_shared>> -> memref<16x128xf32, #tpu.memory_space<vmem_shared>>
        tpu.wait_dma2 semaphore(%run_scoped3A_119 : memref<!tpu.dma_semaphore, #tpu.memory_space<semaphore_mem>>) src(%dma_wait3A_131 : memref<16x128xf32, #tpu.memory_space<vmem_shared>>) dst(%arg12 : memref<16x128xf32, #tpu.memory_space<vmem>>)
        tpu.yield
      }) : () -> ()
      "tpu.region"() ({
        %run_scoped3A_119 = tpu.sem_alloc : memref<!tpu.dma_semaphore, #tpu.memory_space<semaphore_mem>>
        %dma_start3A_120 = arith.constant 9984 : i32
        %dma_start3A_121 = arith.constant 0 : i32
        %dma_start3A_122 = tpu.memref_slice %arg5[%arg0, %dma_start3A_120, %dma_start3A_121] : memref<2x10000x128xf32, #tpu.memory_space<hbm>> -> memref<1x16x128xf32, #tpu.memory_space<hbm>>
        %dma_start3A_123 = tpu.memref_squeeze %dma_start3A_122 : memref<1x16x128xf32, #tpu.memory_space<hbm>> -> memref<16x128xf32, #tpu.memory_space<hbm>>
        %dma_start3A_124 = arith.constant 9984 : i32
        %dma_start3A_125 = arith.constant 0 : i32
        %dma_start3A_126 = tpu.memref_slice %arg5[%arg0, %dma_start3A_124, %dma_start3A_125] : memref<2x10000x128xf32, #tpu.memory_space<hbm>> -> memref<1x16x128xf32, #tpu.memory_space<hbm>>
        %dma_start3A_127 = tpu.memref_squeeze %dma_start3A_126 : memref<1x16x128xf32, #tpu.memory_space<hbm>> -> memref<16x128xf32, #tpu.memory_space<hbm>>
        tpu.enqueue_dma source(%arg12 : memref<16x128xf32, #tpu.memory_space<vmem>>) target(%dma_start3A_127 : memref<16x128xf32, #tpu.memory_space<hbm>>) target_semaphore(%run_scoped3A_119 : memref<!tpu.dma_semaphore, #tpu.memory_space<semaphore_mem>>)
        %dma_wait3A_128 = arith.constant 9984 : i32
        %dma_wait3A_129 = arith.constant 0 : i32
        %dma_wait3A_130 = tpu.memref_slice %arg5[%arg0, %dma_wait3A_128, %dma_wait3A_129] : memref<2x10000x128xf32, #tpu.memory_space<hbm>> -> memref<1x16x128xf32, #tpu.memory_space<hbm>>
        %dma_wait3A_131 = tpu.memref_squeeze %dma_wait3A_130 : memref<1x16x128xf32, #tpu.memory_space<hbm>> -> memref<16x128xf32, #tpu.memory_space<hbm>>
        %dma_wait3A_132 = arith.constant 9984 : i32
        %dma_wait3A_133 = arith.constant 0 : i32
        %dma_wait3A_134 = tpu.memref_slice %arg5[%arg0, %dma_wait3A_132, %dma_wait3A_133] : memref<2x10000x128xf32, #tpu.memory_space<hbm>> -> memref<1x16x128xf32, #tpu.memory_space<hbm>>
        %dma_wait3A_135 = tpu.memref_squeeze %dma_wait3A_134 : memref<1x16x128xf32, #tpu.memory_space<hbm>> -> memref<16x128xf32, #tpu.memory_space<hbm>>
        tpu.wait_dma2 semaphore(%run_scoped3A_119 : memref<!tpu.dma_semaphore, #tpu.memory_space<semaphore_mem>>) src(%arg12 : memref<16x128xf32, #tpu.memory_space<vmem>>) dst(%dma_wait3A_135 : memref<16x128xf32, #tpu.memory_space<hbm>>)
        tpu.yield
      }) : () -> ()
    } else {
    }
    return
  }
}

#map = affine_map<(d0, d1) -> (0, 0)>
#map1 = affine_map<(d0, d1) -> (0, 0, 0, 0, 0)>
#map2 = affine_map<(d0, d1) -> (0, 0, 0)>
module attributes {stable_mosaic.version = 14 : i64} {
  func.func @_edge_body(%arg0: i32, %arg1: i32, %arg2: memref<10000x128xf32, #tpu.memory_space<hbm>>, %arg3: memref<2x16x80x1x125xi32, #tpu.memory_space<hbm>>, %arg4: memref<2x16x80x1x125xi32, #tpu.memory_space<hbm>>, %arg5: memref<2x10000x128xf32, #tpu.memory_space<hbm>>, %arg6: memref<1x125xi32, #tpu.memory_space<vmem>>, %arg7: memref<1x125xi32, #tpu.memory_space<vmem>>, %arg8: memref<1x125xi32, #tpu.memory_space<vmem>>, %arg9: memref<1x125xi32, #tpu.memory_space<vmem>>, %arg10: memref<125x128xf32, #tpu.memory_space<vmem>>, %arg11: memref<125x128xf32, #tpu.memory_space<vmem>>, %arg12: memref<16x128xf32, #tpu.memory_space<vmem>>, %arg13: memref<16x128xf32, #tpu.memory_space<vmem>>, %arg14: memref<10000x128xf32, #tpu.memory_space<vmem_shared>>, %arg15: memref<!tpu.dma_semaphore, #tpu.memory_space<semaphore_mem>>, %arg16: memref<!tpu.dma_semaphore, #tpu.memory_space<semaphore_mem>>, %arg17: memref<!tpu.dma_semaphore, #tpu.memory_space<semaphore_mem>>, %arg18: memref<!tpu.dma_semaphore, #tpu.memory_space<semaphore_mem>>, %arg19: memref<!tpu.dma_semaphore, #tpu.memory_space<semaphore_mem>>, %arg20: memref<!tpu.dma_semaphore, #tpu.memory_space<semaphore_mem>>, %arg21: memref<!tpu.dma_semaphore, #tpu.memory_space<semaphore_mem>>, %arg22: memref<!tpu.dma_semaphore, #tpu.memory_space<semaphore_mem>>) attributes {dimension_semantics = [#tpu.dimension_semantics<core_parallel>, #tpu.dimension_semantics<subcore_parallel>], iteration_bounds = array<i64: 2, 16>, scalar_prefetch = 0 : i64, scratch_operands = 17 : i64, tpu.core_type = #tpu.core_type<sc_vector_subcore>, window_params = [{transform_indices = #map}, {transform_indices = #map1}, {transform_indices = #map1}, {transform_indices = #map2}]} {
    %scan3A = arith.constant 0 : i32
    %scan3A_0 = arith.constant 0 : i32
    %scan3A_1 = arith.constant 16 : i32
    %scan3A_2 = arith.addi %scan3A_0, %scan3A_1 : i32
    %scan3A_3 = arith.constant 1 : i32
    scf.for %scan3A_119 = %scan3A_0 to %scan3A_2 step %scan3A_3  : i32 {
      %broadcast_in_dim3A = arith.constant 0.000000e+00 : f32
      %broadcast_in_dim3A_120 = vector.broadcast %broadcast_in_dim3A : f32 to vector<16xf32>
      %swap3A = arith.index_cast %scan3A_119 : i32 to index
      %swap3A_121 = arith.constant 0 : index
      %swap3A_122 = tpu.vector_load %arg12[%swap3A, %swap3A_121] {strides = array<i32>} : memref<16x128xf32, #tpu.memory_space<vmem>>, vector<1x16xf32>,
      %swap3A_123 = vector.shape_cast %swap3A_122 : vector<1x16xf32> to vector<16xf32>
      %swap3A_124 = vector.shape_cast %broadcast_in_dim3A_120 : vector<16xf32> to vector<1x16xf32>
      tpu.vector_store %arg12[%swap3A, %swap3A_121], %swap3A_124 {strides = array<i32>} : memref<16x128xf32, #tpu.memory_space<vmem>>, vector<1x16xf32>,
      %broadcast_in_dim3A_125 = arith.constant 0.000000e+00 : f32
      %broadcast_in_dim3A_126 = vector.broadcast %broadcast_in_dim3A_125 : f32 to vector<16xf32>
      %swap3A_127 = arith.index_cast %scan3A_119 : i32 to index
      %swap3A_128 = arith.constant 16 : index
      %swap3A_129 = tpu.vector_load %arg12[%swap3A_127, %swap3A_128] {strides = array<i32>} : memref<16x128xf32, #tpu.memory_space<vmem>>, vector<1x16xf32>,
      %swap3A_130 = vector.shape_cast %swap3A_129 : vector<1x16xf32> to vector<16xf32>
      %swap3A_131 = vector.shape_cast %broadcast_in_dim3A_126 : vector<16xf32> to vector<1x16xf32>
      tpu.vector_store %arg12[%swap3A_127, %swap3A_128], %swap3A_131 {strides = array<i32>} : memref<16x128xf32, #tpu.memory_space<vmem>>, vector<1x16xf32>,
      %broadcast_in_dim3A_132 = arith.constant 0.000000e+00 : f32
      %broadcast_in_dim3A_133 = vector.broadcast %broadcast_in_dim3A_132 : f32 to vector<16xf32>
      %swap3A_134 = arith.index_cast %scan3A_119 : i32 to index
      %swap3A_135 = arith.constant 32 : index
      %swap3A_136 = tpu.vector_load %arg12[%swap3A_134, %swap3A_135] {strides = array<i32>} : memref<16x128xf32, #tpu.memory_space<vmem>>, vector<1x16xf32>,
      %swap3A_137 = vector.shape_cast %swap3A_136 : vector<1x16xf32> to vector<16xf32>
      %swap3A_138 = vector.shape_cast %broadcast_in_dim3A_133 : vector<16xf32> to vector<1x16xf32>
      tpu.vector_store %arg12[%swap3A_134, %swap3A_135], %swap3A_138 {strides = array<i32>} : memref<16x128xf32, #tpu.memory_space<vmem>>, vector<1x16xf32>,
      %broadcast_in_dim3A_139 = arith.constant 0.000000e+00 : f32
      %broadcast_in_dim3A_140 = vector.broadcast %broadcast_in_dim3A_139 : f32 to vector<16xf32>
      %swap3A_141 = arith.index_cast %scan3A_119 : i32 to index
      %swap3A_142 = arith.constant 48 : index
      %swap3A_143 = tpu.vector_load %arg12[%swap3A_141, %swap3A_142] {strides = array<i32>} : memref<16x128xf32, #tpu.memory_space<vmem>>, vector<1x16xf32>,
      %swap3A_144 = vector.shape_cast %swap3A_143 : vector<1x16xf32> to vector<16xf32>
      %swap3A_145 = vector.shape_cast %broadcast_in_dim3A_140 : vector<16xf32> to vector<1x16xf32>
      tpu.vector_store %arg12[%swap3A_141, %swap3A_142], %swap3A_145 {strides = array<i32>} : memref<16x128xf32, #tpu.memory_space<vmem>>, vector<1x16xf32>,
      %broadcast_in_dim3A_146 = arith.constant 0.000000e+00 : f32
      %broadcast_in_dim3A_147 = vector.broadcast %broadcast_in_dim3A_146 : f32 to vector<16xf32>
      %swap3A_148 = arith.index_cast %scan3A_119 : i32 to index
      %swap3A_149 = arith.constant 64 : index
      %swap3A_150 = tpu.vector_load %arg12[%swap3A_148, %swap3A_149] {strides = array<i32>} : memref<16x128xf32, #tpu.memory_space<vmem>>, vector<1x16xf32>,
      %swap3A_151 = vector.shape_cast %swap3A_150 : vector<1x16xf32> to vector<16xf32>
      %swap3A_152 = vector.shape_cast %broadcast_in_dim3A_147 : vector<16xf32> to vector<1x16xf32>
      tpu.vector_store %arg12[%swap3A_148, %swap3A_149], %swap3A_152 {strides = array<i32>} : memref<16x128xf32, #tpu.memory_space<vmem>>, vector<1x16xf32>,
      %broadcast_in_dim3A_153 = arith.constant 0.000000e+00 : f32
      %broadcast_in_dim3A_154 = vector.broadcast %broadcast_in_dim3A_153 : f32 to vector<16xf32>
      %swap3A_155 = arith.index_cast %scan3A_119 : i32 to index
      %swap3A_156 = arith.constant 80 : index
      %swap3A_157 = tpu.vector_load %arg12[%swap3A_155, %swap3A_156] {strides = array<i32>} : memref<16x128xf32, #tpu.memory_space<vmem>>, vector<1x16xf32>,
      %swap3A_158 = vector.shape_cast %swap3A_157 : vector<1x16xf32> to vector<16xf32>
      %swap3A_159 = vector.shape_cast %broadcast_in_dim3A_154 : vector<16xf32> to vector<1x16xf32>
      tpu.vector_store %arg12[%swap3A_155, %swap3A_156], %swap3A_159 {strides = array<i32>} : memref<16x128xf32, #tpu.memory_space<vmem>>, vector<1x16xf32>,
      %broadcast_in_dim3A_160 = arith.constant 0.000000e+00 : f32
      %broadcast_in_dim3A_161 = vector.broadcast %broadcast_in_dim3A_160 : f32 to vector<16xf32>
      %swap3A_162 = arith.index_cast %scan3A_119 : i32 to index
      %swap3A_163 = arith.constant 96 : index
      %swap3A_164 = tpu.vector_load %arg12[%swap3A_162, %swap3A_163] {strides = array<i32>} : memref<16x128xf32, #tpu.memory_space<vmem>>, vector<1x16xf32>,
      %swap3A_165 = vector.shape_cast %swap3A_164 : vector<1x16xf32> to vector<16xf32>
      %swap3A_166 = vector.shape_cast %broadcast_in_dim3A_161 : vector<16xf32> to vector<1x16xf32>
      tpu.vector_store %arg12[%swap3A_162, %swap3A_163], %swap3A_166 {strides = array<i32>} : memref<16x128xf32, #tpu.memory_space<vmem>>, vector<1x16xf32>,
      %broadcast_in_dim3A_167 = arith.constant 0.000000e+00 : f32
      %broadcast_in_dim3A_168 = vector.broadcast %broadcast_in_dim3A_167 : f32 to vector<16xf32>
      %swap3A_169 = arith.index_cast %scan3A_119 : i32 to index
      %swap3A_170 = arith.constant 112 : index
      %swap3A_171 = tpu.vector_load %arg12[%swap3A_169, %swap3A_170] {strides = array<i32>} : memref<16x128xf32, #tpu.memory_space<vmem>>, vector<1x16xf32>,
      %swap3A_172 = vector.shape_cast %swap3A_171 : vector<1x16xf32> to vector<16xf32>
      %swap3A_173 = vector.shape_cast %broadcast_in_dim3A_168 : vector<16xf32> to vector<1x16xf32>
      tpu.vector_store %arg12[%swap3A_169, %swap3A_170], %swap3A_173 {strides = array<i32>} : memref<16x128xf32, #tpu.memory_space<vmem>>, vector<1x16xf32>,
    }
    %scan3A_4 = arith.constant 16 : i32
    %scan3A_5 = arith.constant 0 : i32
    %scan3A_6 = arith.constant 0 : i32
    %scan3A_7 = arith.constant 39 : i32
    %scan3A_8 = arith.addi %scan3A_6, %scan3A_7 : i32
    %scan3A_9 = arith.constant 1 : i32
    scf.for %scan3A_119 = %scan3A_6 to %scan3A_8 step %scan3A_9  : i32 {
      %mul3A = arith.constant 624 : i32
      %mul3A_120 = arith.muli %arg1, %mul3A : i32
      %mul3A_121 = arith.constant 16 : i32
      %mul3A_122 = arith.muli %scan3A_119, %mul3A_121 : i32
      %add3A = arith.addi %mul3A_120, %mul3A_122 : i32
      "tpu.region"() ({
        %run_scoped3A_123 = tpu.sem_alloc : memref<!tpu.dma_semaphore, #tpu.memory_space<semaphore_mem>>
        %dma_start3A_124 = arith.constant 0 : i32
        %dma_start3A_125 = tpu.memref_slice %arg14[%add3A, %dma_start3A_124] : memref<10000x128xf32, #tpu.memory_space<vmem_shared>> -> memref<16x128xf32, #tpu.memory_space<vmem_shared>>
        %dma_start3A_126 = arith.constant 0 : i32
        %dma_start3A_127 = tpu.memref_slice %arg14[%add3A, %dma_start3A_126] : memref<10000x128xf32, #tpu.memory_space<vmem_shared>> -> memref<16x128xf32, #tpu.memory_space<vmem_shared>>
        tpu.enqueue_dma source(%arg12 : memref<16x128xf32, #tpu.memory_space<vmem>>) target(%dma_start3A_127 : memref<16x128xf32, #tpu.memory_space<vmem_shared>>) target_semaphore(%run_scoped3A_123 : memref<!tpu.dma_semaphore, #tpu.memory_space<semaphore_mem>>)
        %dma_wait3A_128 = arith.constant 0 : i32
        %dma_wait3A_129 = tpu.memref_slice %arg14[%add3A, %dma_wait3A_128] : memref<10000x128xf32, #tpu.memory_space<vmem_shared>> -> memref<16x128xf32, #tpu.memory_space<vmem_shared>>
        %dma_wait3A_130 = arith.constant 0 : i32
        %dma_wait3A_131 = tpu.memref_slice %arg14[%add3A, %dma_wait3A_130] : memref<10000x128xf32, #tpu.memory_space<vmem_shared>> -> memref<16x128xf32, #tpu.memory_space<vmem_shared>>
        tpu.wait_dma2 semaphore(%run_scoped3A_123 : memref<!tpu.dma_semaphore, #tpu.memory_space<semaphore_mem>>) src(%arg12 : memref<16x128xf32, #tpu.memory_space<vmem>>) dst(%dma_wait3A_131 : memref<16x128xf32, #tpu.memory_space<vmem_shared>>)
        tpu.yield
      }) : () -> ()
    }
    %scan3A_10 = arith.constant 39 : i32
    %eq3A = arith.constant 15 : i32
    %eq3A_11 = arith.cmpi eq, %arg1, %eq3A : i32
    %convert_element_type3A = arith.extui %eq3A_11 : i1 to i32
    %cond3A = arith.constant 0 : i32
    %cond3A_12 = arith.cmpi ne, %convert_element_type3A, %cond3A : i32
    scf.if %cond3A_12 {
      "tpu.region"() ({
        %run_scoped3A_119 = tpu.sem_alloc : memref<!tpu.dma_semaphore, #tpu.memory_space<semaphore_mem>>
        %dma_start3A_120 = arith.constant 9984 : i32
        %dma_start3A_121 = arith.constant 0 : i32
        %dma_start3A_122 = tpu.memref_slice %arg14[%dma_start3A_120, %dma_start3A_121] : memref<10000x128xf32, #tpu.memory_space<vmem_shared>> -> memref<16x128xf32, #tpu.memory_space<vmem_shared>>
        %dma_start3A_123 = arith.constant 9984 : i32
        %dma_start3A_124 = arith.constant 0 : i32
        %dma_start3A_125 = tpu.memref_slice %arg14[%dma_start3A_123, %dma_start3A_124] : memref<10000x128xf32, #tpu.memory_space<vmem_shared>> -> memref<16x128xf32, #tpu.memory_space<vmem_shared>>
        tpu.enqueue_dma source(%arg12 : memref<16x128xf32, #tpu.memory_space<vmem>>) target(%dma_start3A_125 : memref<16x128xf32, #tpu.memory_space<vmem_shared>>) target_semaphore(%run_scoped3A_119 : memref<!tpu.dma_semaphore, #tpu.memory_space<semaphore_mem>>)
        %dma_wait3A_126 = arith.constant 9984 : i32
        %dma_wait3A_127 = arith.constant 0 : i32
        %dma_wait3A_128 = tpu.memref_slice %arg14[%dma_wait3A_126, %dma_wait3A_127] : memref<10000x128xf32, #tpu.memory_space<vmem_shared>> -> memref<16x128xf32, #tpu.memory_space<vmem_shared>>
        %dma_wait3A_129 = arith.constant 9984 : i32
        %dma_wait3A_130 = arith.constant 0 : i32
        %dma_wait3A_131 = tpu.memref_slice %arg14[%dma_wait3A_129, %dma_wait3A_130] : memref<10000x128xf32, #tpu.memory_space<vmem_shared>> -> memref<16x128xf32, #tpu.memory_space<vmem_shared>>
        tpu.wait_dma2 semaphore(%run_scoped3A_119 : memref<!tpu.dma_semaphore, #tpu.memory_space<semaphore_mem>>) src(%arg12 : memref<16x128xf32, #tpu.memory_space<vmem>>) dst(%dma_wait3A_131 : memref<16x128xf32, #tpu.memory_space<vmem_shared>>)
        tpu.yield
      }) : () -> ()
    } else {
    }
    %barrier3A = arith.constant 0 : index
    tpu.barrier barrier_id(%barrier3A)
    %run_scoped3A = arith.constant 0 : i32
    "tpu.region"() ({
      %run_scoped3A_119 = tpu.sem_alloc : memref<!tpu.dma_semaphore, #tpu.memory_space<semaphore_mem>>
      %dma_start3A_120 = arith.constant 0 : i32
      %dma_start3A_121 = arith.constant 0 : i32
      %dma_start3A_122 = tpu.memref_slice %arg3[%arg0, %arg1, %run_scoped3A, %dma_start3A_120, %dma_start3A_121] : memref<2x16x80x1x125xi32, #tpu.memory_space<hbm>> -> memref<1x1x1x1x125xi32, #tpu.memory_space<hbm>>
      %dma_start3A_123 = tpu.memref_squeeze %dma_start3A_122 : memref<1x1x1x1x125xi32, #tpu.memory_space<hbm>> -> memref<1x125xi32, #tpu.memory_space<hbm>>
      %dma_start3A_124 = arith.constant 0 : i32
      %dma_start3A_125 = arith.constant 0 : i32
      %dma_start3A_126 = tpu.memref_slice %arg3[%arg0, %arg1, %run_scoped3A, %dma_start3A_124, %dma_start3A_125] : memref<2x16x80x1x125xi32, #tpu.memory_space<hbm>> -> memref<1x1x1x1x125xi32, #tpu.memory_space<hbm>>
      %dma_start3A_127 = tpu.memref_squeeze %dma_start3A_126 : memref<1x1x1x1x125xi32, #tpu.memory_space<hbm>> -> memref<1x125xi32, #tpu.memory_space<hbm>>
      tpu.enqueue_dma source(%dma_start3A_127 : memref<1x125xi32, #tpu.memory_space<hbm>>) target(%arg6 : memref<1x125xi32, #tpu.memory_space<vmem>>) target_semaphore(%run_scoped3A_119 : memref<!tpu.dma_semaphore, #tpu.memory_space<semaphore_mem>>)
      %dma_wait3A_128 = arith.constant 0 : i32
      %dma_wait3A_129 = arith.constant 0 : i32
      %dma_wait3A_130 = tpu.memref_slice %arg3[%arg0, %arg1, %run_scoped3A, %dma_wait3A_128, %dma_wait3A_129] : memref<2x16x80x1x125xi32, #tpu.memory_space<hbm>> -> memref<1x1x1x1x125xi32, #tpu.memory_space<hbm>>
      %dma_wait3A_131 = tpu.memref_squeeze %dma_wait3A_130 : memref<1x1x1x1x125xi32, #tpu.memory_space<hbm>> -> memref<1x125xi32, #tpu.memory_space<hbm>>
      %dma_wait3A_132 = arith.constant 0 : i32
      %dma_wait3A_133 = arith.constant 0 : i32
      %dma_wait3A_134 = tpu.memref_slice %arg3[%arg0, %arg1, %run_scoped3A, %dma_wait3A_132, %dma_wait3A_133] : memref<2x16x80x1x125xi32, #tpu.memory_space<hbm>> -> memref<1x1x1x1x125xi32, #tpu.memory_space<hbm>>
      %dma_wait3A_135 = tpu.memref_squeeze %dma_wait3A_134 : memref<1x1x1x1x125xi32, #tpu.memory_space<hbm>> -> memref<1x125xi32, #tpu.memory_space<hbm>>
      tpu.wait_dma2 semaphore(%run_scoped3A_119 : memref<!tpu.dma_semaphore, #tpu.memory_space<semaphore_mem>>) src(%dma_wait3A_135 : memref<1x125xi32, #tpu.memory_space<hbm>>) dst(%arg6 : memref<1x125xi32, #tpu.memory_space<vmem>>)
      tpu.yield
    }) : () -> ()
    %dma_start3A = arith.constant 0 : i32
    %dma_start3A_13 = arith.constant 0 : i32
    %dma_start3A_14 = arith.constant 0 : i32
    %dma_start3A_15 = tpu.memref_slice %arg4[%arg0, %arg1, %dma_start3A, %dma_start3A_13, %dma_start3A_14] : memref<2x16x80x1x125xi32, #tpu.memory_space<hbm>> -> memref<1x1x1x1x125xi32, #tpu.memory_space<hbm>>
    %dma_start3A_16 = tpu.memref_squeeze %dma_start3A_15 : memref<1x1x1x1x125xi32, #tpu.memory_space<hbm>> -> memref<1x125xi32, #tpu.memory_space<hbm>>
    %dma_start3A_17 = arith.constant 0 : i32
    %dma_start3A_18 = arith.constant 0 : i32
    %dma_start3A_19 = tpu.memref_slice %arg4[%arg0, %arg1, %dma_start3A, %dma_start3A_17, %dma_start3A_18] : memref<2x16x80x1x125xi32, #tpu.memory_space<hbm>> -> memref<1x1x1x1x125xi32, #tpu.memory_space<hbm>>
    %dma_start3A_20 = tpu.memref_squeeze %dma_start3A_19 : memref<1x1x1x1x125xi32, #tpu.memory_space<hbm>> -> memref<1x125xi32, #tpu.memory_space<hbm>>
    tpu.enqueue_dma source(%dma_start3A_20 : memref<1x125xi32, #tpu.memory_space<hbm>>) target(%arg8 : memref<1x125xi32, #tpu.memory_space<vmem>>) target_semaphore(%arg19 : memref<!tpu.dma_semaphore, #tpu.memory_space<semaphore_mem>>)
    %dma_start3A_21 = arith.constant 0 : i32
    %dma_start3A_22 = arith.constant 0 : i32
    %dma_start3A_23 = tpu.memref_slice %arg6[%dma_start3A_21, %dma_start3A_22] : memref<1x125xi32, #tpu.memory_space<vmem>> -> memref<1x125xi32, #tpu.memory_space<vmem>>
    %dma_start3A_24 = tpu.memref_squeeze %dma_start3A_23 : memref<1x125xi32, #tpu.memory_space<vmem>> -> memref<125xi32, #tpu.memory_space<vmem>>
    %dma_start3A_25 = arith.constant 0 : i32
    %dma_start3A_26 = arith.constant 0 : i32
    %dma_start3A_27 = tpu.memref_slice %arg2[%dma_start3A_25, %dma_start3A_26] : memref<10000x128xf32, #tpu.memory_space<hbm>> -> memref<10000x128xf32, #tpu.memory_space<hbm>>
    tpu.enqueue_indirect_dma source(%dma_start3A_27 : memref<10000x128xf32, #tpu.memory_space<hbm>>) target(%arg10 : memref<125x128xf32, #tpu.memory_space<vmem>>) offsets(%dma_start3A_24 : memref<125xi32, #tpu.memory_space<vmem>>) semaphore(%arg15 : memref<!tpu.dma_semaphore, #tpu.memory_space<semaphore_mem>>)
    %dma_start3A_28 = arith.constant 1 : i32
    %dma_start3A_29 = arith.constant 0 : i32
    %dma_start3A_30 = arith.constant 0 : i32
    %dma_start3A_31 = tpu.memref_slice %arg3[%arg0, %arg1, %dma_start3A_28, %dma_start3A_29, %dma_start3A_30] : memref<2x16x80x1x125xi32, #tpu.memory_space<hbm>> -> memref<1x1x1x1x125xi32, #tpu.memory_space<hbm>>
    %dma_start3A_32 = tpu.memref_squeeze %dma_start3A_31 : memref<1x1x1x1x125xi32, #tpu.memory_space<hbm>> -> memref<1x125xi32, #tpu.memory_space<hbm>>
    %dma_start3A_33 = arith.constant 0 : i32
    %dma_start3A_34 = arith.constant 0 : i32
    %dma_start3A_35 = tpu.memref_slice %arg3[%arg0, %arg1, %dma_start3A_28, %dma_start3A_33, %dma_start3A_34] : memref<2x16x80x1x125xi32, #tpu.memory_space<hbm>> -> memref<1x1x1x1x125xi32, #tpu.memory_space<hbm>>
    %dma_start3A_36 = tpu.memref_squeeze %dma_start3A_35 : memref<1x1x1x1x125xi32, #tpu.memory_space<hbm>> -> memref<1x125xi32, #tpu.memory_space<hbm>>
    tpu.enqueue_dma source(%dma_start3A_36 : memref<1x125xi32, #tpu.memory_space<hbm>>) target(%arg7 : memref<1x125xi32, #tpu.memory_space<vmem>>) target_semaphore(%arg18 : memref<!tpu.dma_semaphore, #tpu.memory_space<semaphore_mem>>)
    %dma_start3A_37 = arith.constant 1 : i32
    %dma_start3A_38 = arith.constant 0 : i32
    %dma_start3A_39 = arith.constant 0 : i32
    %dma_start3A_40 = tpu.memref_slice %arg4[%arg0, %arg1, %dma_start3A_37, %dma_start3A_38, %dma_start3A_39] : memref<2x16x80x1x125xi32, #tpu.memory_space<hbm>> -> memref<1x1x1x1x125xi32, #tpu.memory_space<hbm>>
    %dma_start3A_41 = tpu.memref_squeeze %dma_start3A_40 : memref<1x1x1x1x125xi32, #tpu.memory_space<hbm>> -> memref<1x125xi32, #tpu.memory_space<hbm>>
    %dma_start3A_42 = arith.constant 0 : i32
    %dma_start3A_43 = arith.constant 0 : i32
    %dma_start3A_44 = tpu.memref_slice %arg4[%arg0, %arg1, %dma_start3A_37, %dma_start3A_42, %dma_start3A_43] : memref<2x16x80x1x125xi32, #tpu.memory_space<hbm>> -> memref<1x1x1x1x125xi32, #tpu.memory_space<hbm>>
    %dma_start3A_45 = tpu.memref_squeeze %dma_start3A_44 : memref<1x1x1x1x125xi32, #tpu.memory_space<hbm>> -> memref<1x125xi32, #tpu.memory_space<hbm>>
    tpu.enqueue_dma source(%dma_start3A_45 : memref<1x125xi32, #tpu.memory_space<hbm>>) target(%arg9 : memref<1x125xi32, #tpu.memory_space<vmem>>) target_semaphore(%arg20 : memref<!tpu.dma_semaphore, #tpu.memory_space<semaphore_mem>>)
    %scan3A_46 = arith.constant 0 : i32
    %scan3A_47 = arith.constant 0 : i32
    %scan3A_48 = arith.constant 39 : i32
    %scan3A_49 = arith.addi %scan3A_47, %scan3A_48 : i32
    %scan3A_50 = arith.constant 1 : i32
    scf.for %scan3A_119 = %scan3A_47 to %scan3A_49 step %scan3A_50  : i32 {
      %mul3A = arith.constant 2 : i32
      %mul3A_120 = arith.muli %mul3A, %scan3A_119 : i32
      %add3A = arith.constant 0 : i32
      %add3A_121 = arith.addi %mul3A_120, %add3A : i32
      %dma_wait3A_122 = arith.constant 0 : i32
      %dma_wait3A_123 = arith.constant 0 : i32
      %dma_wait3A_124 = tpu.memref_slice %arg6[%dma_wait3A_122, %dma_wait3A_123] : memref<1x125xi32, #tpu.memory_space<vmem>> -> memref<1x125xi32, #tpu.memory_space<vmem>>
      %dma_wait3A_125 = tpu.memref_squeeze %dma_wait3A_124 : memref<1x125xi32, #tpu.memory_space<vmem>> -> memref<125xi32, #tpu.memory_space<vmem>>
      %dma_wait3A_126 = arith.constant 0 : i32
      %dma_wait3A_127 = arith.constant 0 : i32
      %dma_wait3A_128 = tpu.memref_slice %arg2[%dma_wait3A_126, %dma_wait3A_127] : memref<10000x128xf32, #tpu.memory_space<hbm>> -> memref<10000x128xf32, #tpu.memory_space<hbm>>
      tpu.wait_indirect_dma semaphore(%arg15 : memref<!tpu.dma_semaphore, #tpu.memory_space<semaphore_mem>>) src(%dma_wait3A_128 : memref<10000x128xf32, #tpu.memory_space<hbm>>) dst(%arg10 : memref<125x128xf32, #tpu.memory_space<vmem>>)
      %dma_wait3A_129 = arith.constant 0 : i32
      %dma_wait3A_130 = arith.constant 0 : i32
      %dma_wait3A_131 = arith.constant 0 : i32
      %dma_wait3A_132 = arith.constant 0 : i32
      %dma_wait3A_133 = arith.constant 0 : i32
      %dma_wait3A_134 = tpu.memref_slice %arg3[%dma_wait3A_129, %dma_wait3A_130, %dma_wait3A_131, %dma_wait3A_132, %dma_wait3A_133] : memref<2x16x80x1x125xi32, #tpu.memory_space<hbm>> -> memref<1x1x1x1x125xi32, #tpu.memory_space<hbm>>
      %dma_wait3A_135 = tpu.memref_squeeze %dma_wait3A_134 : memref<1x1x1x1x125xi32, #tpu.memory_space<hbm>> -> memref<1x125xi32, #tpu.memory_space<hbm>>
      %dma_wait3A_136 = arith.constant 0 : i32
      %dma_wait3A_137 = arith.constant 0 : i32
      %dma_wait3A_138 = tpu.memref_slice %arg3[%dma_wait3A_129, %dma_wait3A_130, %dma_wait3A_131, %dma_wait3A_136, %dma_wait3A_137] : memref<2x16x80x1x125xi32, #tpu.memory_space<hbm>> -> memref<1x1x1x1x125xi32, #tpu.memory_space<hbm>>
      %dma_wait3A_139 = tpu.memref_squeeze %dma_wait3A_138 : memref<1x1x1x1x125xi32, #tpu.memory_space<hbm>> -> memref<1x125xi32, #tpu.memory_space<hbm>>
      tpu.wait_dma2 semaphore(%arg18 : memref<!tpu.dma_semaphore, #tpu.memory_space<semaphore_mem>>) src(%dma_wait3A_139 : memref<1x125xi32, #tpu.memory_space<hbm>>) dst(%arg7 : memref<1x125xi32, #tpu.memory_space<vmem>>)
      %dma_start3A_140 = arith.constant 0 : i32
      %dma_start3A_141 = arith.constant 0 : i32
      %dma_start3A_142 = tpu.memref_slice %arg7[%dma_start3A_140, %dma_start3A_141] : memref<1x125xi32, #tpu.memory_space<vmem>> -> memref<1x125xi32, #tpu.memory_space<vmem>>
      %dma_start3A_143 = tpu.memref_squeeze %dma_start3A_142 : memref<1x125xi32, #tpu.memory_space<vmem>> -> memref<125xi32, #tpu.memory_space<vmem>>
      %dma_start3A_144 = arith.constant 0 : i32
      %dma_start3A_145 = arith.constant 0 : i32
      %dma_start3A_146 = tpu.memref_slice %arg2[%dma_start3A_144, %dma_start3A_145] : memref<10000x128xf32, #tpu.memory_space<hbm>> -> memref<10000x128xf32, #tpu.memory_space<hbm>>
      tpu.enqueue_indirect_dma source(%dma_start3A_146 : memref<10000x128xf32, #tpu.memory_space<hbm>>) target(%arg11 : memref<125x128xf32, #tpu.memory_space<vmem>>) offsets(%dma_start3A_143 : memref<125xi32, #tpu.memory_space<vmem>>) semaphore(%arg16 : memref<!tpu.dma_semaphore, #tpu.memory_space<semaphore_mem>>)
      %add3A_147 = arith.constant 2 : i32
      %add3A_148 = arith.addi %add3A_121, %add3A_147 : i32
      %dma_start3A_149 = arith.constant 0 : i32
      %dma_start3A_150 = arith.constant 0 : i32
      %dma_start3A_151 = tpu.memref_slice %arg3[%arg0, %arg1, %add3A_148, %dma_start3A_149, %dma_start3A_150] : memref<2x16x80x1x125xi32, #tpu.memory_space<hbm>> -> memref<1x1x1x1x125xi32, #tpu.memory_space<hbm>>
      %dma_start3A_152 = tpu.memref_squeeze %dma_start3A_151 : memref<1x1x1x1x125xi32, #tpu.memory_space<hbm>> -> memref<1x125xi32, #tpu.memory_space<hbm>>
      %dma_start3A_153 = arith.constant 0 : i32
      %dma_start3A_154 = arith.constant 0 : i32
      %dma_start3A_155 = tpu.memref_slice %arg3[%arg0, %arg1, %add3A_148, %dma_start3A_153, %dma_start3A_154] : memref<2x16x80x1x125xi32, #tpu.memory_space<hbm>> -> memref<1x1x1x1x125xi32, #tpu.memory_space<hbm>>
      %dma_start3A_156 = tpu.memref_squeeze %dma_start3A_155 : memref<1x1x1x1x125xi32, #tpu.memory_space<hbm>> -> memref<1x125xi32, #tpu.memory_space<hbm>>
      tpu.enqueue_dma source(%dma_start3A_156 : memref<1x125xi32, #tpu.memory_space<hbm>>) target(%arg6 : memref<1x125xi32, #tpu.memory_space<vmem>>) target_semaphore(%arg17 : memref<!tpu.dma_semaphore, #tpu.memory_space<semaphore_mem>>)
      %dma_wait3A_157 = arith.constant 0 : i32
      %dma_wait3A_158 = arith.constant 0 : i32
      %dma_wait3A_159 = arith.constant 0 : i32
      %dma_wait3A_160 = arith.constant 0 : i32
      %dma_wait3A_161 = arith.constant 0 : i32
      %dma_wait3A_162 = tpu.memref_slice %arg4[%dma_wait3A_157, %dma_wait3A_158, %dma_wait3A_159, %dma_wait3A_160, %dma_wait3A_161] : memref<2x16x80x1x125xi32, #tpu.memory_space<hbm>> -> memref<1x1x1x1x125xi32, #tpu.memory_space<hbm>>
      %dma_wait3A_163 = tpu.memref_squeeze %dma_wait3A_162 : memref<1x1x1x1x125xi32, #tpu.memory_space<hbm>> -> memref<1x125xi32, #tpu.memory_space<hbm>>
      %dma_wait3A_164 = arith.constant 0 : i32
      %dma_wait3A_165 = arith.constant 0 : i32
      %dma_wait3A_166 = tpu.memref_slice %arg4[%dma_wait3A_157, %dma_wait3A_158, %dma_wait3A_159, %dma_wait3A_164, %dma_wait3A_165] : memref<2x16x80x1x125xi32, #tpu.memory_space<hbm>> -> memref<1x1x1x1x125xi32, #tpu.memory_space<hbm>>
      %dma_wait3A_167 = tpu.memref_squeeze %dma_wait3A_166 : memref<1x1x1x1x125xi32, #tpu.memory_space<hbm>> -> memref<1x125xi32, #tpu.memory_space<hbm>>
      tpu.wait_dma2 semaphore(%arg19 : memref<!tpu.dma_semaphore, #tpu.memory_space<semaphore_mem>>) src(%dma_wait3A_167 : memref<1x125xi32, #tpu.memory_space<hbm>>) dst(%arg8 : memref<1x125xi32, #tpu.memory_space<vmem>>)
      %run_scoped3A_168 = arith.constant 0 : i32
      "tpu.region"() ({
        %run_scoped3A_240 = tpu.sem_alloc : memref<!tpu.dma_semaphore, #tpu.memory_space<semaphore_mem>>
        %dma_start3A_241 = arith.constant 0 : i32
        %dma_start3A_242 = tpu.memref_slice %arg8[%run_scoped3A_168, %dma_start3A_241] : memref<1x125xi32, #tpu.memory_space<vmem>> -> memref<1x125xi32, #tpu.memory_space<vmem>>
        %dma_start3A_243 = tpu.memref_squeeze %dma_start3A_242 : memref<1x125xi32, #tpu.memory_space<vmem>> -> memref<125xi32, #tpu.memory_space<vmem>>
        %dma_start3A_244 = arith.constant 0 : i32
        %dma_start3A_245 = arith.constant 0 : i32
        %dma_start3A_246 = tpu.memref_slice %arg14[%dma_start3A_244, %dma_start3A_245] : memref<10000x128xf32, #tpu.memory_space<vmem_shared>> -> memref<10000x128xf32, #tpu.memory_space<vmem_shared>>
        tpu.enqueue_indirect_dma source(%arg10 : memref<125x128xf32, #tpu.memory_space<vmem>>) target(%dma_start3A_246 : memref<10000x128xf32, #tpu.memory_space<vmem_shared>>) offsets(%dma_start3A_243 : memref<125xi32, #tpu.memory_space<vmem>>) semaphore(%run_scoped3A_240 : memref<!tpu.dma_semaphore, #tpu.memory_space<semaphore_mem>>) {add = true}
        %dma_wait3A_247 = arith.constant 0 : i32
        %dma_wait3A_248 = tpu.memref_slice %arg8[%run_scoped3A_168, %dma_wait3A_247] : memref<1x125xi32, #tpu.memory_space<vmem>> -> memref<1x125xi32, #tpu.memory_space<vmem>>
        %dma_wait3A_249 = tpu.memref_squeeze %dma_wait3A_248 : memref<1x125xi32, #tpu.memory_space<vmem>> -> memref<125xi32, #tpu.memory_space<vmem>>
        %dma_wait3A_250 = arith.constant 0 : i32
        %dma_wait3A_251 = arith.constant 0 : i32
        %dma_wait3A_252 = tpu.memref_slice %arg14[%dma_wait3A_250, %dma_wait3A_251] : memref<10000x128xf32, #tpu.memory_space<vmem_shared>> -> memref<10000x128xf32, #tpu.memory_space<vmem_shared>>
        tpu.wait_indirect_dma semaphore(%run_scoped3A_240 : memref<!tpu.dma_semaphore, #tpu.memory_space<semaphore_mem>>) src(%arg10 : memref<125x128xf32, #tpu.memory_space<vmem>>) dst(%dma_wait3A_252 : memref<10000x128xf32, #tpu.memory_space<vmem_shared>>)
        tpu.yield
      }) : () -> ()
      %add3A_169 = arith.constant 2 : i32
      %add3A_170 = arith.addi %add3A_121, %add3A_169 : i32
      %dma_start3A_171 = arith.constant 0 : i32
      %dma_start3A_172 = arith.constant 0 : i32
      %dma_start3A_173 = tpu.memref_slice %arg4[%arg0, %arg1, %add3A_170, %dma_start3A_171, %dma_start3A_172] : memref<2x16x80x1x125xi32, #tpu.memory_space<hbm>> -> memref<1x1x1x1x125xi32, #tpu.memory_space<hbm>>
      %dma_start3A_174 = tpu.memref_squeeze %dma_start3A_173 : memref<1x1x1x1x125xi32, #tpu.memory_space<hbm>> -> memref<1x125xi32, #tpu.memory_space<hbm>>
      %dma_start3A_175 = arith.constant 0 : i32
      %dma_start3A_176 = arith.constant 0 : i32
      %dma_start3A_177 = tpu.memref_slice %arg4[%arg0, %arg1, %add3A_170, %dma_start3A_175, %dma_start3A_176] : memref<2x16x80x1x125xi32, #tpu.memory_space<hbm>> -> memref<1x1x1x1x125xi32, #tpu.memory_space<hbm>>
      %dma_start3A_178 = tpu.memref_squeeze %dma_start3A_177 : memref<1x1x1x1x125xi32, #tpu.memory_space<hbm>> -> memref<1x125xi32, #tpu.memory_space<hbm>>
      tpu.enqueue_dma source(%dma_start3A_178 : memref<1x125xi32, #tpu.memory_space<hbm>>) target(%arg8 : memref<1x125xi32, #tpu.memory_space<vmem>>) target_semaphore(%arg19 : memref<!tpu.dma_semaphore, #tpu.memory_space<semaphore_mem>>)
      %mul3A_179 = arith.constant 2 : i32
      %mul3A_180 = arith.muli %mul3A_179, %scan3A_119 : i32
      %add3A_181 = arith.constant 1 : i32
      %add3A_182 = arith.addi %mul3A_180, %add3A_181 : i32
      %dma_wait3A_183 = arith.constant 0 : i32
      %dma_wait3A_184 = arith.constant 0 : i32
      %dma_wait3A_185 = tpu.memref_slice %arg7[%dma_wait3A_183, %dma_wait3A_184] : memref<1x125xi32, #tpu.memory_space<vmem>> -> memref<1x125xi32, #tpu.memory_space<vmem>>
      %dma_wait3A_186 = tpu.memref_squeeze %dma_wait3A_185 : memref<1x125xi32, #tpu.memory_space<vmem>> -> memref<125xi32, #tpu.memory_space<vmem>>
      %dma_wait3A_187 = arith.constant 0 : i32
      %dma_wait3A_188 = arith.constant 0 : i32
      %dma_wait3A_189 = tpu.memref_slice %arg2[%dma_wait3A_187, %dma_wait3A_188] : memref<10000x128xf32, #tpu.memory_space<hbm>> -> memref<10000x128xf32, #tpu.memory_space<hbm>>
      tpu.wait_indirect_dma semaphore(%arg16 : memref<!tpu.dma_semaphore, #tpu.memory_space<semaphore_mem>>) src(%dma_wait3A_189 : memref<10000x128xf32, #tpu.memory_space<hbm>>) dst(%arg11 : memref<125x128xf32, #tpu.memory_space<vmem>>)
      %dma_wait3A_190 = arith.constant 0 : i32
      %dma_wait3A_191 = arith.constant 0 : i32
      %dma_wait3A_192 = arith.constant 0 : i32
      %dma_wait3A_193 = arith.constant 0 : i32
      %dma_wait3A_194 = arith.constant 0 : i32
      %dma_wait3A_195 = tpu.memref_slice %arg3[%dma_wait3A_190, %dma_wait3A_191, %dma_wait3A_192, %dma_wait3A_193, %dma_wait3A_194] : memref<2x16x80x1x125xi32, #tpu.memory_space<hbm>> -> memref<1x1x1x1x125xi32, #tpu.memory_space<hbm>>
      %dma_wait3A_196 = tpu.memref_squeeze %dma_wait3A_195 : memref<1x1x1x1x125xi32, #tpu.memory_space<hbm>> -> memref<1x125xi32, #tpu.memory_space<hbm>>
      %dma_wait3A_197 = arith.constant 0 : i32
      %dma_wait3A_198 = arith.constant 0 : i32
      %dma_wait3A_199 = tpu.memref_slice %arg3[%dma_wait3A_190, %dma_wait3A_191, %dma_wait3A_192, %dma_wait3A_197, %dma_wait3A_198] : memref<2x16x80x1x125xi32, #tpu.memory_space<hbm>> -> memref<1x1x1x1x125xi32, #tpu.memory_space<hbm>>
      %dma_wait3A_200 = tpu.memref_squeeze %dma_wait3A_199 : memref<1x1x1x1x125xi32, #tpu.memory_space<hbm>> -> memref<1x125xi32, #tpu.memory_space<hbm>>
      tpu.wait_dma2 semaphore(%arg17 : memref<!tpu.dma_semaphore, #tpu.memory_space<semaphore_mem>>) src(%dma_wait3A_200 : memref<1x125xi32, #tpu.memory_space<hbm>>) dst(%arg6 : memref<1x125xi32, #tpu.memory_space<vmem>>)
      %dma_start3A_201 = arith.constant 0 : i32
      %dma_start3A_202 = arith.constant 0 : i32
      %dma_start3A_203 = tpu.memref_slice %arg6[%dma_start3A_201, %dma_start3A_202] : memref<1x125xi32, #tpu.memory_space<vmem>> -> memref<1x125xi32, #tpu.memory_space<vmem>>
      %dma_start3A_204 = tpu.memref_squeeze %dma_start3A_203 : memref<1x125xi32, #tpu.memory_space<vmem>> -> memref<125xi32, #tpu.memory_space<vmem>>
      %dma_start3A_205 = arith.constant 0 : i32
      %dma_start3A_206 = arith.constant 0 : i32
      %dma_start3A_207 = tpu.memref_slice %arg2[%dma_start3A_205, %dma_start3A_206] : memref<10000x128xf32, #tpu.memory_space<hbm>> -> memref<10000x128xf32, #tpu.memory_space<hbm>>
      tpu.enqueue_indirect_dma source(%dma_start3A_207 : memref<10000x128xf32, #tpu.memory_space<hbm>>) target(%arg10 : memref<125x128xf32, #tpu.memory_space<vmem>>) offsets(%dma_start3A_204 : memref<125xi32, #tpu.memory_space<vmem>>) semaphore(%arg15 : memref<!tpu.dma_semaphore, #tpu.memory_space<semaphore_mem>>)
      %add3A_208 = arith.constant 2 : i32
      %add3A_209 = arith.addi %add3A_182, %add3A_208 : i32
      %dma_start3A_210 = arith.constant 0 : i32
      %dma_start3A_211 = arith.constant 0 : i32
      %dma_start3A_212 = tpu.memref_slice %arg3[%arg0, %arg1, %add3A_209, %dma_start3A_210, %dma_start3A_211] : memref<2x16x80x1x125xi32, #tpu.memory_space<hbm>> -> memref<1x1x1x1x125xi32, #tpu.memory_space<hbm>>
      %dma_start3A_213 = tpu.memref_squeeze %dma_start3A_212 : memref<1x1x1x1x125xi32, #tpu.memory_space<hbm>> -> memref<1x125xi32, #tpu.memory_space<hbm>>
      %dma_start3A_214 = arith.constant 0 : i32
      %dma_start3A_215 = arith.constant 0 : i32
      %dma_start3A_216 = tpu.memref_slice %arg3[%arg0, %arg1, %add3A_209, %dma_start3A_214, %dma_start3A_215] : memref<2x16x80x1x125xi32, #tpu.memory_space<hbm>> -> memref<1x1x1x1x125xi32, #tpu.memory_space<hbm>>
      %dma_start3A_217 = tpu.memref_squeeze %dma_start3A_216 : memref<1x1x1x1x125xi32, #tpu.memory_space<hbm>> -> memref<1x125xi32, #tpu.memory_space<hbm>>
      tpu.enqueue_dma source(%dma_start3A_217 : memref<1x125xi32, #tpu.memory_space<hbm>>) target(%arg7 : memref<1x125xi32, #tpu.memory_space<vmem>>) target_semaphore(%arg18 : memref<!tpu.dma_semaphore, #tpu.memory_space<semaphore_mem>>)
      %dma_wait3A_218 = arith.constant 0 : i32
      %dma_wait3A_219 = arith.constant 0 : i32
      %dma_wait3A_220 = arith.constant 0 : i32
      %dma_wait3A_221 = arith.constant 0 : i32
      %dma_wait3A_222 = arith.constant 0 : i32
      %dma_wait3A_223 = tpu.memref_slice %arg4[%dma_wait3A_218, %dma_wait3A_219, %dma_wait3A_220, %dma_wait3A_221, %dma_wait3A_222] : memref<2x16x80x1x125xi32, #tpu.memory_space<hbm>> -> memref<1x1x1x1x125xi32, #tpu.memory_space<hbm>>
      %dma_wait3A_224 = tpu.memref_squeeze %dma_wait3A_223 : memref<1x1x1x1x125xi32, #tpu.memory_space<hbm>> -> memref<1x125xi32, #tpu.memory_space<hbm>>
      %dma_wait3A_225 = arith.constant 0 : i32
      %dma_wait3A_226 = arith.constant 0 : i32
      %dma_wait3A_227 = tpu.memref_slice %arg4[%dma_wait3A_218, %dma_wait3A_219, %dma_wait3A_220, %dma_wait3A_225, %dma_wait3A_226] : memref<2x16x80x1x125xi32, #tpu.memory_space<hbm>> -> memref<1x1x1x1x125xi32, #tpu.memory_space<hbm>>
      %dma_wait3A_228 = tpu.memref_squeeze %dma_wait3A_227 : memref<1x1x1x1x125xi32, #tpu.memory_space<hbm>> -> memref<1x125xi32, #tpu.memory_space<hbm>>
      tpu.wait_dma2 semaphore(%arg20 : memref<!tpu.dma_semaphore, #tpu.memory_space<semaphore_mem>>) src(%dma_wait3A_228 : memref<1x125xi32, #tpu.memory_space<hbm>>) dst(%arg9 : memref<1x125xi32, #tpu.memory_space<vmem>>)
      %run_scoped3A_229 = arith.constant 0 : i32
      "tpu.region"() ({
        %run_scoped3A_240 = tpu.sem_alloc : memref<!tpu.dma_semaphore, #tpu.memory_space<semaphore_mem>>
        %dma_start3A_241 = arith.constant 0 : i32
        %dma_start3A_242 = tpu.memref_slice %arg9[%run_scoped3A_229, %dma_start3A_241] : memref<1x125xi32, #tpu.memory_space<vmem>> -> memref<1x125xi32, #tpu.memory_space<vmem>>
        %dma_start3A_243 = tpu.memref_squeeze %dma_start3A_242 : memref<1x125xi32, #tpu.memory_space<vmem>> -> memref<125xi32, #tpu.memory_space<vmem>>
        %dma_start3A_244 = arith.constant 0 : i32
        %dma_start3A_245 = arith.constant 0 : i32
        %dma_start3A_246 = tpu.memref_slice %arg14[%dma_start3A_244, %dma_start3A_245] : memref<10000x128xf32, #tpu.memory_space<vmem_shared>> -> memref<10000x128xf32, #tpu.memory_space<vmem_shared>>
        tpu.enqueue_indirect_dma source(%arg11 : memref<125x128xf32, #tpu.memory_space<vmem>>) target(%dma_start3A_246 : memref<10000x128xf32, #tpu.memory_space<vmem_shared>>) offsets(%dma_start3A_243 : memref<125xi32, #tpu.memory_space<vmem>>) semaphore(%run_scoped3A_240 : memref<!tpu.dma_semaphore, #tpu.memory_space<semaphore_mem>>) {add = true}
        %dma_wait3A_247 = arith.constant 0 : i32
        %dma_wait3A_248 = tpu.memref_slice %arg9[%run_scoped3A_229, %dma_wait3A_247] : memref<1x125xi32, #tpu.memory_space<vmem>> -> memref<1x125xi32, #tpu.memory_space<vmem>>
        %dma_wait3A_249 = tpu.memref_squeeze %dma_wait3A_248 : memref<1x125xi32, #tpu.memory_space<vmem>> -> memref<125xi32, #tpu.memory_space<vmem>>
        %dma_wait3A_250 = arith.constant 0 : i32
        %dma_wait3A_251 = arith.constant 0 : i32
        %dma_wait3A_252 = tpu.memref_slice %arg14[%dma_wait3A_250, %dma_wait3A_251] : memref<10000x128xf32, #tpu.memory_space<vmem_shared>> -> memref<10000x128xf32, #tpu.memory_space<vmem_shared>>
        tpu.wait_indirect_dma semaphore(%run_scoped3A_240 : memref<!tpu.dma_semaphore, #tpu.memory_space<semaphore_mem>>) src(%arg11 : memref<125x128xf32, #tpu.memory_space<vmem>>) dst(%dma_wait3A_252 : memref<10000x128xf32, #tpu.memory_space<vmem_shared>>)
        tpu.yield
      }) : () -> ()
      %add3A_230 = arith.constant 2 : i32
      %add3A_231 = arith.addi %add3A_182, %add3A_230 : i32
      %dma_start3A_232 = arith.constant 0 : i32
      %dma_start3A_233 = arith.constant 0 : i32
      %dma_start3A_234 = tpu.memref_slice %arg4[%arg0, %arg1, %add3A_231, %dma_start3A_232, %dma_start3A_233] : memref<2x16x80x1x125xi32, #tpu.memory_space<hbm>> -> memref<1x1x1x1x125xi32, #tpu.memory_space<hbm>>
      %dma_start3A_235 = tpu.memref_squeeze %dma_start3A_234 : memref<1x1x1x1x125xi32, #tpu.memory_space<hbm>> -> memref<1x125xi32, #tpu.memory_space<hbm>>
      %dma_start3A_236 = arith.constant 0 : i32
      %dma_start3A_237 = arith.constant 0 : i32
      %dma_start3A_238 = tpu.memref_slice %arg4[%arg0, %arg1, %add3A_231, %dma_start3A_236, %dma_start3A_237] : memref<2x16x80x1x125xi32, #tpu.memory_space<hbm>> -> memref<1x1x1x1x125xi32, #tpu.memory_space<hbm>>
      %dma_start3A_239 = tpu.memref_squeeze %dma_start3A_238 : memref<1x1x1x1x125xi32, #tpu.memory_space<hbm>> -> memref<1x125xi32, #tpu.memory_space<hbm>>
      tpu.enqueue_dma source(%dma_start3A_239 : memref<1x125xi32, #tpu.memory_space<hbm>>) target(%arg9 : memref<1x125xi32, #tpu.memory_space<vmem>>) target_semaphore(%arg20 : memref<!tpu.dma_semaphore, #tpu.memory_space<semaphore_mem>>)
    }
    %scan3A_51 = arith.constant 39 : i32
    %dma_wait3A = arith.constant 0 : i32
    %dma_wait3A_52 = arith.constant 0 : i32
    %dma_wait3A_53 = tpu.memref_slice %arg6[%dma_wait3A, %dma_wait3A_52] : memref<1x125xi32, #tpu.memory_space<vmem>> -> memref<1x125xi32, #tpu.memory_space<vmem>>
    %dma_wait3A_54 = tpu.memref_squeeze %dma_wait3A_53 : memref<1x125xi32, #tpu.memory_space<vmem>> -> memref<125xi32, #tpu.memory_space<vmem>>
    %dma_wait3A_55 = arith.constant 0 : i32
    %dma_wait3A_56 = arith.constant 0 : i32
    %dma_wait3A_57 = tpu.memref_slice %arg2[%dma_wait3A_55, %dma_wait3A_56] : memref<10000x128xf32, #tpu.memory_space<hbm>> -> memref<10000x128xf32, #tpu.memory_space<hbm>>
    tpu.wait_indirect_dma semaphore(%arg15 : memref<!tpu.dma_semaphore, #tpu.memory_space<semaphore_mem>>) src(%dma_wait3A_57 : memref<10000x128xf32, #tpu.memory_space<hbm>>) dst(%arg10 : memref<125x128xf32, #tpu.memory_space<vmem>>)
    %dma_wait3A_58 = arith.constant 0 : i32
    %dma_wait3A_59 = arith.constant 0 : i32
    %dma_wait3A_60 = arith.constant 0 : i32
    %dma_wait3A_61 = arith.constant 0 : i32
    %dma_wait3A_62 = arith.constant 0 : i32
    %dma_wait3A_63 = tpu.memref_slice %arg3[%dma_wait3A_58, %dma_wait3A_59, %dma_wait3A_60, %dma_wait3A_61, %dma_wait3A_62] : memref<2x16x80x1x125xi32, #tpu.memory_space<hbm>> -> memref<1x1x1x1x125xi32, #tpu.memory_space<hbm>>
    %dma_wait3A_64 = tpu.memref_squeeze %dma_wait3A_63 : memref<1x1x1x1x125xi32, #tpu.memory_space<hbm>> -> memref<1x125xi32, #tpu.memory_space<hbm>>
    %dma_wait3A_65 = arith.constant 0 : i32
    %dma_wait3A_66 = arith.constant 0 : i32
    %dma_wait3A_67 = tpu.memref_slice %arg3[%dma_wait3A_58, %dma_wait3A_59, %dma_wait3A_60, %dma_wait3A_65, %dma_wait3A_66] : memref<2x16x80x1x125xi32, #tpu.memory_space<hbm>> -> memref<1x1x1x1x125xi32, #tpu.memory_space<hbm>>
    %dma_wait3A_68 = tpu.memref_squeeze %dma_wait3A_67 : memref<1x1x1x1x125xi32, #tpu.memory_space<hbm>> -> memref<1x125xi32, #tpu.memory_space<hbm>>
    tpu.wait_dma2 semaphore(%arg18 : memref<!tpu.dma_semaphore, #tpu.memory_space<semaphore_mem>>) src(%dma_wait3A_68 : memref<1x125xi32, #tpu.memory_space<hbm>>) dst(%arg7 : memref<1x125xi32, #tpu.memory_space<vmem>>)
    %dma_start3A_69 = arith.constant 0 : i32
    %dma_start3A_70 = arith.constant 0 : i32
    %dma_start3A_71 = tpu.memref_slice %arg7[%dma_start3A_69, %dma_start3A_70] : memref<1x125xi32, #tpu.memory_space<vmem>> -> memref<1x125xi32, #tpu.memory_space<vmem>>
    %dma_start3A_72 = tpu.memref_squeeze %dma_start3A_71 : memref<1x125xi32, #tpu.memory_space<vmem>> -> memref<125xi32, #tpu.memory_space<vmem>>
    %dma_start3A_73 = arith.constant 0 : i32
    %dma_start3A_74 = arith.constant 0 : i32
    %dma_start3A_75 = tpu.memref_slice %arg2[%dma_start3A_73, %dma_start3A_74] : memref<10000x128xf32, #tpu.memory_space<hbm>> -> memref<10000x128xf32, #tpu.memory_space<hbm>>
    tpu.enqueue_indirect_dma source(%dma_start3A_75 : memref<10000x128xf32, #tpu.memory_space<hbm>>) target(%arg11 : memref<125x128xf32, #tpu.memory_space<vmem>>) offsets(%dma_start3A_72 : memref<125xi32, #tpu.memory_space<vmem>>) semaphore(%arg16 : memref<!tpu.dma_semaphore, #tpu.memory_space<semaphore_mem>>)
    %dma_wait3A_76 = arith.constant 0 : i32
    %dma_wait3A_77 = arith.constant 0 : i32
    %dma_wait3A_78 = arith.constant 0 : i32
    %dma_wait3A_79 = arith.constant 0 : i32
    %dma_wait3A_80 = arith.constant 0 : i32
    %dma_wait3A_81 = tpu.memref_slice %arg4[%dma_wait3A_76, %dma_wait3A_77, %dma_wait3A_78, %dma_wait3A_79, %dma_wait3A_80] : memref<2x16x80x1x125xi32, #tpu.memory_space<hbm>> -> memref<1x1x1x1x125xi32, #tpu.memory_space<hbm>>
    %dma_wait3A_82 = tpu.memref_squeeze %dma_wait3A_81 : memref<1x1x1x1x125xi32, #tpu.memory_space<hbm>> -> memref<1x125xi32, #tpu.memory_space<hbm>>
    %dma_wait3A_83 = arith.constant 0 : i32
    %dma_wait3A_84 = arith.constant 0 : i32
    %dma_wait3A_85 = tpu.memref_slice %arg4[%dma_wait3A_76, %dma_wait3A_77, %dma_wait3A_78, %dma_wait3A_83, %dma_wait3A_84] : memref<2x16x80x1x125xi32, #tpu.memory_space<hbm>> -> memref<1x1x1x1x125xi32, #tpu.memory_space<hbm>>
    %dma_wait3A_86 = tpu.memref_squeeze %dma_wait3A_85 : memref<1x1x1x1x125xi32, #tpu.memory_space<hbm>> -> memref<1x125xi32, #tpu.memory_space<hbm>>
    tpu.wait_dma2 semaphore(%arg19 : memref<!tpu.dma_semaphore, #tpu.memory_space<semaphore_mem>>) src(%dma_wait3A_86 : memref<1x125xi32, #tpu.memory_space<hbm>>) dst(%arg8 : memref<1x125xi32, #tpu.memory_space<vmem>>)
    %run_scoped3A_87 = arith.constant 0 : i32
    "tpu.region"() ({
      %run_scoped3A_119 = tpu.sem_alloc : memref<!tpu.dma_semaphore, #tpu.memory_space<semaphore_mem>>
      %dma_start3A_120 = arith.constant 0 : i32
      %dma_start3A_121 = tpu.memref_slice %arg8[%run_scoped3A_87, %dma_start3A_120] : memref<1x125xi32, #tpu.memory_space<vmem>> -> memref<1x125xi32, #tpu.memory_space<vmem>>
      %dma_start3A_122 = tpu.memref_squeeze %dma_start3A_121 : memref<1x125xi32, #tpu.memory_space<vmem>> -> memref<125xi32, #tpu.memory_space<vmem>>
      %dma_start3A_123 = arith.constant 0 : i32
      %dma_start3A_124 = arith.constant 0 : i32
      %dma_start3A_125 = tpu.memref_slice %arg14[%dma_start3A_123, %dma_start3A_124] : memref<10000x128xf32, #tpu.memory_space<vmem_shared>> -> memref<10000x128xf32, #tpu.memory_space<vmem_shared>>
      tpu.enqueue_indirect_dma source(%arg10 : memref<125x128xf32, #tpu.memory_space<vmem>>) target(%dma_start3A_125 : memref<10000x128xf32, #tpu.memory_space<vmem_shared>>) offsets(%dma_start3A_122 : memref<125xi32, #tpu.memory_space<vmem>>) semaphore(%run_scoped3A_119 : memref<!tpu.dma_semaphore, #tpu.memory_space<semaphore_mem>>) {add = true}
      %dma_wait3A_126 = arith.constant 0 : i32
      %dma_wait3A_127 = tpu.memref_slice %arg8[%run_scoped3A_87, %dma_wait3A_126] : memref<1x125xi32, #tpu.memory_space<vmem>> -> memref<1x125xi32, #tpu.memory_space<vmem>>
      %dma_wait3A_128 = tpu.memref_squeeze %dma_wait3A_127 : memref<1x125xi32, #tpu.memory_space<vmem>> -> memref<125xi32, #tpu.memory_space<vmem>>
      %dma_wait3A_129 = arith.constant 0 : i32
      %dma_wait3A_130 = arith.constant 0 : i32
      %dma_wait3A_131 = tpu.memref_slice %arg14[%dma_wait3A_129, %dma_wait3A_130] : memref<10000x128xf32, #tpu.memory_space<vmem_shared>> -> memref<10000x128xf32, #tpu.memory_space<vmem_shared>>
      tpu.wait_indirect_dma semaphore(%run_scoped3A_119 : memref<!tpu.dma_semaphore, #tpu.memory_space<semaphore_mem>>) src(%arg10 : memref<125x128xf32, #tpu.memory_space<vmem>>) dst(%dma_wait3A_131 : memref<10000x128xf32, #tpu.memory_space<vmem_shared>>)
      tpu.yield
    }) : () -> ()
    %dma_wait3A_88 = arith.constant 0 : i32
    %dma_wait3A_89 = arith.constant 0 : i32
    %dma_wait3A_90 = tpu.memref_slice %arg7[%dma_wait3A_88, %dma_wait3A_89] : memref<1x125xi32, #tpu.memory_space<vmem>> -> memref<1x125xi32, #tpu.memory_space<vmem>>
    %dma_wait3A_91 = tpu.memref_squeeze %dma_wait3A_90 : memref<1x125xi32, #tpu.memory_space<vmem>> -> memref<125xi32, #tpu.memory_space<vmem>>
    %dma_wait3A_92 = arith.constant 0 : i32
    %dma_wait3A_93 = arith.constant 0 : i32
    %dma_wait3A_94 = tpu.memref_slice %arg2[%dma_wait3A_92, %dma_wait3A_93] : memref<10000x128xf32, #tpu.memory_space<hbm>> -> memref<10000x128xf32, #tpu.memory_space<hbm>>
    tpu.wait_indirect_dma semaphore(%arg16 : memref<!tpu.dma_semaphore, #tpu.memory_space<semaphore_mem>>) src(%dma_wait3A_94 : memref<10000x128xf32, #tpu.memory_space<hbm>>) dst(%arg11 : memref<125x128xf32, #tpu.memory_space<vmem>>)
    %dma_wait3A_95 = arith.constant 0 : i32
    %dma_wait3A_96 = arith.constant 0 : i32
    %dma_wait3A_97 = arith.constant 0 : i32
    %dma_wait3A_98 = arith.constant 0 : i32
    %dma_wait3A_99 = arith.constant 0 : i32
    %dma_wait3A_100 = tpu.memref_slice %arg4[%dma_wait3A_95, %dma_wait3A_96, %dma_wait3A_97, %dma_wait3A_98, %dma_wait3A_99] : memref<2x16x80x1x125xi32, #tpu.memory_space<hbm>> -> memref<1x1x1x1x125xi32, #tpu.memory_space<hbm>>
    %dma_wait3A_101 = tpu.memref_squeeze %dma_wait3A_100 : memref<1x1x1x1x125xi32, #tpu.memory_space<hbm>> -> memref<1x125xi32, #tpu.memory_space<hbm>>
    %dma_wait3A_102 = arith.constant 0 : i32
    %dma_wait3A_103 = arith.constant 0 : i32
    %dma_wait3A_104 = tpu.memref_slice %arg4[%dma_wait3A_95, %dma_wait3A_96, %dma_wait3A_97, %dma_wait3A_102, %dma_wait3A_103] : memref<2x16x80x1x125xi32, #tpu.memory_space<hbm>> -> memref<1x1x1x1x125xi32, #tpu.memory_space<hbm>>
    %dma_wait3A_105 = tpu.memref_squeeze %dma_wait3A_104 : memref<1x1x1x1x125xi32, #tpu.memory_space<hbm>> -> memref<1x125xi32, #tpu.memory_space<hbm>>
    tpu.wait_dma2 semaphore(%arg20 : memref<!tpu.dma_semaphore, #tpu.memory_space<semaphore_mem>>) src(%dma_wait3A_105 : memref<1x125xi32, #tpu.memory_space<hbm>>) dst(%arg9 : memref<1x125xi32, #tpu.memory_space<vmem>>)
    %run_scoped3A_106 = arith.constant 0 : i32
    "tpu.region"() ({
      %run_scoped3A_119 = tpu.sem_alloc : memref<!tpu.dma_semaphore, #tpu.memory_space<semaphore_mem>>
      %dma_start3A_120 = arith.constant 0 : i32
      %dma_start3A_121 = tpu.memref_slice %arg9[%run_scoped3A_106, %dma_start3A_120] : memref<1x125xi32, #tpu.memory_space<vmem>> -> memref<1x125xi32, #tpu.memory_space<vmem>>
      %dma_start3A_122 = tpu.memref_squeeze %dma_start3A_121 : memref<1x125xi32, #tpu.memory_space<vmem>> -> memref<125xi32, #tpu.memory_space<vmem>>
      %dma_start3A_123 = arith.constant 0 : i32
      %dma_start3A_124 = arith.constant 0 : i32
      %dma_start3A_125 = tpu.memref_slice %arg14[%dma_start3A_123, %dma_start3A_124] : memref<10000x128xf32, #tpu.memory_space<vmem_shared>> -> memref<10000x128xf32, #tpu.memory_space<vmem_shared>>
      tpu.enqueue_indirect_dma source(%arg11 : memref<125x128xf32, #tpu.memory_space<vmem>>) target(%dma_start3A_125 : memref<10000x128xf32, #tpu.memory_space<vmem_shared>>) offsets(%dma_start3A_122 : memref<125xi32, #tpu.memory_space<vmem>>) semaphore(%run_scoped3A_119 : memref<!tpu.dma_semaphore, #tpu.memory_space<semaphore_mem>>) {add = true}
      %dma_wait3A_126 = arith.constant 0 : i32
      %dma_wait3A_127 = tpu.memref_slice %arg9[%run_scoped3A_106, %dma_wait3A_126] : memref<1x125xi32, #tpu.memory_space<vmem>> -> memref<1x125xi32, #tpu.memory_space<vmem>>
      %dma_wait3A_128 = tpu.memref_squeeze %dma_wait3A_127 : memref<1x125xi32, #tpu.memory_space<vmem>> -> memref<125xi32, #tpu.memory_space<vmem>>
      %dma_wait3A_129 = arith.constant 0 : i32
      %dma_wait3A_130 = arith.constant 0 : i32
      %dma_wait3A_131 = tpu.memref_slice %arg14[%dma_wait3A_129, %dma_wait3A_130] : memref<10000x128xf32, #tpu.memory_space<vmem_shared>> -> memref<10000x128xf32, #tpu.memory_space<vmem_shared>>
      tpu.wait_indirect_dma semaphore(%run_scoped3A_119 : memref<!tpu.dma_semaphore, #tpu.memory_space<semaphore_mem>>) src(%arg11 : memref<125x128xf32, #tpu.memory_space<vmem>>) dst(%dma_wait3A_131 : memref<10000x128xf32, #tpu.memory_space<vmem_shared>>)
      tpu.yield
    }) : () -> ()
    %barrier3A_107 = arith.constant 0 : index
    tpu.barrier barrier_id(%barrier3A_107)
    %scan3A_108 = arith.constant 0 : i32
    %scan3A_109 = arith.constant 0 : i32
    %scan3A_110 = arith.constant 39 : i32
    %scan3A_111 = arith.addi %scan3A_109, %scan3A_110 : i32
    %scan3A_112 = arith.constant 1 : i32
    scf.for %scan3A_119 = %scan3A_109 to %scan3A_111 step %scan3A_112  : i32 {
      %mul3A = arith.constant 624 : i32
      %mul3A_120 = arith.muli %arg1, %mul3A : i32
      %mul3A_121 = arith.constant 16 : i32
      %mul3A_122 = arith.muli %scan3A_119, %mul3A_121 : i32
      %add3A = arith.addi %mul3A_120, %mul3A_122 : i32
      "tpu.region"() ({
        %run_scoped3A_128 = tpu.sem_alloc : memref<!tpu.dma_semaphore, #tpu.memory_space<semaphore_mem>>
        %dma_start3A_129 = arith.constant 0 : i32
        %dma_start3A_130 = tpu.memref_slice %arg14[%add3A, %dma_start3A_129] : memref<10000x128xf32, #tpu.memory_space<vmem_shared>> -> memref<16x128xf32, #tpu.memory_space<vmem_shared>>
        %dma_start3A_131 = arith.constant 0 : i32
        %dma_start3A_132 = tpu.memref_slice %arg14[%add3A, %dma_start3A_131] : memref<10000x128xf32, #tpu.memory_space<vmem_shared>> -> memref<16x128xf32, #tpu.memory_space<vmem_shared>>
        tpu.enqueue_dma source(%dma_start3A_132 : memref<16x128xf32, #tpu.memory_space<vmem_shared>>) target(%arg12 : memref<16x128xf32, #tpu.memory_space<vmem>>) target_semaphore(%run_scoped3A_128 : memref<!tpu.dma_semaphore, #tpu.memory_space<semaphore_mem>>)
        %dma_wait3A_133 = arith.constant 0 : i32
        %dma_wait3A_134 = tpu.memref_slice %arg14[%add3A, %dma_wait3A_133] : memref<10000x128xf32, #tpu.memory_space<vmem_shared>> -> memref<16x128xf32, #tpu.memory_space<vmem_shared>>
        %dma_wait3A_135 = arith.constant 0 : i32
        %dma_wait3A_136 = tpu.memref_slice %arg14[%add3A, %dma_wait3A_135] : memref<10000x128xf32, #tpu.memory_space<vmem_shared>> -> memref<16x128xf32, #tpu.memory_space<vmem_shared>>
        tpu.wait_dma2 semaphore(%run_scoped3A_128 : memref<!tpu.dma_semaphore, #tpu.memory_space<semaphore_mem>>) src(%dma_wait3A_136 : memref<16x128xf32, #tpu.memory_space<vmem_shared>>) dst(%arg12 : memref<16x128xf32, #tpu.memory_space<vmem>>)
        tpu.yield
      }) : () -> ()
      %mul3A_123 = arith.constant 624 : i32
      %mul3A_124 = arith.muli %arg1, %mul3A_123 : i32
      %mul3A_125 = arith.constant 16 : i32
      %mul3A_126 = arith.muli %scan3A_119, %mul3A_125 : i32
      %add3A_127 = arith.addi %mul3A_124, %mul3A_126 : i32
      "tpu.region"() ({
        %run_scoped3A_128 = tpu.sem_alloc : memref<!tpu.dma_semaphore, #tpu.memory_space<semaphore_mem>>
        %dma_start3A_129 = arith.constant 0 : i32
        %dma_start3A_130 = tpu.memref_slice %arg5[%arg0, %add3A_127, %dma_start3A_129] : memref<2x10000x128xf32, #tpu.memory_space<hbm>> -> memref<1x16x128xf32, #tpu.memory_space<hbm>>
        %dma_start3A_131 = tpu.memref_squeeze %dma_start3A_130 : memref<1x16x128xf32, #tpu.memory_space<hbm>> -> memref<16x128xf32, #tpu.memory_space<hbm>>
        %dma_start3A_132 = arith.constant 0 : i32
        %dma_start3A_133 = tpu.memref_slice %arg5[%arg0, %add3A_127, %dma_start3A_132] : memref<2x10000x128xf32, #tpu.memory_space<hbm>> -> memref<1x16x128xf32, #tpu.memory_space<hbm>>
        %dma_start3A_134 = tpu.memref_squeeze %dma_start3A_133 : memref<1x16x128xf32, #tpu.memory_space<hbm>> -> memref<16x128xf32, #tpu.memory_space<hbm>>
        tpu.enqueue_dma source(%arg12 : memref<16x128xf32, #tpu.memory_space<vmem>>) target(%dma_start3A_134 : memref<16x128xf32, #tpu.memory_space<hbm>>) target_semaphore(%run_scoped3A_128 : memref<!tpu.dma_semaphore, #tpu.memory_space<semaphore_mem>>)
        %dma_wait3A_135 = arith.constant 0 : i32
        %dma_wait3A_136 = tpu.memref_slice %arg5[%arg0, %add3A_127, %dma_wait3A_135] : memref<2x10000x128xf32, #tpu.memory_space<hbm>> -> memref<1x16x128xf32, #tpu.memory_space<hbm>>
        %dma_wait3A_137 = tpu.memref_squeeze %dma_wait3A_136 : memref<1x16x128xf32, #tpu.memory_space<hbm>> -> memref<16x128xf32, #tpu.memory_space<hbm>>
        %dma_wait3A_138 = arith.constant 0 : i32
        %dma_wait3A_139 = tpu.memref_slice %arg5[%arg0, %add3A_127, %dma_wait3A_138] : memref<2x10000x128xf32, #tpu.memory_space<hbm>> -> memref<1x16x128xf32, #tpu.memory_space<hbm>>
        %dma_wait3A_140 = tpu.memref_squeeze %dma_wait3A_139 : memref<1x16x128xf32, #tpu.memory_space<hbm>> -> memref<16x128xf32, #tpu.memory_space<hbm>>
        tpu.wait_dma2 semaphore(%run_scoped3A_128 : memref<!tpu.dma_semaphore, #tpu.memory_space<semaphore_mem>>) src(%arg12 : memref<16x128xf32, #tpu.memory_space<vmem>>) dst(%dma_wait3A_140 : memref<16x128xf32, #tpu.memory_space<hbm>>)
        tpu.yield
      }) : () -> ()
    }
    %scan3A_113 = arith.constant 39 : i32
    %eq3A_114 = arith.constant 15 : i32
    %eq3A_115 = arith.cmpi eq, %arg1, %eq3A_114 : i32
    %convert_element_type3A_116 = arith.extui %eq3A_115 : i1 to i32
    %cond3A_117 = arith.constant 0 : i32
    %cond3A_118 = arith.cmpi ne, %convert_element_type3A_116, %cond3A_117 : i32
    scf.if %cond3A_118 {
      "tpu.region"() ({
        %run_scoped3A_119 = tpu.sem_alloc : memref<!tpu.dma_semaphore, #tpu.memory_space<semaphore_mem>>
        %dma_start3A_120 = arith.constant 9984 : i32
        %dma_start3A_121 = arith.constant 0 : i32
        %dma_start3A_122 = tpu.memref_slice %arg14[%dma_start3A_120, %dma_start3A_121] : memref<10000x128xf32, #tpu.memory_space<vmem_shared>> -> memref<16x128xf32, #tpu.memory_space<vmem_shared>>
        %dma_start3A_123 = arith.constant 9984 : i32
        %dma_start3A_124 = arith.constant 0 : i32
        %dma_start3A_125 = tpu.memref_slice %arg14[%dma_start3A_123, %dma_start3A_124] : memref<10000x128xf32, #tpu.memory_space<vmem_shared>> -> memref<16x128xf32, #tpu.memory_space<vmem_shared>>
        tpu.enqueue_dma source(%dma_start3A_125 : memref<16x128xf32, #tpu.memory_space<vmem_shared>>) target(%arg12 : memref<16x128xf32, #tpu.memory_space<vmem>>) target_semaphore(%run_scoped3A_119 : memref<!tpu.dma_semaphore, #tpu.memory_space<semaphore_mem>>)
        %dma_wait3A_126 = arith.constant 9984 : i32
        %dma_wait3A_127 = arith.constant 0 : i32
        %dma_wait3A_128 = tpu.memref_slice %arg14[%dma_wait3A_126, %dma_wait3A_127] : memref<10000x128xf32, #tpu.memory_space<vmem_shared>> -> memref<16x128xf32, #tpu.memory_space<vmem_shared>>
        %dma_wait3A_129 = arith.constant 9984 : i32
        %dma_wait3A_130 = arith.constant 0 : i32
        %dma_wait3A_131 = tpu.memref_slice %arg14[%dma_wait3A_129, %dma_wait3A_130] : memref<10000x128xf32, #tpu.memory_space<vmem_shared>> -> memref<16x128xf32, #tpu.memory_space<vmem_shared>>
        tpu.wait_dma2 semaphore(%run_scoped3A_119 : memref<!tpu.dma_semaphore, #tpu.memory_space<semaphore_mem>>) src(%dma_wait3A_131 : memref<16x128xf32, #tpu.memory_space<vmem_shared>>) dst(%arg12 : memref<16x128xf32, #tpu.memory_space<vmem>>)
        tpu.yield
      }) : () -> ()
      "tpu.region"() ({
        %run_scoped3A_119 = tpu.sem_alloc : memref<!tpu.dma_semaphore, #tpu.memory_space<semaphore_mem>>
        %dma_start3A_120 = arith.constant 9984 : i32
        %dma_start3A_121 = arith.constant 0 : i32
        %dma_start3A_122 = tpu.memref_slice %arg5[%arg0, %dma_start3A_120, %dma_start3A_121] : memref<2x10000x128xf32, #tpu.memory_space<hbm>> -> memref<1x16x128xf32, #tpu.memory_space<hbm>>
        %dma_start3A_123 = tpu.memref_squeeze %dma_start3A_122 : memref<1x16x128xf32, #tpu.memory_space<hbm>> -> memref<16x128xf32, #tpu.memory_space<hbm>>
        %dma_start3A_124 = arith.constant 9984 : i32
        %dma_start3A_125 = arith.constant 0 : i32
        %dma_start3A_126 = tpu.memref_slice %arg5[%arg0, %dma_start3A_124, %dma_start3A_125] : memref<2x10000x128xf32, #tpu.memory_space<hbm>> -> memref<1x16x128xf32, #tpu.memory_space<hbm>>
        %dma_start3A_127 = tpu.memref_squeeze %dma_start3A_126 : memref<1x16x128xf32, #tpu.memory_space<hbm>> -> memref<16x128xf32, #tpu.memory_space<hbm>>
        tpu.enqueue_dma source(%arg12 : memref<16x128xf32, #tpu.memory_space<vmem>>) target(%dma_start3A_127 : memref<16x128xf32, #tpu.memory_space<hbm>>) target_semaphore(%run_scoped3A_119 : memref<!tpu.dma_semaphore, #tpu.memory_space<semaphore_mem>>)
        %dma_wait3A_128 = arith.constant 9984 : i32
        %dma_wait3A_129 = arith.constant 0 : i32
        %dma_wait3A_130 = tpu.memref_slice %arg5[%arg0, %dma_wait3A_128, %dma_wait3A_129] : memref<2x10000x128xf32, #tpu.memory_space<hbm>> -> memref<1x16x128xf32, #tpu.memory_space<hbm>>
        %dma_wait3A_131 = tpu.memref_squeeze %dma_wait3A_130 : memref<1x16x128xf32, #tpu.memory_space<hbm>> -> memref<16x128xf32, #tpu.memory_space<hbm>>
        %dma_wait3A_132 = arith.constant 9984 : i32
        %dma_wait3A_133 = arith.constant 0 : i32
        %dma_wait3A_134 = tpu.memref_slice %arg5[%arg0, %dma_wait3A_132, %dma_wait3A_133] : memref<2x10000x128xf32, #tpu.memory_space<hbm>> -> memref<1x16x128xf32, #tpu.memory_space<hbm>>
        %dma_wait3A_135 = tpu.memref_squeeze %dma_wait3A_134 : memref<1x16x128xf32, #tpu.memory_space<hbm>> -> memref<16x128xf32, #tpu.memory_space<hbm>>
        tpu.wait_dma2 semaphore(%run_scoped3A_119 : memref<!tpu.dma_semaphore, #tpu.memory_space<semaphore_mem>>) src(%arg12 : memref<16x128xf32, #tpu.memory_space<vmem>>) dst(%dma_wait3A_135 : memref<16x128xf32, #tpu.memory_space<hbm>>)
        tpu.yield
      }) : () -> ()
    } else {
    }
    return
  }
}

#map = affine_map<(d0, d1) -> (0, 0, 0, 0, 0)>
#map1 = affine_map<(d0, d1) -> (0, 0, 0)>
module attributes {stable_mosaic.version = 14 : i64} {
  func.func @_deg_body(%arg0: i32, %arg1: i32, %arg2: memref<2x16x80x1x125xi32, #tpu.memory_space<hbm>>, %arg3: memref<2x10000x128xf32, #tpu.memory_space<hbm>>, %arg4: memref<1x125xi32, #tpu.memory_space<vmem>>, %arg5: memref<125x128xf32, #tpu.memory_space<vmem>>, %arg6: memref<16x128xf32, #tpu.memory_space<vmem>>, %arg7: memref<10000x128xf32, #tpu.memory_space<vmem_shared>>) attributes {dimension_semantics = [#tpu.dimension_semantics<core_parallel>, #tpu.dimension_semantics<subcore_parallel>], iteration_bounds = array<i64: 2, 16>, scalar_prefetch = 0 : i64, scratch_operands = 4 : i64, tpu.core_type = #tpu.core_type<sc_vector_subcore>, window_params = [{transform_indices = #map}, {transform_indices = #map1}]} {
    %scan3A = arith.constant 0 : i32
    %scan3A_0 = arith.constant 0 : i32
    %scan3A_1 = arith.constant 16 : i32
    %scan3A_2 = arith.addi %scan3A_0, %scan3A_1 : i32
    %scan3A_3 = arith.constant 1 : i32
    scf.for %scan3A_37 = %scan3A_0 to %scan3A_2 step %scan3A_3  : i32 {
      %broadcast_in_dim3A = arith.constant 0.000000e+00 : f32
      %broadcast_in_dim3A_38 = vector.broadcast %broadcast_in_dim3A : f32 to vector<16xf32>
      %swap3A = arith.index_cast %scan3A_37 : i32 to index
      %swap3A_39 = arith.constant 0 : index
      %swap3A_40 = tpu.vector_load %arg6[%swap3A, %swap3A_39] {strides = array<i32>} : memref<16x128xf32, #tpu.memory_space<vmem>>, vector<1x16xf32>,
      %swap3A_41 = vector.shape_cast %swap3A_40 : vector<1x16xf32> to vector<16xf32>
      %swap3A_42 = vector.shape_cast %broadcast_in_dim3A_38 : vector<16xf32> to vector<1x16xf32>
      tpu.vector_store %arg6[%swap3A, %swap3A_39], %swap3A_42 {strides = array<i32>} : memref<16x128xf32, #tpu.memory_space<vmem>>, vector<1x16xf32>,
      %broadcast_in_dim3A_43 = arith.constant 0.000000e+00 : f32
      %broadcast_in_dim3A_44 = vector.broadcast %broadcast_in_dim3A_43 : f32 to vector<16xf32>
      %swap3A_45 = arith.index_cast %scan3A_37 : i32 to index
      %swap3A_46 = arith.constant 16 : index
      %swap3A_47 = tpu.vector_load %arg6[%swap3A_45, %swap3A_46] {strides = array<i32>} : memref<16x128xf32, #tpu.memory_space<vmem>>, vector<1x16xf32>,
      %swap3A_48 = vector.shape_cast %swap3A_47 : vector<1x16xf32> to vector<16xf32>
      %swap3A_49 = vector.shape_cast %broadcast_in_dim3A_44 : vector<16xf32> to vector<1x16xf32>
      tpu.vector_store %arg6[%swap3A_45, %swap3A_46], %swap3A_49 {strides = array<i32>} : memref<16x128xf32, #tpu.memory_space<vmem>>, vector<1x16xf32>,
      %broadcast_in_dim3A_50 = arith.constant 0.000000e+00 : f32
      %broadcast_in_dim3A_51 = vector.broadcast %broadcast_in_dim3A_50 : f32 to vector<16xf32>
      %swap3A_52 = arith.index_cast %scan3A_37 : i32 to index
      %swap3A_53 = arith.constant 32 : index
      %swap3A_54 = tpu.vector_load %arg6[%swap3A_52, %swap3A_53] {strides = array<i32>} : memref<16x128xf32, #tpu.memory_space<vmem>>, vector<1x16xf32>,
      %swap3A_55 = vector.shape_cast %swap3A_54 : vector<1x16xf32> to vector<16xf32>
      %swap3A_56 = vector.shape_cast %broadcast_in_dim3A_51 : vector<16xf32> to vector<1x16xf32>
      tpu.vector_store %arg6[%swap3A_52, %swap3A_53], %swap3A_56 {strides = array<i32>} : memref<16x128xf32, #tpu.memory_space<vmem>>, vector<1x16xf32>,
      %broadcast_in_dim3A_57 = arith.constant 0.000000e+00 : f32
      %broadcast_in_dim3A_58 = vector.broadcast %broadcast_in_dim3A_57 : f32 to vector<16xf32>
      %swap3A_59 = arith.index_cast %scan3A_37 : i32 to index
      %swap3A_60 = arith.constant 48 : index
      %swap3A_61 = tpu.vector_load %arg6[%swap3A_59, %swap3A_60] {strides = array<i32>} : memref<16x128xf32, #tpu.memory_space<vmem>>, vector<1x16xf32>,
      %swap3A_62 = vector.shape_cast %swap3A_61 : vector<1x16xf32> to vector<16xf32>
      %swap3A_63 = vector.shape_cast %broadcast_in_dim3A_58 : vector<16xf32> to vector<1x16xf32>
      tpu.vector_store %arg6[%swap3A_59, %swap3A_60], %swap3A_63 {strides = array<i32>} : memref<16x128xf32, #tpu.memory_space<vmem>>, vector<1x16xf32>,
      %broadcast_in_dim3A_64 = arith.constant 0.000000e+00 : f32
      %broadcast_in_dim3A_65 = vector.broadcast %broadcast_in_dim3A_64 : f32 to vector<16xf32>
      %swap3A_66 = arith.index_cast %scan3A_37 : i32 to index
      %swap3A_67 = arith.constant 64 : index
      %swap3A_68 = tpu.vector_load %arg6[%swap3A_66, %swap3A_67] {strides = array<i32>} : memref<16x128xf32, #tpu.memory_space<vmem>>, vector<1x16xf32>,
      %swap3A_69 = vector.shape_cast %swap3A_68 : vector<1x16xf32> to vector<16xf32>
      %swap3A_70 = vector.shape_cast %broadcast_in_dim3A_65 : vector<16xf32> to vector<1x16xf32>
      tpu.vector_store %arg6[%swap3A_66, %swap3A_67], %swap3A_70 {strides = array<i32>} : memref<16x128xf32, #tpu.memory_space<vmem>>, vector<1x16xf32>,
      %broadcast_in_dim3A_71 = arith.constant 0.000000e+00 : f32
      %broadcast_in_dim3A_72 = vector.broadcast %broadcast_in_dim3A_71 : f32 to vector<16xf32>
      %swap3A_73 = arith.index_cast %scan3A_37 : i32 to index
      %swap3A_74 = arith.constant 80 : index
      %swap3A_75 = tpu.vector_load %arg6[%swap3A_73, %swap3A_74] {strides = array<i32>} : memref<16x128xf32, #tpu.memory_space<vmem>>, vector<1x16xf32>,
      %swap3A_76 = vector.shape_cast %swap3A_75 : vector<1x16xf32> to vector<16xf32>
      %swap3A_77 = vector.shape_cast %broadcast_in_dim3A_72 : vector<16xf32> to vector<1x16xf32>
      tpu.vector_store %arg6[%swap3A_73, %swap3A_74], %swap3A_77 {strides = array<i32>} : memref<16x128xf32, #tpu.memory_space<vmem>>, vector<1x16xf32>,
      %broadcast_in_dim3A_78 = arith.constant 0.000000e+00 : f32
      %broadcast_in_dim3A_79 = vector.broadcast %broadcast_in_dim3A_78 : f32 to vector<16xf32>
      %swap3A_80 = arith.index_cast %scan3A_37 : i32 to index
      %swap3A_81 = arith.constant 96 : index
      %swap3A_82 = tpu.vector_load %arg6[%swap3A_80, %swap3A_81] {strides = array<i32>} : memref<16x128xf32, #tpu.memory_space<vmem>>, vector<1x16xf32>,
      %swap3A_83 = vector.shape_cast %swap3A_82 : vector<1x16xf32> to vector<16xf32>
      %swap3A_84 = vector.shape_cast %broadcast_in_dim3A_79 : vector<16xf32> to vector<1x16xf32>
      tpu.vector_store %arg6[%swap3A_80, %swap3A_81], %swap3A_84 {strides = array<i32>} : memref<16x128xf32, #tpu.memory_space<vmem>>, vector<1x16xf32>,
      %broadcast_in_dim3A_85 = arith.constant 0.000000e+00 : f32
      %broadcast_in_dim3A_86 = vector.broadcast %broadcast_in_dim3A_85 : f32 to vector<16xf32>
      %swap3A_87 = arith.index_cast %scan3A_37 : i32 to index
      %swap3A_88 = arith.constant 112 : index
      %swap3A_89 = tpu.vector_load %arg6[%swap3A_87, %swap3A_88] {strides = array<i32>} : memref<16x128xf32, #tpu.memory_space<vmem>>, vector<1x16xf32>,
      %swap3A_90 = vector.shape_cast %swap3A_89 : vector<1x16xf32> to vector<16xf32>
      %swap3A_91 = vector.shape_cast %broadcast_in_dim3A_86 : vector<16xf32> to vector<1x16xf32>
      tpu.vector_store %arg6[%swap3A_87, %swap3A_88], %swap3A_91 {strides = array<i32>} : memref<16x128xf32, #tpu.memory_space<vmem>>, vector<1x16xf32>,
    }
    %scan3A_4 = arith.constant 16 : i32
    %scan3A_5 = arith.constant 0 : i32
    %scan3A_6 = arith.constant 0 : i32
    %scan3A_7 = arith.constant 39 : i32
    %scan3A_8 = arith.addi %scan3A_6, %scan3A_7 : i32
    %scan3A_9 = arith.constant 1 : i32
    scf.for %scan3A_37 = %scan3A_6 to %scan3A_8 step %scan3A_9  : i32 {
      %mul3A = arith.constant 624 : i32
      %mul3A_38 = arith.muli %arg1, %mul3A : i32
      %mul3A_39 = arith.constant 16 : i32
      %mul3A_40 = arith.muli %scan3A_37, %mul3A_39 : i32
      %add3A = arith.addi %mul3A_38, %mul3A_40 : i32
      "tpu.region"() ({
        %run_scoped3A = tpu.sem_alloc : memref<!tpu.dma_semaphore, #tpu.memory_space<semaphore_mem>>
        %dma_start3A = arith.constant 0 : i32
        %dma_start3A_41 = tpu.memref_slice %arg7[%add3A, %dma_start3A] : memref<10000x128xf32, #tpu.memory_space<vmem_shared>> -> memref<16x128xf32, #tpu.memory_space<vmem_shared>>
        %dma_start3A_42 = arith.constant 0 : i32
        %dma_start3A_43 = tpu.memref_slice %arg7[%add3A, %dma_start3A_42] : memref<10000x128xf32, #tpu.memory_space<vmem_shared>> -> memref<16x128xf32, #tpu.memory_space<vmem_shared>>
        tpu.enqueue_dma source(%arg6 : memref<16x128xf32, #tpu.memory_space<vmem>>) target(%dma_start3A_43 : memref<16x128xf32, #tpu.memory_space<vmem_shared>>) target_semaphore(%run_scoped3A : memref<!tpu.dma_semaphore, #tpu.memory_space<semaphore_mem>>)
        %dma_wait3A = arith.constant 0 : i32
        %dma_wait3A_44 = tpu.memref_slice %arg7[%add3A, %dma_wait3A] : memref<10000x128xf32, #tpu.memory_space<vmem_shared>> -> memref<16x128xf32, #tpu.memory_space<vmem_shared>>
        %dma_wait3A_45 = arith.constant 0 : i32
        %dma_wait3A_46 = tpu.memref_slice %arg7[%add3A, %dma_wait3A_45] : memref<10000x128xf32, #tpu.memory_space<vmem_shared>> -> memref<16x128xf32, #tpu.memory_space<vmem_shared>>
        tpu.wait_dma2 semaphore(%run_scoped3A : memref<!tpu.dma_semaphore, #tpu.memory_space<semaphore_mem>>) src(%arg6 : memref<16x128xf32, #tpu.memory_space<vmem>>) dst(%dma_wait3A_46 : memref<16x128xf32, #tpu.memory_space<vmem_shared>>)
        tpu.yield
      }) : () -> ()
    }
    %scan3A_10 = arith.constant 39 : i32
    %eq3A = arith.constant 15 : i32
    %eq3A_11 = arith.cmpi eq, %arg1, %eq3A : i32
    %convert_element_type3A = arith.extui %eq3A_11 : i1 to i32
    %cond3A = arith.constant 0 : i32
    %cond3A_12 = arith.cmpi ne, %convert_element_type3A, %cond3A : i32
    scf.if %cond3A_12 {
      "tpu.region"() ({
        %run_scoped3A = tpu.sem_alloc : memref<!tpu.dma_semaphore, #tpu.memory_space<semaphore_mem>>
        %dma_start3A = arith.constant 9984 : i32
        %dma_start3A_37 = arith.constant 0 : i32
        %dma_start3A_38 = tpu.memref_slice %arg7[%dma_start3A, %dma_start3A_37] : memref<10000x128xf32, #tpu.memory_space<vmem_shared>> -> memref<16x128xf32, #tpu.memory_space<vmem_shared>>
        %dma_start3A_39 = arith.constant 9984 : i32
        %dma_start3A_40 = arith.constant 0 : i32
        %dma_start3A_41 = tpu.memref_slice %arg7[%dma_start3A_39, %dma_start3A_40] : memref<10000x128xf32, #tpu.memory_space<vmem_shared>> -> memref<16x128xf32, #tpu.memory_space<vmem_shared>>
        tpu.enqueue_dma source(%arg6 : memref<16x128xf32, #tpu.memory_space<vmem>>) target(%dma_start3A_41 : memref<16x128xf32, #tpu.memory_space<vmem_shared>>) target_semaphore(%run_scoped3A : memref<!tpu.dma_semaphore, #tpu.memory_space<semaphore_mem>>)
        %dma_wait3A = arith.constant 9984 : i32
        %dma_wait3A_42 = arith.constant 0 : i32
        %dma_wait3A_43 = tpu.memref_slice %arg7[%dma_wait3A, %dma_wait3A_42] : memref<10000x128xf32, #tpu.memory_space<vmem_shared>> -> memref<16x128xf32, #tpu.memory_space<vmem_shared>>
        %dma_wait3A_44 = arith.constant 9984 : i32
        %dma_wait3A_45 = arith.constant 0 : i32
        %dma_wait3A_46 = tpu.memref_slice %arg7[%dma_wait3A_44, %dma_wait3A_45] : memref<10000x128xf32, #tpu.memory_space<vmem_shared>> -> memref<16x128xf32, #tpu.memory_space<vmem_shared>>
        tpu.wait_dma2 semaphore(%run_scoped3A : memref<!tpu.dma_semaphore, #tpu.memory_space<semaphore_mem>>) src(%arg6 : memref<16x128xf32, #tpu.memory_space<vmem>>) dst(%dma_wait3A_46 : memref<16x128xf32, #tpu.memory_space<vmem_shared>>)
        tpu.yield
      }) : () -> ()
    } else {
    }
    %scan3A_13 = arith.constant 0 : i32
    %scan3A_14 = arith.constant 0 : i32
    %scan3A_15 = arith.constant 125 : i32
    %scan3A_16 = arith.addi %scan3A_14, %scan3A_15 : i32
    %scan3A_17 = arith.constant 1 : i32
    scf.for %scan3A_37 = %scan3A_14 to %scan3A_16 step %scan3A_17  : i32 {
      %broadcast_in_dim3A = arith.constant 1.000000e+00 : f32
      %broadcast_in_dim3A_38 = vector.broadcast %broadcast_in_dim3A : f32 to vector<16xf32>
      %swap3A = arith.index_cast %scan3A_37 : i32 to index
      %swap3A_39 = arith.constant 0 : index
      %swap3A_40 = tpu.vector_load %arg5[%swap3A, %swap3A_39] {strides = array<i32>} : memref<125x128xf32, #tpu.memory_space<vmem>>, vector<1x16xf32>,
      %swap3A_41 = vector.shape_cast %swap3A_40 : vector<1x16xf32> to vector<16xf32>
      %swap3A_42 = vector.shape_cast %broadcast_in_dim3A_38 : vector<16xf32> to vector<1x16xf32>
      tpu.vector_store %arg5[%swap3A, %swap3A_39], %swap3A_42 {strides = array<i32>} : memref<125x128xf32, #tpu.memory_space<vmem>>, vector<1x16xf32>,
      %broadcast_in_dim3A_43 = arith.constant 1.000000e+00 : f32
      %broadcast_in_dim3A_44 = vector.broadcast %broadcast_in_dim3A_43 : f32 to vector<16xf32>
      %swap3A_45 = arith.index_cast %scan3A_37 : i32 to index
      %swap3A_46 = arith.constant 16 : index
      %swap3A_47 = tpu.vector_load %arg5[%swap3A_45, %swap3A_46] {strides = array<i32>} : memref<125x128xf32, #tpu.memory_space<vmem>>, vector<1x16xf32>,
      %swap3A_48 = vector.shape_cast %swap3A_47 : vector<1x16xf32> to vector<16xf32>
      %swap3A_49 = vector.shape_cast %broadcast_in_dim3A_44 : vector<16xf32> to vector<1x16xf32>
      tpu.vector_store %arg5[%swap3A_45, %swap3A_46], %swap3A_49 {strides = array<i32>} : memref<125x128xf32, #tpu.memory_space<vmem>>, vector<1x16xf32>,
      %broadcast_in_dim3A_50 = arith.constant 1.000000e+00 : f32
      %broadcast_in_dim3A_51 = vector.broadcast %broadcast_in_dim3A_50 : f32 to vector<16xf32>
      %swap3A_52 = arith.index_cast %scan3A_37 : i32 to index
      %swap3A_53 = arith.constant 32 : index
      %swap3A_54 = tpu.vector_load %arg5[%swap3A_52, %swap3A_53] {strides = array<i32>} : memref<125x128xf32, #tpu.memory_space<vmem>>, vector<1x16xf32>,
      %swap3A_55 = vector.shape_cast %swap3A_54 : vector<1x16xf32> to vector<16xf32>
      %swap3A_56 = vector.shape_cast %broadcast_in_dim3A_51 : vector<16xf32> to vector<1x16xf32>
      tpu.vector_store %arg5[%swap3A_52, %swap3A_53], %swap3A_56 {strides = array<i32>} : memref<125x128xf32, #tpu.memory_space<vmem>>, vector<1x16xf32>,
      %broadcast_in_dim3A_57 = arith.constant 1.000000e+00 : f32
      %broadcast_in_dim3A_58 = vector.broadcast %broadcast_in_dim3A_57 : f32 to vector<16xf32>
      %swap3A_59 = arith.index_cast %scan3A_37 : i32 to index
      %swap3A_60 = arith.constant 48 : index
      %swap3A_61 = tpu.vector_load %arg5[%swap3A_59, %swap3A_60] {strides = array<i32>} : memref<125x128xf32, #tpu.memory_space<vmem>>, vector<1x16xf32>,
      %swap3A_62 = vector.shape_cast %swap3A_61 : vector<1x16xf32> to vector<16xf32>
      %swap3A_63 = vector.shape_cast %broadcast_in_dim3A_58 : vector<16xf32> to vector<1x16xf32>
      tpu.vector_store %arg5[%swap3A_59, %swap3A_60], %swap3A_63 {strides = array<i32>} : memref<125x128xf32, #tpu.memory_space<vmem>>, vector<1x16xf32>,
      %broadcast_in_dim3A_64 = arith.constant 1.000000e+00 : f32
      %broadcast_in_dim3A_65 = vector.broadcast %broadcast_in_dim3A_64 : f32 to vector<16xf32>
      %swap3A_66 = arith.index_cast %scan3A_37 : i32 to index
      %swap3A_67 = arith.constant 64 : index
      %swap3A_68 = tpu.vector_load %arg5[%swap3A_66, %swap3A_67] {strides = array<i32>} : memref<125x128xf32, #tpu.memory_space<vmem>>, vector<1x16xf32>,
      %swap3A_69 = vector.shape_cast %swap3A_68 : vector<1x16xf32> to vector<16xf32>
      %swap3A_70 = vector.shape_cast %broadcast_in_dim3A_65 : vector<16xf32> to vector<1x16xf32>
      tpu.vector_store %arg5[%swap3A_66, %swap3A_67], %swap3A_70 {strides = array<i32>} : memref<125x128xf32, #tpu.memory_space<vmem>>, vector<1x16xf32>,
      %broadcast_in_dim3A_71 = arith.constant 1.000000e+00 : f32
      %broadcast_in_dim3A_72 = vector.broadcast %broadcast_in_dim3A_71 : f32 to vector<16xf32>
      %swap3A_73 = arith.index_cast %scan3A_37 : i32 to index
      %swap3A_74 = arith.constant 80 : index
      %swap3A_75 = tpu.vector_load %arg5[%swap3A_73, %swap3A_74] {strides = array<i32>} : memref<125x128xf32, #tpu.memory_space<vmem>>, vector<1x16xf32>,
      %swap3A_76 = vector.shape_cast %swap3A_75 : vector<1x16xf32> to vector<16xf32>
      %swap3A_77 = vector.shape_cast %broadcast_in_dim3A_72 : vector<16xf32> to vector<1x16xf32>
      tpu.vector_store %arg5[%swap3A_73, %swap3A_74], %swap3A_77 {strides = array<i32>} : memref<125x128xf32, #tpu.memory_space<vmem>>, vector<1x16xf32>,
      %broadcast_in_dim3A_78 = arith.constant 1.000000e+00 : f32
      %broadcast_in_dim3A_79 = vector.broadcast %broadcast_in_dim3A_78 : f32 to vector<16xf32>
      %swap3A_80 = arith.index_cast %scan3A_37 : i32 to index
      %swap3A_81 = arith.constant 96 : index
      %swap3A_82 = tpu.vector_load %arg5[%swap3A_80, %swap3A_81] {strides = array<i32>} : memref<125x128xf32, #tpu.memory_space<vmem>>, vector<1x16xf32>,
      %swap3A_83 = vector.shape_cast %swap3A_82 : vector<1x16xf32> to vector<16xf32>
      %swap3A_84 = vector.shape_cast %broadcast_in_dim3A_79 : vector<16xf32> to vector<1x16xf32>
      tpu.vector_store %arg5[%swap3A_80, %swap3A_81], %swap3A_84 {strides = array<i32>} : memref<125x128xf32, #tpu.memory_space<vmem>>, vector<1x16xf32>,
      %broadcast_in_dim3A_85 = arith.constant 1.000000e+00 : f32
      %broadcast_in_dim3A_86 = vector.broadcast %broadcast_in_dim3A_85 : f32 to vector<16xf32>
      %swap3A_87 = arith.index_cast %scan3A_37 : i32 to index
      %swap3A_88 = arith.constant 112 : index
      %swap3A_89 = tpu.vector_load %arg5[%swap3A_87, %swap3A_88] {strides = array<i32>} : memref<125x128xf32, #tpu.memory_space<vmem>>, vector<1x16xf32>,
      %swap3A_90 = vector.shape_cast %swap3A_89 : vector<1x16xf32> to vector<16xf32>
      %swap3A_91 = vector.shape_cast %broadcast_in_dim3A_86 : vector<16xf32> to vector<1x16xf32>
      tpu.vector_store %arg5[%swap3A_87, %swap3A_88], %swap3A_91 {strides = array<i32>} : memref<125x128xf32, #tpu.memory_space<vmem>>, vector<1x16xf32>,
    }
    %scan3A_18 = arith.constant 125 : i32
    %barrier3A = arith.constant 0 : index
    tpu.barrier barrier_id(%barrier3A)
    %scan3A_19 = arith.constant 0 : i32
    %scan3A_20 = arith.constant 0 : i32
    %scan3A_21 = arith.constant 80 : i32
    %scan3A_22 = arith.addi %scan3A_20, %scan3A_21 : i32
    %scan3A_23 = arith.constant 1 : i32
    scf.for %scan3A_37 = %scan3A_20 to %scan3A_22 step %scan3A_23  : i32 {
      "tpu.region"() ({
        %run_scoped3A_38 = tpu.sem_alloc : memref<!tpu.dma_semaphore, #tpu.memory_space<semaphore_mem>>
        %dma_start3A = arith.constant 0 : i32
        %dma_start3A_39 = arith.constant 0 : i32
        %dma_start3A_40 = tpu.memref_slice %arg2[%arg0, %arg1, %scan3A_37, %dma_start3A, %dma_start3A_39] : memref<2x16x80x1x125xi32, #tpu.memory_space<hbm>> -> memref<1x1x1x1x125xi32, #tpu.memory_space<hbm>>
        %dma_start3A_41 = tpu.memref_squeeze %dma_start3A_40 : memref<1x1x1x1x125xi32, #tpu.memory_space<hbm>> -> memref<1x125xi32, #tpu.memory_space<hbm>>
        %dma_start3A_42 = arith.constant 0 : i32
        %dma_start3A_43 = arith.constant 0 : i32
        %dma_start3A_44 = tpu.memref_slice %arg2[%arg0, %arg1, %scan3A_37, %dma_start3A_42, %dma_start3A_43] : memref<2x16x80x1x125xi32, #tpu.memory_space<hbm>> -> memref<1x1x1x1x125xi32, #tpu.memory_space<hbm>>
        %dma_start3A_45 = tpu.memref_squeeze %dma_start3A_44 : memref<1x1x1x1x125xi32, #tpu.memory_space<hbm>> -> memref<1x125xi32, #tpu.memory_space<hbm>>
        tpu.enqueue_dma source(%dma_start3A_45 : memref<1x125xi32, #tpu.memory_space<hbm>>) target(%arg4 : memref<1x125xi32, #tpu.memory_space<vmem>>) target_semaphore(%run_scoped3A_38 : memref<!tpu.dma_semaphore, #tpu.memory_space<semaphore_mem>>)
        %dma_wait3A = arith.constant 0 : i32
        %dma_wait3A_46 = arith.constant 0 : i32
        %dma_wait3A_47 = tpu.memref_slice %arg2[%arg0, %arg1, %scan3A_37, %dma_wait3A, %dma_wait3A_46] : memref<2x16x80x1x125xi32, #tpu.memory_space<hbm>> -> memref<1x1x1x1x125xi32, #tpu.memory_space<hbm>>
        %dma_wait3A_48 = tpu.memref_squeeze %dma_wait3A_47 : memref<1x1x1x1x125xi32, #tpu.memory_space<hbm>> -> memref<1x125xi32, #tpu.memory_space<hbm>>
        %dma_wait3A_49 = arith.constant 0 : i32
        %dma_wait3A_50 = arith.constant 0 : i32
        %dma_wait3A_51 = tpu.memref_slice %arg2[%arg0, %arg1, %scan3A_37, %dma_wait3A_49, %dma_wait3A_50] : memref<2x16x80x1x125xi32, #tpu.memory_space<hbm>> -> memref<1x1x1x1x125xi32, #tpu.memory_space<hbm>>
        %dma_wait3A_52 = tpu.memref_squeeze %dma_wait3A_51 : memref<1x1x1x1x125xi32, #tpu.memory_space<hbm>> -> memref<1x125xi32, #tpu.memory_space<hbm>>
        tpu.wait_dma2 semaphore(%run_scoped3A_38 : memref<!tpu.dma_semaphore, #tpu.memory_space<semaphore_mem>>) src(%dma_wait3A_52 : memref<1x125xi32, #tpu.memory_space<hbm>>) dst(%arg4 : memref<1x125xi32, #tpu.memory_space<vmem>>)
        tpu.yield
      }) : () -> ()
      %run_scoped3A = arith.constant 0 : i32
      "tpu.region"() ({
        %run_scoped3A_38 = tpu.sem_alloc : memref<!tpu.dma_semaphore, #tpu.memory_space<semaphore_mem>>
        %dma_start3A = arith.constant 0 : i32
        %dma_start3A_39 = tpu.memref_slice %arg4[%run_scoped3A, %dma_start3A] : memref<1x125xi32, #tpu.memory_space<vmem>> -> memref<1x125xi32, #tpu.memory_space<vmem>>
        %dma_start3A_40 = tpu.memref_squeeze %dma_start3A_39 : memref<1x125xi32, #tpu.memory_space<vmem>> -> memref<125xi32, #tpu.memory_space<vmem>>
        %dma_start3A_41 = arith.constant 0 : i32
        %dma_start3A_42 = arith.constant 0 : i32
        %dma_start3A_43 = tpu.memref_slice %arg7[%dma_start3A_41, %dma_start3A_42] : memref<10000x128xf32, #tpu.memory_space<vmem_shared>> -> memref<10000x128xf32, #tpu.memory_space<vmem_shared>>
        tpu.enqueue_indirect_dma source(%arg5 : memref<125x128xf32, #tpu.memory_space<vmem>>) target(%dma_start3A_43 : memref<10000x128xf32, #tpu.memory_space<vmem_shared>>) offsets(%dma_start3A_40 : memref<125xi32, #tpu.memory_space<vmem>>) semaphore(%run_scoped3A_38 : memref<!tpu.dma_semaphore, #tpu.memory_space<semaphore_mem>>) {add = true}
        %dma_wait3A = arith.constant 0 : i32
        %dma_wait3A_44 = tpu.memref_slice %arg4[%run_scoped3A, %dma_wait3A] : memref<1x125xi32, #tpu.memory_space<vmem>> -> memref<1x125xi32, #tpu.memory_space<vmem>>
        %dma_wait3A_45 = tpu.memref_squeeze %dma_wait3A_44 : memref<1x125xi32, #tpu.memory_space<vmem>> -> memref<125xi32, #tpu.memory_space<vmem>>
        %dma_wait3A_46 = arith.constant 0 : i32
        %dma_wait3A_47 = arith.constant 0 : i32
        %dma_wait3A_48 = tpu.memref_slice %arg7[%dma_wait3A_46, %dma_wait3A_47] : memref<10000x128xf32, #tpu.memory_space<vmem_shared>> -> memref<10000x128xf32, #tpu.memory_space<vmem_shared>>
        tpu.wait_indirect_dma semaphore(%run_scoped3A_38 : memref<!tpu.dma_semaphore, #tpu.memory_space<semaphore_mem>>) src(%arg5 : memref<125x128xf32, #tpu.memory_space<vmem>>) dst(%dma_wait3A_48 : memref<10000x128xf32, #tpu.memory_space<vmem_shared>>)
        tpu.yield
      }) : () -> ()
    }
    %scan3A_24 = arith.constant 80 : i32
    %barrier3A_25 = arith.constant 0 : index
    tpu.barrier barrier_id(%barrier3A_25)
    %scan3A_26 = arith.constant 0 : i32
    %scan3A_27 = arith.constant 0 : i32
    %scan3A_28 = arith.constant 39 : i32
    %scan3A_29 = arith.addi %scan3A_27, %scan3A_28 : i32
    %scan3A_30 = arith.constant 1 : i32
    scf.for %scan3A_37 = %scan3A_27 to %scan3A_29 step %scan3A_30  : i32 {
      %mul3A = arith.constant 624 : i32
      %mul3A_38 = arith.muli %arg1, %mul3A : i32
      %mul3A_39 = arith.constant 16 : i32
      %mul3A_40 = arith.muli %scan3A_37, %mul3A_39 : i32
      %add3A = arith.addi %mul3A_38, %mul3A_40 : i32
      "tpu.region"() ({
        %run_scoped3A = tpu.sem_alloc : memref<!tpu.dma_semaphore, #tpu.memory_space<semaphore_mem>>
        %dma_start3A = arith.constant 0 : i32
        %dma_start3A_46 = tpu.memref_slice %arg7[%add3A, %dma_start3A] : memref<10000x128xf32, #tpu.memory_space<vmem_shared>> -> memref<16x128xf32, #tpu.memory_space<vmem_shared>>
        %dma_start3A_47 = arith.constant 0 : i32
        %dma_start3A_48 = tpu.memref_slice %arg7[%add3A, %dma_start3A_47] : memref<10000x128xf32, #tpu.memory_space<vmem_shared>> -> memref<16x128xf32, #tpu.memory_space<vmem_shared>>
        tpu.enqueue_dma source(%dma_start3A_48 : memref<16x128xf32, #tpu.memory_space<vmem_shared>>) target(%arg6 : memref<16x128xf32, #tpu.memory_space<vmem>>) target_semaphore(%run_scoped3A : memref<!tpu.dma_semaphore, #tpu.memory_space<semaphore_mem>>)
        %dma_wait3A = arith.constant 0 : i32
        %dma_wait3A_49 = tpu.memref_slice %arg7[%add3A, %dma_wait3A] : memref<10000x128xf32, #tpu.memory_space<vmem_shared>> -> memref<16x128xf32, #tpu.memory_space<vmem_shared>>
        %dma_wait3A_50 = arith.constant 0 : i32
        %dma_wait3A_51 = tpu.memref_slice %arg7[%add3A, %dma_wait3A_50] : memref<10000x128xf32, #tpu.memory_space<vmem_shared>> -> memref<16x128xf32, #tpu.memory_space<vmem_shared>>
        tpu.wait_dma2 semaphore(%run_scoped3A : memref<!tpu.dma_semaphore, #tpu.memory_space<semaphore_mem>>) src(%dma_wait3A_51 : memref<16x128xf32, #tpu.memory_space<vmem_shared>>) dst(%arg6 : memref<16x128xf32, #tpu.memory_space<vmem>>)
        tpu.yield
      }) : () -> ()
      %mul3A_41 = arith.constant 624 : i32
      %mul3A_42 = arith.muli %arg1, %mul3A_41 : i32
      %mul3A_43 = arith.constant 16 : i32
      %mul3A_44 = arith.muli %scan3A_37, %mul3A_43 : i32
      %add3A_45 = arith.addi %mul3A_42, %mul3A_44 : i32
      "tpu.region"() ({
        %run_scoped3A = tpu.sem_alloc : memref<!tpu.dma_semaphore, #tpu.memory_space<semaphore_mem>>
        %dma_start3A = arith.constant 0 : i32
        %dma_start3A_46 = tpu.memref_slice %arg3[%arg0, %add3A_45, %dma_start3A] : memref<2x10000x128xf32, #tpu.memory_space<hbm>> -> memref<1x16x128xf32, #tpu.memory_space<hbm>>
        %dma_start3A_47 = tpu.memref_squeeze %dma_start3A_46 : memref<1x16x128xf32, #tpu.memory_space<hbm>> -> memref<16x128xf32, #tpu.memory_space<hbm>>
        %dma_start3A_48 = arith.constant 0 : i32
        %dma_start3A_49 = tpu.memref_slice %arg3[%arg0, %add3A_45, %dma_start3A_48] : memref<2x10000x128xf32, #tpu.memory_space<hbm>> -> memref<1x16x128xf32, #tpu.memory_space<hbm>>
        %dma_start3A_50 = tpu.memref_squeeze %dma_start3A_49 : memref<1x16x128xf32, #tpu.memory_space<hbm>> -> memref<16x128xf32, #tpu.memory_space<hbm>>
        tpu.enqueue_dma source(%arg6 : memref<16x128xf32, #tpu.memory_space<vmem>>) target(%dma_start3A_50 : memref<16x128xf32, #tpu.memory_space<hbm>>) target_semaphore(%run_scoped3A : memref<!tpu.dma_semaphore, #tpu.memory_space<semaphore_mem>>)
        %dma_wait3A = arith.constant 0 : i32
        %dma_wait3A_51 = tpu.memref_slice %arg3[%arg0, %add3A_45, %dma_wait3A] : memref<2x10000x128xf32, #tpu.memory_space<hbm>> -> memref<1x16x128xf32, #tpu.memory_space<hbm>>
        %dma_wait3A_52 = tpu.memref_squeeze %dma_wait3A_51 : memref<1x16x128xf32, #tpu.memory_space<hbm>> -> memref<16x128xf32, #tpu.memory_space<hbm>>
        %dma_wait3A_53 = arith.constant 0 : i32
        %dma_wait3A_54 = tpu.memref_slice %arg3[%arg0, %add3A_45, %dma_wait3A_53] : memref<2x10000x128xf32, #tpu.memory_space<hbm>> -> memref<1x16x128xf32, #tpu.memory_space<hbm>>
        %dma_wait3A_55 = tpu.memref_squeeze %dma_wait3A_54 : memref<1x16x128xf32, #tpu.memory_space<hbm>> -> memref<16x128xf32, #tpu.memory_space<hbm>>
        tpu.wait_dma2 semaphore(%run_scoped3A : memref<!tpu.dma_semaphore, #tpu.memory_space<semaphore_mem>>) src(%arg6 : memref<16x128xf32, #tpu.memory_space<vmem>>) dst(%dma_wait3A_55 : memref<16x128xf32, #tpu.memory_space<hbm>>)
        tpu.yield
      }) : () -> ()
    }
    %scan3A_31 = arith.constant 39 : i32
    %eq3A_32 = arith.constant 15 : i32
    %eq3A_33 = arith.cmpi eq, %arg1, %eq3A_32 : i32
    %convert_element_type3A_34 = arith.extui %eq3A_33 : i1 to i32
    %cond3A_35 = arith.constant 0 : i32
    %cond3A_36 = arith.cmpi ne, %convert_element_type3A_34, %cond3A_35 : i32
    scf.if %cond3A_36 {
      "tpu.region"() ({
        %run_scoped3A = tpu.sem_alloc : memref<!tpu.dma_semaphore, #tpu.memory_space<semaphore_mem>>
        %dma_start3A = arith.constant 9984 : i32
        %dma_start3A_37 = arith.constant 0 : i32
        %dma_start3A_38 = tpu.memref_slice %arg7[%dma_start3A, %dma_start3A_37] : memref<10000x128xf32, #tpu.memory_space<vmem_shared>> -> memref<16x128xf32, #tpu.memory_space<vmem_shared>>
        %dma_start3A_39 = arith.constant 9984 : i32
        %dma_start3A_40 = arith.constant 0 : i32
        %dma_start3A_41 = tpu.memref_slice %arg7[%dma_start3A_39, %dma_start3A_40] : memref<10000x128xf32, #tpu.memory_space<vmem_shared>> -> memref<16x128xf32, #tpu.memory_space<vmem_shared>>
        tpu.enqueue_dma source(%dma_start3A_41 : memref<16x128xf32, #tpu.memory_space<vmem_shared>>) target(%arg6 : memref<16x128xf32, #tpu.memory_space<vmem>>) target_semaphore(%run_scoped3A : memref<!tpu.dma_semaphore, #tpu.memory_space<semaphore_mem>>)
        %dma_wait3A = arith.constant 9984 : i32
        %dma_wait3A_42 = arith.constant 0 : i32
        %dma_wait3A_43 = tpu.memref_slice %arg7[%dma_wait3A, %dma_wait3A_42] : memref<10000x128xf32, #tpu.memory_space<vmem_shared>> -> memref<16x128xf32, #tpu.memory_space<vmem_shared>>
        %dma_wait3A_44 = arith.constant 9984 : i32
        %dma_wait3A_45 = arith.constant 0 : i32
        %dma_wait3A_46 = tpu.memref_slice %arg7[%dma_wait3A_44, %dma_wait3A_45] : memref<10000x128xf32, #tpu.memory_space<vmem_shared>> -> memref<16x128xf32, #tpu.memory_space<vmem_shared>>
        tpu.wait_dma2 semaphore(%run_scoped3A : memref<!tpu.dma_semaphore, #tpu.memory_space<semaphore_mem>>) src(%dma_wait3A_46 : memref<16x128xf32, #tpu.memory_space<vmem_shared>>) dst(%arg6 : memref<16x128xf32, #tpu.memory_space<vmem>>)
        tpu.yield
      }) : () -> ()
      "tpu.region"() ({
        %run_scoped3A = tpu.sem_alloc : memref<!tpu.dma_semaphore, #tpu.memory_space<semaphore_mem>>
        %dma_start3A = arith.constant 9984 : i32
        %dma_start3A_37 = arith.constant 0 : i32
        %dma_start3A_38 = tpu.memref_slice %arg3[%arg0, %dma_start3A, %dma_start3A_37] : memref<2x10000x128xf32, #tpu.memory_space<hbm>> -> memref<1x16x128xf32, #tpu.memory_space<hbm>>
        %dma_start3A_39 = tpu.memref_squeeze %dma_start3A_38 : memref<1x16x128xf32, #tpu.memory_space<hbm>> -> memref<16x128xf32, #tpu.memory_space<hbm>>
        %dma_start3A_40 = arith.constant 9984 : i32
        %dma_start3A_41 = arith.constant 0 : i32
        %dma_start3A_42 = tpu.memref_slice %arg3[%arg0, %dma_start3A_40, %dma_start3A_41] : memref<2x10000x128xf32, #tpu.memory_space<hbm>> -> memref<1x16x128xf32, #tpu.memory_space<hbm>>
        %dma_start3A_43 = tpu.memref_squeeze %dma_start3A_42 : memref<1x16x128xf32, #tpu.memory_space<hbm>> -> memref<16x128xf32, #tpu.memory_space<hbm>>
        tpu.enqueue_dma source(%arg6 : memref<16x128xf32, #tpu.memory_space<vmem>>) target(%dma_start3A_43 : memref<16x128xf32, #tpu.memory_space<hbm>>) target_semaphore(%run_scoped3A : memref<!tpu.dma_semaphore, #tpu.memory_space<semaphore_mem>>)
        %dma_wait3A = arith.constant 9984 : i32
        %dma_wait3A_44 = arith.constant 0 : i32
        %dma_wait3A_45 = tpu.memref_slice %arg3[%arg0, %dma_wait3A, %dma_wait3A_44] : memref<2x10000x128xf32, #tpu.memory_space<hbm>> -> memref<1x16x128xf32, #tpu.memory_space<hbm>>
        %dma_wait3A_46 = tpu.memref_squeeze %dma_wait3A_45 : memref<1x16x128xf32, #tpu.memory_space<hbm>> -> memref<16x128xf32, #tpu.memory_space<hbm>>
        %dma_wait3A_47 = arith.constant 9984 : i32
        %dma_wait3A_48 = arith.constant 0 : i32
        %dma_wait3A_49 = tpu.memref_slice %arg3[%arg0, %dma_wait3A_47, %dma_wait3A_48] : memref<2x10000x128xf32, #tpu.memory_space<hbm>> -> memref<1x16x128xf32, #tpu.memory_space<hbm>>
        %dma_wait3A_50 = tpu.memref_squeeze %dma_wait3A_49 : memref<1x16x128xf32, #tpu.memory_space<hbm>> -> memref<16x128xf32, #tpu.memory_space<hbm>>
        tpu.wait_dma2 semaphore(%run_scoped3A : memref<!tpu.dma_semaphore, #tpu.memory_space<semaphore_mem>>) src(%arg6 : memref<16x128xf32, #tpu.memory_space<vmem>>) dst(%dma_wait3A_50 : memref<16x128xf32, #tpu.memory_space<hbm>>)
        tpu.yield
      }) : () -> ()
    } else {
    }
    return
  }
}

#map = affine_map<(d0, d1) -> (0, 0)>
#map1 = affine_map<(d0, d1) -> (0, 0, 0, 0, 0)>
#map2 = affine_map<(d0, d1) -> (0, 0, 0)>
module attributes {stable_mosaic.version = 14 : i64} {
  func.func @_edge_body(%arg0: i32, %arg1: i32, %arg2: memref<10000x128xf32, #tpu.memory_space<hbm>>, %arg3: memref<2x16x80x1x125xi32, #tpu.memory_space<hbm>>, %arg4: memref<2x16x80x1x125xi32, #tpu.memory_space<hbm>>, %arg5: memref<2x10000x128xf32, #tpu.memory_space<hbm>>, %arg6: memref<1x125xi32, #tpu.memory_space<vmem>>, %arg7: memref<1x125xi32, #tpu.memory_space<vmem>>, %arg8: memref<1x125xi32, #tpu.memory_space<vmem>>, %arg9: memref<1x125xi32, #tpu.memory_space<vmem>>, %arg10: memref<125x128xf32, #tpu.memory_space<vmem>>, %arg11: memref<125x128xf32, #tpu.memory_space<vmem>>, %arg12: memref<16x128xf32, #tpu.memory_space<vmem>>, %arg13: memref<16x128xf32, #tpu.memory_space<vmem>>, %arg14: memref<10000x128xf32, #tpu.memory_space<vmem_shared>>, %arg15: memref<!tpu.dma_semaphore, #tpu.memory_space<semaphore_mem>>, %arg16: memref<!tpu.dma_semaphore, #tpu.memory_space<semaphore_mem>>, %arg17: memref<!tpu.dma_semaphore, #tpu.memory_space<semaphore_mem>>, %arg18: memref<!tpu.dma_semaphore, #tpu.memory_space<semaphore_mem>>, %arg19: memref<!tpu.dma_semaphore, #tpu.memory_space<semaphore_mem>>, %arg20: memref<!tpu.dma_semaphore, #tpu.memory_space<semaphore_mem>>, %arg21: memref<!tpu.dma_semaphore, #tpu.memory_space<semaphore_mem>>, %arg22: memref<!tpu.dma_semaphore, #tpu.memory_space<semaphore_mem>>) attributes {dimension_semantics = [#tpu.dimension_semantics<core_parallel>, #tpu.dimension_semantics<subcore_parallel>], iteration_bounds = array<i64: 2, 16>, scalar_prefetch = 0 : i64, scratch_operands = 17 : i64, tpu.core_type = #tpu.core_type<sc_vector_subcore>, window_params = [{transform_indices = #map}, {transform_indices = #map1}, {transform_indices = #map1}, {transform_indices = #map2}]} {
    %scan3A = arith.constant 0 : i32
    %scan3A_0 = arith.constant 0 : i32
    %scan3A_1 = arith.constant 16 : i32
    %scan3A_2 = arith.addi %scan3A_0, %scan3A_1 : i32
    %scan3A_3 = arith.constant 1 : i32
    scf.for %scan3A_119 = %scan3A_0 to %scan3A_2 step %scan3A_3  : i32 {
      %broadcast_in_dim3A = arith.constant 0.000000e+00 : f32
      %broadcast_in_dim3A_120 = vector.broadcast %broadcast_in_dim3A : f32 to vector<16xf32>
      %swap3A = arith.index_cast %scan3A_119 : i32 to index
      %swap3A_121 = arith.constant 0 : index
      %swap3A_122 = tpu.vector_load %arg12[%swap3A, %swap3A_121] {strides = array<i32>} : memref<16x128xf32, #tpu.memory_space<vmem>>, vector<1x16xf32>,
      %swap3A_123 = vector.shape_cast %swap3A_122 : vector<1x16xf32> to vector<16xf32>
      %swap3A_124 = vector.shape_cast %broadcast_in_dim3A_120 : vector<16xf32> to vector<1x16xf32>
      tpu.vector_store %arg12[%swap3A, %swap3A_121], %swap3A_124 {strides = array<i32>} : memref<16x128xf32, #tpu.memory_space<vmem>>, vector<1x16xf32>,
      %broadcast_in_dim3A_125 = arith.constant 0.000000e+00 : f32
      %broadcast_in_dim3A_126 = vector.broadcast %broadcast_in_dim3A_125 : f32 to vector<16xf32>
      %swap3A_127 = arith.index_cast %scan3A_119 : i32 to index
      %swap3A_128 = arith.constant 16 : index
      %swap3A_129 = tpu.vector_load %arg12[%swap3A_127, %swap3A_128] {strides = array<i32>} : memref<16x128xf32, #tpu.memory_space<vmem>>, vector<1x16xf32>,
      %swap3A_130 = vector.shape_cast %swap3A_129 : vector<1x16xf32> to vector<16xf32>
      %swap3A_131 = vector.shape_cast %broadcast_in_dim3A_126 : vector<16xf32> to vector<1x16xf32>
      tpu.vector_store %arg12[%swap3A_127, %swap3A_128], %swap3A_131 {strides = array<i32>} : memref<16x128xf32, #tpu.memory_space<vmem>>, vector<1x16xf32>,
      %broadcast_in_dim3A_132 = arith.constant 0.000000e+00 : f32
      %broadcast_in_dim3A_133 = vector.broadcast %broadcast_in_dim3A_132 : f32 to vector<16xf32>
      %swap3A_134 = arith.index_cast %scan3A_119 : i32 to index
      %swap3A_135 = arith.constant 32 : index
      %swap3A_136 = tpu.vector_load %arg12[%swap3A_134, %swap3A_135] {strides = array<i32>} : memref<16x128xf32, #tpu.memory_space<vmem>>, vector<1x16xf32>,
      %swap3A_137 = vector.shape_cast %swap3A_136 : vector<1x16xf32> to vector<16xf32>
      %swap3A_138 = vector.shape_cast %broadcast_in_dim3A_133 : vector<16xf32> to vector<1x16xf32>
      tpu.vector_store %arg12[%swap3A_134, %swap3A_135], %swap3A_138 {strides = array<i32>} : memref<16x128xf32, #tpu.memory_space<vmem>>, vector<1x16xf32>,
      %broadcast_in_dim3A_139 = arith.constant 0.000000e+00 : f32
      %broadcast_in_dim3A_140 = vector.broadcast %broadcast_in_dim3A_139 : f32 to vector<16xf32>
      %swap3A_141 = arith.index_cast %scan3A_119 : i32 to index
      %swap3A_142 = arith.constant 48 : index
      %swap3A_143 = tpu.vector_load %arg12[%swap3A_141, %swap3A_142] {strides = array<i32>} : memref<16x128xf32, #tpu.memory_space<vmem>>, vector<1x16xf32>,
      %swap3A_144 = vector.shape_cast %swap3A_143 : vector<1x16xf32> to vector<16xf32>
      %swap3A_145 = vector.shape_cast %broadcast_in_dim3A_140 : vector<16xf32> to vector<1x16xf32>
      tpu.vector_store %arg12[%swap3A_141, %swap3A_142], %swap3A_145 {strides = array<i32>} : memref<16x128xf32, #tpu.memory_space<vmem>>, vector<1x16xf32>,
      %broadcast_in_dim3A_146 = arith.constant 0.000000e+00 : f32
      %broadcast_in_dim3A_147 = vector.broadcast %broadcast_in_dim3A_146 : f32 to vector<16xf32>
      %swap3A_148 = arith.index_cast %scan3A_119 : i32 to index
      %swap3A_149 = arith.constant 64 : index
      %swap3A_150 = tpu.vector_load %arg12[%swap3A_148, %swap3A_149] {strides = array<i32>} : memref<16x128xf32, #tpu.memory_space<vmem>>, vector<1x16xf32>,
      %swap3A_151 = vector.shape_cast %swap3A_150 : vector<1x16xf32> to vector<16xf32>
      %swap3A_152 = vector.shape_cast %broadcast_in_dim3A_147 : vector<16xf32> to vector<1x16xf32>
      tpu.vector_store %arg12[%swap3A_148, %swap3A_149], %swap3A_152 {strides = array<i32>} : memref<16x128xf32, #tpu.memory_space<vmem>>, vector<1x16xf32>,
      %broadcast_in_dim3A_153 = arith.constant 0.000000e+00 : f32
      %broadcast_in_dim3A_154 = vector.broadcast %broadcast_in_dim3A_153 : f32 to vector<16xf32>
      %swap3A_155 = arith.index_cast %scan3A_119 : i32 to index
      %swap3A_156 = arith.constant 80 : index
      %swap3A_157 = tpu.vector_load %arg12[%swap3A_155, %swap3A_156] {strides = array<i32>} : memref<16x128xf32, #tpu.memory_space<vmem>>, vector<1x16xf32>,
      %swap3A_158 = vector.shape_cast %swap3A_157 : vector<1x16xf32> to vector<16xf32>
      %swap3A_159 = vector.shape_cast %broadcast_in_dim3A_154 : vector<16xf32> to vector<1x16xf32>
      tpu.vector_store %arg12[%swap3A_155, %swap3A_156], %swap3A_159 {strides = array<i32>} : memref<16x128xf32, #tpu.memory_space<vmem>>, vector<1x16xf32>,
      %broadcast_in_dim3A_160 = arith.constant 0.000000e+00 : f32
      %broadcast_in_dim3A_161 = vector.broadcast %broadcast_in_dim3A_160 : f32 to vector<16xf32>
      %swap3A_162 = arith.index_cast %scan3A_119 : i32 to index
      %swap3A_163 = arith.constant 96 : index
      %swap3A_164 = tpu.vector_load %arg12[%swap3A_162, %swap3A_163] {strides = array<i32>} : memref<16x128xf32, #tpu.memory_space<vmem>>, vector<1x16xf32>,
      %swap3A_165 = vector.shape_cast %swap3A_164 : vector<1x16xf32> to vector<16xf32>
      %swap3A_166 = vector.shape_cast %broadcast_in_dim3A_161 : vector<16xf32> to vector<1x16xf32>
      tpu.vector_store %arg12[%swap3A_162, %swap3A_163], %swap3A_166 {strides = array<i32>} : memref<16x128xf32, #tpu.memory_space<vmem>>, vector<1x16xf32>,
      %broadcast_in_dim3A_167 = arith.constant 0.000000e+00 : f32
      %broadcast_in_dim3A_168 = vector.broadcast %broadcast_in_dim3A_167 : f32 to vector<16xf32>
      %swap3A_169 = arith.index_cast %scan3A_119 : i32 to index
      %swap3A_170 = arith.constant 112 : index
      %swap3A_171 = tpu.vector_load %arg12[%swap3A_169, %swap3A_170] {strides = array<i32>} : memref<16x128xf32, #tpu.memory_space<vmem>>, vector<1x16xf32>,
      %swap3A_172 = vector.shape_cast %swap3A_171 : vector<1x16xf32> to vector<16xf32>
      %swap3A_173 = vector.shape_cast %broadcast_in_dim3A_168 : vector<16xf32> to vector<1x16xf32>
      tpu.vector_store %arg12[%swap3A_169, %swap3A_170], %swap3A_173 {strides = array<i32>} : memref<16x128xf32, #tpu.memory_space<vmem>>, vector<1x16xf32>,
    }
    %scan3A_4 = arith.constant 16 : i32
    %scan3A_5 = arith.constant 0 : i32
    %scan3A_6 = arith.constant 0 : i32
    %scan3A_7 = arith.constant 39 : i32
    %scan3A_8 = arith.addi %scan3A_6, %scan3A_7 : i32
    %scan3A_9 = arith.constant 1 : i32
    scf.for %scan3A_119 = %scan3A_6 to %scan3A_8 step %scan3A_9  : i32 {
      %mul3A = arith.constant 624 : i32
      %mul3A_120 = arith.muli %arg1, %mul3A : i32
      %mul3A_121 = arith.constant 16 : i32
      %mul3A_122 = arith.muli %scan3A_119, %mul3A_121 : i32
      %add3A = arith.addi %mul3A_120, %mul3A_122 : i32
      "tpu.region"() ({
        %run_scoped3A_123 = tpu.sem_alloc : memref<!tpu.dma_semaphore, #tpu.memory_space<semaphore_mem>>
        %dma_start3A_124 = arith.constant 0 : i32
        %dma_start3A_125 = tpu.memref_slice %arg14[%add3A, %dma_start3A_124] : memref<10000x128xf32, #tpu.memory_space<vmem_shared>> -> memref<16x128xf32, #tpu.memory_space<vmem_shared>>
        %dma_start3A_126 = arith.constant 0 : i32
        %dma_start3A_127 = tpu.memref_slice %arg14[%add3A, %dma_start3A_126] : memref<10000x128xf32, #tpu.memory_space<vmem_shared>> -> memref<16x128xf32, #tpu.memory_space<vmem_shared>>
        tpu.enqueue_dma source(%arg12 : memref<16x128xf32, #tpu.memory_space<vmem>>) target(%dma_start3A_127 : memref<16x128xf32, #tpu.memory_space<vmem_shared>>) target_semaphore(%run_scoped3A_123 : memref<!tpu.dma_semaphore, #tpu.memory_space<semaphore_mem>>)
        %dma_wait3A_128 = arith.constant 0 : i32
        %dma_wait3A_129 = tpu.memref_slice %arg14[%add3A, %dma_wait3A_128] : memref<10000x128xf32, #tpu.memory_space<vmem_shared>> -> memref<16x128xf32, #tpu.memory_space<vmem_shared>>
        %dma_wait3A_130 = arith.constant 0 : i32
        %dma_wait3A_131 = tpu.memref_slice %arg14[%add3A, %dma_wait3A_130] : memref<10000x128xf32, #tpu.memory_space<vmem_shared>> -> memref<16x128xf32, #tpu.memory_space<vmem_shared>>
        tpu.wait_dma2 semaphore(%run_scoped3A_123 : memref<!tpu.dma_semaphore, #tpu.memory_space<semaphore_mem>>) src(%arg12 : memref<16x128xf32, #tpu.memory_space<vmem>>) dst(%dma_wait3A_131 : memref<16x128xf32, #tpu.memory_space<vmem_shared>>)
        tpu.yield
      }) : () -> ()
    }
    %scan3A_10 = arith.constant 39 : i32
    %eq3A = arith.constant 15 : i32
    %eq3A_11 = arith.cmpi eq, %arg1, %eq3A : i32
    %convert_element_type3A = arith.extui %eq3A_11 : i1 to i32
    %cond3A = arith.constant 0 : i32
    %cond3A_12 = arith.cmpi ne, %convert_element_type3A, %cond3A : i32
    scf.if %cond3A_12 {
      "tpu.region"() ({
        %run_scoped3A_119 = tpu.sem_alloc : memref<!tpu.dma_semaphore, #tpu.memory_space<semaphore_mem>>
        %dma_start3A_120 = arith.constant 9984 : i32
        %dma_start3A_121 = arith.constant 0 : i32
        %dma_start3A_122 = tpu.memref_slice %arg14[%dma_start3A_120, %dma_start3A_121] : memref<10000x128xf32, #tpu.memory_space<vmem_shared>> -> memref<16x128xf32, #tpu.memory_space<vmem_shared>>
        %dma_start3A_123 = arith.constant 9984 : i32
        %dma_start3A_124 = arith.constant 0 : i32
        %dma_start3A_125 = tpu.memref_slice %arg14[%dma_start3A_123, %dma_start3A_124] : memref<10000x128xf32, #tpu.memory_space<vmem_shared>> -> memref<16x128xf32, #tpu.memory_space<vmem_shared>>
        tpu.enqueue_dma source(%arg12 : memref<16x128xf32, #tpu.memory_space<vmem>>) target(%dma_start3A_125 : memref<16x128xf32, #tpu.memory_space<vmem_shared>>) target_semaphore(%run_scoped3A_119 : memref<!tpu.dma_semaphore, #tpu.memory_space<semaphore_mem>>)
        %dma_wait3A_126 = arith.constant 9984 : i32
        %dma_wait3A_127 = arith.constant 0 : i32
        %dma_wait3A_128 = tpu.memref_slice %arg14[%dma_wait3A_126, %dma_wait3A_127] : memref<10000x128xf32, #tpu.memory_space<vmem_shared>> -> memref<16x128xf32, #tpu.memory_space<vmem_shared>>
        %dma_wait3A_129 = arith.constant 9984 : i32
        %dma_wait3A_130 = arith.constant 0 : i32
        %dma_wait3A_131 = tpu.memref_slice %arg14[%dma_wait3A_129, %dma_wait3A_130] : memref<10000x128xf32, #tpu.memory_space<vmem_shared>> -> memref<16x128xf32, #tpu.memory_space<vmem_shared>>
        tpu.wait_dma2 semaphore(%run_scoped3A_119 : memref<!tpu.dma_semaphore, #tpu.memory_space<semaphore_mem>>) src(%arg12 : memref<16x128xf32, #tpu.memory_space<vmem>>) dst(%dma_wait3A_131 : memref<16x128xf32, #tpu.memory_space<vmem_shared>>)
        tpu.yield
      }) : () -> ()
    } else {
    }
    %barrier3A = arith.constant 0 : index
    tpu.barrier barrier_id(%barrier3A)
    %run_scoped3A = arith.constant 0 : i32
    "tpu.region"() ({
      %run_scoped3A_119 = tpu.sem_alloc : memref<!tpu.dma_semaphore, #tpu.memory_space<semaphore_mem>>
      %dma_start3A_120 = arith.constant 0 : i32
      %dma_start3A_121 = arith.constant 0 : i32
      %dma_start3A_122 = tpu.memref_slice %arg3[%arg0, %arg1, %run_scoped3A, %dma_start3A_120, %dma_start3A_121] : memref<2x16x80x1x125xi32, #tpu.memory_space<hbm>> -> memref<1x1x1x1x125xi32, #tpu.memory_space<hbm>>
      %dma_start3A_123 = tpu.memref_squeeze %dma_start3A_122 : memref<1x1x1x1x125xi32, #tpu.memory_space<hbm>> -> memref<1x125xi32, #tpu.memory_space<hbm>>
      %dma_start3A_124 = arith.constant 0 : i32
      %dma_start3A_125 = arith.constant 0 : i32
      %dma_start3A_126 = tpu.memref_slice %arg3[%arg0, %arg1, %run_scoped3A, %dma_start3A_124, %dma_start3A_125] : memref<2x16x80x1x125xi32, #tpu.memory_space<hbm>> -> memref<1x1x1x1x125xi32, #tpu.memory_space<hbm>>
      %dma_start3A_127 = tpu.memref_squeeze %dma_start3A_126 : memref<1x1x1x1x125xi32, #tpu.memory_space<hbm>> -> memref<1x125xi32, #tpu.memory_space<hbm>>
      tpu.enqueue_dma source(%dma_start3A_127 : memref<1x125xi32, #tpu.memory_space<hbm>>) target(%arg6 : memref<1x125xi32, #tpu.memory_space<vmem>>) target_semaphore(%run_scoped3A_119 : memref<!tpu.dma_semaphore, #tpu.memory_space<semaphore_mem>>)
      %dma_wait3A_128 = arith.constant 0 : i32
      %dma_wait3A_129 = arith.constant 0 : i32
      %dma_wait3A_130 = tpu.memref_slice %arg3[%arg0, %arg1, %run_scoped3A, %dma_wait3A_128, %dma_wait3A_129] : memref<2x16x80x1x125xi32, #tpu.memory_space<hbm>> -> memref<1x1x1x1x125xi32, #tpu.memory_space<hbm>>
      %dma_wait3A_131 = tpu.memref_squeeze %dma_wait3A_130 : memref<1x1x1x1x125xi32, #tpu.memory_space<hbm>> -> memref<1x125xi32, #tpu.memory_space<hbm>>
      %dma_wait3A_132 = arith.constant 0 : i32
      %dma_wait3A_133 = arith.constant 0 : i32
      %dma_wait3A_134 = tpu.memref_slice %arg3[%arg0, %arg1, %run_scoped3A, %dma_wait3A_132, %dma_wait3A_133] : memref<2x16x80x1x125xi32, #tpu.memory_space<hbm>> -> memref<1x1x1x1x125xi32, #tpu.memory_space<hbm>>
      %dma_wait3A_135 = tpu.memref_squeeze %dma_wait3A_134 : memref<1x1x1x1x125xi32, #tpu.memory_space<hbm>> -> memref<1x125xi32, #tpu.memory_space<hbm>>
      tpu.wait_dma2 semaphore(%run_scoped3A_119 : memref<!tpu.dma_semaphore, #tpu.memory_space<semaphore_mem>>) src(%dma_wait3A_135 : memref<1x125xi32, #tpu.memory_space<hbm>>) dst(%arg6 : memref<1x125xi32, #tpu.memory_space<vmem>>)
      tpu.yield
    }) : () -> ()
    %dma_start3A = arith.constant 0 : i32
    %dma_start3A_13 = arith.constant 0 : i32
    %dma_start3A_14 = arith.constant 0 : i32
    %dma_start3A_15 = tpu.memref_slice %arg4[%arg0, %arg1, %dma_start3A, %dma_start3A_13, %dma_start3A_14] : memref<2x16x80x1x125xi32, #tpu.memory_space<hbm>> -> memref<1x1x1x1x125xi32, #tpu.memory_space<hbm>>
    %dma_start3A_16 = tpu.memref_squeeze %dma_start3A_15 : memref<1x1x1x1x125xi32, #tpu.memory_space<hbm>> -> memref<1x125xi32, #tpu.memory_space<hbm>>
    %dma_start3A_17 = arith.constant 0 : i32
    %dma_start3A_18 = arith.constant 0 : i32
    %dma_start3A_19 = tpu.memref_slice %arg4[%arg0, %arg1, %dma_start3A, %dma_start3A_17, %dma_start3A_18] : memref<2x16x80x1x125xi32, #tpu.memory_space<hbm>> -> memref<1x1x1x1x125xi32, #tpu.memory_space<hbm>>
    %dma_start3A_20 = tpu.memref_squeeze %dma_start3A_19 : memref<1x1x1x1x125xi32, #tpu.memory_space<hbm>> -> memref<1x125xi32, #tpu.memory_space<hbm>>
    tpu.enqueue_dma source(%dma_start3A_20 : memref<1x125xi32, #tpu.memory_space<hbm>>) target(%arg8 : memref<1x125xi32, #tpu.memory_space<vmem>>) target_semaphore(%arg19 : memref<!tpu.dma_semaphore, #tpu.memory_space<semaphore_mem>>)
    %dma_start3A_21 = arith.constant 0 : i32
    %dma_start3A_22 = arith.constant 0 : i32
    %dma_start3A_23 = tpu.memref_slice %arg6[%dma_start3A_21, %dma_start3A_22] : memref<1x125xi32, #tpu.memory_space<vmem>> -> memref<1x125xi32, #tpu.memory_space<vmem>>
    %dma_start3A_24 = tpu.memref_squeeze %dma_start3A_23 : memref<1x125xi32, #tpu.memory_space<vmem>> -> memref<125xi32, #tpu.memory_space<vmem>>
    %dma_start3A_25 = arith.constant 0 : i32
    %dma_start3A_26 = arith.constant 0 : i32
    %dma_start3A_27 = tpu.memref_slice %arg2[%dma_start3A_25, %dma_start3A_26] : memref<10000x128xf32, #tpu.memory_space<hbm>> -> memref<10000x128xf32, #tpu.memory_space<hbm>>
    tpu.enqueue_indirect_dma source(%dma_start3A_27 : memref<10000x128xf32, #tpu.memory_space<hbm>>) target(%arg10 : memref<125x128xf32, #tpu.memory_space<vmem>>) offsets(%dma_start3A_24 : memref<125xi32, #tpu.memory_space<vmem>>) semaphore(%arg15 : memref<!tpu.dma_semaphore, #tpu.memory_space<semaphore_mem>>)
    %dma_start3A_28 = arith.constant 1 : i32
    %dma_start3A_29 = arith.constant 0 : i32
    %dma_start3A_30 = arith.constant 0 : i32
    %dma_start3A_31 = tpu.memref_slice %arg3[%arg0, %arg1, %dma_start3A_28, %dma_start3A_29, %dma_start3A_30] : memref<2x16x80x1x125xi32, #tpu.memory_space<hbm>> -> memref<1x1x1x1x125xi32, #tpu.memory_space<hbm>>
    %dma_start3A_32 = tpu.memref_squeeze %dma_start3A_31 : memref<1x1x1x1x125xi32, #tpu.memory_space<hbm>> -> memref<1x125xi32, #tpu.memory_space<hbm>>
    %dma_start3A_33 = arith.constant 0 : i32
    %dma_start3A_34 = arith.constant 0 : i32
    %dma_start3A_35 = tpu.memref_slice %arg3[%arg0, %arg1, %dma_start3A_28, %dma_start3A_33, %dma_start3A_34] : memref<2x16x80x1x125xi32, #tpu.memory_space<hbm>> -> memref<1x1x1x1x125xi32, #tpu.memory_space<hbm>>
    %dma_start3A_36 = tpu.memref_squeeze %dma_start3A_35 : memref<1x1x1x1x125xi32, #tpu.memory_space<hbm>> -> memref<1x125xi32, #tpu.memory_space<hbm>>
    tpu.enqueue_dma source(%dma_start3A_36 : memref<1x125xi32, #tpu.memory_space<hbm>>) target(%arg7 : memref<1x125xi32, #tpu.memory_space<vmem>>) target_semaphore(%arg18 : memref<!tpu.dma_semaphore, #tpu.memory_space<semaphore_mem>>)
    %dma_start3A_37 = arith.constant 1 : i32
    %dma_start3A_38 = arith.constant 0 : i32
    %dma_start3A_39 = arith.constant 0 : i32
    %dma_start3A_40 = tpu.memref_slice %arg4[%arg0, %arg1, %dma_start3A_37, %dma_start3A_38, %dma_start3A_39] : memref<2x16x80x1x125xi32, #tpu.memory_space<hbm>> -> memref<1x1x1x1x125xi32, #tpu.memory_space<hbm>>
    %dma_start3A_41 = tpu.memref_squeeze %dma_start3A_40 : memref<1x1x1x1x125xi32, #tpu.memory_space<hbm>> -> memref<1x125xi32, #tpu.memory_space<hbm>>
    %dma_start3A_42 = arith.constant 0 : i32
    %dma_start3A_43 = arith.constant 0 : i32
    %dma_start3A_44 = tpu.memref_slice %arg4[%arg0, %arg1, %dma_start3A_37, %dma_start3A_42, %dma_start3A_43] : memref<2x16x80x1x125xi32, #tpu.memory_space<hbm>> -> memref<1x1x1x1x125xi32, #tpu.memory_space<hbm>>
    %dma_start3A_45 = tpu.memref_squeeze %dma_start3A_44 : memref<1x1x1x1x125xi32, #tpu.memory_space<hbm>> -> memref<1x125xi32, #tpu.memory_space<hbm>>
    tpu.enqueue_dma source(%dma_start3A_45 : memref<1x125xi32, #tpu.memory_space<hbm>>) target(%arg9 : memref<1x125xi32, #tpu.memory_space<vmem>>) target_semaphore(%arg20 : memref<!tpu.dma_semaphore, #tpu.memory_space<semaphore_mem>>)
    %scan3A_46 = arith.constant 0 : i32
    %scan3A_47 = arith.constant 0 : i32
    %scan3A_48 = arith.constant 39 : i32
    %scan3A_49 = arith.addi %scan3A_47, %scan3A_48 : i32
    %scan3A_50 = arith.constant 1 : i32
    scf.for %scan3A_119 = %scan3A_47 to %scan3A_49 step %scan3A_50  : i32 {
      %mul3A = arith.constant 2 : i32
      %mul3A_120 = arith.muli %mul3A, %scan3A_119 : i32
      %add3A = arith.constant 0 : i32
      %add3A_121 = arith.addi %mul3A_120, %add3A : i32
      %dma_wait3A_122 = arith.constant 0 : i32
      %dma_wait3A_123 = arith.constant 0 : i32
      %dma_wait3A_124 = tpu.memref_slice %arg6[%dma_wait3A_122, %dma_wait3A_123] : memref<1x125xi32, #tpu.memory_space<vmem>> -> memref<1x125xi32, #tpu.memory_space<vmem>>
      %dma_wait3A_125 = tpu.memref_squeeze %dma_wait3A_124 : memref<1x125xi32, #tpu.memory_space<vmem>> -> memref<125xi32, #tpu.memory_space<vmem>>
      %dma_wait3A_126 = arith.constant 0 : i32
      %dma_wait3A_127 = arith.constant 0 : i32
      %dma_wait3A_128 = tpu.memref_slice %arg2[%dma_wait3A_126, %dma_wait3A_127] : memref<10000x128xf32, #tpu.memory_space<hbm>> -> memref<10000x128xf32, #tpu.memory_space<hbm>>
      tpu.wait_indirect_dma semaphore(%arg15 : memref<!tpu.dma_semaphore, #tpu.memory_space<semaphore_mem>>) src(%dma_wait3A_128 : memref<10000x128xf32, #tpu.memory_space<hbm>>) dst(%arg10 : memref<125x128xf32, #tpu.memory_space<vmem>>)
      %dma_wait3A_129 = arith.constant 0 : i32
      %dma_wait3A_130 = arith.constant 0 : i32
      %dma_wait3A_131 = arith.constant 0 : i32
      %dma_wait3A_132 = arith.constant 0 : i32
      %dma_wait3A_133 = arith.constant 0 : i32
      %dma_wait3A_134 = tpu.memref_slice %arg3[%dma_wait3A_129, %dma_wait3A_130, %dma_wait3A_131, %dma_wait3A_132, %dma_wait3A_133] : memref<2x16x80x1x125xi32, #tpu.memory_space<hbm>> -> memref<1x1x1x1x125xi32, #tpu.memory_space<hbm>>
      %dma_wait3A_135 = tpu.memref_squeeze %dma_wait3A_134 : memref<1x1x1x1x125xi32, #tpu.memory_space<hbm>> -> memref<1x125xi32, #tpu.memory_space<hbm>>
      %dma_wait3A_136 = arith.constant 0 : i32
      %dma_wait3A_137 = arith.constant 0 : i32
      %dma_wait3A_138 = tpu.memref_slice %arg3[%dma_wait3A_129, %dma_wait3A_130, %dma_wait3A_131, %dma_wait3A_136, %dma_wait3A_137] : memref<2x16x80x1x125xi32, #tpu.memory_space<hbm>> -> memref<1x1x1x1x125xi32, #tpu.memory_space<hbm>>
      %dma_wait3A_139 = tpu.memref_squeeze %dma_wait3A_138 : memref<1x1x1x1x125xi32, #tpu.memory_space<hbm>> -> memref<1x125xi32, #tpu.memory_space<hbm>>
      tpu.wait_dma2 semaphore(%arg18 : memref<!tpu.dma_semaphore, #tpu.memory_space<semaphore_mem>>) src(%dma_wait3A_139 : memref<1x125xi32, #tpu.memory_space<hbm>>) dst(%arg7 : memref<1x125xi32, #tpu.memory_space<vmem>>)
      %dma_start3A_140 = arith.constant 0 : i32
      %dma_start3A_141 = arith.constant 0 : i32
      %dma_start3A_142 = tpu.memref_slice %arg7[%dma_start3A_140, %dma_start3A_141] : memref<1x125xi32, #tpu.memory_space<vmem>> -> memref<1x125xi32, #tpu.memory_space<vmem>>
      %dma_start3A_143 = tpu.memref_squeeze %dma_start3A_142 : memref<1x125xi32, #tpu.memory_space<vmem>> -> memref<125xi32, #tpu.memory_space<vmem>>
      %dma_start3A_144 = arith.constant 0 : i32
      %dma_start3A_145 = arith.constant 0 : i32
      %dma_start3A_146 = tpu.memref_slice %arg2[%dma_start3A_144, %dma_start3A_145] : memref<10000x128xf32, #tpu.memory_space<hbm>> -> memref<10000x128xf32, #tpu.memory_space<hbm>>
      tpu.enqueue_indirect_dma source(%dma_start3A_146 : memref<10000x128xf32, #tpu.memory_space<hbm>>) target(%arg11 : memref<125x128xf32, #tpu.memory_space<vmem>>) offsets(%dma_start3A_143 : memref<125xi32, #tpu.memory_space<vmem>>) semaphore(%arg16 : memref<!tpu.dma_semaphore, #tpu.memory_space<semaphore_mem>>)
      %add3A_147 = arith.constant 2 : i32
      %add3A_148 = arith.addi %add3A_121, %add3A_147 : i32
      %dma_start3A_149 = arith.constant 0 : i32
      %dma_start3A_150 = arith.constant 0 : i32
      %dma_start3A_151 = tpu.memref_slice %arg3[%arg0, %arg1, %add3A_148, %dma_start3A_149, %dma_start3A_150] : memref<2x16x80x1x125xi32, #tpu.memory_space<hbm>> -> memref<1x1x1x1x125xi32, #tpu.memory_space<hbm>>
      %dma_start3A_152 = tpu.memref_squeeze %dma_start3A_151 : memref<1x1x1x1x125xi32, #tpu.memory_space<hbm>> -> memref<1x125xi32, #tpu.memory_space<hbm>>
      %dma_start3A_153 = arith.constant 0 : i32
      %dma_start3A_154 = arith.constant 0 : i32
      %dma_start3A_155 = tpu.memref_slice %arg3[%arg0, %arg1, %add3A_148, %dma_start3A_153, %dma_start3A_154] : memref<2x16x80x1x125xi32, #tpu.memory_space<hbm>> -> memref<1x1x1x1x125xi32, #tpu.memory_space<hbm>>
      %dma_start3A_156 = tpu.memref_squeeze %dma_start3A_155 : memref<1x1x1x1x125xi32, #tpu.memory_space<hbm>> -> memref<1x125xi32, #tpu.memory_space<hbm>>
      tpu.enqueue_dma source(%dma_start3A_156 : memref<1x125xi32, #tpu.memory_space<hbm>>) target(%arg6 : memref<1x125xi32, #tpu.memory_space<vmem>>) target_semaphore(%arg17 : memref<!tpu.dma_semaphore, #tpu.memory_space<semaphore_mem>>)
      %dma_wait3A_157 = arith.constant 0 : i32
      %dma_wait3A_158 = arith.constant 0 : i32
      %dma_wait3A_159 = arith.constant 0 : i32
      %dma_wait3A_160 = arith.constant 0 : i32
      %dma_wait3A_161 = arith.constant 0 : i32
      %dma_wait3A_162 = tpu.memref_slice %arg4[%dma_wait3A_157, %dma_wait3A_158, %dma_wait3A_159, %dma_wait3A_160, %dma_wait3A_161] : memref<2x16x80x1x125xi32, #tpu.memory_space<hbm>> -> memref<1x1x1x1x125xi32, #tpu.memory_space<hbm>>
      %dma_wait3A_163 = tpu.memref_squeeze %dma_wait3A_162 : memref<1x1x1x1x125xi32, #tpu.memory_space<hbm>> -> memref<1x125xi32, #tpu.memory_space<hbm>>
      %dma_wait3A_164 = arith.constant 0 : i32
      %dma_wait3A_165 = arith.constant 0 : i32
      %dma_wait3A_166 = tpu.memref_slice %arg4[%dma_wait3A_157, %dma_wait3A_158, %dma_wait3A_159, %dma_wait3A_164, %dma_wait3A_165] : memref<2x16x80x1x125xi32, #tpu.memory_space<hbm>> -> memref<1x1x1x1x125xi32, #tpu.memory_space<hbm>>
      %dma_wait3A_167 = tpu.memref_squeeze %dma_wait3A_166 : memref<1x1x1x1x125xi32, #tpu.memory_space<hbm>> -> memref<1x125xi32, #tpu.memory_space<hbm>>
      tpu.wait_dma2 semaphore(%arg19 : memref<!tpu.dma_semaphore, #tpu.memory_space<semaphore_mem>>) src(%dma_wait3A_167 : memref<1x125xi32, #tpu.memory_space<hbm>>) dst(%arg8 : memref<1x125xi32, #tpu.memory_space<vmem>>)
      %run_scoped3A_168 = arith.constant 0 : i32
      "tpu.region"() ({
        %run_scoped3A_240 = tpu.sem_alloc : memref<!tpu.dma_semaphore, #tpu.memory_space<semaphore_mem>>
        %dma_start3A_241 = arith.constant 0 : i32
        %dma_start3A_242 = tpu.memref_slice %arg8[%run_scoped3A_168, %dma_start3A_241] : memref<1x125xi32, #tpu.memory_space<vmem>> -> memref<1x125xi32, #tpu.memory_space<vmem>>
        %dma_start3A_243 = tpu.memref_squeeze %dma_start3A_242 : memref<1x125xi32, #tpu.memory_space<vmem>> -> memref<125xi32, #tpu.memory_space<vmem>>
        %dma_start3A_244 = arith.constant 0 : i32
        %dma_start3A_245 = arith.constant 0 : i32
        %dma_start3A_246 = tpu.memref_slice %arg14[%dma_start3A_244, %dma_start3A_245] : memref<10000x128xf32, #tpu.memory_space<vmem_shared>> -> memref<10000x128xf32, #tpu.memory_space<vmem_shared>>
        tpu.enqueue_indirect_dma source(%arg10 : memref<125x128xf32, #tpu.memory_space<vmem>>) target(%dma_start3A_246 : memref<10000x128xf32, #tpu.memory_space<vmem_shared>>) offsets(%dma_start3A_243 : memref<125xi32, #tpu.memory_space<vmem>>) semaphore(%run_scoped3A_240 : memref<!tpu.dma_semaphore, #tpu.memory_space<semaphore_mem>>) {add = true}
        %dma_wait3A_247 = arith.constant 0 : i32
        %dma_wait3A_248 = tpu.memref_slice %arg8[%run_scoped3A_168, %dma_wait3A_247] : memref<1x125xi32, #tpu.memory_space<vmem>> -> memref<1x125xi32, #tpu.memory_space<vmem>>
        %dma_wait3A_249 = tpu.memref_squeeze %dma_wait3A_248 : memref<1x125xi32, #tpu.memory_space<vmem>> -> memref<125xi32, #tpu.memory_space<vmem>>
        %dma_wait3A_250 = arith.constant 0 : i32
        %dma_wait3A_251 = arith.constant 0 : i32
        %dma_wait3A_252 = tpu.memref_slice %arg14[%dma_wait3A_250, %dma_wait3A_251] : memref<10000x128xf32, #tpu.memory_space<vmem_shared>> -> memref<10000x128xf32, #tpu.memory_space<vmem_shared>>
        tpu.wait_indirect_dma semaphore(%run_scoped3A_240 : memref<!tpu.dma_semaphore, #tpu.memory_space<semaphore_mem>>) src(%arg10 : memref<125x128xf32, #tpu.memory_space<vmem>>) dst(%dma_wait3A_252 : memref<10000x128xf32, #tpu.memory_space<vmem_shared>>)
        tpu.yield
      }) : () -> ()
      %add3A_169 = arith.constant 2 : i32
      %add3A_170 = arith.addi %add3A_121, %add3A_169 : i32
      %dma_start3A_171 = arith.constant 0 : i32
      %dma_start3A_172 = arith.constant 0 : i32
      %dma_start3A_173 = tpu.memref_slice %arg4[%arg0, %arg1, %add3A_170, %dma_start3A_171, %dma_start3A_172] : memref<2x16x80x1x125xi32, #tpu.memory_space<hbm>> -> memref<1x1x1x1x125xi32, #tpu.memory_space<hbm>>
      %dma_start3A_174 = tpu.memref_squeeze %dma_start3A_173 : memref<1x1x1x1x125xi32, #tpu.memory_space<hbm>> -> memref<1x125xi32, #tpu.memory_space<hbm>>
      %dma_start3A_175 = arith.constant 0 : i32
      %dma_start3A_176 = arith.constant 0 : i32
      %dma_start3A_177 = tpu.memref_slice %arg4[%arg0, %arg1, %add3A_170, %dma_start3A_175, %dma_start3A_176] : memref<2x16x80x1x125xi32, #tpu.memory_space<hbm>> -> memref<1x1x1x1x125xi32, #tpu.memory_space<hbm>>
      %dma_start3A_178 = tpu.memref_squeeze %dma_start3A_177 : memref<1x1x1x1x125xi32, #tpu.memory_space<hbm>> -> memref<1x125xi32, #tpu.memory_space<hbm>>
      tpu.enqueue_dma source(%dma_start3A_178 : memref<1x125xi32, #tpu.memory_space<hbm>>) target(%arg8 : memref<1x125xi32, #tpu.memory_space<vmem>>) target_semaphore(%arg19 : memref<!tpu.dma_semaphore, #tpu.memory_space<semaphore_mem>>)
      %mul3A_179 = arith.constant 2 : i32
      %mul3A_180 = arith.muli %mul3A_179, %scan3A_119 : i32
      %add3A_181 = arith.constant 1 : i32
      %add3A_182 = arith.addi %mul3A_180, %add3A_181 : i32
      %dma_wait3A_183 = arith.constant 0 : i32
      %dma_wait3A_184 = arith.constant 0 : i32
      %dma_wait3A_185 = tpu.memref_slice %arg7[%dma_wait3A_183, %dma_wait3A_184] : memref<1x125xi32, #tpu.memory_space<vmem>> -> memref<1x125xi32, #tpu.memory_space<vmem>>
      %dma_wait3A_186 = tpu.memref_squeeze %dma_wait3A_185 : memref<1x125xi32, #tpu.memory_space<vmem>> -> memref<125xi32, #tpu.memory_space<vmem>>
      %dma_wait3A_187 = arith.constant 0 : i32
      %dma_wait3A_188 = arith.constant 0 : i32
      %dma_wait3A_189 = tpu.memref_slice %arg2[%dma_wait3A_187, %dma_wait3A_188] : memref<10000x128xf32, #tpu.memory_space<hbm>> -> memref<10000x128xf32, #tpu.memory_space<hbm>>
      tpu.wait_indirect_dma semaphore(%arg16 : memref<!tpu.dma_semaphore, #tpu.memory_space<semaphore_mem>>) src(%dma_wait3A_189 : memref<10000x128xf32, #tpu.memory_space<hbm>>) dst(%arg11 : memref<125x128xf32, #tpu.memory_space<vmem>>)
      %dma_wait3A_190 = arith.constant 0 : i32
      %dma_wait3A_191 = arith.constant 0 : i32
      %dma_wait3A_192 = arith.constant 0 : i32
      %dma_wait3A_193 = arith.constant 0 : i32
      %dma_wait3A_194 = arith.constant 0 : i32
      %dma_wait3A_195 = tpu.memref_slice %arg3[%dma_wait3A_190, %dma_wait3A_191, %dma_wait3A_192, %dma_wait3A_193, %dma_wait3A_194] : memref<2x16x80x1x125xi32, #tpu.memory_space<hbm>> -> memref<1x1x1x1x125xi32, #tpu.memory_space<hbm>>
      %dma_wait3A_196 = tpu.memref_squeeze %dma_wait3A_195 : memref<1x1x1x1x125xi32, #tpu.memory_space<hbm>> -> memref<1x125xi32, #tpu.memory_space<hbm>>
      %dma_wait3A_197 = arith.constant 0 : i32
      %dma_wait3A_198 = arith.constant 0 : i32
      %dma_wait3A_199 = tpu.memref_slice %arg3[%dma_wait3A_190, %dma_wait3A_191, %dma_wait3A_192, %dma_wait3A_197, %dma_wait3A_198] : memref<2x16x80x1x125xi32, #tpu.memory_space<hbm>> -> memref<1x1x1x1x125xi32, #tpu.memory_space<hbm>>
      %dma_wait3A_200 = tpu.memref_squeeze %dma_wait3A_199 : memref<1x1x1x1x125xi32, #tpu.memory_space<hbm>> -> memref<1x125xi32, #tpu.memory_space<hbm>>
      tpu.wait_dma2 semaphore(%arg17 : memref<!tpu.dma_semaphore, #tpu.memory_space<semaphore_mem>>) src(%dma_wait3A_200 : memref<1x125xi32, #tpu.memory_space<hbm>>) dst(%arg6 : memref<1x125xi32, #tpu.memory_space<vmem>>)
      %dma_start3A_201 = arith.constant 0 : i32
      %dma_start3A_202 = arith.constant 0 : i32
      %dma_start3A_203 = tpu.memref_slice %arg6[%dma_start3A_201, %dma_start3A_202] : memref<1x125xi32, #tpu.memory_space<vmem>> -> memref<1x125xi32, #tpu.memory_space<vmem>>
      %dma_start3A_204 = tpu.memref_squeeze %dma_start3A_203 : memref<1x125xi32, #tpu.memory_space<vmem>> -> memref<125xi32, #tpu.memory_space<vmem>>
      %dma_start3A_205 = arith.constant 0 : i32
      %dma_start3A_206 = arith.constant 0 : i32
      %dma_start3A_207 = tpu.memref_slice %arg2[%dma_start3A_205, %dma_start3A_206] : memref<10000x128xf32, #tpu.memory_space<hbm>> -> memref<10000x128xf32, #tpu.memory_space<hbm>>
      tpu.enqueue_indirect_dma source(%dma_start3A_207 : memref<10000x128xf32, #tpu.memory_space<hbm>>) target(%arg10 : memref<125x128xf32, #tpu.memory_space<vmem>>) offsets(%dma_start3A_204 : memref<125xi32, #tpu.memory_space<vmem>>) semaphore(%arg15 : memref<!tpu.dma_semaphore, #tpu.memory_space<semaphore_mem>>)
      %add3A_208 = arith.constant 2 : i32
      %add3A_209 = arith.addi %add3A_182, %add3A_208 : i32
      %dma_start3A_210 = arith.constant 0 : i32
      %dma_start3A_211 = arith.constant 0 : i32
      %dma_start3A_212 = tpu.memref_slice %arg3[%arg0, %arg1, %add3A_209, %dma_start3A_210, %dma_start3A_211] : memref<2x16x80x1x125xi32, #tpu.memory_space<hbm>> -> memref<1x1x1x1x125xi32, #tpu.memory_space<hbm>>
      %dma_start3A_213 = tpu.memref_squeeze %dma_start3A_212 : memref<1x1x1x1x125xi32, #tpu.memory_space<hbm>> -> memref<1x125xi32, #tpu.memory_space<hbm>>
      %dma_start3A_214 = arith.constant 0 : i32
      %dma_start3A_215 = arith.constant 0 : i32
      %dma_start3A_216 = tpu.memref_slice %arg3[%arg0, %arg1, %add3A_209, %dma_start3A_214, %dma_start3A_215] : memref<2x16x80x1x125xi32, #tpu.memory_space<hbm>> -> memref<1x1x1x1x125xi32, #tpu.memory_space<hbm>>
      %dma_start3A_217 = tpu.memref_squeeze %dma_start3A_216 : memref<1x1x1x1x125xi32, #tpu.memory_space<hbm>> -> memref<1x125xi32, #tpu.memory_space<hbm>>
      tpu.enqueue_dma source(%dma_start3A_217 : memref<1x125xi32, #tpu.memory_space<hbm>>) target(%arg7 : memref<1x125xi32, #tpu.memory_space<vmem>>) target_semaphore(%arg18 : memref<!tpu.dma_semaphore, #tpu.memory_space<semaphore_mem>>)
      %dma_wait3A_218 = arith.constant 0 : i32
      %dma_wait3A_219 = arith.constant 0 : i32
      %dma_wait3A_220 = arith.constant 0 : i32
      %dma_wait3A_221 = arith.constant 0 : i32
      %dma_wait3A_222 = arith.constant 0 : i32
      %dma_wait3A_223 = tpu.memref_slice %arg4[%dma_wait3A_218, %dma_wait3A_219, %dma_wait3A_220, %dma_wait3A_221, %dma_wait3A_222] : memref<2x16x80x1x125xi32, #tpu.memory_space<hbm>> -> memref<1x1x1x1x125xi32, #tpu.memory_space<hbm>>
      %dma_wait3A_224 = tpu.memref_squeeze %dma_wait3A_223 : memref<1x1x1x1x125xi32, #tpu.memory_space<hbm>> -> memref<1x125xi32, #tpu.memory_space<hbm>>
      %dma_wait3A_225 = arith.constant 0 : i32
      %dma_wait3A_226 = arith.constant 0 : i32
      %dma_wait3A_227 = tpu.memref_slice %arg4[%dma_wait3A_218, %dma_wait3A_219, %dma_wait3A_220, %dma_wait3A_225, %dma_wait3A_226] : memref<2x16x80x1x125xi32, #tpu.memory_space<hbm>> -> memref<1x1x1x1x125xi32, #tpu.memory_space<hbm>>
      %dma_wait3A_228 = tpu.memref_squeeze %dma_wait3A_227 : memref<1x1x1x1x125xi32, #tpu.memory_space<hbm>> -> memref<1x125xi32, #tpu.memory_space<hbm>>
      tpu.wait_dma2 semaphore(%arg20 : memref<!tpu.dma_semaphore, #tpu.memory_space<semaphore_mem>>) src(%dma_wait3A_228 : memref<1x125xi32, #tpu.memory_space<hbm>>) dst(%arg9 : memref<1x125xi32, #tpu.memory_space<vmem>>)
      %run_scoped3A_229 = arith.constant 0 : i32
      "tpu.region"() ({
        %run_scoped3A_240 = tpu.sem_alloc : memref<!tpu.dma_semaphore, #tpu.memory_space<semaphore_mem>>
        %dma_start3A_241 = arith.constant 0 : i32
        %dma_start3A_242 = tpu.memref_slice %arg9[%run_scoped3A_229, %dma_start3A_241] : memref<1x125xi32, #tpu.memory_space<vmem>> -> memref<1x125xi32, #tpu.memory_space<vmem>>
        %dma_start3A_243 = tpu.memref_squeeze %dma_start3A_242 : memref<1x125xi32, #tpu.memory_space<vmem>> -> memref<125xi32, #tpu.memory_space<vmem>>
        %dma_start3A_244 = arith.constant 0 : i32
        %dma_start3A_245 = arith.constant 0 : i32
        %dma_start3A_246 = tpu.memref_slice %arg14[%dma_start3A_244, %dma_start3A_245] : memref<10000x128xf32, #tpu.memory_space<vmem_shared>> -> memref<10000x128xf32, #tpu.memory_space<vmem_shared>>
        tpu.enqueue_indirect_dma source(%arg11 : memref<125x128xf32, #tpu.memory_space<vmem>>) target(%dma_start3A_246 : memref<10000x128xf32, #tpu.memory_space<vmem_shared>>) offsets(%dma_start3A_243 : memref<125xi32, #tpu.memory_space<vmem>>) semaphore(%run_scoped3A_240 : memref<!tpu.dma_semaphore, #tpu.memory_space<semaphore_mem>>) {add = true}
        %dma_wait3A_247 = arith.constant 0 : i32
        %dma_wait3A_248 = tpu.memref_slice %arg9[%run_scoped3A_229, %dma_wait3A_247] : memref<1x125xi32, #tpu.memory_space<vmem>> -> memref<1x125xi32, #tpu.memory_space<vmem>>
        %dma_wait3A_249 = tpu.memref_squeeze %dma_wait3A_248 : memref<1x125xi32, #tpu.memory_space<vmem>> -> memref<125xi32, #tpu.memory_space<vmem>>
        %dma_wait3A_250 = arith.constant 0 : i32
        %dma_wait3A_251 = arith.constant 0 : i32
        %dma_wait3A_252 = tpu.memref_slice %arg14[%dma_wait3A_250, %dma_wait3A_251] : memref<10000x128xf32, #tpu.memory_space<vmem_shared>> -> memref<10000x128xf32, #tpu.memory_space<vmem_shared>>
        tpu.wait_indirect_dma semaphore(%run_scoped3A_240 : memref<!tpu.dma_semaphore, #tpu.memory_space<semaphore_mem>>) src(%arg11 : memref<125x128xf32, #tpu.memory_space<vmem>>) dst(%dma_wait3A_252 : memref<10000x128xf32, #tpu.memory_space<vmem_shared>>)
        tpu.yield
      }) : () -> ()
      %add3A_230 = arith.constant 2 : i32
      %add3A_231 = arith.addi %add3A_182, %add3A_230 : i32
      %dma_start3A_232 = arith.constant 0 : i32
      %dma_start3A_233 = arith.constant 0 : i32
      %dma_start3A_234 = tpu.memref_slice %arg4[%arg0, %arg1, %add3A_231, %dma_start3A_232, %dma_start3A_233] : memref<2x16x80x1x125xi32, #tpu.memory_space<hbm>> -> memref<1x1x1x1x125xi32, #tpu.memory_space<hbm>>
      %dma_start3A_235 = tpu.memref_squeeze %dma_start3A_234 : memref<1x1x1x1x125xi32, #tpu.memory_space<hbm>> -> memref<1x125xi32, #tpu.memory_space<hbm>>
      %dma_start3A_236 = arith.constant 0 : i32
      %dma_start3A_237 = arith.constant 0 : i32
      %dma_start3A_238 = tpu.memref_slice %arg4[%arg0, %arg1, %add3A_231, %dma_start3A_236, %dma_start3A_237] : memref<2x16x80x1x125xi32, #tpu.memory_space<hbm>> -> memref<1x1x1x1x125xi32, #tpu.memory_space<hbm>>
      %dma_start3A_239 = tpu.memref_squeeze %dma_start3A_238 : memref<1x1x1x1x125xi32, #tpu.memory_space<hbm>> -> memref<1x125xi32, #tpu.memory_space<hbm>>
      tpu.enqueue_dma source(%dma_start3A_239 : memref<1x125xi32, #tpu.memory_space<hbm>>) target(%arg9 : memref<1x125xi32, #tpu.memory_space<vmem>>) target_semaphore(%arg20 : memref<!tpu.dma_semaphore, #tpu.memory_space<semaphore_mem>>)
    }
    %scan3A_51 = arith.constant 39 : i32
    %dma_wait3A = arith.constant 0 : i32
    %dma_wait3A_52 = arith.constant 0 : i32
    %dma_wait3A_53 = tpu.memref_slice %arg6[%dma_wait3A, %dma_wait3A_52] : memref<1x125xi32, #tpu.memory_space<vmem>> -> memref<1x125xi32, #tpu.memory_space<vmem>>
    %dma_wait3A_54 = tpu.memref_squeeze %dma_wait3A_53 : memref<1x125xi32, #tpu.memory_space<vmem>> -> memref<125xi32, #tpu.memory_space<vmem>>
    %dma_wait3A_55 = arith.constant 0 : i32
    %dma_wait3A_56 = arith.constant 0 : i32
    %dma_wait3A_57 = tpu.memref_slice %arg2[%dma_wait3A_55, %dma_wait3A_56] : memref<10000x128xf32, #tpu.memory_space<hbm>> -> memref<10000x128xf32, #tpu.memory_space<hbm>>
    tpu.wait_indirect_dma semaphore(%arg15 : memref<!tpu.dma_semaphore, #tpu.memory_space<semaphore_mem>>) src(%dma_wait3A_57 : memref<10000x128xf32, #tpu.memory_space<hbm>>) dst(%arg10 : memref<125x128xf32, #tpu.memory_space<vmem>>)
    %dma_wait3A_58 = arith.constant 0 : i32
    %dma_wait3A_59 = arith.constant 0 : i32
    %dma_wait3A_60 = arith.constant 0 : i32
    %dma_wait3A_61 = arith.constant 0 : i32
    %dma_wait3A_62 = arith.constant 0 : i32
    %dma_wait3A_63 = tpu.memref_slice %arg3[%dma_wait3A_58, %dma_wait3A_59, %dma_wait3A_60, %dma_wait3A_61, %dma_wait3A_62] : memref<2x16x80x1x125xi32, #tpu.memory_space<hbm>> -> memref<1x1x1x1x125xi32, #tpu.memory_space<hbm>>
    %dma_wait3A_64 = tpu.memref_squeeze %dma_wait3A_63 : memref<1x1x1x1x125xi32, #tpu.memory_space<hbm>> -> memref<1x125xi32, #tpu.memory_space<hbm>>
    %dma_wait3A_65 = arith.constant 0 : i32
    %dma_wait3A_66 = arith.constant 0 : i32
    %dma_wait3A_67 = tpu.memref_slice %arg3[%dma_wait3A_58, %dma_wait3A_59, %dma_wait3A_60, %dma_wait3A_65, %dma_wait3A_66] : memref<2x16x80x1x125xi32, #tpu.memory_space<hbm>> -> memref<1x1x1x1x125xi32, #tpu.memory_space<hbm>>
    %dma_wait3A_68 = tpu.memref_squeeze %dma_wait3A_67 : memref<1x1x1x1x125xi32, #tpu.memory_space<hbm>> -> memref<1x125xi32, #tpu.memory_space<hbm>>
    tpu.wait_dma2 semaphore(%arg18 : memref<!tpu.dma_semaphore, #tpu.memory_space<semaphore_mem>>) src(%dma_wait3A_68 : memref<1x125xi32, #tpu.memory_space<hbm>>) dst(%arg7 : memref<1x125xi32, #tpu.memory_space<vmem>>)
    %dma_start3A_69 = arith.constant 0 : i32
    %dma_start3A_70 = arith.constant 0 : i32
    %dma_start3A_71 = tpu.memref_slice %arg7[%dma_start3A_69, %dma_start3A_70] : memref<1x125xi32, #tpu.memory_space<vmem>> -> memref<1x125xi32, #tpu.memory_space<vmem>>
    %dma_start3A_72 = tpu.memref_squeeze %dma_start3A_71 : memref<1x125xi32, #tpu.memory_space<vmem>> -> memref<125xi32, #tpu.memory_space<vmem>>
    %dma_start3A_73 = arith.constant 0 : i32
    %dma_start3A_74 = arith.constant 0 : i32
    %dma_start3A_75 = tpu.memref_slice %arg2[%dma_start3A_73, %dma_start3A_74] : memref<10000x128xf32, #tpu.memory_space<hbm>> -> memref<10000x128xf32, #tpu.memory_space<hbm>>
    tpu.enqueue_indirect_dma source(%dma_start3A_75 : memref<10000x128xf32, #tpu.memory_space<hbm>>) target(%arg11 : memref<125x128xf32, #tpu.memory_space<vmem>>) offsets(%dma_start3A_72 : memref<125xi32, #tpu.memory_space<vmem>>) semaphore(%arg16 : memref<!tpu.dma_semaphore, #tpu.memory_space<semaphore_mem>>)
    %dma_wait3A_76 = arith.constant 0 : i32
    %dma_wait3A_77 = arith.constant 0 : i32
    %dma_wait3A_78 = arith.constant 0 : i32
    %dma_wait3A_79 = arith.constant 0 : i32
    %dma_wait3A_80 = arith.constant 0 : i32
    %dma_wait3A_81 = tpu.memref_slice %arg4[%dma_wait3A_76, %dma_wait3A_77, %dma_wait3A_78, %dma_wait3A_79, %dma_wait3A_80] : memref<2x16x80x1x125xi32, #tpu.memory_space<hbm>> -> memref<1x1x1x1x125xi32, #tpu.memory_space<hbm>>
    %dma_wait3A_82 = tpu.memref_squeeze %dma_wait3A_81 : memref<1x1x1x1x125xi32, #tpu.memory_space<hbm>> -> memref<1x125xi32, #tpu.memory_space<hbm>>
    %dma_wait3A_83 = arith.constant 0 : i32
    %dma_wait3A_84 = arith.constant 0 : i32
    %dma_wait3A_85 = tpu.memref_slice %arg4[%dma_wait3A_76, %dma_wait3A_77, %dma_wait3A_78, %dma_wait3A_83, %dma_wait3A_84] : memref<2x16x80x1x125xi32, #tpu.memory_space<hbm>> -> memref<1x1x1x1x125xi32, #tpu.memory_space<hbm>>
    %dma_wait3A_86 = tpu.memref_squeeze %dma_wait3A_85 : memref<1x1x1x1x125xi32, #tpu.memory_space<hbm>> -> memref<1x125xi32, #tpu.memory_space<hbm>>
    tpu.wait_dma2 semaphore(%arg19 : memref<!tpu.dma_semaphore, #tpu.memory_space<semaphore_mem>>) src(%dma_wait3A_86 : memref<1x125xi32, #tpu.memory_space<hbm>>) dst(%arg8 : memref<1x125xi32, #tpu.memory_space<vmem>>)
    %run_scoped3A_87 = arith.constant 0 : i32
    "tpu.region"() ({
      %run_scoped3A_119 = tpu.sem_alloc : memref<!tpu.dma_semaphore, #tpu.memory_space<semaphore_mem>>
      %dma_start3A_120 = arith.constant 0 : i32
      %dma_start3A_121 = tpu.memref_slice %arg8[%run_scoped3A_87, %dma_start3A_120] : memref<1x125xi32, #tpu.memory_space<vmem>> -> memref<1x125xi32, #tpu.memory_space<vmem>>
      %dma_start3A_122 = tpu.memref_squeeze %dma_start3A_121 : memref<1x125xi32, #tpu.memory_space<vmem>> -> memref<125xi32, #tpu.memory_space<vmem>>
      %dma_start3A_123 = arith.constant 0 : i32
      %dma_start3A_124 = arith.constant 0 : i32
      %dma_start3A_125 = tpu.memref_slice %arg14[%dma_start3A_123, %dma_start3A_124] : memref<10000x128xf32, #tpu.memory_space<vmem_shared>> -> memref<10000x128xf32, #tpu.memory_space<vmem_shared>>
      tpu.enqueue_indirect_dma source(%arg10 : memref<125x128xf32, #tpu.memory_space<vmem>>) target(%dma_start3A_125 : memref<10000x128xf32, #tpu.memory_space<vmem_shared>>) offsets(%dma_start3A_122 : memref<125xi32, #tpu.memory_space<vmem>>) semaphore(%run_scoped3A_119 : memref<!tpu.dma_semaphore, #tpu.memory_space<semaphore_mem>>) {add = true}
      %dma_wait3A_126 = arith.constant 0 : i32
      %dma_wait3A_127 = tpu.memref_slice %arg8[%run_scoped3A_87, %dma_wait3A_126] : memref<1x125xi32, #tpu.memory_space<vmem>> -> memref<1x125xi32, #tpu.memory_space<vmem>>
      %dma_wait3A_128 = tpu.memref_squeeze %dma_wait3A_127 : memref<1x125xi32, #tpu.memory_space<vmem>> -> memref<125xi32, #tpu.memory_space<vmem>>
      %dma_wait3A_129 = arith.constant 0 : i32
      %dma_wait3A_130 = arith.constant 0 : i32
      %dma_wait3A_131 = tpu.memref_slice %arg14[%dma_wait3A_129, %dma_wait3A_130] : memref<10000x128xf32, #tpu.memory_space<vmem_shared>> -> memref<10000x128xf32, #tpu.memory_space<vmem_shared>>
      tpu.wait_indirect_dma semaphore(%run_scoped3A_119 : memref<!tpu.dma_semaphore, #tpu.memory_space<semaphore_mem>>) src(%arg10 : memref<125x128xf32, #tpu.memory_space<vmem>>) dst(%dma_wait3A_131 : memref<10000x128xf32, #tpu.memory_space<vmem_shared>>)
      tpu.yield
    }) : () -> ()
    %dma_wait3A_88 = arith.constant 0 : i32
    %dma_wait3A_89 = arith.constant 0 : i32
    %dma_wait3A_90 = tpu.memref_slice %arg7[%dma_wait3A_88, %dma_wait3A_89] : memref<1x125xi32, #tpu.memory_space<vmem>> -> memref<1x125xi32, #tpu.memory_space<vmem>>
    %dma_wait3A_91 = tpu.memref_squeeze %dma_wait3A_90 : memref<1x125xi32, #tpu.memory_space<vmem>> -> memref<125xi32, #tpu.memory_space<vmem>>
    %dma_wait3A_92 = arith.constant 0 : i32
    %dma_wait3A_93 = arith.constant 0 : i32
    %dma_wait3A_94 = tpu.memref_slice %arg2[%dma_wait3A_92, %dma_wait3A_93] : memref<10000x128xf32, #tpu.memory_space<hbm>> -> memref<10000x128xf32, #tpu.memory_space<hbm>>
    tpu.wait_indirect_dma semaphore(%arg16 : memref<!tpu.dma_semaphore, #tpu.memory_space<semaphore_mem>>) src(%dma_wait3A_94 : memref<10000x128xf32, #tpu.memory_space<hbm>>) dst(%arg11 : memref<125x128xf32, #tpu.memory_space<vmem>>)
    %dma_wait3A_95 = arith.constant 0 : i32
    %dma_wait3A_96 = arith.constant 0 : i32
    %dma_wait3A_97 = arith.constant 0 : i32
    %dma_wait3A_98 = arith.constant 0 : i32
    %dma_wait3A_99 = arith.constant 0 : i32
    %dma_wait3A_100 = tpu.memref_slice %arg4[%dma_wait3A_95, %dma_wait3A_96, %dma_wait3A_97, %dma_wait3A_98, %dma_wait3A_99] : memref<2x16x80x1x125xi32, #tpu.memory_space<hbm>> -> memref<1x1x1x1x125xi32, #tpu.memory_space<hbm>>
    %dma_wait3A_101 = tpu.memref_squeeze %dma_wait3A_100 : memref<1x1x1x1x125xi32, #tpu.memory_space<hbm>> -> memref<1x125xi32, #tpu.memory_space<hbm>>
    %dma_wait3A_102 = arith.constant 0 : i32
    %dma_wait3A_103 = arith.constant 0 : i32
    %dma_wait3A_104 = tpu.memref_slice %arg4[%dma_wait3A_95, %dma_wait3A_96, %dma_wait3A_97, %dma_wait3A_102, %dma_wait3A_103] : memref<2x16x80x1x125xi32, #tpu.memory_space<hbm>> -> memref<1x1x1x1x125xi32, #tpu.memory_space<hbm>>
    %dma_wait3A_105 = tpu.memref_squeeze %dma_wait3A_104 : memref<1x1x1x1x125xi32, #tpu.memory_space<hbm>> -> memref<1x125xi32, #tpu.memory_space<hbm>>
    tpu.wait_dma2 semaphore(%arg20 : memref<!tpu.dma_semaphore, #tpu.memory_space<semaphore_mem>>) src(%dma_wait3A_105 : memref<1x125xi32, #tpu.memory_space<hbm>>) dst(%arg9 : memref<1x125xi32, #tpu.memory_space<vmem>>)
    %run_scoped3A_106 = arith.constant 0 : i32
    "tpu.region"() ({
      %run_scoped3A_119 = tpu.sem_alloc : memref<!tpu.dma_semaphore, #tpu.memory_space<semaphore_mem>>
      %dma_start3A_120 = arith.constant 0 : i32
      %dma_start3A_121 = tpu.memref_slice %arg9[%run_scoped3A_106, %dma_start3A_120] : memref<1x125xi32, #tpu.memory_space<vmem>> -> memref<1x125xi32, #tpu.memory_space<vmem>>
      %dma_start3A_122 = tpu.memref_squeeze %dma_start3A_121 : memref<1x125xi32, #tpu.memory_space<vmem>> -> memref<125xi32, #tpu.memory_space<vmem>>
      %dma_start3A_123 = arith.constant 0 : i32
      %dma_start3A_124 = arith.constant 0 : i32
      %dma_start3A_125 = tpu.memref_slice %arg14[%dma_start3A_123, %dma_start3A_124] : memref<10000x128xf32, #tpu.memory_space<vmem_shared>> -> memref<10000x128xf32, #tpu.memory_space<vmem_shared>>
      tpu.enqueue_indirect_dma source(%arg11 : memref<125x128xf32, #tpu.memory_space<vmem>>) target(%dma_start3A_125 : memref<10000x128xf32, #tpu.memory_space<vmem_shared>>) offsets(%dma_start3A_122 : memref<125xi32, #tpu.memory_space<vmem>>) semaphore(%run_scoped3A_119 : memref<!tpu.dma_semaphore, #tpu.memory_space<semaphore_mem>>) {add = true}
      %dma_wait3A_126 = arith.constant 0 : i32
      %dma_wait3A_127 = tpu.memref_slice %arg9[%run_scoped3A_106, %dma_wait3A_126] : memref<1x125xi32, #tpu.memory_space<vmem>> -> memref<1x125xi32, #tpu.memory_space<vmem>>
      %dma_wait3A_128 = tpu.memref_squeeze %dma_wait3A_127 : memref<1x125xi32, #tpu.memory_space<vmem>> -> memref<125xi32, #tpu.memory_space<vmem>>
      %dma_wait3A_129 = arith.constant 0 : i32
      %dma_wait3A_130 = arith.constant 0 : i32
      %dma_wait3A_131 = tpu.memref_slice %arg14[%dma_wait3A_129, %dma_wait3A_130] : memref<10000x128xf32, #tpu.memory_space<vmem_shared>> -> memref<10000x128xf32, #tpu.memory_space<vmem_shared>>
      tpu.wait_indirect_dma semaphore(%run_scoped3A_119 : memref<!tpu.dma_semaphore, #tpu.memory_space<semaphore_mem>>) src(%arg11 : memref<125x128xf32, #tpu.memory_space<vmem>>) dst(%dma_wait3A_131 : memref<10000x128xf32, #tpu.memory_space<vmem_shared>>)
      tpu.yield
    }) : () -> ()
    %barrier3A_107 = arith.constant 0 : index
    tpu.barrier barrier_id(%barrier3A_107)
    %scan3A_108 = arith.constant 0 : i32
    %scan3A_109 = arith.constant 0 : i32
    %scan3A_110 = arith.constant 39 : i32
    %scan3A_111 = arith.addi %scan3A_109, %scan3A_110 : i32
    %scan3A_112 = arith.constant 1 : i32
    scf.for %scan3A_119 = %scan3A_109 to %scan3A_111 step %scan3A_112  : i32 {
      %mul3A = arith.constant 624 : i32
      %mul3A_120 = arith.muli %arg1, %mul3A : i32
      %mul3A_121 = arith.constant 16 : i32
      %mul3A_122 = arith.muli %scan3A_119, %mul3A_121 : i32
      %add3A = arith.addi %mul3A_120, %mul3A_122 : i32
      "tpu.region"() ({
        %run_scoped3A_128 = tpu.sem_alloc : memref<!tpu.dma_semaphore, #tpu.memory_space<semaphore_mem>>
        %dma_start3A_129 = arith.constant 0 : i32
        %dma_start3A_130 = tpu.memref_slice %arg14[%add3A, %dma_start3A_129] : memref<10000x128xf32, #tpu.memory_space<vmem_shared>> -> memref<16x128xf32, #tpu.memory_space<vmem_shared>>
        %dma_start3A_131 = arith.constant 0 : i32
        %dma_start3A_132 = tpu.memref_slice %arg14[%add3A, %dma_start3A_131] : memref<10000x128xf32, #tpu.memory_space<vmem_shared>> -> memref<16x128xf32, #tpu.memory_space<vmem_shared>>
        tpu.enqueue_dma source(%dma_start3A_132 : memref<16x128xf32, #tpu.memory_space<vmem_shared>>) target(%arg12 : memref<16x128xf32, #tpu.memory_space<vmem>>) target_semaphore(%run_scoped3A_128 : memref<!tpu.dma_semaphore, #tpu.memory_space<semaphore_mem>>)
        %dma_wait3A_133 = arith.constant 0 : i32
        %dma_wait3A_134 = tpu.memref_slice %arg14[%add3A, %dma_wait3A_133] : memref<10000x128xf32, #tpu.memory_space<vmem_shared>> -> memref<16x128xf32, #tpu.memory_space<vmem_shared>>
        %dma_wait3A_135 = arith.constant 0 : i32
        %dma_wait3A_136 = tpu.memref_slice %arg14[%add3A, %dma_wait3A_135] : memref<10000x128xf32, #tpu.memory_space<vmem_shared>> -> memref<16x128xf32, #tpu.memory_space<vmem_shared>>
        tpu.wait_dma2 semaphore(%run_scoped3A_128 : memref<!tpu.dma_semaphore, #tpu.memory_space<semaphore_mem>>) src(%dma_wait3A_136 : memref<16x128xf32, #tpu.memory_space<vmem_shared>>) dst(%arg12 : memref<16x128xf32, #tpu.memory_space<vmem>>)
        tpu.yield
      }) : () -> ()
      %mul3A_123 = arith.constant 624 : i32
      %mul3A_124 = arith.muli %arg1, %mul3A_123 : i32
      %mul3A_125 = arith.constant 16 : i32
      %mul3A_126 = arith.muli %scan3A_119, %mul3A_125 : i32
      %add3A_127 = arith.addi %mul3A_124, %mul3A_126 : i32
      "tpu.region"() ({
        %run_scoped3A_128 = tpu.sem_alloc : memref<!tpu.dma_semaphore, #tpu.memory_space<semaphore_mem>>
        %dma_start3A_129 = arith.constant 0 : i32
        %dma_start3A_130 = tpu.memref_slice %arg5[%arg0, %add3A_127, %dma_start3A_129] : memref<2x10000x128xf32, #tpu.memory_space<hbm>> -> memref<1x16x128xf32, #tpu.memory_space<hbm>>
        %dma_start3A_131 = tpu.memref_squeeze %dma_start3A_130 : memref<1x16x128xf32, #tpu.memory_space<hbm>> -> memref<16x128xf32, #tpu.memory_space<hbm>>
        %dma_start3A_132 = arith.constant 0 : i32
        %dma_start3A_133 = tpu.memref_slice %arg5[%arg0, %add3A_127, %dma_start3A_132] : memref<2x10000x128xf32, #tpu.memory_space<hbm>> -> memref<1x16x128xf32, #tpu.memory_space<hbm>>
        %dma_start3A_134 = tpu.memref_squeeze %dma_start3A_133 : memref<1x16x128xf32, #tpu.memory_space<hbm>> -> memref<16x128xf32, #tpu.memory_space<hbm>>
        tpu.enqueue_dma source(%arg12 : memref<16x128xf32, #tpu.memory_space<vmem>>) target(%dma_start3A_134 : memref<16x128xf32, #tpu.memory_space<hbm>>) target_semaphore(%run_scoped3A_128 : memref<!tpu.dma_semaphore, #tpu.memory_space<semaphore_mem>>)
        %dma_wait3A_135 = arith.constant 0 : i32
        %dma_wait3A_136 = tpu.memref_slice %arg5[%arg0, %add3A_127, %dma_wait3A_135] : memref<2x10000x128xf32, #tpu.memory_space<hbm>> -> memref<1x16x128xf32, #tpu.memory_space<hbm>>
        %dma_wait3A_137 = tpu.memref_squeeze %dma_wait3A_136 : memref<1x16x128xf32, #tpu.memory_space<hbm>> -> memref<16x128xf32, #tpu.memory_space<hbm>>
        %dma_wait3A_138 = arith.constant 0 : i32
        %dma_wait3A_139 = tpu.memref_slice %arg5[%arg0, %add3A_127, %dma_wait3A_138] : memref<2x10000x128xf32, #tpu.memory_space<hbm>> -> memref<1x16x128xf32, #tpu.memory_space<hbm>>
        %dma_wait3A_140 = tpu.memref_squeeze %dma_wait3A_139 : memref<1x16x128xf32, #tpu.memory_space<hbm>> -> memref<16x128xf32, #tpu.memory_space<hbm>>
        tpu.wait_dma2 semaphore(%run_scoped3A_128 : memref<!tpu.dma_semaphore, #tpu.memory_space<semaphore_mem>>) src(%arg12 : memref<16x128xf32, #tpu.memory_space<vmem>>) dst(%dma_wait3A_140 : memref<16x128xf32, #tpu.memory_space<hbm>>)
        tpu.yield
      }) : () -> ()
    }
    %scan3A_113 = arith.constant 39 : i32
    %eq3A_114 = arith.constant 15 : i32
    %eq3A_115 = arith.cmpi eq, %arg1, %eq3A_114 : i32
    %convert_element_type3A_116 = arith.extui %eq3A_115 : i1 to i32
    %cond3A_117 = arith.constant 0 : i32
    %cond3A_118 = arith.cmpi ne, %convert_element_type3A_116, %cond3A_117 : i32
    scf.if %cond3A_118 {
      "tpu.region"() ({
        %run_scoped3A_119 = tpu.sem_alloc : memref<!tpu.dma_semaphore, #tpu.memory_space<semaphore_mem>>
        %dma_start3A_120 = arith.constant 9984 : i32
        %dma_start3A_121 = arith.constant 0 : i32
        %dma_start3A_122 = tpu.memref_slice %arg14[%dma_start3A_120, %dma_start3A_121] : memref<10000x128xf32, #tpu.memory_space<vmem_shared>> -> memref<16x128xf32, #tpu.memory_space<vmem_shared>>
        %dma_start3A_123 = arith.constant 9984 : i32
        %dma_start3A_124 = arith.constant 0 : i32
        %dma_start3A_125 = tpu.memref_slice %arg14[%dma_start3A_123, %dma_start3A_124] : memref<10000x128xf32, #tpu.memory_space<vmem_shared>> -> memref<16x128xf32, #tpu.memory_space<vmem_shared>>
        tpu.enqueue_dma source(%dma_start3A_125 : memref<16x128xf32, #tpu.memory_space<vmem_shared>>) target(%arg12 : memref<16x128xf32, #tpu.memory_space<vmem>>) target_semaphore(%run_scoped3A_119 : memref<!tpu.dma_semaphore, #tpu.memory_space<semaphore_mem>>)
        %dma_wait3A_126 = arith.constant 9984 : i32
        %dma_wait3A_127 = arith.constant 0 : i32
        %dma_wait3A_128 = tpu.memref_slice %arg14[%dma_wait3A_126, %dma_wait3A_127] : memref<10000x128xf32, #tpu.memory_space<vmem_shared>> -> memref<16x128xf32, #tpu.memory_space<vmem_shared>>
        %dma_wait3A_129 = arith.constant 9984 : i32
        %dma_wait3A_130 = arith.constant 0 : i32
        %dma_wait3A_131 = tpu.memref_slice %arg14[%dma_wait3A_129, %dma_wait3A_130] : memref<10000x128xf32, #tpu.memory_space<vmem_shared>> -> memref<16x128xf32, #tpu.memory_space<vmem_shared>>
        tpu.wait_dma2 semaphore(%run_scoped3A_119 : memref<!tpu.dma_semaphore, #tpu.memory_space<semaphore_mem>>) src(%dma_wait3A_131 : memref<16x128xf32, #tpu.memory_space<vmem_shared>>) dst(%arg12 : memref<16x128xf32, #tpu.memory_space<vmem>>)
        tpu.yield
      }) : () -> ()
      "tpu.region"() ({
        %run_scoped3A_119 = tpu.sem_alloc : memref<!tpu.dma_semaphore, #tpu.memory_space<semaphore_mem>>
        %dma_start3A_120 = arith.constant 9984 : i32
        %dma_start3A_121 = arith.constant 0 : i32
        %dma_start3A_122 = tpu.memref_slice %arg5[%arg0, %dma_start3A_120, %dma_start3A_121] : memref<2x10000x128xf32, #tpu.memory_space<hbm>> -> memref<1x16x128xf32, #tpu.memory_space<hbm>>
        %dma_start3A_123 = tpu.memref_squeeze %dma_start3A_122 : memref<1x16x128xf32, #tpu.memory_space<hbm>> -> memref<16x128xf32, #tpu.memory_space<hbm>>
        %dma_start3A_124 = arith.constant 9984 : i32
        %dma_start3A_125 = arith.constant 0 : i32
        %dma_start3A_126 = tpu.memref_slice %arg5[%arg0, %dma_start3A_124, %dma_start3A_125] : memref<2x10000x128xf32, #tpu.memory_space<hbm>> -> memref<1x16x128xf32, #tpu.memory_space<hbm>>
        %dma_start3A_127 = tpu.memref_squeeze %dma_start3A_126 : memref<1x16x128xf32, #tpu.memory_space<hbm>> -> memref<16x128xf32, #tpu.memory_space<hbm>>
        tpu.enqueue_dma source(%arg12 : memref<16x128xf32, #tpu.memory_space<vmem>>) target(%dma_start3A_127 : memref<16x128xf32, #tpu.memory_space<hbm>>) target_semaphore(%run_scoped3A_119 : memref<!tpu.dma_semaphore, #tpu.memory_space<semaphore_mem>>)
        %dma_wait3A_128 = arith.constant 9984 : i32
        %dma_wait3A_129 = arith.constant 0 : i32
        %dma_wait3A_130 = tpu.memref_slice %arg5[%arg0, %dma_wait3A_128, %dma_wait3A_129] : memref<2x10000x128xf32, #tpu.memory_space<hbm>> -> memref<1x16x128xf32, #tpu.memory_space<hbm>>
        %dma_wait3A_131 = tpu.memref_squeeze %dma_wait3A_130 : memref<1x16x128xf32, #tpu.memory_space<hbm>> -> memref<16x128xf32, #tpu.memory_space<hbm>>
        %dma_wait3A_132 = arith.constant 9984 : i32
        %dma_wait3A_133 = arith.constant 0 : i32
        %dma_wait3A_134 = tpu.memref_slice %arg5[%arg0, %dma_wait3A_132, %dma_wait3A_133] : memref<2x10000x128xf32, #tpu.memory_space<hbm>> -> memref<1x16x128xf32, #tpu.memory_space<hbm>>
        %dma_wait3A_135 = tpu.memref_squeeze %dma_wait3A_134 : memref<1x16x128xf32, #tpu.memory_space<hbm>> -> memref<16x128xf32, #tpu.memory_space<hbm>>
        tpu.wait_dma2 semaphore(%run_scoped3A_119 : memref<!tpu.dma_semaphore, #tpu.memory_space<semaphore_mem>>) src(%arg12 : memref<16x128xf32, #tpu.memory_space<vmem>>) dst(%dma_wait3A_135 : memref<16x128xf32, #tpu.memory_space<hbm>>)
        tpu.yield
      }) : () -> ()
    } else {
    }
    return
  }
}

module attributes {stable_mosaic.version = 14 : i64} {
  func.func @_tc_first_body(%arg0: i32, %arg1: memref<1000x128xf32, #tpu.memory_space<vmem>>, %arg2: memref<128x128xf32, #tpu.memory_space<vmem>>, %arg3: memref<1000x1xf32, #tpu.memory_space<vmem>>, %arg4: memref<1000x1xf32, #tpu.memory_space<vmem>>, %arg5: memref<1000x128xf32, #tpu.memory_space<vmem>>) attributes {dimension_semantics = [#tpu.dimension_semantics<arbitrary>], iteration_bounds = array<i64: 10>, scalar_prefetch = 0 : i64, scratch_operands = 0 : i64, tpu.core_type = #tpu.core_type<tc>, window_params = [{transform_indices = @transform_0, window_bounds = array<i64: 1000, 128>}, {pipeline_mode = #tpu.pipeline_mode<synchronous>, transform_indices = @transform_1, window_bounds = array<i64: 128, 128>}, {transform_indices = @transform_2, window_bounds = array<i64: 1000, 1>}, {transform_indices = @transform_3, window_bounds = array<i64: 1000, 1>}, {transform_indices = @transform_4, window_bounds = array<i64: 1000, 128>}]} {
    %get3A = arith.constant 0 : index
    %get3A_0 = arith.constant 0 : index
    %get3A_1 = vector.load %arg3[%get3A, %get3A_0] : memref<1000x1xf32, #tpu.memory_space<vmem>>, vector<1000x1xf32>
    %get3A_2 = arith.constant 0 : index
    %get3A_3 = arith.constant 0 : index
    %get3A_4 = vector.load %arg4[%get3A_2, %get3A_3] : memref<1000x1xf32, #tpu.memory_space<vmem>>, vector<1000x1xf32>
    %add3A = arith.addf %get3A_1, %get3A_4 : vector<1000x1xf32>
    %add3A_5 = arith.constant 1.000000e+00 : f32
    %add3A_6 = vector.broadcast %add3A_5 : f32 to vector<1000x1xf32>
    %add3A_7 = arith.addf %add3A, %add3A_6 : vector<1000x1xf32>
    %rsqrt3A = math.rsqrt %add3A_7 : vector<1000x1xf32>
    %get3A_8 = arith.constant 0 : index
    %get3A_9 = arith.constant 0 : index
    %get3A_10 = vector.load %arg1[%get3A_8, %get3A_9] : memref<1000x128xf32, #tpu.memory_space<vmem>>, vector<1000x128xf32>
    %get3A_11 = arith.constant 0 : index
    %get3A_12 = arith.constant 0 : index
    %get3A_13 = vector.load %arg2[%get3A_11, %get3A_12] : memref<128x128xf32, #tpu.memory_space<vmem>>, vector<128x128xf32>
    %dot_general3A = arith.constant dense<0.000000e+00> : vector<1000x128xf32>
    %dot_general3A_14 = tpu.matmul %get3A_10, %get3A_13, %dot_general3A {dimension_numbers = #tpu.dot_dimension_numbers<[1], [0], [0], [1], [0, 0, 1, 1], [], []>, transpose_lhs_hint = false} : vector<1000x128xf32>, vector<128x128xf32>, vector<1000x128xf32> -> vector<1000x128xf32>
    %mul3A = vector.broadcast %rsqrt3A : vector<1000x1xf32> to vector<1000x128xf32>
    %mul3A_15 = arith.mulf %mul3A, %dot_general3A_14 : vector<1000x128xf32>
    %swap3A = arith.constant 0 : index
    %swap3A_16 = arith.constant 0 : index
    %swap3A_17 = vector.load %arg5[%swap3A, %swap3A_16] : memref<1000x128xf32, #tpu.memory_space<vmem>>, vector<1000x128xf32>
    tpu.vector_store %arg5[%swap3A, %swap3A_16], %mul3A_15 {strides = array<i32>} : memref<1000x128xf32, #tpu.memory_space<vmem>>, vector<1000x128xf32>,
    return
  }
  func.func @transform_0(%arg0: i32) -> (i32, i32) {
    %c0_i32 = arith.constant 0 : i32
    %c0_i32_0 = arith.constant 0 : i32
    return %arg0, %c0_i32 : i32, i32
  }
  func.func @transform_1(%arg0: i32) -> (i32, i32) {
    %c0_i32 = arith.constant 0 : i32
    %c0_i32_0 = arith.constant 0 : i32
    %c0_i32_1 = arith.constant 0 : i32
    return %c0_i32, %c0_i32_0 : i32, i32
  }
  func.func @transform_2(%arg0: i32) -> (i32, i32) {
    %c0_i32 = arith.constant 0 : i32
    %c0_i32_0 = arith.constant 0 : i32
    return %arg0, %c0_i32 : i32, i32
  }
  func.func @transform_3(%arg0: i32) -> (i32, i32) {
    %c0_i32 = arith.constant 0 : i32
    %c0_i32_0 = arith.constant 0 : i32
    return %arg0, %c0_i32 : i32, i32
  }
  func.func @transform_4(%arg0: i32) -> (i32, i32) {
    %c0_i32 = arith.constant 0 : i32
    %c0_i32_0 = arith.constant 0 : i32
    return %arg0, %c0_i32 : i32, i32
  }
}

module attributes {stable_mosaic.version = 14 : i64} {
  func.func @_tc_mid_body(%arg0: i32, %arg1: memref<2x1000x128xf32, #tpu.memory_space<vmem>>, %arg2: memref<1000x128xf32, #tpu.memory_space<vmem>>, %arg3: memref<1000x1xf32, #tpu.memory_space<vmem>>, %arg4: memref<1000x1xf32, #tpu.memory_space<vmem>>, %arg5: memref<128x128xf32, #tpu.memory_space<vmem>>, %arg6: memref<1x128xf32, #tpu.memory_space<vmem>>, %arg7: memref<1000x128xf32, #tpu.memory_space<vmem>>) attributes {dimension_semantics = [#tpu.dimension_semantics<arbitrary>], iteration_bounds = array<i64: 10>, scalar_prefetch = 0 : i64, scratch_operands = 0 : i64, tpu.core_type = #tpu.core_type<tc>, window_params = [{transform_indices = @transform_0, window_bounds = array<i64: 2, 1000, 128>}, {transform_indices = @transform_1, window_bounds = array<i64: 1000, 128>}, {transform_indices = @transform_2, window_bounds = array<i64: 1000, 1>}, {transform_indices = @transform_3, window_bounds = array<i64: 1000, 1>}, {pipeline_mode = #tpu.pipeline_mode<synchronous>, transform_indices = @transform_4, window_bounds = array<i64: 128, 128>}, {pipeline_mode = #tpu.pipeline_mode<synchronous>, transform_indices = @transform_5, window_bounds = array<i64: 1, 128>}, {transform_indices = @transform_6, window_bounds = array<i64: 1000, 128>}]} {
    %get3A = arith.constant 0 : index
    %get3A_0 = arith.constant 0 : index
    %get3A_1 = vector.load %arg3[%get3A, %get3A_0] : memref<1000x1xf32, #tpu.memory_space<vmem>>, vector<1000x1xf32>
    %get3A_2 = arith.constant 0 : index
    %get3A_3 = arith.constant 0 : index
    %get3A_4 = vector.load %arg4[%get3A_2, %get3A_3] : memref<1000x1xf32, #tpu.memory_space<vmem>>, vector<1000x1xf32>
    %add3A = arith.addf %get3A_1, %get3A_4 : vector<1000x1xf32>
    %add3A_5 = arith.constant 1.000000e+00 : f32
    %add3A_6 = vector.broadcast %add3A_5 : f32 to vector<1000x1xf32>
    %add3A_7 = arith.addf %add3A, %add3A_6 : vector<1000x1xf32>
    %rsqrt3A = math.rsqrt %add3A_7 : vector<1000x1xf32>
    %get3A_8 = arith.constant 0 : index
    %get3A_9 = arith.constant 0 : index
    %get3A_10 = arith.constant 0 : index
    %get3A_11 = vector.load %arg1[%get3A_8, %get3A_9, %get3A_10] : memref<2x1000x128xf32, #tpu.memory_space<vmem>>, vector<1x1000x128xf32>
    %get3A_12 = vector.shape_cast %get3A_11 : vector<1x1000x128xf32> to vector<1000x128xf32>
    %get3A_13 = arith.constant 1 : index
    %get3A_14 = arith.constant 0 : index
    %get3A_15 = arith.constant 0 : index
    %get3A_16 = vector.load %arg1[%get3A_13, %get3A_14, %get3A_15] : memref<2x1000x128xf32, #tpu.memory_space<vmem>>, vector<1x1000x128xf32>
    %get3A_17 = vector.shape_cast %get3A_16 : vector<1x1000x128xf32> to vector<1000x128xf32>
    %add3A_18 = arith.addf %get3A_12, %get3A_17 : vector<1000x128xf32>
    %get3A_19 = arith.constant 0 : index
    %get3A_20 = arith.constant 0 : index
    %get3A_21 = vector.load %arg2[%get3A_19, %get3A_20] : memref<1000x128xf32, #tpu.memory_space<vmem>>, vector<1000x128xf32>
    %add3A_22 = arith.addf %add3A_18, %get3A_21 : vector<1000x128xf32>
    %mul3A = vector.broadcast %rsqrt3A : vector<1000x1xf32> to vector<1000x128xf32>
    %mul3A_23 = arith.mulf %add3A_22, %mul3A : vector<1000x128xf32>
    %get3A_24 = arith.constant 0 : index
    %get3A_25 = arith.constant 0 : index
    %get3A_26 = vector.load %arg6[%get3A_24, %get3A_25] : memref<1x128xf32, #tpu.memory_space<vmem>>, vector<1x128xf32>
    %add3A_27 = vector.broadcast %get3A_26 : vector<1x128xf32> to vector<1000x128xf32>
    %add3A_28 = arith.addf %mul3A_23, %add3A_27 : vector<1000x128xf32>
    %gt3A = arith.constant 0.000000e+00 : f32
    %gt3A_29 = vector.broadcast %gt3A : f32 to vector<1000x128xf32>
    %gt3A_30 = arith.cmpf ogt, %add3A_28, %gt3A_29 : vector<1000x128xf32>
    %min3A = arith.constant 0.000000e+00 : f32
    %min3A_31 = vector.broadcast %min3A : f32 to vector<1000x128xf32>
    %min3A_32 = arith.minimumf %add3A_28, %min3A_31 : vector<1000x128xf32>
    %exp3A = math.exp %min3A_32 : vector<1000x128xf32>
    %sub3A = arith.constant 1.000000e+00 : f32
    %sub3A_33 = vector.broadcast %sub3A : f32 to vector<1000x128xf32>
    %sub3A_34 = arith.subf %exp3A, %sub3A_33 : vector<1000x128xf32>
    %select_n3A = arith.select %gt3A_30, %add3A_28, %sub3A_34 : vector<1000x128xi1>, vector<1000x128xf32>
    %get3A_35 = arith.constant 0 : index
    %get3A_36 = arith.constant 0 : index
    %get3A_37 = vector.load %arg5[%get3A_35, %get3A_36] : memref<128x128xf32, #tpu.memory_space<vmem>>, vector<128x128xf32>
    %dot_general3A = arith.constant dense<0.000000e+00> : vector<1000x128xf32>
    %dot_general3A_38 = tpu.matmul %select_n3A, %get3A_37, %dot_general3A {dimension_numbers = #tpu.dot_dimension_numbers<[1], [0], [0], [1], [0, 0, 1, 1], [], []>, transpose_lhs_hint = false} : vector<1000x128xf32>, vector<128x128xf32>, vector<1000x128xf32> -> vector<1000x128xf32>
    %mul3A_39 = vector.broadcast %rsqrt3A : vector<1000x1xf32> to vector<1000x128xf32>
    %mul3A_40 = arith.mulf %mul3A_39, %dot_general3A_38 : vector<1000x128xf32>
    %swap3A = arith.constant 0 : index
    %swap3A_41 = arith.constant 0 : index
    %swap3A_42 = vector.load %arg7[%swap3A, %swap3A_41] : memref<1000x128xf32, #tpu.memory_space<vmem>>, vector<1000x128xf32>
    tpu.vector_store %arg7[%swap3A, %swap3A_41], %mul3A_40 {strides = array<i32>} : memref<1000x128xf32, #tpu.memory_space<vmem>>, vector<1000x128xf32>,
    return
  }
  func.func @transform_0(%arg0: i32) -> (i32, i32, i32) {
    %c0_i32 = arith.constant 0 : i32
    %c0_i32_0 = arith.constant 0 : i32
    %c0_i32_1 = arith.constant 0 : i32
    return %c0_i32, %arg0, %c0_i32_0 : i32, i32, i32
  }
  func.func @transform_1(%arg0: i32) -> (i32, i32) {
    %c0_i32 = arith.constant 0 : i32
    %c0_i32_0 = arith.constant 0 : i32
    return %arg0, %c0_i32 : i32, i32
  }
  func.func @transform_2(%arg0: i32) -> (i32, i32) {
    %c0_i32 = arith.constant 0 : i32
    %c0_i32_0 = arith.constant 0 : i32
    return %arg0, %c0_i32 : i32, i32
  }
  func.func @transform_3(%arg0: i32) -> (i32, i32) {
    %c0_i32 = arith.constant 0 : i32
    %c0_i32_0 = arith.constant 0 : i32
    return %arg0, %c0_i32 : i32, i32
  }
  func.func @transform_4(%arg0: i32) -> (i32, i32) {
    %c0_i32 = arith.constant 0 : i32
    %c0_i32_0 = arith.constant 0 : i32
    %c0_i32_1 = arith.constant 0 : i32
    return %c0_i32, %c0_i32_0 : i32, i32
  }
  func.func @transform_5(%arg0: i32) -> (i32, i32) {
    %c0_i32 = arith.constant 0 : i32
    %c0_i32_0 = arith.constant 0 : i32
    %c0_i32_1 = arith.constant 0 : i32
    return %c0_i32, %c0_i32_0 : i32, i32
  }
  func.func @transform_6(%arg0: i32) -> (i32, i32) {
    %c0_i32 = arith.constant 0 : i32
    %c0_i32_0 = arith.constant 0 : i32
    return %arg0, %c0_i32 : i32, i32
  }
}

module attributes {stable_mosaic.version = 14 : i64} {
  func.func @_tc_last_body(%arg0: i32, %arg1: memref<2x1000x128xf32, #tpu.memory_space<vmem>>, %arg2: memref<1000x128xf32, #tpu.memory_space<vmem>>, %arg3: memref<1000x1xf32, #tpu.memory_space<vmem>>, %arg4: memref<1000x1xf32, #tpu.memory_space<vmem>>, %arg5: memref<1x128xf32, #tpu.memory_space<vmem>>, %arg6: memref<128x1xf32, #tpu.memory_space<vmem>>, %arg7: memref<1x1xf32, #tpu.memory_space<vmem>>, %arg8: memref<1000x1xf32, #tpu.memory_space<vmem>>) attributes {dimension_semantics = [#tpu.dimension_semantics<arbitrary>], iteration_bounds = array<i64: 10>, scalar_prefetch = 0 : i64, scratch_operands = 0 : i64, tpu.core_type = #tpu.core_type<tc>, window_params = [{transform_indices = @transform_0, window_bounds = array<i64: 2, 1000, 128>}, {transform_indices = @transform_1, window_bounds = array<i64: 1000, 128>}, {transform_indices = @transform_2, window_bounds = array<i64: 1000, 1>}, {transform_indices = @transform_3, window_bounds = array<i64: 1000, 1>}, {pipeline_mode = #tpu.pipeline_mode<synchronous>, transform_indices = @transform_4, window_bounds = array<i64: 1, 128>}, {pipeline_mode = #tpu.pipeline_mode<synchronous>, transform_indices = @transform_5, window_bounds = array<i64: 128, 1>}, {pipeline_mode = #tpu.pipeline_mode<synchronous>, transform_indices = @transform_6, window_bounds = array<i64: 1, 1>}, {transform_indices = @transform_7, window_bounds = array<i64: 1000, 1>}]} {
    %get3A = arith.constant 0 : index
    %get3A_0 = arith.constant 0 : index
    %get3A_1 = vector.load %arg3[%get3A, %get3A_0] : memref<1000x1xf32, #tpu.memory_space<vmem>>, vector<1000x1xf32>
    %get3A_2 = arith.constant 0 : index
    %get3A_3 = arith.constant 0 : index
    %get3A_4 = vector.load %arg4[%get3A_2, %get3A_3] : memref<1000x1xf32, #tpu.memory_space<vmem>>, vector<1000x1xf32>
    %add3A = arith.addf %get3A_1, %get3A_4 : vector<1000x1xf32>
    %add3A_5 = arith.constant 1.000000e+00 : f32
    %add3A_6 = vector.broadcast %add3A_5 : f32 to vector<1000x1xf32>
    %add3A_7 = arith.addf %add3A, %add3A_6 : vector<1000x1xf32>
    %rsqrt3A = math.rsqrt %add3A_7 : vector<1000x1xf32>
    %get3A_8 = arith.constant 0 : index
    %get3A_9 = arith.constant 0 : index
    %get3A_10 = arith.constant 0 : index
    %get3A_11 = vector.load %arg1[%get3A_8, %get3A_9, %get3A_10] : memref<2x1000x128xf32, #tpu.memory_space<vmem>>, vector<1x1000x128xf32>
    %get3A_12 = vector.shape_cast %get3A_11 : vector<1x1000x128xf32> to vector<1000x128xf32>
    %get3A_13 = arith.constant 1 : index
    %get3A_14 = arith.constant 0 : index
    %get3A_15 = arith.constant 0 : index
    %get3A_16 = vector.load %arg1[%get3A_13, %get3A_14, %get3A_15] : memref<2x1000x128xf32, #tpu.memory_space<vmem>>, vector<1x1000x128xf32>
    %get3A_17 = vector.shape_cast %get3A_16 : vector<1x1000x128xf32> to vector<1000x128xf32>
    %add3A_18 = arith.addf %get3A_12, %get3A_17 : vector<1000x128xf32>
    %get3A_19 = arith.constant 0 : index
    %get3A_20 = arith.constant 0 : index
    %get3A_21 = vector.load %arg2[%get3A_19, %get3A_20] : memref<1000x128xf32, #tpu.memory_space<vmem>>, vector<1000x128xf32>
    %add3A_22 = arith.addf %add3A_18, %get3A_21 : vector<1000x128xf32>
    %mul3A = vector.broadcast %rsqrt3A : vector<1000x1xf32> to vector<1000x128xf32>
    %mul3A_23 = arith.mulf %add3A_22, %mul3A : vector<1000x128xf32>
    %get3A_24 = arith.constant 0 : index
    %get3A_25 = arith.constant 0 : index
    %get3A_26 = vector.load %arg5[%get3A_24, %get3A_25] : memref<1x128xf32, #tpu.memory_space<vmem>>, vector<1x128xf32>
    %add3A_27 = vector.broadcast %get3A_26 : vector<1x128xf32> to vector<1000x128xf32>
    %add3A_28 = arith.addf %mul3A_23, %add3A_27 : vector<1000x128xf32>
    %gt3A = arith.constant 0.000000e+00 : f32
    %gt3A_29 = vector.broadcast %gt3A : f32 to vector<1000x128xf32>
    %gt3A_30 = arith.cmpf ogt, %add3A_28, %gt3A_29 : vector<1000x128xf32>
    %min3A = arith.constant 0.000000e+00 : f32
    %min3A_31 = vector.broadcast %min3A : f32 to vector<1000x128xf32>
    %min3A_32 = arith.minimumf %add3A_28, %min3A_31 : vector<1000x128xf32>
    %exp3A = math.exp %min3A_32 : vector<1000x128xf32>
    %sub3A = arith.constant 1.000000e+00 : f32
    %sub3A_33 = vector.broadcast %sub3A : f32 to vector<1000x128xf32>
    %sub3A_34 = arith.subf %exp3A, %sub3A_33 : vector<1000x128xf32>
    %select_n3A = arith.select %gt3A_30, %add3A_28, %sub3A_34 : vector<1000x128xi1>, vector<1000x128xf32>
    %get3A_35 = arith.constant 0 : index
    %get3A_36 = arith.constant 0 : index
    %get3A_37 = vector.load %arg6[%get3A_35, %get3A_36] : memref<128x1xf32, #tpu.memory_space<vmem>>, vector<128x1xf32>
    %dot_general3A = arith.constant dense<0.000000e+00> : vector<1000x1xf32>
    %dot_general3A_38 = tpu.matmul %select_n3A, %get3A_37, %dot_general3A {dimension_numbers = #tpu.dot_dimension_numbers<[1], [0], [0], [1], [0, 0, 1, 1], [], []>, transpose_lhs_hint = false} : vector<1000x128xf32>, vector<128x1xf32>, vector<1000x1xf32> -> vector<1000x1xf32>
    %get3A_39 = arith.constant 0 : index
    %get3A_40 = arith.constant 0 : index
    %get3A_41 = vector.load %arg7[%get3A_39, %get3A_40] : memref<1x1xf32, #tpu.memory_space<vmem>>, vector<1x1xf32>
    %add3A_42 = vector.broadcast %get3A_41 : vector<1x1xf32> to vector<1000x1xf32>
    %add3A_43 = arith.addf %dot_general3A_38, %add3A_42 : vector<1000x1xf32>
    %swap3A = arith.constant 0 : index
    %swap3A_44 = arith.constant 0 : index
    %swap3A_45 = vector.load %arg8[%swap3A, %swap3A_44] : memref<1000x1xf32, #tpu.memory_space<vmem>>, vector<1000x1xf32>
    tpu.vector_store %arg8[%swap3A, %swap3A_44], %add3A_43 {strides = array<i32>} : memref<1000x1xf32, #tpu.memory_space<vmem>>, vector<1000x1xf32>,
    return
  }
  func.func @transform_0(%arg0: i32) -> (i32, i32, i32) {
    %c0_i32 = arith.constant 0 : i32
    %c0_i32_0 = arith.constant 0 : i32
    %c0_i32_1 = arith.constant 0 : i32
    return %c0_i32, %arg0, %c0_i32_0 : i32, i32, i32
  }
  func.func @transform_1(%arg0: i32) -> (i32, i32) {
    %c0_i32 = arith.constant 0 : i32
    %c0_i32_0 = arith.constant 0 : i32
    return %arg0, %c0_i32 : i32, i32
  }
  func.func @transform_2(%arg0: i32) -> (i32, i32) {
    %c0_i32 = arith.constant 0 : i32
    %c0_i32_0 = arith.constant 0 : i32
    return %arg0, %c0_i32 : i32, i32
  }
  func.func @transform_3(%arg0: i32) -> (i32, i32) {
    %c0_i32 = arith.constant 0 : i32
    %c0_i32_0 = arith.constant 0 : i32
    return %arg0, %c0_i32 : i32, i32
  }
  func.func @transform_4(%arg0: i32) -> (i32, i32) {
    %c0_i32 = arith.constant 0 : i32
    %c0_i32_0 = arith.constant 0 : i32
    %c0_i32_1 = arith.constant 0 : i32
    return %c0_i32, %c0_i32_0 : i32, i32
  }
  func.func @transform_5(%arg0: i32) -> (i32, i32) {
    %c0_i32 = arith.constant 0 : i32
    %c0_i32_0 = arith.constant 0 : i32
    %c0_i32_1 = arith.constant 0 : i32
    return %c0_i32, %c0_i32_0 : i32, i32
  }
  func.func @transform_6(%arg0: i32) -> (i32, i32) {
    %c0_i32 = arith.constant 0 : i32
    %c0_i32_0 = arith.constant 0 : i32
    %c0_i32_1 = arith.constant 0 : i32
    return %c0_i32, %c0_i32_0 : i32, i32
  }
  func.func @transform_7(%arg0: i32) -> (i32, i32) {
    %c0_i32 = arith.constant 0 : i32
    %c0_i32_0 = arith.constant 0 : i32
    return %arg0, %c0_i32 : i32, i32
  }
}

</mosaic_0001>

<sc_bundles>
// kernel: kernel.10.cloned.1.call-start
scs
__scs_entry_jumppad:
0x0: {  	(pc) =	sbr.rel $0x88, $3  }
0x1: {  	(tag) =	ssettag $0x0;
	lr =	simm.s32 $0x1  }
0x2: {  	[smem:$0x3F97] =	sst lr;
	_ =	strace $0xD0000000  }
0x3: {  	_ = 	snop  }
0x4: {  	_ = 	snop  }
0x5: {  	_ = 	snop  }
0x6: {  	_ = 	snop  }
0x7: {  	_ = 	snop  }
__scs_overlays_trampoline_lowered:
0x8: {  	[smem:$0x3FA6] =	sst s0  }
0x9: {  	[smem:$0x3FA7] =	sst s1  }
0xa: {  	[smem:$0x3FA8] =	sst s2  }
0xb: {  	[smem:$0x3FA9] =	sst s3  }
0xc: {  	[smem:$0x3FAA] =	sst s4  }
0xd: {  	[smem:$0x3FAB] =	sst s5  }
0xe: {  	[smem:$0x3FAC] =	sst s6  }
0xf: {  	[smem:$0x3FAD] =	sst s7  }
0x10: {  	[smem:$0x3FAE] =	sst s8  }
0x11: {  	[smem:$0x3FAF] =	sst s9;
	s0 =	simm.s32 @!p0 $0x0  }
0x12: {  	s1 =	sld [smem:$0x3F95];
	s0 =	simm.s32 @p0 $0x1  }
0x13: {  	[smem:$0x3FB0] =	sst s0;
	s0 =	simm.s32 @!p1 $0x0  }
0x14: {  	s2 =	sld [smem:$0x3F94];
	s0 =	simm.s32 @p1 $0x1  }
0x15: {  	[smem:$0x3FB1] =	sst s0;
	s0 =	simm.s32 @!p2 $0x0  }
0x16: {  	s3 =	sld [smem:$0x3FDB];
	s0 =	simm.s32 @p2 $0x1  }
0x17: {  	s4 =	simm.s32 $0x1BF5;
	[smem:$0x3FB3] =	sst s0  }
0x18: {  	s0 =	sld [smem:$0x3F96];
	_ =	swait.ge [sflag:s4], $0x0  }
0x19: {  	s7 =	sld [smem:$0x3F97]  }
0x1a: {  	s8 =	sadd.s32 $0xFFFFE003, lr  }
0x1b: {  	s9 =	sadd.s32 $0xFFFFFEF7, lr;
	s5 =	simm.s32 $0xFFFFFFFF;
	p2 =	slt.u32 s8, $0xFFFFF086  }
0x1c: {  	p1 =	slt.u32 s9, $0xF7A;
	s5 =	simm.s32 @!p2 $0x0  }
0x1d: {  	s5 =	simm.s32 @p1 $0x1;
	p0 =	seq.s32 s7, s2  }
0x1e: {  	s7 =	smul.u32 @!p0 $0xF7A, s2;
	p2 =	seq.s32 @!p0 s5, $0x0  }
0x1f: {  	s9 =	smul.u32 $0xF7A, s1;
	s8 =	simm.s32 @!p0 $0x1BF5;
	p2 =	por !p2, p0  }
0x20: {  	[sflag:s8] =	ssyncset.s32 @!p0 $0xFFFFF086;
	s6 =	sadd.s32 @!p0 s3, s7;
	s7 =	simm.s32 @!p0 $0x108  }
0x21: {  	s3 =	sadd.s32 s3, s9;
	s6 =	sadd.s32 @!p0 $0x88, s6;
	s7 =	simm.s32 @p2 $0x1082  }
0x22: {  	[simem:s7], [sflag:s8] =	dma.local @!p0 [hbm:s6], $0xF7A  }
0x23: {  	s9 =	sor.u32 $0xD0000000, s2;
	s6 =	simm.s32 $0x108;
	_ =	swait.ge @!p0 [sflag:s8], $0x0  }
0x24: {  	s3 =	sadd.s32 $0x88, s3;
	s6 =	simm.s32 @!p1 $0x1082;
	[sflag:s4] =	ssyncset.s32 $0xFFFFF086  }
0x25: {  	[simem:s6], [sflag:s4] =	dma.local [hbm:s3], $0xF7A  }
0x26: {  	[smem:$0x3F97] =	sst s1;
	(tag) =	ssettag s2;
	_ =	strace s9  }
0x27: {  	s1 =	sld [smem:$0x3FA7]  }
0x28: {  	s2 =	sld [smem:$0x3FA8]  }
0x29: {  	s4 =	sld [smem:$0x3FAA]  }
0x2a: {  	p0 =	seq.s32 s5, $0x0;
	s5 =	sld [smem:$0x3FAB]  }
0x2b: {  	s6 =	sld [smem:$0x3FAC]  }
0x2c: {  	s7 =	sld [smem:$0x3FAD]  }
0x2d: {  	s3 =	simm.s32 $0x108;
	s8 =	sld [smem:$0x3FAE]  }
0x2e: {  	s3 =	simm.s32 @!p0 $0x1082;
	s9 =	sld [smem:$0x3FAF]  }
0x2f: {  	lr =	sadd.s32 s0, s3;
	s0 =	sld [smem:$0x3FA6]  }
0x30: {  	s3 =	sld [smem:$0x3FA9]  }
0x31: {  	[smem:$0x3FB2] =	sst s10  }
0x32: {  	s10 =	sld [smem:$0x3FB0];
	_ =	sdelay $0x3  }
0x33: {  	p0 =	seq.s32 s10, $0x1;
	s10 =	sld [smem:$0x3FB2];
	_ =	sdelay $0x3  }
0x34: {  	[smem:$0x3FB2] =	sst s10  }
0x35: {  	s10 =	sld [smem:$0x3FB1];
	_ =	sdelay $0x3  }
0x36: {  	p1 =	seq.s32 s10, $0x1;
	s10 =	sld [smem:$0x3FB2];
	_ =	sdelay $0x3  }
0x37: {  	[smem:$0x3FB2] =	sst s10  }
0x38: {  	s10 =	sld [smem:$0x3FB3]  }
0x39: {  	_ = 	snop;
	(pc) =	sbr.ind lr, $3  }
0x3a: {  	_ = 	snop  }
0x3b: {  	_ = 	snop  }
0x3c: {  	p2 =	seq.s32 s10, $0x1;
	s10 =	sld [smem:$0x3FB2]  }
0x3d: {  	_ =	shalt  }
0x3e: {  	_ =	shalt  }
0x3f: {  	_ =	shalt  }
0x40: {  	_ =	shalt  }
0x41: {  	_ =	shalt  }
0x42: {  	_ =	shalt  }
0x43: {  	_ =	shalt  }
0x44: {  	_ =	shalt  }
0x45: {  	_ =	shalt  }
0x46: {  	_ =	shalt  }
0x47: {  	_ =	shalt  }
0x48: {  	_ =	shalt  }
0x49: {  	_ =	shalt  }
0x4a: {  	_ =	shalt  }
0x4b: {  	_ =	shalt  }
0x4c: {  	_ =	shalt  }
0x4d: {  	_ =	shalt  }
0x4e: {  	_ =	shalt  }
0x4f: {  	_ =	shalt  }
0x50: {  	_ =	shalt  }
0x51: {  	_ =	shalt  }
0x52: {  	_ =	shalt  }
0x53: {  	_ =	shalt  }
0x54: {  	_ =	shalt  }
0x55: {  	_ =	shalt  }
0x56: {  	_ =	shalt  }
0x57: {  	_ =	shalt  }
0x58: {  	_ =	shalt  }
0x59: {  	_ =	shalt  }
0x5a: {  	_ =	shalt  }
0x5b: {  	_ =	shalt  }
0x5c: {  	_ =	shalt  }
0x5d: {  	_ =	shalt  }
0x5e: {  	_ =	shalt  }
0x5f: {  	_ =	shalt  }
0x60: {  	_ =	shalt  }
0x61: {  	_ =	shalt  }
0x62: {  	_ =	shalt  }
0x63: {  	_ =	shalt  }
0x64: {  	_ =	shalt  }
0x65: {  	_ =	shalt  }
0x66: {  	_ =	shalt  }
0x67: {  	_ =	shalt  }
0x68: {  	_ =	shalt  }
0x69: {  	_ =	shalt  }
0x6a: {  	_ =	shalt  }
0x6b: {  	_ =	shalt  }
0x6c: {  	_ =	shalt  }
0x6d: {  	_ =	shalt  }
0x6e: {  	_ =	shalt  }
0x6f: {  	_ =	shalt  }
0x70: {  	_ =	shalt  }
0x71: {  	_ =	shalt  }
0x72: {  	_ =	shalt  }
0x73: {  	_ =	shalt  }
0x74: {  	_ =	shalt  }
0x75: {  	_ =	shalt  }
0x76: {  	_ =	shalt  }
0x77: {  	_ =	shalt  }
0x78: {  	_ =	shalt  }
0x79: {  	_ =	shalt  }
0x7a: {  	_ =	shalt  }
0x7b: {  	_ =	shalt  }
0x7c: {  	_ =	shalt  }
0x7d: {  	_ =	shalt  }
0x7e: {  	_ =	shalt  }
0x7f: {  	_ =	shalt  }
0x80: {  	_ =	shalt  }
0x81: {  	_ =	shalt  }
0x82: {  	_ =	shalt  }
0x83: {  	_ =	shalt  }
0x84: {  	_ =	shalt  }
0x85: {  	_ =	shalt  }
0x86: {  	_ =	shalt  }
0x87: {  	_ =	shalt  }
.Lfunc_end0:
.L_simem_size_0:
called_computation_lowered:
.L_overlay_start_0:
0x88: {  	s2 =	sld [smem:$0x3FD9]  }
0x89: {  	s3 =	sld [smem:$0x3FFE];
	_ =	sdelay $0x1  }
0x8a: {  	s1 =	srdreg.scid  }
0x8b: {  	s0 =	sand.u32 $0x1, s1  }
0x8c: {  	s16 =	sshll.u32 s0, $0xA;
	s2 =	sadd.s32 s3, s2  }
0x8d: {  	s2 =	sadd.s32 s2, s16  }
0x8e: {  	[smem:$0x3FBE] =	sst s2  }
0x8f: {  	_ = 	snop  }
0x90: {  	(tm) =	ssettm $0x1  }
0x91: {  	s17 =	sld [smem:$0x3FFB];
	_ =	sdelay $0x3  }
0x92: {  	_ =	strace s17  }
0x93: {  	s2 =	sld [smem:$0x3FFC];
	_ =	sdelay $0x3  }
0x94: {  	_ =	strace s2  }
0x95: {  	s2 =	sld [smem:$0x3FFD];
	_ =	sdelay $0x3  }
0x96: {  	_ =	strace s2  }
0x97: {  	_ =	strace $0x8FFFFFFF  }
0x98: {  	s18 =	sld [smem:$0x3FDB];
	_ =	sdelay $0x1  }
0x99: {  	s19 =	simm.s32 $_scs_section_size  }
0x9a: {  	s4 =	simm.s32 $_size__tile_overlayer_lowered;
	s5 =	simm.s32 $_tile_overlayer_lowered  }
0x9b: {  	s22 =	simm.s32 $0x1BFF;
	s21 =	sshll.u32 s5, $0x1;
	s2 =	sadd.s32 s19, s18  }
0x9c: {  	s6 =	simm.s32 $0x0;
	s20 =	sshll.u32 s4, $0x1;
	s4 =	sadd.s32 s21, s2  }
0x9d: {  	[timem:s6], [sflag:s22] =	dma.local [hbm:s4], s20  }
0x9e: {  	_ =	swait.ge [sflag:s22], s20  }
0x9f: {  	s3 =	ssub.s32 $0x0, s20;
	[sflag:s22] =	ssyncset.done $0x0  }
0xa0: {  	[sflag:s22] =	ssyncadd.s32 s3;
	_ =	sdelay $0x1  }
0xa1: {  	s23 =	simm.s32 $0x1B8B  }
0xa2: {  	_ =	swait.ge [sflag:s23], $0x1  }
0xa3: {  	[sflag:s23] =	ssyncset.done $0x0  }
0xa4: {  	s25 =	simm.s32 $0x1B8E;
	s24 =	sld [smem:$0x3FFE];
	[sflag:s23] =	ssyncadd.s32 $0xFFFFFFFF  }
0xa5: {  	s26 =	simm.s32 $execute0_lowered;
	[smem:$0x3FD2] =	sst s25  }
0xa6: {  	s4 =	sshll.u32 s26, $0x1;
	_ =	strace $0x80000046;
	[dreg:$0x1] =	wrdreg $0xFFFFFFFF  }
0xa7: {  	s28 =	simm.s32 $_size_execute0_lowered;
	s2 =	sadd.s32 s2, s4;
	[dreg:$0x0] =	wrdreg $0x0  }
0xa8: {  	s4 =	sshll.u32 s28, $0x1;
	[dreg:$0x2] =	wrdreg s2  }
0xa9: {  	[dreg:$0x3] =	wrdreg s4  }
0xaa: {  	[dreg:$0x4] =	wrdreg $0xC0  }
0xab: {  	_ =	task [dreg:s6], $0x5FFFF  }
0xac: {  	[dreg:$0x1] =	wrdreg $0xFFFFFFFF  }
0xad: {  	[dreg:$0x0] =	wrdreg $0x60  }
0xae: {  	[dreg:$0x2] =	wrdreg s24  }
0xaf: {  	[dreg:$0x3] =	wrdreg $0x48800  }
0xb0: {  	[dreg:$0x4] =	wrdreg $0x9  }
0xb1: {  	_ =	task.clear_ibuf [dreg:s6], $0x5FFFF;
	_ =	strace $0x90000046  }
0xb2: {  	s29 =	simm.s32 $0x9;
	_ =	strace $0x80000048  }
0xb3: {  	_ =	swait.ge [sflag:s29], $0x1  }
0xb4: {  	[sflag:s29] =	ssyncadd.s32 $0xFFFFFFFF  }
0xb5: {  	_ =	strace $0x90000048  }
0xb6: {  	_ =	sfence  }
0xb7: {  	s30 =	sld [smem:$0x0];
	_ =	sdelay $0x2  }
0xb8: {  	s31 =	sshll.u32 s1, $0xD;
	s1 =	sshrl.u32 s1, $0x2  }
0xb9: {  	s3 =	sand.u32 $0x4000, s31;
	s1 =	sadd.s32 s1, s30  }
0xba: {  	s0 =	sor.u32 s3, s0;
	s1 =	sshll.u32 s1, $0x11  }
0xbb: {  	s0 =	sor.u32 s1, s0  }
0xbc: {  	s0 =	sadd.s32 $0x8F2B, s0  }
0xbd: {  	[sflag:s0] =	ssyncadd.remote.s32 $0x1  }
0xbe: {  	_ =	sfence.sel $0xFFFF  }
0xbf: {  	[dreg:$0x0] =	wrdreg $0xFFFFFFFF;
	(pc) =	sbr.abs _section_cstart, $3  }
0xc0: {  	[dreg:$0x1] =	wrdreg $0xFFFFFFFF  }
0xc1: {  	_ =	task.clear_ibuf [dreg:s6], $0x2FFFF;
	_ =	strace $0x9FFFFFFF  }
0xc2: {  	(tm) =	ssettm $0x7FFFFFFF  }
0xc3: {  	_ =	shalt  }
tec
execute0_lowered:
.L_overlay_start_1:
0x0: {  	(tag) =	ssettag $0x1  }
0x1: {  	s4 =	rddreg [dreg:$0x0]  }
0x2: {  	s0 =	srdreg.scid;
	s2 =	rddreg [dreg:$0x1]  }
0x3: {  	s1 =	rddreg [dreg:$0x2];
	s5 =	sand.u32 $0x1, s0  }
0x4: {  	s3 =	simm.s32 $0x0;
	s0 =	stileid.u32;
	s6 =	smul.u32 $0x28000, s5  }
0x5: {  	s12 =	simm.s32 $0x7D;
	s13 =	simm.s32 $0x80;
	s7 =	smul.u32 $0x2800, s0  }
0x6: {  	s14 =	simm.s32 $0x0;
	[smem:$0x7FF] =	sst s3;
	s25 =	smul.u32 $0x4E000, s0  }
0x7: {  	s9 =	sadd.s32 $0xCC00, s4;
	s26 =	ssub.s32 $0x2, s5;
	s5 =	smul.u32 $0x138800, s5  }
0x8: {  	_ =	strace $0x80000047;
	s10 =	smul.u32 $0x13800, s0;
	s28 =	sshrl.u32 s26, $0x1  }
0x9: {  	p0 =	sne.s32 s0, $0xF;
	s6 =	sadd.s32 s7, s6;
	s11 =	ssub.s32 s26, s28  }
0xa: {  	s29 =	sshrl.u32 s25, $0x2;
	s30 =	sshrl.u32 s5, $0x3;
	s31 =	sadd.s32 s10, s5  }
0xb: {  	s5 =	sadd.s32 $0x138000, s2;
	s6 =	sshrl.u32 s6, $0x3;
	s10 =	sshrl.u32 s31, $0x3  }
0xc: {  	s7 =	smax.u32 s11, $0x1;
	s11 =	simm.s32 $0x1;
	s8 =	sadd.s32 s6, s4  }
0xd: {  	s4 =	sadd.s32 s29, s2;
	s6 =	sadd.s32 s9, s30;
	s9 =	sadd.s32 s10, s9  }
0xe: {  	v0 =	vimm.f32 $0.0e+00;
	v1 =	vimm.f32 $1.000000000e+00;
	s10 =	simm.s32 $0x4080;
	s6 =	sadd.s32 $0x27000, s6;
	s8 =	sadd.s32 $0x2C00, s8  }
.LBB2_1:
0xf: {  	s15 =	simm.s32 $0x0;
	s16 =	simm.s32 $0x200  }
.LBB2_2:
0x10: {  	p1 =	sne.s32 s16, $0x1E00;
	[tilespmem:s15+$0x40F0] =	vst v0  }
0x11: {  	[tilespmem:s15+$0x4080] =	vst v0  }
0x12: {  	[tilespmem:s15+$0x4090] =	vst v0  }
.Ltmp0:
0x13: {  	[tilespmem:s15+$0x40A0] =	vst v0;
	(pc) =	sbr.rel @p1 .LBB2_2-.Ltmp0, $4  }
0x14: {  	[tilespmem:s15+$0x40B0] =	vst v0  }
0x15: {  	[tilespmem:s15+$0x40C0] =	vst v0  }
0x16: {  	[tilespmem:s15+$0x40D0] =	vst v0  }
0x17: {  	[tilespmem:s15+$0x40E0] =	vst v0;
	s15 =	sshra.s32 s16, $0x2;
	s16 =	sadd.s32 $0x200, s16  }
0x18: {  	[tilespmem:s15+$0x40F0] =	vst v0  }
0x19: {  	[tilespmem:s15+$0x4080] =	vst v0  }
0x1a: {  	[tilespmem:s15+$0x4090] =	vst v0  }
0x1b: {  	[tilespmem:s15+$0x40A0] =	vst v0  }
0x1c: {  	[tilespmem:s15+$0x40B0] =	vst v0  }
0x1d: {  	[tilespmem:s15+$0x40C0] =	vst v0  }
0x1e: {  	[tilespmem:s15+$0x40D0] =	vst v0  }
0x1f: {  	[tilespmem:s15+$0x40E0] =	vst v0;
	s31 =	sadd.s32 $0x0, s4  }
0x20: {  	[spmem:s31] =	stream.linear.scatter [tilespmem:s10], [sflag:$0x1], $0x800, $0x38;
	[tilespmem:$0x18100] =	vst v63  }
0x21: {  	s15 =	simm.s32 $0x2000;
	_ =	swait.ge [sflag:s11], $0x800  }
.LBB2_4:
0x22: {  	s16 =	sshra.s32 s15, $0x2;
	[sflag:s11] =	ssyncset.done $0x0;
	p1 =	sne.s32 s15, $0x4C000  }
.Ltmp1:
0x23: {  	s16 =	sadd.s32 s16, s4;
	[sflag:s11] =	ssyncadd.s32 $0xFFFFF800;
	(pc) =	sbr.rel @p1 .LBB2_4-.Ltmp1, $3  }
0x24: {  	[spmem:s16] =	stream.linear.scatter [tilespmem:s10], [sflag:$0x1], $0x800, $0x38;
	[tilespmem:$0x18100] =	vst v63  }
0x25: {  	s15 =	sadd.s32 $0x2000, s15;
	_ =	sdelay $0x1  }
0x26: {  	_ =	swait.ge [sflag:s11], $0x800  }
0x27: {  	[sflag:s11] =	ssyncset.done $0x0  }
0x28: {  	s15 =	simm.s32 @!p0 $0x4080;
	[sflag:s11] =	ssyncadd.s32 $0xFFFFF800  }
0x29: {  	[spmem:s5] =	stream.linear.scatter @!p0 [tilespmem:s15], [sflag:$0x1], $0x800, $0x38;
	[tilespmem:$0x18100] =	vst v63  }
0x2a: {  	s15 =	simm.s32 @!p0 $0x1  }
0x2b: {  	_ =	swait.ge @!p0 [sflag:s15], $0x800  }
0x2c: {  	[sflag:s15] =	ssyncset.done @!p0 $0x0  }
0x2d: {  	s16 =	simm.s32 $0x200;
	[sflag:s15] =	ssyncadd.s32 @!p0 $0xFFFFF800;
	s15 =	simm.s32 $0x0  }
.LBB2_6:
0x2e: {  	p1 =	sne.s32 s16, $0xF800;
	[tilespmem:s15+$0xF0] =	vst v1  }
0x2f: {  	[tilespmem:s15+$0x80] =	vst v1  }
0x30: {  	[tilespmem:s15+$0x90] =	vst v1  }
.Ltmp2:
0x31: {  	[tilespmem:s15+$0xA0] =	vst v1;
	(pc) =	sbr.rel @p1 .LBB2_6-.Ltmp2, $4  }
0x32: {  	[tilespmem:s15+$0xB0] =	vst v1  }
0x33: {  	[tilespmem:s15+$0xC0] =	vst v1  }
0x34: {  	[tilespmem:s15+$0xD0] =	vst v1  }
0x35: {  	[tilespmem:s15+$0xE0] =	vst v1;
	s15 =	sshra.s32 s16, $0x2;
	s16 =	sadd.s32 $0x200, s16  }
0x36: {  	[tilespmem:s15+$0xF0] =	vst v1  }
0x37: {  	[tilespmem:s15+$0x80] =	vst v1  }
0x38: {  	[tilespmem:s15+$0x90] =	vst v1  }
0x39: {  	[tilespmem:s15+$0xA0] =	vst v1  }
0x3a: {  	[tilespmem:s15+$0xB0] =	vst v1  }
0x3b: {  	[tilespmem:s15+$0xC0] =	vst v1  }
0x3c: {  	[tilespmem:s15+$0xD0] =	vst v1  }
0x3d: {  	[tilespmem:s15+$0xE0] =	vst v1  }
0x3e: {  	s31 =	sadd.s32 $0x0, s8;
	[bflag:$0x0] =	sbarrier.arrive $0xFFFF  }
0x3f: {  	[tilespmem:s3], [sflag:$0x1] =	stream.linear.gather [hbm4b:s31+s3], $0x80, $0x38;
	[tilespmem:$0x18100] =	vst v63  }
0x40: {  	_ =	swait.ge [sflag:s11], $0x80  }
0x41: {  	[sflag:s11] =	ssyncset.done $0x0  }
0x42: {  	[sflag:s11] =	ssyncadd.s32 $0xFFFFFF80  }
0x43: {  	[spmem:s2] =	stream.indirect.scatter.add.f32 [tilespmem:s13], [sflag:$0x1], $0x80, s3, s12, $0xb8;
	[tilespmem:$0x18100] =	vst v63  }
0x44: {  	_ =	swait.ge [sflag:s11], $0x3E80  }
0x45: {  	s15 =	simm.s32 $0x10;
	s16 =	simm.s32 $0x20;
	[sflag:s11] =	ssyncset.done $0x0  }
.LBB2_8:
0x46: {  	s17 =	sadd.s32 s15, s8  }
0x47: {  	[sflag:s11] =	ssyncadd.s32 $0xFFFFC180;
	s15 =	smov.u32 s16;
	s18 =	sadd.s32 $0x10, s16  }
0x48: {  	[tilespmem:s3], [sflag:$0x1] =	stream.linear.gather [hbm4b:s17+s3], $0x80, $0x38;
	[tilespmem:$0x18100] =	vst v63  }
0x49: {  	p1 =	sne.s32 s16, $0x4F0;
	_ =	swait.ge [sflag:s11], $0x80  }
.Ltmp3:
0x4a: {  	[sflag:s11] =	ssyncset.done $0x0;
	(pc) =	sbr.rel @p1 .LBB2_8-.Ltmp3, $4  }
0x4b: {  	[sflag:s11] =	ssyncadd.s32 $0xFFFFFF80  }
0x4c: {  	[spmem:s2] =	stream.indirect.scatter.add.f32 [tilespmem:s13], [sflag:$0x1], $0x80, s3, s12, $0xb8;
	[tilespmem:$0x18100] =	vst v63  }
0x4d: {  	_ =	swait.ge [sflag:s11], $0x3E80  }
0x4e: {  	s16 =	smov.u32 s18;
	[sflag:s11] =	ssyncset.done $0x0  }
0x4f: {  	s15 =	sadd.s32 s15, s8;
	[sflag:s11] =	ssyncadd.s32 $0xFFFFC180  }
0x50: {  	[tilespmem:s3], [sflag:$0x1] =	stream.linear.gather [hbm4b:s15+s3], $0x80, $0x38;
	[tilespmem:$0x18100] =	vst v63  }
0x51: {  	_ =	swait.ge [sflag:s11], $0x80  }
0x52: {  	[sflag:s11] =	ssyncset.done $0x0  }
0x53: {  	[sflag:s11] =	ssyncadd.s32 $0xFFFFFF80  }
0x54: {  	[spmem:s2] =	stream.indirect.scatter.add.f32 [tilespmem:s13], [sflag:$0x1], $0x80, s3, s12, $0xb8;
	[tilespmem:$0x18100] =	vst v63  }
0x55: {  	_ =	swait.ge [sflag:s11], $0x3E80  }
0x56: {  	[sflag:s11] =	ssyncset.done $0x0  }
0x57: {  	[sflag:s11] =	ssyncadd.s32 $0xFFFFC180  }
0x58: {  	[bflag:$0x0] =	sbarrier.arrive $0xFFFF  }
0x59: {  	[tilespmem:s10], [sflag:$0x1] =	stream.linear.gather [spmem:s4], $0x800, $0x38;
	[tilespmem:$0x18100] =	vst v63  }
0x5a: {  	_ =	swait.ge [sflag:s11], $0x800  }
0x5b: {  	[sflag:s11] =	ssyncset.done $0x0  }
0x5c: {  	s31 =	sadd.s32 $0x0, s9;
	[sflag:s11] =	ssyncadd.s32 $0xFFFFF800  }
0x5d: {  	[hbm4b:s31+s3] =	stream.linear.scatter [tilespmem:s10], [sflag:$0x1], $0x800, $0x38;
	[tilespmem:$0x18100] =	vst v63  }
0x5e: {  	_ =	swait.ge [sflag:s11], $0x800  }
0x5f: {  	s16 =	smov.u32 s4;
	s15 =	simm.s32 $0x100;
	[sflag:s11] =	ssyncset.done $0x0  }
.LBB2_10:
0x60: {  	p1 =	sne.s32 s15, $0x2600;
	[sflag:s11] =	ssyncadd.s32 $0xFFFFF800;
	s16 =	sadd.s32 $0x800, s16  }
0x61: {  	[tilespmem:s10], [sflag:$0x1] =	stream.linear.gather [spmem:s16], $0x800, $0x38;
	[tilespmem:$0x18100] =	vst v63  }
0x62: {  	s17 =	smov.u32 s15;
	s15 =	sadd.s32 $0x100, s15;
	_ =	swait.ge [sflag:s11], $0x800  }
.Ltmp4:
0x63: {  	[sflag:s11] =	ssyncset.done $0x0;
	(pc) =	sbr.rel @p1 .LBB2_10-.Ltmp4, $4  }
0x64: {  	s17 =	sadd.s32 s17, s9;
	[sflag:s11] =	ssyncadd.s32 $0xFFFFF800  }
0x65: {  	[hbm4b:s17+s3] =	stream.linear.scatter [tilespmem:s10], [sflag:$0x1], $0x800, $0x38;
	[tilespmem:$0x18100] =	vst v63  }
0x66: {  	_ =	swait.ge [sflag:s11], $0x800  }
0x67: {  	[sflag:s11] =	ssyncset.done $0x0  }
0x68: {  	[sflag:s11] =	ssyncadd.s32 $0xFFFFF800;
	s15 =	simm.s32 @!p0 $0x4080;
	s16 =	simm.s32 @!p0 $0x1  }
0x69: {  	[tilespmem:s15], [sflag:$0x1] =	stream.linear.gather @!p0 [spmem:s5], $0x800, $0x38;
	[tilespmem:$0x18100] =	vst v63  }
0x6a: {  	s14 =	sadd.s32 $0x1, s14;
	_ =	swait.ge @!p0 [sflag:s16], $0x800  }
0x6b: {  	p1 =	sne.s32 s14, s7;
	[sflag:s16] =	ssyncset.done @!p0 $0x0  }
.Ltmp5:
0x6c: {  	s17 =	simm.s32 @!p0 $0x0;
	[sflag:s16] =	ssyncadd.s32 @!p0 $0xFFFFF800;
	(pc) =	sbr.rel @p1 .LBB2_1-.Ltmp5, $4  }
0x6d: {  	[hbm4b:s6+s17] =	stream.linear.scatter @!p0 [tilespmem:s15], [sflag:$0x1], $0x800, $0x38;
	[tilespmem:$0x18100] =	vst v63  }
0x6e: {  	_ =	swait.ge @!p0 [sflag:s16], $0x800  }
0x6f: {  	[sflag:s16] =	ssyncset.done @!p0 $0x0  }
0x70: {  	[sflag:s16] =	ssyncadd.s32 @!p0 $0xFFFFF800  }
0x71: {  	_ =	sfence.sel $0x180000  }
0x72: {  	[bflag:$0x0] =	sbarrier.arrive $0xFFFF  }
0x73: {  	p0 =	sne.s32 s0, $0x0;
	_ =	strace $0x90000047  }
0x74: {  	s0 =	sadd.s32 @!p0 $0x100000, s1;
	[bflag:$0x2] =	sbarrier.arrive $0xFFFF  }
0x75: {  	[sflag:s0] =	ssyncadd.tile.s32 @!p0 $0x1;
	_ =	shalt  }
.Lfunc_end2:
_tile_overlayer_lowered:
.L_overlay_start_2:
0x76: {  	(tag) =	ssettag $0x2  }
0x77: {  	s0 =	rddreg [dreg:$0x0];
	s2 =	stileid.u32  }
0x78: {  	s1 =	rddreg [dreg:$0x1];
	p0 =	sne.s32 s2, $0x0  }
0x79: {  	s3 =	rddreg [dreg:$0x2];
	[bflag:$0x3] =	sbarrier.arrive $0xFFFF;
	s2 =	simm.s32 @!p0 $0x1C01  }
0x7a: {  	[timem:s3], [sflag:s2] =	dma.local @!p0 [hbm:s0], s1  }
0x7b: {  	s0 =	simm.s32 @!p0 $0x1  }
0x7c: {  	_ =	swait.ge @!p0 [sflag:s0], s1  }
0x7d: {  	s1 =	ssub.s32 @!p0 $0x0, s1;
	[sflag:s0] =	ssyncset.done @!p0 $0x0  }
0x7e: {  	[sflag:s0] =	ssyncadd.s32 @!p0 s1  }
0x7f: {  	[bflag:$0x3] =	sbarrier.arrive $0xFFFF  }
0x80: {  	_ =	shalt  }

// kernel: kernel.13.cloned.1.call-start
scs
__scs_entry_jumppad:
0x0: {  	(pc) =	sbr.rel $0x88, $3  }
0x1: {  	(tag) =	ssettag $0x0;
	lr =	simm.s32 $0x1  }
0x2: {  	[smem:$0x3F97] =	sst lr;
	_ =	strace $0xD0000000  }
0x3: {  	_ = 	snop  }
0x4: {  	_ = 	snop  }
0x5: {  	_ = 	snop  }
0x6: {  	_ = 	snop  }
0x7: {  	_ = 	snop  }
__scs_overlays_trampoline_lowered:
0x8: {  	[smem:$0x3FA6] =	sst s0  }
0x9: {  	[smem:$0x3FA7] =	sst s1  }
0xa: {  	[smem:$0x3FA8] =	sst s2  }
0xb: {  	[smem:$0x3FA9] =	sst s3  }
0xc: {  	[smem:$0x3FAA] =	sst s4  }
0xd: {  	[smem:$0x3FAB] =	sst s5  }
0xe: {  	[smem:$0x3FAC] =	sst s6  }
0xf: {  	[smem:$0x3FAD] =	sst s7  }
0x10: {  	[smem:$0x3FAE] =	sst s8  }
0x11: {  	[smem:$0x3FAF] =	sst s9;
	s0 =	simm.s32 @!p0 $0x0  }
0x12: {  	s1 =	sld [smem:$0x3F95];
	s0 =	simm.s32 @p0 $0x1  }
0x13: {  	[smem:$0x3FB0] =	sst s0;
	s0 =	simm.s32 @!p1 $0x0  }
0x14: {  	s2 =	sld [smem:$0x3F94];
	s0 =	simm.s32 @p1 $0x1  }
0x15: {  	[smem:$0x3FB1] =	sst s0;
	s0 =	simm.s32 @!p2 $0x0  }
0x16: {  	s3 =	sld [smem:$0x3FDB];
	s0 =	simm.s32 @p2 $0x1  }
0x17: {  	s4 =	simm.s32 $0x1BF5;
	[smem:$0x3FB3] =	sst s0  }
0x18: {  	s0 =	sld [smem:$0x3F96];
	_ =	swait.ge [sflag:s4], $0x0  }
0x19: {  	s7 =	sld [smem:$0x3F97]  }
0x1a: {  	s8 =	sadd.s32 $0xFFFFE003, lr  }
0x1b: {  	s9 =	sadd.s32 $0xFFFFFEF7, lr;
	s5 =	simm.s32 $0xFFFFFFFF;
	p2 =	slt.u32 s8, $0xFFFFF086  }
0x1c: {  	p1 =	slt.u32 s9, $0xF7A;
	s5 =	simm.s32 @!p2 $0x0  }
0x1d: {  	s5 =	simm.s32 @p1 $0x1;
	p0 =	seq.s32 s7, s2  }
0x1e: {  	s7 =	smul.u32 @!p0 $0xF7A, s2;
	p2 =	seq.s32 @!p0 s5, $0x0  }
0x1f: {  	s9 =	smul.u32 $0xF7A, s1;
	s8 =	simm.s32 @!p0 $0x1BF5;
	p2 =	por !p2, p0  }
0x20: {  	[sflag:s8] =	ssyncset.s32 @!p0 $0xFFFFF086;
	s6 =	sadd.s32 @!p0 s3, s7;
	s7 =	simm.s32 @!p0 $0x108  }
0x21: {  	s3 =	sadd.s32 s3, s9;
	s6 =	sadd.s32 @!p0 $0x88, s6;
	s7 =	simm.s32 @p2 $0x1082  }
0x22: {  	[simem:s7], [sflag:s8] =	dma.local @!p0 [hbm:s6], $0xF7A  }
0x23: {  	s9 =	sor.u32 $0xD0000000, s2;
	s6 =	simm.s32 $0x108;
	_ =	swait.ge @!p0 [sflag:s8], $0x0  }
0x24: {  	s3 =	sadd.s32 $0x88, s3;
	s6 =	simm.s32 @!p1 $0x1082;
	[sflag:s4] =	ssyncset.s32 $0xFFFFF086  }
0x25: {  	[simem:s6], [sflag:s4] =	dma.local [hbm:s3], $0xF7A  }
0x26: {  	[smem:$0x3F97] =	sst s1;
	(tag) =	ssettag s2;
	_ =	strace s9  }
0x27: {  	s1 =	sld [smem:$0x3FA7]  }
0x28: {  	s2 =	sld [smem:$0x3FA8]  }
0x29: {  	s4 =	sld [smem:$0x3FAA]  }
0x2a: {  	p0 =	seq.s32 s5, $0x0;
	s5 =	sld [smem:$0x3FAB]  }
0x2b: {  	s6 =	sld [smem:$0x3FAC]  }
0x2c: {  	s7 =	sld [smem:$0x3FAD]  }
0x2d: {  	s3 =	simm.s32 $0x108;
	s8 =	sld [smem:$0x3FAE]  }
0x2e: {  	s3 =	simm.s32 @!p0 $0x1082;
	s9 =	sld [smem:$0x3FAF]  }
0x2f: {  	lr =	sadd.s32 s0, s3;
	s0 =	sld [smem:$0x3FA6]  }
0x30: {  	s3 =	sld [smem:$0x3FA9]  }
0x31: {  	[smem:$0x3FB2] =	sst s10  }
0x32: {  	s10 =	sld [smem:$0x3FB0];
	_ =	sdelay $0x3  }
0x33: {  	p0 =	seq.s32 s10, $0x1;
	s10 =	sld [smem:$0x3FB2];
	_ =	sdelay $0x3  }
0x34: {  	[smem:$0x3FB2] =	sst s10  }
0x35: {  	s10 =	sld [smem:$0x3FB1];
	_ =	sdelay $0x3  }
0x36: {  	p1 =	seq.s32 s10, $0x1;
	s10 =	sld [smem:$0x3FB2];
	_ =	sdelay $0x3  }
0x37: {  	[smem:$0x3FB2] =	sst s10  }
0x38: {  	s10 =	sld [smem:$0x3FB3]  }
0x39: {  	_ = 	snop;
	(pc) =	sbr.ind lr, $3  }
0x3a: {  	_ = 	snop  }
0x3b: {  	_ = 	snop  }
0x3c: {  	p2 =	seq.s32 s10, $0x1;
	s10 =	sld [smem:$0x3FB2]  }
0x3d: {  	_ =	shalt  }
0x3e: {  	_ =	shalt  }
0x3f: {  	_ =	shalt  }
0x40: {  	_ =	shalt  }
0x41: {  	_ =	shalt  }
0x42: {  	_ =	shalt  }
0x43: {  	_ =	shalt  }
0x44: {  	_ =	shalt  }
0x45: {  	_ =	shalt  }
0x46: {  	_ =	shalt  }
0x47: {  	_ =	shalt  }
0x48: {  	_ =	shalt  }
0x49: {  	_ =	shalt  }
0x4a: {  	_ =	shalt  }
0x4b: {  	_ =	shalt  }
0x4c: {  	_ =	shalt  }
0x4d: {  	_ =	shalt  }
0x4e: {  	_ =	shalt  }
0x4f: {  	_ =	shalt  }
0x50: {  	_ =	shalt  }
0x51: {  	_ =	shalt  }
0x52: {  	_ =	shalt  }
0x53: {  	_ =	shalt  }
0x54: {  	_ =	shalt  }
0x55: {  	_ =	shalt  }
0x56: {  	_ =	shalt  }
0x57: {  	_ =	shalt  }
0x58: {  	_ =	shalt  }
0x59: {  	_ =	shalt  }
0x5a: {  	_ =	shalt  }
0x5b: {  	_ =	shalt  }
0x5c: {  	_ =	shalt  }
0x5d: {  	_ =	shalt  }
0x5e: {  	_ =	shalt  }
0x5f: {  	_ =	shalt  }
0x60: {  	_ =	shalt  }
0x61: {  	_ =	shalt  }
0x62: {  	_ =	shalt  }
0x63: {  	_ =	shalt  }
0x64: {  	_ =	shalt  }
0x65: {  	_ =	shalt  }
0x66: {  	_ =	shalt  }
0x67: {  	_ =	shalt  }
0x68: {  	_ =	shalt  }
0x69: {  	_ =	shalt  }
0x6a: {  	_ =	shalt  }
0x6b: {  	_ =	shalt  }
0x6c: {  	_ =	shalt  }
0x6d: {  	_ =	shalt  }
0x6e: {  	_ =	shalt  }
0x6f: {  	_ =	shalt  }
0x70: {  	_ =	shalt  }
0x71: {  	_ =	shalt  }
0x72: {  	_ =	shalt  }
0x73: {  	_ =	shalt  }
0x74: {  	_ =	shalt  }
0x75: {  	_ =	shalt  }
0x76: {  	_ =	shalt  }
0x77: {  	_ =	shalt  }
0x78: {  	_ =	shalt  }
0x79: {  	_ =	shalt  }
0x7a: {  	_ =	shalt  }
0x7b: {  	_ =	shalt  }
0x7c: {  	_ =	shalt  }
0x7d: {  	_ =	shalt  }
0x7e: {  	_ =	shalt  }
0x7f: {  	_ =	shalt  }
0x80: {  	_ =	shalt  }
0x81: {  	_ =	shalt  }
0x82: {  	_ =	shalt  }
0x83: {  	_ =	shalt  }
0x84: {  	_ =	shalt  }
0x85: {  	_ =	shalt  }
0x86: {  	_ =	shalt  }
0x87: {  	_ =	shalt  }
.Lfunc_end0:
.L_simem_size_0:
called_computation.1_lowered:
.L_overlay_start_0:
0x88: {  	s2 =	sld [smem:$0x3FD9]  }
0x89: {  	s3 =	sld [smem:$0x3FFE];
	_ =	sdelay $0x1  }
0x8a: {  	s1 =	srdreg.scid  }
0x8b: {  	s0 =	sand.u32 $0x1, s1  }
0x8c: {  	s16 =	sshll.u32 s0, $0xA;
	s2 =	sadd.s32 s3, s2  }
0x8d: {  	s2 =	sadd.s32 s2, s16  }
0x8e: {  	[smem:$0x3FBE] =	sst s2  }
0x8f: {  	_ = 	snop  }
0x90: {  	(tm) =	ssettm $0x1  }
0x91: {  	s17 =	sld [smem:$0x3FFB];
	_ =	sdelay $0x3  }
0x92: {  	_ =	strace s17  }
0x93: {  	s2 =	sld [smem:$0x3FFC];
	_ =	sdelay $0x3  }
0x94: {  	_ =	strace s2  }
0x95: {  	s2 =	sld [smem:$0x3FFD];
	_ =	sdelay $0x3  }
0x96: {  	_ =	strace s2  }
0x97: {  	_ =	strace $0x8FFFFFFF  }
0x98: {  	s18 =	sld [smem:$0x3FDB];
	_ =	sdelay $0x1  }
0x99: {  	s19 =	simm.s32 $_scs_section_size  }
0x9a: {  	s4 =	simm.s32 $_size__tile_overlayer_lowered;
	s5 =	simm.s32 $_tile_overlayer_lowered  }
0x9b: {  	s22 =	simm.s32 $0x1BFF;
	s21 =	sshll.u32 s5, $0x1;
	s2 =	sadd.s32 s19, s18  }
0x9c: {  	s6 =	simm.s32 $0x0;
	s20 =	sshll.u32 s4, $0x1;
	s4 =	sadd.s32 s21, s2  }
0x9d: {  	[timem:s6], [sflag:s22] =	dma.local [hbm:s4], s20  }
0x9e: {  	_ =	swait.ge [sflag:s22], s20  }
0x9f: {  	s3 =	ssub.s32 $0x0, s20;
	[sflag:s22] =	ssyncset.done $0x0  }
0xa0: {  	[sflag:s22] =	ssyncadd.s32 s3;
	_ =	sdelay $0x1  }
0xa1: {  	s23 =	simm.s32 $0x1B8B  }
0xa2: {  	_ =	swait.ge [sflag:s23], $0x1  }
0xa3: {  	[sflag:s23] =	ssyncset.done $0x0  }
0xa4: {  	s25 =	simm.s32 $0x1B8E;
	s24 =	sld [smem:$0x3FFE];
	[sflag:s23] =	ssyncadd.s32 $0xFFFFFFFF  }
0xa5: {  	s26 =	simm.s32 $execute0_lowered;
	[smem:$0x3FD2] =	sst s25  }
0xa6: {  	s4 =	sshll.u32 s26, $0x1;
	_ =	strace $0x80000049;
	[dreg:$0x1] =	wrdreg $0xFFFFFFFF  }
0xa7: {  	s28 =	simm.s32 $_size_execute0_lowered;
	s2 =	sadd.s32 s2, s4;
	[dreg:$0x0] =	wrdreg $0x0  }
0xa8: {  	s4 =	sshll.u32 s28, $0x1;
	[dreg:$0x2] =	wrdreg s2  }
0xa9: {  	[dreg:$0x3] =	wrdreg s4  }
0xaa: {  	[dreg:$0x4] =	wrdreg $0xC0  }
0xab: {  	_ =	task [dreg:s6], $0x5FFFF  }
0xac: {  	[dreg:$0x1] =	wrdreg $0xFFFFFFFF  }
0xad: {  	[dreg:$0x0] =	wrdreg $0x60  }
0xae: {  	[dreg:$0x2] =	wrdreg s24  }
0xaf: {  	[dreg:$0x3] =	wrdreg $0x8A000  }
0xb0: {  	[dreg:$0x4] =	wrdreg $0x9  }
0xb1: {  	_ =	task.clear_ibuf [dreg:s6], $0x5FFFF;
	_ =	strace $0x90000049  }
0xb2: {  	s29 =	simm.s32 $0x9;
	_ =	strace $0x8000004B  }
0xb3: {  	_ =	swait.ge [sflag:s29], $0x1  }
0xb4: {  	[sflag:s29] =	ssyncadd.s32 $0xFFFFFFFF  }
0xb5: {  	_ =	strace $0x9000004B  }
0xb6: {  	_ =	sfence  }
0xb7: {  	s30 =	sld [smem:$0x0];
	_ =	sdelay $0x2  }
0xb8: {  	s31 =	sshll.u32 s1, $0xD;
	s1 =	sshrl.u32 s1, $0x2  }
0xb9: {  	s3 =	sand.u32 $0x4000, s31;
	s1 =	sadd.s32 s1, s30  }
0xba: {  	s0 =	sor.u32 s3, s0;
	s1 =	sshll.u32 s1, $0x11  }
0xbb: {  	s0 =	sor.u32 s1, s0  }
0xbc: {  	s0 =	sadd.s32 $0x8F2B, s0  }
0xbd: {  	[sflag:s0] =	ssyncadd.remote.s32 $0x1  }
0xbe: {  	_ =	sfence.sel $0xFFFF  }
0xbf: {  	[dreg:$0x0] =	wrdreg $0xFFFFFFFF;
	(pc) =	sbr.abs _section_cstart, $3  }
0xc0: {  	[dreg:$0x1] =	wrdreg $0xFFFFFFFF  }
0xc1: {  	_ =	task.clear_ibuf [dreg:s6], $0x2FFFF;
	_ =	strace $0x9FFFFFFF  }
0xc2: {  	(tm) =	ssettm $0x7FFFFFFF  }
0xc3: {  	_ =	shalt  }
tec
execute0_lowered:
.L_overlay_start_1:
0x0: {  	(tag) =	ssettag $0x1  }
0x1: {  	s0 =	rddreg [dreg:$0x0]  }
0x2: {  	s1 =	rddreg [dreg:$0x1];
	s2 =	simm.s32 $0x0;
	s3 =	srdreg.scid  }
0x3: {  	s20 =	stileid.u32;
	s18 =	simm.s32 $0x8200;
	s19 =	simm.s32 $0x7  }
0x4: {  	s21 =	simm.s32 $0x7D;
	s28 =	simm.s32 $0x4200;
	s29 =	simm.s32 $0x5  }
0x5: {  	s30 =	simm.s32 $0x2;
	s31 =	simm.s32 $0x3;
	[smem:$0x7FF] =	sst s2  }
0x6: {  	s3 =	sand.u32 $0x1, s3;
	s4 =	sadd.s32 $0xCC00, s0;
	s8 =	smul.u32 $0x2800, s20  }
0x7: {  	s7 =	sadd.s32 $0x5AE00, s0;
	s15 =	sadd.s32 $0x2C00, s0;
	s10 =	smul.u32 $0x4E000, s20  }
0x8: {  	s0 =	sadd.s32 $0x64E00, s0;
	s14 =	smul.u32 $0x13800, s20;
	p0 =	sne.s32 s20, $0xF  }
0x9: {  	s20 =	simm.s32 $0x100;
	s5 =	smul.u32 $0x28000, s3;
	s6 =	ssub.s32 $0x2, s3  }
0xa: {  	_ =	strace $0x8000004A;
	s3 =	smul.u32 $0x138800, s3;
	s9 =	sshrl.u32 s6, $0x1  }
0xb: {  	s22 =	sshrl.u32 s10, $0x2;
	s12 =	ssub.s32 s6, s9;
	s8 =	sadd.s32 s8, s5  }
0xc: {  	s5 =	sadd.s32 s22, s1;
	s6 =	sadd.s32 $0x138000, s1;
	s11 =	sshrl.u32 s3, $0x3  }
0xd: {  	s3 =	sadd.s32 s14, s3;
	s22 =	simm.s32 $0x200;
	s23 =	sshrl.u32 s8, $0x3  }
0xe: {  	s11 =	sadd.s32 s0, s11;
	s13 =	sor.u32 $0x180, s8;
	s12 =	smax.u32 s12, $0x1  }
0xf: {  	s8 =	sor.u32 $0x100, s8;
	s3 =	sshrl.u32 s3, $0x3;
	s24 =	sadd.s32 s7, s23  }
0x10: {  	s25 =	sadd.s32 s15, s23;
	s26 =	sor.u32 $0x10, s23;
	s11 =	sadd.s32 $0x27000, s11  }
0x11: {  	s16 =	sshrl.u32 s13, $0x3;
	s8 =	sshrl.u32 s8, $0x3;
	s17 =	sadd.s32 s3, s0  }
0x12: {  	s23 =	simm.s32 $0x80;
	s0 =	simm.s32 $0x6;
	[dreg:$0x3] =	wrdreg s24  }
0x13: {  	s3 =	simm.s32 $0x0;
	[dreg:$0x4] =	wrdreg s25;
	s9 =	sadd.s32 s7, s26  }
0x14: {  	s10 =	sadd.s32 s15, s26;
	s13 =	sadd.s32 s16, s15;
	s14 =	sadd.s32 s16, s7  }
0x15: {  	s15 =	sadd.s32 s8, s15;
	s16 =	sadd.s32 s8, s7;
	s24 =	simm.s32 $0x180  }
0x16: {  	v0 =	vimm.f32 $0.0e+00;
	s25 =	simm.s32 $0x1;
	s26 =	simm.s32 $0x4;
	[dreg:$0x5] =	wrdreg s9  }
.LBB2_1:
0x17: {  	s7 =	simm.s32 $0x0;
	s8 =	simm.s32 $0x200  }
.LBB2_2:
0x18: {  	p1 =	sne.s32 s8, $0x1E00;
	[tilespmem:s7+$0x8270] =	vst v0  }
0x19: {  	[tilespmem:s7+$0x8200] =	vst v0  }
0x1a: {  	[tilespmem:s7+$0x8210] =	vst v0  }
.Ltmp0:
0x1b: {  	[tilespmem:s7+$0x8220] =	vst v0;
	(pc) =	sbr.rel @p1 .LBB2_2-.Ltmp0, $4  }
0x1c: {  	[tilespmem:s7+$0x8230] =	vst v0  }
0x1d: {  	[tilespmem:s7+$0x8240] =	vst v0  }
0x1e: {  	[tilespmem:s7+$0x8250] =	vst v0  }
0x1f: {  	[tilespmem:s7+$0x8260] =	vst v0;
	s7 =	sshra.s32 s8, $0x2;
	s8 =	sadd.s32 $0x200, s8  }
0x20: {  	[tilespmem:s7+$0x8270] =	vst v0  }
0x21: {  	[tilespmem:s7+$0x8200] =	vst v0  }
0x22: {  	[tilespmem:s7+$0x8210] =	vst v0  }
0x23: {  	[tilespmem:s7+$0x8220] =	vst v0  }
0x24: {  	[tilespmem:s7+$0x8230] =	vst v0  }
0x25: {  	[tilespmem:s7+$0x8240] =	vst v0  }
0x26: {  	[tilespmem:s7+$0x8250] =	vst v0  }
0x27: {  	[tilespmem:s7+$0x8260] =	vst v0;
	s9 =	sadd.s32 $0x0, s5  }
0x28: {  	[spmem:s9] =	stream.linear.scatter [tilespmem:s18], [sflag:$0x7], $0x800, $0x38;
	[tilespmem:$0x1C280] =	vst v63  }
0x29: {  	s7 =	simm.s32 $0x2000;
	_ =	swait.ge [sflag:s19], $0x800  }
.LBB2_4:
0x2a: {  	s8 =	sshra.s32 s7, $0x2;
	[sflag:s19] =	ssyncset.done $0x0;
	p1 =	sne.s32 s7, $0x4C000  }
.Ltmp1:
0x2b: {  	s8 =	sadd.s32 s8, s5;
	[sflag:s19] =	ssyncadd.s32 $0xFFFFF800;
	(pc) =	sbr.rel @p1 .LBB2_4-.Ltmp1, $3  }
0x2c: {  	[spmem:s8] =	stream.linear.scatter [tilespmem:s18], [sflag:$0x7], $0x800, $0x38;
	[tilespmem:$0x1C280] =	vst v63  }
0x2d: {  	s7 =	sadd.s32 $0x2000, s7;
	_ =	sdelay $0x1  }
0x2e: {  	_ =	swait.ge [sflag:s19], $0x800  }
0x2f: {  	[sflag:s19] =	ssyncset.done $0x0  }
0x30: {  	s7 =	simm.s32 @!p0 $0x8200;
	[sflag:s19] =	ssyncadd.s32 $0xFFFFF800  }
0x31: {  	[spmem:s6] =	stream.linear.scatter @!p0 [tilespmem:s7], [sflag:$0x7], $0x800, $0x38;
	[tilespmem:$0x1C280] =	vst v63  }
0x32: {  	s7 =	simm.s32 @!p0 $0x7  }
0x33: {  	_ =	swait.ge @!p0 [sflag:s7], $0x800  }
0x34: {  	[sflag:s7] =	ssyncset.done @!p0 $0x0  }
0x35: {  	[sflag:s7] =	ssyncadd.s32 @!p0 $0xFFFFF800  }
0x36: {  	[bflag:$0x0] =	sbarrier.arrive $0xFFFF  }
0x37: {  	s7 =	simm.s32 $0x0;
	s8 =	rddreg [dreg:$0x3]  }
0x38: {  	[tilespmem:s7], [sflag:$0x7] =	stream.linear.gather [hbm4b:s8+s7], $0x80, $0x38;
	[tilespmem:$0x1C280] =	vst v63  }
0x39: {  	_ =	swait.ge [sflag:s19], $0x80  }
0x3a: {  	[sflag:s19] =	ssyncset.done $0x0  }
0x3b: {  	s9 =	rddreg [dreg:$0x4];
	[sflag:s19] =	ssyncadd.s32 $0xFFFFFF80  }
0x3c: {  	[tilespmem:s20], [sflag:$0x5] =	stream.linear.gather [hbm4b:s9+s7], $0x80, $0x38;
	[tilespmem:$0x1C280] =	vst v63  }
0x3d: {  	_ = 	snop  }
0x3e: {  	[tilespmem:s22], [sflag:$0x1] =	stream.indirect.gather [hbm4b:s4+s21], $0x80, s7, s21, $0xb8;
	[tilespmem:$0x1C280] =	vst v63  }
0x3f: {  	s9 =	rddreg [dreg:$0x5]  }
0x40: {  	[tilespmem:s23], [sflag:$0x4] =	stream.linear.gather [hbm4b:s9+s7], $0x80, $0x38;
	[tilespmem:$0x1C280] =	vst v63  }
0x41: {  	_ = 	snop  }
0x42: {  	[tilespmem:s24], [sflag:$0x6] =	stream.linear.gather [hbm4b:s10+s7], $0x80, $0x38;
	[tilespmem:$0x1C280] =	vst v63  }
0x43: {  	_ =	swait.ge [sflag:s25], $0x3E80  }
0x44: {  	[sflag:s25] =	ssyncset.done $0x0  }
0x45: {  	[sflag:s25] =	ssyncadd.s32 $0xFFFFC180  }
0x46: {  	_ =	swait.ge [sflag:s26], $0x80  }
0x47: {  	[sflag:s26] =	ssyncset.done $0x0  }
0x48: {  	[sflag:s26] =	ssyncadd.s32 $0xFFFFFF80  }
0x49: {  	[tilespmem:s28], [sflag:$0x2] =	stream.indirect.gather [hbm4b:s4+s21], $0x80, s23, s21, $0xb8;
	[tilespmem:$0x1C280] =	vst v63  }
0x4a: {  	s9 =	sadd.s32 $0x0, s16  }
0x4b: {  	[tilespmem:s2], [sflag:$0x3] =	stream.linear.gather [hbm4b:s9+s2], $0x80, $0x38;
	[tilespmem:$0x1C280] =	vst v63  }
0x4c: {  	_ =	swait.ge [sflag:s29], $0x80  }
0x4d: {  	[sflag:s29] =	ssyncset.done $0x0  }
0x4e: {  	[sflag:s29] =	ssyncadd.s32 $0xFFFFFF80  }
0x4f: {  	[spmem:s1] =	stream.indirect.scatter.add.f32 [tilespmem:s22], [sflag:$0x7], $0x80, s20, s21, $0xb8;
	[tilespmem:$0x1C280] =	vst v63  }
0x50: {  	_ =	swait.ge [sflag:s19], $0x3E80  }
0x51: {  	[sflag:s19] =	ssyncset.done $0x0  }
0x52: {  	s8 =	sadd.s32 $0x0, s15;
	[sflag:s19] =	ssyncadd.s32 $0xFFFFC180  }
0x53: {  	[tilespmem:s20], [sflag:$0x5] =	stream.linear.gather [hbm4b:s8+s2], $0x80, $0x38;
	[tilespmem:$0x1C280] =	vst v63  }
0x54: {  	_ =	swait.ge [sflag:s30], $0x3E80  }
0x55: {  	[sflag:s30] =	ssyncset.done $0x0  }
0x56: {  	[sflag:s30] =	ssyncadd.s32 $0xFFFFC180  }
0x57: {  	_ =	swait.ge [sflag:s31], $0x80  }
0x58: {  	[sflag:s31] =	ssyncset.done $0x0  }
0x59: {  	[sflag:s31] =	ssyncadd.s32 $0xFFFFFF80  }
0x5a: {  	[tilespmem:s22], [sflag:$0x1] =	stream.indirect.gather [hbm4b:s4+s21], $0x80, s2, s21, $0xb8;
	[tilespmem:$0x1C280] =	vst v63  }
0x5b: {  	s9 =	sadd.s32 $0x0, s14  }
0x5c: {  	[tilespmem:s23], [sflag:$0x4] =	stream.linear.gather [hbm4b:s9+s2], $0x80, $0x38;
	[tilespmem:$0x1C280] =	vst v63  }
0x5d: {  	_ =	swait.ge [sflag:s0], $0x80  }
0x5e: {  	[sflag:s0] =	ssyncset.done $0x0  }
0x5f: {  	[sflag:s0] =	ssyncadd.s32 $0xFFFFFF80  }
0x60: {  	[spmem:s1] =	stream.indirect.scatter.add.f32 [tilespmem:s28], [sflag:$0x7], $0x80, s24, s21, $0xb8;
	[tilespmem:$0x1C280] =	vst v63  }
0x61: {  	_ =	swait.ge [sflag:s19], $0x3E80  }
0x62: {  	[sflag:s19] =	ssyncset.done $0x0  }
0x63: {  	s7 =	simm.s32 $0x20;
	s8 =	sadd.s32 $0x0, s13;
	[sflag:s19] =	ssyncadd.s32 $0xFFFFC180  }
.LBB2_6:
0x64: {  	[tilespmem:s24], [sflag:$0x6] =	stream.linear.gather [hbm4b:s8+s2], $0x80, $0x38;
	[tilespmem:$0x1C280] =	vst v63  }
0x65: {  	s8 =	smov.u32 s7  }
0x66: {  	p1 =	sne.s32 s7, $0x4C0;
	s7 =	sadd.s32 $0x20, s7;
	_ =	swait.ge [sflag:s25], $0x3E80  }
0x67: {  	[sflag:s25] =	ssyncset.done $0x0  }
0x68: {  	[sflag:s25] =	ssyncadd.s32 $0xFFFFC180  }
0x69: {  	_ =	swait.ge [sflag:s26], $0x80  }
0x6a: {  	[sflag:s26] =	ssyncset.done $0x0  }
0x6b: {  	[sflag:s26] =	ssyncadd.s32 $0xFFFFFF80  }
0x6c: {  	[tilespmem:s28], [sflag:$0x2] =	stream.indirect.gather [hbm4b:s4+s21], $0x80, s23, s21, $0xb8;
	[tilespmem:$0x1C280] =	vst v63  }
0x6d: {  	s9 =	sadd.s32 s8, s16  }
0x6e: {  	[tilespmem:s2], [sflag:$0x3] =	stream.linear.gather [hbm4b:s9+s2], $0x80, $0x38;
	[tilespmem:$0x1C280] =	vst v63  }
0x6f: {  	_ =	swait.ge [sflag:s29], $0x80  }
0x70: {  	[sflag:s29] =	ssyncset.done $0x0  }
0x71: {  	[sflag:s29] =	ssyncadd.s32 $0xFFFFFF80  }
0x72: {  	[spmem:s1] =	stream.indirect.scatter.add.f32 [tilespmem:s22], [sflag:$0x7], $0x80, s20, s21, $0xb8;
	[tilespmem:$0x1C280] =	vst v63  }
0x73: {  	_ =	swait.ge [sflag:s19], $0x3E80  }
0x74: {  	[sflag:s19] =	ssyncset.done $0x0  }
0x75: {  	s9 =	sadd.s32 s8, s15;
	[sflag:s19] =	ssyncadd.s32 $0xFFFFC180  }
0x76: {  	[tilespmem:s20], [sflag:$0x5] =	stream.linear.gather [hbm4b:s9+s2], $0x80, $0x38;
	[tilespmem:$0x1C280] =	vst v63  }
0x77: {  	_ =	swait.ge [sflag:s30], $0x3E80  }
0x78: {  	[sflag:s30] =	ssyncset.done $0x0  }
0x79: {  	[sflag:s30] =	ssyncadd.s32 $0xFFFFC180  }
0x7a: {  	_ =	swait.ge [sflag:s31], $0x80  }
0x7b: {  	[sflag:s31] =	ssyncset.done $0x0  }
0x7c: {  	[sflag:s31] =	ssyncadd.s32 $0xFFFFFF80  }
0x7d: {  	[tilespmem:s22], [sflag:$0x1] =	stream.indirect.gather [hbm4b:s4+s21], $0x80, s2, s21, $0xb8;
	[tilespmem:$0x1C280] =	vst v63  }
0x7e: {  	s9 =	sadd.s32 s8, s14  }
0x7f: {  	[tilespmem:s23], [sflag:$0x4] =	stream.linear.gather [hbm4b:s9+s2], $0x80, $0x38;
	[tilespmem:$0x1C280] =	vst v63  }
0x80: {  	_ =	swait.ge [sflag:s0], $0x80  }
0x81: {  	[sflag:s0] =	ssyncset.done $0x0  }
.Ltmp2:
0x82: {  	[sflag:s0] =	ssyncadd.s32 $0xFFFFFF80;
	(pc) =	sbr.rel @p1 .LBB2_6-.Ltmp2, $4  }
0x83: {  	[spmem:s1] =	stream.indirect.scatter.add.f32 [tilespmem:s28], [sflag:$0x7], $0x80, s24, s21, $0xb8;
	[tilespmem:$0x1C280] =	vst v63  }
0x84: {  	_ =	swait.ge [sflag:s19], $0x3E80  }
0x85: {  	[sflag:s19] =	ssyncset.done $0x0  }
0x86: {  	s8 =	sadd.s32 s8, s13;
	[sflag:s19] =	ssyncadd.s32 $0xFFFFC180  }
0x87: {  	[tilespmem:s24], [sflag:$0x6] =	stream.linear.gather [hbm4b:s8+s2], $0x80, $0x38;
	[tilespmem:$0x1C280] =	vst v63  }
0x88: {  	_ =	swait.ge [sflag:s25], $0x3E80  }
0x89: {  	[sflag:s25] =	ssyncset.done $0x0  }
0x8a: {  	[sflag:s25] =	ssyncadd.s32 $0xFFFFC180  }
0x8b: {  	_ =	swait.ge [sflag:s26], $0x80  }
0x8c: {  	[sflag:s26] =	ssyncset.done $0x0  }
0x8d: {  	[sflag:s26] =	ssyncadd.s32 $0xFFFFFF80  }
0x8e: {  	[tilespmem:s28], [sflag:$0x2] =	stream.indirect.gather [hbm4b:s4+s21], $0x80, s23, s21, $0xb8;
	[tilespmem:$0x1C280] =	vst v63  }
0x8f: {  	_ =	swait.ge [sflag:s29], $0x80  }
0x90: {  	[sflag:s29] =	ssyncset.done $0x0  }
0x91: {  	[sflag:s29] =	ssyncadd.s32 $0xFFFFFF80  }
0x92: {  	[spmem:s1] =	stream.indirect.scatter.add.f32 [tilespmem:s22], [sflag:$0x7], $0x80, s20, s21, $0xb8;
	[tilespmem:$0x1C280] =	vst v63  }
0x93: {  	_ =	swait.ge [sflag:s19], $0x3E80  }
0x94: {  	[sflag:s19] =	ssyncset.done $0x0  }
0x95: {  	[sflag:s19] =	ssyncadd.s32 $0xFFFFC180  }
0x96: {  	_ =	swait.ge [sflag:s30], $0x3E80  }
0x97: {  	[sflag:s30] =	ssyncset.done $0x0  }
0x98: {  	[sflag:s30] =	ssyncadd.s32 $0xFFFFC180  }
0x99: {  	_ =	swait.ge [sflag:s0], $0x80  }
0x9a: {  	[sflag:s0] =	ssyncset.done $0x0  }
0x9b: {  	[sflag:s0] =	ssyncadd.s32 $0xFFFFFF80  }
0x9c: {  	[spmem:s1] =	stream.indirect.scatter.add.f32 [tilespmem:s28], [sflag:$0x7], $0x80, s24, s21, $0xb8;
	[tilespmem:$0x1C280] =	vst v63  }
0x9d: {  	_ =	swait.ge [sflag:s19], $0x3E80  }
0x9e: {  	[sflag:s19] =	ssyncset.done $0x0  }
0x9f: {  	[sflag:s19] =	ssyncadd.s32 $0xFFFFC180  }
0xa0: {  	[bflag:$0x0] =	sbarrier.arrive $0xFFFF  }
0xa1: {  	[tilespmem:s18], [sflag:$0x7] =	stream.linear.gather [spmem:s5], $0x800, $0x38;
	[tilespmem:$0x1C280] =	vst v63  }
0xa2: {  	_ =	swait.ge [sflag:s19], $0x800  }
0xa3: {  	[sflag:s19] =	ssyncset.done $0x0  }
0xa4: {  	s7 =	sadd.s32 $0x0, s17;
	[sflag:s19] =	ssyncadd.s32 $0xFFFFF800  }
0xa5: {  	[hbm4b:s7+s2] =	stream.linear.scatter [tilespmem:s18], [sflag:$0x7], $0x800, $0x38;
	[tilespmem:$0x1C280] =	vst v63  }
0xa6: {  	_ =	swait.ge [sflag:s19], $0x800  }
0xa7: {  	s8 =	smov.u32 s5;
	s7 =	simm.s32 $0x100;
	[sflag:s19] =	ssyncset.done $0x0  }
.LBB2_8:
0xa8: {  	p1 =	sne.s32 s7, $0x2600;
	[sflag:s19] =	ssyncadd.s32 $0xFFFFF800;
	s8 =	sadd.s32 $0x800, s8  }
0xa9: {  	[tilespmem:s18], [sflag:$0x7] =	stream.linear.gather [spmem:s8], $0x800, $0x38;
	[tilespmem:$0x1C280] =	vst v63  }
0xaa: {  	s9 =	smov.u32 s7;
	s7 =	sadd.s32 $0x100, s7;
	_ =	swait.ge [sflag:s19], $0x800  }
.Ltmp3:
0xab: {  	[sflag:s19] =	ssyncset.done $0x0;
	(pc) =	sbr.rel @p1 .LBB2_8-.Ltmp3, $4  }
0xac: {  	s9 =	sadd.s32 s9, s17;
	[sflag:s19] =	ssyncadd.s32 $0xFFFFF800  }
0xad: {  	[hbm4b:s9+s2] =	stream.linear.scatter [tilespmem:s18], [sflag:$0x7], $0x800, $0x38;
	[tilespmem:$0x1C280] =	vst v63  }
0xae: {  	_ =	swait.ge [sflag:s19], $0x800  }
0xaf: {  	[sflag:s19] =	ssyncset.done $0x0  }
0xb0: {  	[sflag:s19] =	ssyncadd.s32 $0xFFFFF800;
	s7 =	simm.s32 @!p0 $0x8200;
	s8 =	simm.s32 @!p0 $0x7  }
0xb1: {  	[tilespmem:s7], [sflag:$0x7] =	stream.linear.gather @!p0 [spmem:s6], $0x800, $0x38;
	[tilespmem:$0x1C280] =	vst v63  }
0xb2: {  	s3 =	sadd.s32 $0x1, s3;
	_ =	swait.ge @!p0 [sflag:s8], $0x800  }
0xb3: {  	p1 =	sne.s32 s3, s12;
	[sflag:s8] =	ssyncset.done @!p0 $0x0  }
.Ltmp4:
0xb4: {  	s9 =	simm.s32 @!p0 $0x0;
	[sflag:s8] =	ssyncadd.s32 @!p0 $0xFFFFF800;
	(pc) =	sbr.rel @p1 .LBB2_1-.Ltmp4, $4  }
0xb5: {  	[hbm4b:s11+s9] =	stream.linear.scatter @!p0 [tilespmem:s7], [sflag:$0x7], $0x800, $0x38;
	[tilespmem:$0x1C280] =	vst v63  }
0xb6: {  	_ =	swait.ge @!p0 [sflag:s8], $0x800  }
0xb7: {  	[sflag:s8] =	ssyncset.done @!p0 $0x0  }
0xb8: {  	[sflag:s8] =	ssyncadd.s32 @!p0 $0xFFFFF800  }
0xb9: {  	_ =	sfence.sel $0x180000  }
0xba: {  	[bflag:$0x0] =	sbarrier.arrive $0xFFFF  }
0xbb: {  	_ =	strace $0x9000004A  }
0xbc: {  	s0 =	stileid.u32;
	[bflag:$0x2] =	sbarrier.arrive $0xFFFF  }
0xbd: {  	p0 =	sne.s32 s0, $0x0;
	s0 =	rddreg [dreg:$0x2]  }
0xbe: {  	s0 =	sadd.s32 @!p0 $0x100000, s0  }
0xbf: {  	[sflag:s0] =	ssyncadd.tile.s32 @!p0 $0x1;
	_ =	shalt  }
.Lfunc_end2:
_tile_overlayer_lowered:
.L_overlay_start_2:
0xc0: {  	(tag) =	ssettag $0x2  }
0xc1: {  	s0 =	rddreg [dreg:$0x0];
	s2 =	stileid.u32  }
0xc2: {  	s1 =	rddreg [dreg:$0x1];
	p0 =	sne.s32 s2, $0x0  }
0xc3: {  	s3 =	rddreg [dreg:$0x2];
	[bflag:$0x3] =	sbarrier.arrive $0xFFFF;
	s2 =	simm.s32 @!p0 $0x1C07  }
0xc4: {  	[timem:s3], [sflag:s2] =	dma.local @!p0 [hbm:s0], s1  }
0xc5: {  	s0 =	simm.s32 @!p0 $0x7  }
0xc6: {  	_ =	swait.ge @!p0 [sflag:s0], s1  }
0xc7: {  	s1 =	ssub.s32 @!p0 $0x0, s1;
	[sflag:s0] =	ssyncset.done @!p0 $0x0  }
0xc8: {  	[sflag:s0] =	ssyncadd.s32 @!p0 s1  }
0xc9: {  	[bflag:$0x3] =	sbarrier.arrive $0xFFFF  }
0xca: {  	_ =	shalt  }

// kernel: kernel.16.cloned.1.call-start
scs
__scs_entry_jumppad:
0x0: {  	(pc) =	sbr.rel $0x88, $3  }
0x1: {  	(tag) =	ssettag $0x0;
	lr =	simm.s32 $0x1  }
0x2: {  	[smem:$0x3F97] =	sst lr;
	_ =	strace $0xD0000000  }
0x3: {  	_ = 	snop  }
0x4: {  	_ = 	snop  }
0x5: {  	_ = 	snop  }
0x6: {  	_ = 	snop  }
0x7: {  	_ = 	snop  }
__scs_overlays_trampoline_lowered:
0x8: {  	[smem:$0x3FA6] =	sst s0  }
0x9: {  	[smem:$0x3FA7] =	sst s1  }
0xa: {  	[smem:$0x3FA8] =	sst s2  }
0xb: {  	[smem:$0x3FA9] =	sst s3  }
0xc: {  	[smem:$0x3FAA] =	sst s4  }
0xd: {  	[smem:$0x3FAB] =	sst s5  }
0xe: {  	[smem:$0x3FAC] =	sst s6  }
0xf: {  	[smem:$0x3FAD] =	sst s7  }
0x10: {  	[smem:$0x3FAE] =	sst s8  }
0x11: {  	[smem:$0x3FAF] =	sst s9;
	s0 =	simm.s32 @!p0 $0x0  }
0x12: {  	s1 =	sld [smem:$0x3F95];
	s0 =	simm.s32 @p0 $0x1  }
0x13: {  	[smem:$0x3FB0] =	sst s0;
	s0 =	simm.s32 @!p1 $0x0  }
0x14: {  	s2 =	sld [smem:$0x3F94];
	s0 =	simm.s32 @p1 $0x1  }
0x15: {  	[smem:$0x3FB1] =	sst s0;
	s0 =	simm.s32 @!p2 $0x0  }
0x16: {  	s3 =	sld [smem:$0x3FDB];
	s0 =	simm.s32 @p2 $0x1  }
0x17: {  	s4 =	simm.s32 $0x1BF5;
	[smem:$0x3FB3] =	sst s0  }
0x18: {  	s0 =	sld [smem:$0x3F96];
	_ =	swait.ge [sflag:s4], $0x0  }
0x19: {  	s7 =	sld [smem:$0x3F97]  }
0x1a: {  	s8 =	sadd.s32 $0xFFFFE003, lr  }
0x1b: {  	s9 =	sadd.s32 $0xFFFFFEF7, lr;
	s5 =	simm.s32 $0xFFFFFFFF;
	p2 =	slt.u32 s8, $0xFFFFF086  }
0x1c: {  	p1 =	slt.u32 s9, $0xF7A;
	s5 =	simm.s32 @!p2 $0x0  }
0x1d: {  	s5 =	simm.s32 @p1 $0x1;
	p0 =	seq.s32 s7, s2  }
0x1e: {  	s7 =	smul.u32 @!p0 $0xF7A, s2;
	p2 =	seq.s32 @!p0 s5, $0x0  }
0x1f: {  	s9 =	smul.u32 $0xF7A, s1;
	s8 =	simm.s32 @!p0 $0x1BF5;
	p2 =	por !p2, p0  }
0x20: {  	[sflag:s8] =	ssyncset.s32 @!p0 $0xFFFFF086;
	s6 =	sadd.s32 @!p0 s3, s7;
	s7 =	simm.s32 @!p0 $0x108  }
0x21: {  	s3 =	sadd.s32 s3, s9;
	s6 =	sadd.s32 @!p0 $0x88, s6;
	s7 =	simm.s32 @p2 $0x1082  }
0x22: {  	[simem:s7], [sflag:s8] =	dma.local @!p0 [hbm:s6], $0xF7A  }
0x23: {  	s9 =	sor.u32 $0xD0000000, s2;
	s6 =	simm.s32 $0x108;
	_ =	swait.ge @!p0 [sflag:s8], $0x0  }
0x24: {  	s3 =	sadd.s32 $0x88, s3;
	s6 =	simm.s32 @!p1 $0x1082;
	[sflag:s4] =	ssyncset.s32 $0xFFFFF086  }
0x25: {  	[simem:s6], [sflag:s4] =	dma.local [hbm:s3], $0xF7A  }
0x26: {  	[smem:$0x3F97] =	sst s1;
	(tag) =	ssettag s2;
	_ =	strace s9  }
0x27: {  	s1 =	sld [smem:$0x3FA7]  }
0x28: {  	s2 =	sld [smem:$0x3FA8]  }
0x29: {  	s4 =	sld [smem:$0x3FAA]  }
0x2a: {  	p0 =	seq.s32 s5, $0x0;
	s5 =	sld [smem:$0x3FAB]  }
0x2b: {  	s6 =	sld [smem:$0x3FAC]  }
0x2c: {  	s7 =	sld [smem:$0x3FAD]  }
0x2d: {  	s3 =	simm.s32 $0x108;
	s8 =	sld [smem:$0x3FAE]  }
0x2e: {  	s3 =	simm.s32 @!p0 $0x1082;
	s9 =	sld [smem:$0x3FAF]  }
0x2f: {  	lr =	sadd.s32 s0, s3;
	s0 =	sld [smem:$0x3FA6]  }
0x30: {  	s3 =	sld [smem:$0x3FA9]  }
0x31: {  	[smem:$0x3FB2] =	sst s10  }
0x32: {  	s10 =	sld [smem:$0x3FB0];
	_ =	sdelay $0x3  }
0x33: {  	p0 =	seq.s32 s10, $0x1;
	s10 =	sld [smem:$0x3FB2];
	_ =	sdelay $0x3  }
0x34: {  	[smem:$0x3FB2] =	sst s10  }
0x35: {  	s10 =	sld [smem:$0x3FB1];
	_ =	sdelay $0x3  }
0x36: {  	p1 =	seq.s32 s10, $0x1;
	s10 =	sld [smem:$0x3FB2];
	_ =	sdelay $0x3  }
0x37: {  	[smem:$0x3FB2] =	sst s10  }
0x38: {  	s10 =	sld [smem:$0x3FB3]  }
0x39: {  	_ = 	snop;
	(pc) =	sbr.ind lr, $3  }
0x3a: {  	_ = 	snop  }
0x3b: {  	_ = 	snop  }
0x3c: {  	p2 =	seq.s32 s10, $0x1;
	s10 =	sld [smem:$0x3FB2]  }
0x3d: {  	_ =	shalt  }
0x3e: {  	_ =	shalt  }
0x3f: {  	_ =	shalt  }
0x40: {  	_ =	shalt  }
0x41: {  	_ =	shalt  }
0x42: {  	_ =	shalt  }
0x43: {  	_ =	shalt  }
0x44: {  	_ =	shalt  }
0x45: {  	_ =	shalt  }
0x46: {  	_ =	shalt  }
0x47: {  	_ =	shalt  }
0x48: {  	_ =	shalt  }
0x49: {  	_ =	shalt  }
0x4a: {  	_ =	shalt  }
0x4b: {  	_ =	shalt  }
0x4c: {  	_ =	shalt  }
0x4d: {  	_ =	shalt  }
0x4e: {  	_ =	shalt  }
0x4f: {  	_ =	shalt  }
0x50: {  	_ =	shalt  }
0x51: {  	_ =	shalt  }
0x52: {  	_ =	shalt  }
0x53: {  	_ =	shalt  }
0x54: {  	_ =	shalt  }
0x55: {  	_ =	shalt  }
0x56: {  	_ =	shalt  }
0x57: {  	_ =	shalt  }
0x58: {  	_ =	shalt  }
0x59: {  	_ =	shalt  }
0x5a: {  	_ =	shalt  }
0x5b: {  	_ =	shalt  }
0x5c: {  	_ =	shalt  }
0x5d: {  	_ =	shalt  }
0x5e: {  	_ =	shalt  }
0x5f: {  	_ =	shalt  }
0x60: {  	_ =	shalt  }
0x61: {  	_ =	shalt  }
0x62: {  	_ =	shalt  }
0x63: {  	_ =	shalt  }
0x64: {  	_ =	shalt  }
0x65: {  	_ =	shalt  }
0x66: {  	_ =	shalt  }
0x67: {  	_ =	shalt  }
0x68: {  	_ =	shalt  }
0x69: {  	_ =	shalt  }
0x6a: {  	_ =	shalt  }
0x6b: {  	_ =	shalt  }
0x6c: {  	_ =	shalt  }
0x6d: {  	_ =	shalt  }
0x6e: {  	_ =	shalt  }
0x6f: {  	_ =	shalt  }
0x70: {  	_ =	shalt  }
0x71: {  	_ =	shalt  }
0x72: {  	_ =	shalt  }
0x73: {  	_ =	shalt  }
0x74: {  	_ =	shalt  }
0x75: {  	_ =	shalt  }
0x76: {  	_ =	shalt  }
0x77: {  	_ =	shalt  }
0x78: {  	_ =	shalt  }
0x79: {  	_ =	shalt  }
0x7a: {  	_ =	shalt  }
0x7b: {  	_ =	shalt  }
0x7c: {  	_ =	shalt  }
0x7d: {  	_ =	shalt  }
0x7e: {  	_ =	shalt  }
0x7f: {  	_ =	shalt  }
0x80: {  	_ =	shalt  }
0x81: {  	_ =	shalt  }
0x82: {  	_ =	shalt  }
0x83: {  	_ =	shalt  }
0x84: {  	_ =	shalt  }
0x85: {  	_ =	shalt  }
0x86: {  	_ =	shalt  }
0x87: {  	_ =	shalt  }
.Lfunc_end0:
.L_simem_size_0:
called_computation.2_lowered:
.L_overlay_start_0:
0x88: {  	s2 =	sld [smem:$0x3FD9]  }
0x89: {  	s3 =	sld [smem:$0x3FFE];
	_ =	sdelay $0x1  }
0x8a: {  	s1 =	srdreg.scid  }
0x8b: {  	s0 =	sand.u32 $0x1, s1  }
0x8c: {  	s16 =	sshll.u32 s0, $0xA;
	s2 =	sadd.s32 s3, s2  }
0x8d: {  	s2 =	sadd.s32 s2, s16  }
0x8e: {  	[smem:$0x3FBE] =	sst s2  }
0x8f: {  	_ = 	snop  }
0x90: {  	(tm) =	ssettm $0x1  }
0x91: {  	s17 =	sld [smem:$0x3FFB];
	_ =	sdelay $0x3  }
0x92: {  	_ =	strace s17  }
0x93: {  	s2 =	sld [smem:$0x3FFC];
	_ =	sdelay $0x3  }
0x94: {  	_ =	strace s2  }
0x95: {  	s2 =	sld [smem:$0x3FFD];
	_ =	sdelay $0x3  }
0x96: {  	_ =	strace s2  }
0x97: {  	_ =	strace $0x8FFFFFFF  }
0x98: {  	s18 =	sld [smem:$0x3FDB];
	_ =	sdelay $0x1  }
0x99: {  	s19 =	simm.s32 $_scs_section_size  }
0x9a: {  	s4 =	simm.s32 $_size__tile_overlayer_lowered;
	s5 =	simm.s32 $_tile_overlayer_lowered  }
0x9b: {  	s22 =	simm.s32 $0x1BFF;
	s21 =	sshll.u32 s5, $0x1;
	s2 =	sadd.s32 s19, s18  }
0x9c: {  	s6 =	simm.s32 $0x0;
	s20 =	sshll.u32 s4, $0x1;
	s4 =	sadd.s32 s21, s2  }
0x9d: {  	[timem:s6], [sflag:s22] =	dma.local [hbm:s4], s20  }
0x9e: {  	_ =	swait.ge [sflag:s22], s20  }
0x9f: {  	s3 =	ssub.s32 $0x0, s20;
	[sflag:s22] =	ssyncset.done $0x0  }
0xa0: {  	[sflag:s22] =	ssyncadd.s32 s3;
	_ =	sdelay $0x1  }
0xa1: {  	s23 =	simm.s32 $0x1B8B  }
0xa2: {  	_ =	swait.ge [sflag:s23], $0x1  }
0xa3: {  	[sflag:s23] =	ssyncset.done $0x0  }
0xa4: {  	s25 =	simm.s32 $0x1B8E;
	s24 =	sld [smem:$0x3FFE];
	[sflag:s23] =	ssyncadd.s32 $0xFFFFFFFF  }
0xa5: {  	s26 =	simm.s32 $execute0_lowered;
	[smem:$0x3FD2] =	sst s25  }
0xa6: {  	s4 =	sshll.u32 s26, $0x1;
	_ =	strace $0x8000004C;
	[dreg:$0x1] =	wrdreg $0xFFFFFFFF  }
0xa7: {  	s28 =	simm.s32 $_size_execute0_lowered;
	s2 =	sadd.s32 s2, s4;
	[dreg:$0x0] =	wrdreg $0x0  }
0xa8: {  	s4 =	sshll.u32 s28, $0x1;
	[dreg:$0x2] =	wrdreg s2  }
0xa9: {  	[dreg:$0x3] =	wrdreg s4  }
0xaa: {  	[dreg:$0x4] =	wrdreg $0xC0  }
0xab: {  	_ =	task [dreg:s6], $0x5FFFF  }
0xac: {  	[dreg:$0x1] =	wrdreg $0xFFFFFFFF  }
0xad: {  	[dreg:$0x0] =	wrdreg $0x60  }
0xae: {  	[dreg:$0x2] =	wrdreg s24  }
0xaf: {  	[dreg:$0x3] =	wrdreg $0x8A000  }
0xb0: {  	[dreg:$0x4] =	wrdreg $0x9  }
0xb1: {  	_ =	task.clear_ibuf [dreg:s6], $0x5FFFF;
	_ =	strace $0x9000004C  }
0xb2: {  	s29 =	simm.s32 $0x9;
	_ =	strace $0x8000004E  }
0xb3: {  	_ =	swait.ge [sflag:s29], $0x1  }
0xb4: {  	[sflag:s29] =	ssyncadd.s32 $0xFFFFFFFF  }
0xb5: {  	_ =	strace $0x9000004E  }
0xb6: {  	_ =	sfence  }
0xb7: {  	s30 =	sld [smem:$0x0];
	_ =	sdelay $0x2  }
0xb8: {  	s31 =	sshll.u32 s1, $0xD;
	s1 =	sshrl.u32 s1, $0x2  }
0xb9: {  	s3 =	sand.u32 $0x4000, s31;
	s1 =	sadd.s32 s1, s30  }
0xba: {  	s0 =	sor.u32 s3, s0;
	s1 =	sshll.u32 s1, $0x11  }
0xbb: {  	s0 =	sor.u32 s1, s0  }
0xbc: {  	s0 =	sadd.s32 $0x8F2B, s0  }
0xbd: {  	[sflag:s0] =	ssyncadd.remote.s32 $0x1  }
0xbe: {  	_ =	sfence.sel $0xFFFF  }
0xbf: {  	[dreg:$0x0] =	wrdreg $0xFFFFFFFF;
	(pc) =	sbr.abs _section_cstart, $3  }
0xc0: {  	[dreg:$0x1] =	wrdreg $0xFFFFFFFF  }
0xc1: {  	_ =	task.clear_ibuf [dreg:s6], $0x2FFFF;
	_ =	strace $0x9FFFFFFF  }
0xc2: {  	(tm) =	ssettm $0x7FFFFFFF  }
0xc3: {  	_ =	shalt  }
tec
execute0_lowered:
.L_overlay_start_1:
0x0: {  	(tag) =	ssettag $0x1  }
0x1: {  	s0 =	rddreg [dreg:$0x0]  }
0x2: {  	s1 =	rddreg [dreg:$0x1];
	s2 =	simm.s32 $0x0;
	s3 =	srdreg.scid  }
0x3: {  	s20 =	stileid.u32;
	s18 =	simm.s32 $0x8200;
	s19 =	simm.s32 $0x7  }
0x4: {  	s21 =	simm.s32 $0x7D;
	s28 =	simm.s32 $0x4200;
	s29 =	simm.s32 $0x5  }
0x5: {  	s30 =	simm.s32 $0x2;
	s31 =	simm.s32 $0x3;
	[smem:$0x7FF] =	sst s2  }
0x6: {  	s3 =	sand.u32 $0x1, s3;
	s4 =	sadd.s32 $0xCC00, s0;
	s8 =	smul.u32 $0x2800, s20  }
0x7: {  	s7 =	sadd.s32 $0x5AE00, s0;
	s15 =	sadd.s32 $0x2C00, s0;
	s10 =	smul.u32 $0x4E000, s20  }
0x8: {  	s0 =	sadd.s32 $0x64E00, s0;
	s14 =	smul.u32 $0x13800, s20;
	p0 =	sne.s32 s20, $0xF  }
0x9: {  	s20 =	simm.s32 $0x100;
	s5 =	smul.u32 $0x28000, s3;
	s6 =	ssub.s32 $0x2, s3  }
0xa: {  	_ =	strace $0x8000004D;
	s3 =	smul.u32 $0x138800, s3;
	s9 =	sshrl.u32 s6, $0x1  }
0xb: {  	s22 =	sshrl.u32 s10, $0x2;
	s12 =	ssub.s32 s6, s9;
	s8 =	sadd.s32 s8, s5  }
0xc: {  	s5 =	sadd.s32 s22, s1;
	s6 =	sadd.s32 $0x138000, s1;
	s11 =	sshrl.u32 s3, $0x3  }
0xd: {  	s3 =	sadd.s32 s14, s3;
	s22 =	simm.s32 $0x200;
	s23 =	sshrl.u32 s8, $0x3  }
0xe: {  	s11 =	sadd.s32 s0, s11;
	s13 =	sor.u32 $0x180, s8;
	s12 =	smax.u32 s12, $0x1  }
0xf: {  	s8 =	sor.u32 $0x100, s8;
	s3 =	sshrl.u32 s3, $0x3;
	s24 =	sadd.s32 s7, s23  }
0x10: {  	s25 =	sadd.s32 s15, s23;
	s26 =	sor.u32 $0x10, s23;
	s11 =	sadd.s32 $0x27000, s11  }
0x11: {  	s16 =	sshrl.u32 s13, $0x3;
	s8 =	sshrl.u32 s8, $0x3;
	s17 =	sadd.s32 s3, s0  }
0x12: {  	s23 =	simm.s32 $0x80;
	s0 =	simm.s32 $0x6;
	[dreg:$0x3] =	wrdreg s24  }
0x13: {  	s3 =	simm.s32 $0x0;
	[dreg:$0x4] =	wrdreg s25;
	s9 =	sadd.s32 s7, s26  }
0x14: {  	s10 =	sadd.s32 s15, s26;
	s13 =	sadd.s32 s16, s15;
	s14 =	sadd.s32 s16, s7  }
0x15: {  	s15 =	sadd.s32 s8, s15;
	s16 =	sadd.s32 s8, s7;
	s24 =	simm.s32 $0x180  }
0x16: {  	v0 =	vimm.f32 $0.0e+00;
	s25 =	simm.s32 $0x1;
	s26 =	simm.s32 $0x4;
	[dreg:$0x5] =	wrdreg s9  }
.LBB2_1:
0x17: {  	s7 =	simm.s32 $0x0;
	s8 =	simm.s32 $0x200  }
.LBB2_2:
0x18: {  	p1 =	sne.s32 s8, $0x1E00;
	[tilespmem:s7+$0x8270] =	vst v0  }
0x19: {  	[tilespmem:s7+$0x8200] =	vst v0  }
0x1a: {  	[tilespmem:s7+$0x8210] =	vst v0  }
.Ltmp0:
0x1b: {  	[tilespmem:s7+$0x8220] =	vst v0;
	(pc) =	sbr.rel @p1 .LBB2_2-.Ltmp0, $4  }
0x1c: {  	[tilespmem:s7+$0x8230] =	vst v0  }
0x1d: {  	[tilespmem:s7+$0x8240] =	vst v0  }
0x1e: {  	[tilespmem:s7+$0x8250] =	vst v0  }
0x1f: {  	[tilespmem:s7+$0x8260] =	vst v0;
	s7 =	sshra.s32 s8, $0x2;
	s8 =	sadd.s32 $0x200, s8  }
0x20: {  	[tilespmem:s7+$0x8270] =	vst v0  }
0x21: {  	[tilespmem:s7+$0x8200] =	vst v0  }
0x22: {  	[tilespmem:s7+$0x8210] =	vst v0  }
0x23: {  	[tilespmem:s7+$0x8220] =	vst v0  }
0x24: {  	[tilespmem:s7+$0x8230] =	vst v0  }
0x25: {  	[tilespmem:s7+$0x8240] =	vst v0  }
0x26: {  	[tilespmem:s7+$0x8250] =	vst v0  }
0x27: {  	[tilespmem:s7+$0x8260] =	vst v0;
	s9 =	sadd.s32 $0x0, s5  }
0x28: {  	[spmem:s9] =	stream.linear.scatter [tilespmem:s18], [sflag:$0x7], $0x800, $0x38;
	[tilespmem:$0x1C280] =	vst v63  }
0x29: {  	s7 =	simm.s32 $0x2000;
	_ =	swait.ge [sflag:s19], $0x800  }
.LBB2_4:
0x2a: {  	s8 =	sshra.s32 s7, $0x2;
	[sflag:s19] =	ssyncset.done $0x0;
	p1 =	sne.s32 s7, $0x4C000  }
.Ltmp1:
0x2b: {  	s8 =	sadd.s32 s8, s5;
	[sflag:s19] =	ssyncadd.s32 $0xFFFFF800;
	(pc) =	sbr.rel @p1 .LBB2_4-.Ltmp1, $3  }
0x2c: {  	[spmem:s8] =	stream.linear.scatter [tilespmem:s18], [sflag:$0x7], $0x800, $0x38;
	[tilespmem:$0x1C280] =	vst v63  }
0x2d: {  	s7 =	sadd.s32 $0x2000, s7;
	_ =	sdelay $0x1  }
0x2e: {  	_ =	swait.ge [sflag:s19], $0x800  }
0x2f: {  	[sflag:s19] =	ssyncset.done $0x0  }
0x30: {  	s7 =	simm.s32 @!p0 $0x8200;
	[sflag:s19] =	ssyncadd.s32 $0xFFFFF800  }
0x31: {  	[spmem:s6] =	stream.linear.scatter @!p0 [tilespmem:s7], [sflag:$0x7], $0x800, $0x38;
	[tilespmem:$0x1C280] =	vst v63  }
0x32: {  	s7 =	simm.s32 @!p0 $0x7  }
0x33: {  	_ =	swait.ge @!p0 [sflag:s7], $0x800  }
0x34: {  	[sflag:s7] =	ssyncset.done @!p0 $0x0  }
0x35: {  	[sflag:s7] =	ssyncadd.s32 @!p0 $0xFFFFF800  }
0x36: {  	[bflag:$0x0] =	sbarrier.arrive $0xFFFF  }
0x37: {  	s7 =	simm.s32 $0x0;
	s8 =	rddreg [dreg:$0x3]  }
0x38: {  	[tilespmem:s7], [sflag:$0x7] =	stream.linear.gather [hbm4b:s8+s7], $0x80, $0x38;
	[tilespmem:$0x1C280] =	vst v63  }
0x39: {  	_ =	swait.ge [sflag:s19], $0x80  }
0x3a: {  	[sflag:s19] =	ssyncset.done $0x0  }
0x3b: {  	s9 =	rddreg [dreg:$0x4];
	[sflag:s19] =	ssyncadd.s32 $0xFFFFFF80  }
0x3c: {  	[tilespmem:s20], [sflag:$0x5] =	stream.linear.gather [hbm4b:s9+s7], $0x80, $0x38;
	[tilespmem:$0x1C280] =	vst v63  }
0x3d: {  	_ = 	snop  }
0x3e: {  	[tilespmem:s22], [sflag:$0x1] =	stream.indirect.gather [hbm4b:s4+s21], $0x80, s7, s21, $0xb8;
	[tilespmem:$0x1C280] =	vst v63  }
0x3f: {  	s9 =	rddreg [dreg:$0x5]  }
0x40: {  	[tilespmem:s23], [sflag:$0x4] =	stream.linear.gather [hbm4b:s9+s7], $0x80, $0x38;
	[tilespmem:$0x1C280] =	vst v63  }
0x41: {  	_ = 	snop  }
0x42: {  	[tilespmem:s24], [sflag:$0x6] =	stream.linear.gather [hbm4b:s10+s7], $0x80, $0x38;
	[tilespmem:$0x1C280] =	vst v63  }
0x43: {  	_ =	swait.ge [sflag:s25], $0x3E80  }
0x44: {  	[sflag:s25] =	ssyncset.done $0x0  }
0x45: {  	[sflag:s25] =	ssyncadd.s32 $0xFFFFC180  }
0x46: {  	_ =	swait.ge [sflag:s26], $0x80  }
0x47: {  	[sflag:s26] =	ssyncset.done $0x0  }
0x48: {  	[sflag:s26] =	ssyncadd.s32 $0xFFFFFF80  }
0x49: {  	[tilespmem:s28], [sflag:$0x2] =	stream.indirect.gather [hbm4b:s4+s21], $0x80, s23, s21, $0xb8;
	[tilespmem:$0x1C280] =	vst v63  }
0x4a: {  	s9 =	sadd.s32 $0x0, s16  }
0x4b: {  	[tilespmem:s2], [sflag:$0x3] =	stream.linear.gather [hbm4b:s9+s2], $0x80, $0x38;
	[tilespmem:$0x1C280] =	vst v63  }
0x4c: {  	_ =	swait.ge [sflag:s29], $0x80  }
0x4d: {  	[sflag:s29] =	ssyncset.done $0x0  }
0x4e: {  	[sflag:s29] =	ssyncadd.s32 $0xFFFFFF80  }
0x4f: {  	[spmem:s1] =	stream.indirect.scatter.add.f32 [tilespmem:s22], [sflag:$0x7], $0x80, s20, s21, $0xb8;
	[tilespmem:$0x1C280] =	vst v63  }
0x50: {  	_ =	swait.ge [sflag:s19], $0x3E80  }
0x51: {  	[sflag:s19] =	ssyncset.done $0x0  }
0x52: {  	s8 =	sadd.s32 $0x0, s15;
	[sflag:s19] =	ssyncadd.s32 $0xFFFFC180  }
0x53: {  	[tilespmem:s20], [sflag:$0x5] =	stream.linear.gather [hbm4b:s8+s2], $0x80, $0x38;
	[tilespmem:$0x1C280] =	vst v63  }
0x54: {  	_ =	swait.ge [sflag:s30], $0x3E80  }
0x55: {  	[sflag:s30] =	ssyncset.done $0x0  }
0x56: {  	[sflag:s30] =	ssyncadd.s32 $0xFFFFC180  }
0x57: {  	_ =	swait.ge [sflag:s31], $0x80  }
0x58: {  	[sflag:s31] =	ssyncset.done $0x0  }
0x59: {  	[sflag:s31] =	ssyncadd.s32 $0xFFFFFF80  }
0x5a: {  	[tilespmem:s22], [sflag:$0x1] =	stream.indirect.gather [hbm4b:s4+s21], $0x80, s2, s21, $0xb8;
	[tilespmem:$0x1C280] =	vst v63  }
0x5b: {  	s9 =	sadd.s32 $0x0, s14  }
0x5c: {  	[tilespmem:s23], [sflag:$0x4] =	stream.linear.gather [hbm4b:s9+s2], $0x80, $0x38;
	[tilespmem:$0x1C280] =	vst v63  }
0x5d: {  	_ =	swait.ge [sflag:s0], $0x80  }
0x5e: {  	[sflag:s0] =	ssyncset.done $0x0  }
0x5f: {  	[sflag:s0] =	ssyncadd.s32 $0xFFFFFF80  }
0x60: {  	[spmem:s1] =	stream.indirect.scatter.add.f32 [tilespmem:s28], [sflag:$0x7], $0x80, s24, s21, $0xb8;
	[tilespmem:$0x1C280] =	vst v63  }
0x61: {  	_ =	swait.ge [sflag:s19], $0x3E80  }
0x62: {  	[sflag:s19] =	ssyncset.done $0x0  }
0x63: {  	s7 =	simm.s32 $0x20;
	s8 =	sadd.s32 $0x0, s13;
	[sflag:s19] =	ssyncadd.s32 $0xFFFFC180  }
.LBB2_6:
0x64: {  	[tilespmem:s24], [sflag:$0x6] =	stream.linear.gather [hbm4b:s8+s2], $0x80, $0x38;
	[tilespmem:$0x1C280] =	vst v63  }
0x65: {  	s8 =	smov.u32 s7  }
0x66: {  	p1 =	sne.s32 s7, $0x4C0;
	s7 =	sadd.s32 $0x20, s7;
	_ =	swait.ge [sflag:s25], $0x3E80  }
0x67: {  	[sflag:s25] =	ssyncset.done $0x0  }
0x68: {  	[sflag:s25] =	ssyncadd.s32 $0xFFFFC180  }
0x69: {  	_ =	swait.ge [sflag:s26], $0x80  }
0x6a: {  	[sflag:s26] =	ssyncset.done $0x0  }
0x6b: {  	[sflag:s26] =	ssyncadd.s32 $0xFFFFFF80  }
0x6c: {  	[tilespmem:s28], [sflag:$0x2] =	stream.indirect.gather [hbm4b:s4+s21], $0x80, s23, s21, $0xb8;
	[tilespmem:$0x1C280] =	vst v63  }
0x6d: {  	s9 =	sadd.s32 s8, s16  }
0x6e: {  	[tilespmem:s2], [sflag:$0x3] =	stream.linear.gather [hbm4b:s9+s2], $0x80, $0x38;
	[tilespmem:$0x1C280] =	vst v63  }
0x6f: {  	_ =	swait.ge [sflag:s29], $0x80  }
0x70: {  	[sflag:s29] =	ssyncset.done $0x0  }
0x71: {  	[sflag:s29] =	ssyncadd.s32 $0xFFFFFF80  }
0x72: {  	[spmem:s1] =	stream.indirect.scatter.add.f32 [tilespmem:s22], [sflag:$0x7], $0x80, s20, s21, $0xb8;
	[tilespmem:$0x1C280] =	vst v63  }
0x73: {  	_ =	swait.ge [sflag:s19], $0x3E80  }
0x74: {  	[sflag:s19] =	ssyncset.done $0x0  }
0x75: {  	s9 =	sadd.s32 s8, s15;
	[sflag:s19] =	ssyncadd.s32 $0xFFFFC180  }
0x76: {  	[tilespmem:s20], [sflag:$0x5] =	stream.linear.gather [hbm4b:s9+s2], $0x80, $0x38;
	[tilespmem:$0x1C280] =	vst v63  }
0x77: {  	_ =	swait.ge [sflag:s30], $0x3E80  }
0x78: {  	[sflag:s30] =	ssyncset.done $0x0  }
0x79: {  	[sflag:s30] =	ssyncadd.s32 $0xFFFFC180  }
0x7a: {  	_ =	swait.ge [sflag:s31], $0x80  }
0x7b: {  	[sflag:s31] =	ssyncset.done $0x0  }
0x7c: {  	[sflag:s31] =	ssyncadd.s32 $0xFFFFFF80  }
0x7d: {  	[tilespmem:s22], [sflag:$0x1] =	stream.indirect.gather [hbm4b:s4+s21], $0x80, s2, s21, $0xb8;
	[tilespmem:$0x1C280] =	vst v63  }
0x7e: {  	s9 =	sadd.s32 s8, s14  }
0x7f: {  	[tilespmem:s23], [sflag:$0x4] =	stream.linear.gather [hbm4b:s9+s2], $0x80, $0x38;
	[tilespmem:$0x1C280] =	vst v63  }
0x80: {  	_ =	swait.ge [sflag:s0], $0x80  }
0x81: {  	[sflag:s0] =	ssyncset.done $0x0  }
.Ltmp2:
0x82: {  	[sflag:s0] =	ssyncadd.s32 $0xFFFFFF80;
	(pc) =	sbr.rel @p1 .LBB2_6-.Ltmp2, $4  }
0x83: {  	[spmem:s1] =	stream.indirect.scatter.add.f32 [tilespmem:s28], [sflag:$0x7], $0x80, s24, s21, $0xb8;
	[tilespmem:$0x1C280] =	vst v63  }
0x84: {  	_ =	swait.ge [sflag:s19], $0x3E80  }
0x85: {  	[sflag:s19] =	ssyncset.done $0x0  }
0x86: {  	s8 =	sadd.s32 s8, s13;
	[sflag:s19] =	ssyncadd.s32 $0xFFFFC180  }
0x87: {  	[tilespmem:s24], [sflag:$0x6] =	stream.linear.gather [hbm4b:s8+s2], $0x80, $0x38;
	[tilespmem:$0x1C280] =	vst v63  }
0x88: {  	_ =	swait.ge [sflag:s25], $0x3E80  }
0x89: {  	[sflag:s25] =	ssyncset.done $0x0  }
0x8a: {  	[sflag:s25] =	ssyncadd.s32 $0xFFFFC180  }
0x8b: {  	_ =	swait.ge [sflag:s26], $0x80  }
0x8c: {  	[sflag:s26] =	ssyncset.done $0x0  }
0x8d: {  	[sflag:s26] =	ssyncadd.s32 $0xFFFFFF80  }
0x8e: {  	[tilespmem:s28], [sflag:$0x2] =	stream.indirect.gather [hbm4b:s4+s21], $0x80, s23, s21, $0xb8;
	[tilespmem:$0x1C280] =	vst v63  }
0x8f: {  	_ =	swait.ge [sflag:s29], $0x80  }
0x90: {  	[sflag:s29] =	ssyncset.done $0x0  }
0x91: {  	[sflag:s29] =	ssyncadd.s32 $0xFFFFFF80  }
0x92: {  	[spmem:s1] =	stream.indirect.scatter.add.f32 [tilespmem:s22], [sflag:$0x7], $0x80, s20, s21, $0xb8;
	[tilespmem:$0x1C280] =	vst v63  }
0x93: {  	_ =	swait.ge [sflag:s19], $0x3E80  }
0x94: {  	[sflag:s19] =	ssyncset.done $0x0  }
0x95: {  	[sflag:s19] =	ssyncadd.s32 $0xFFFFC180  }
0x96: {  	_ =	swait.ge [sflag:s30], $0x3E80  }
0x97: {  	[sflag:s30] =	ssyncset.done $0x0  }
0x98: {  	[sflag:s30] =	ssyncadd.s32 $0xFFFFC180  }
0x99: {  	_ =	swait.ge [sflag:s0], $0x80  }
0x9a: {  	[sflag:s0] =	ssyncset.done $0x0  }
0x9b: {  	[sflag:s0] =	ssyncadd.s32 $0xFFFFFF80  }
0x9c: {  	[spmem:s1] =	stream.indirect.scatter.add.f32 [tilespmem:s28], [sflag:$0x7], $0x80, s24, s21, $0xb8;
	[tilespmem:$0x1C280] =	vst v63  }
0x9d: {  	_ =	swait.ge [sflag:s19], $0x3E80  }
0x9e: {  	[sflag:s19] =	ssyncset.done $0x0  }
0x9f: {  	[sflag:s19] =	ssyncadd.s32 $0xFFFFC180  }
0xa0: {  	[bflag:$0x0] =	sbarrier.arrive $0xFFFF  }
0xa1: {  	[tilespmem:s18], [sflag:$0x7] =	stream.linear.gather [spmem:s5], $0x800, $0x38;
	[tilespmem:$0x1C280] =	vst v63  }
0xa2: {  	_ =	swait.ge [sflag:s19], $0x800  }
0xa3: {  	[sflag:s19] =	ssyncset.done $0x0  }
0xa4: {  	s7 =	sadd.s32 $0x0, s17;
	[sflag:s19] =	ssyncadd.s32 $0xFFFFF800  }
0xa5: {  	[hbm4b:s7+s2] =	stream.linear.scatter [tilespmem:s18], [sflag:$0x7], $0x800, $0x38;
	[tilespmem:$0x1C280] =	vst v63  }
0xa6: {  	_ =	swait.ge [sflag:s19], $0x800  }
0xa7: {  	s8 =	smov.u32 s5;
	s7 =	simm.s32 $0x100;
	[sflag:s19] =	ssyncset.done $0x0  }
.LBB2_8:
0xa8: {  	p1 =	sne.s32 s7, $0x2600;
	[sflag:s19] =	ssyncadd.s32 $0xFFFFF800;
	s8 =	sadd.s32 $0x800, s8  }
0xa9: {  	[tilespmem:s18], [sflag:$0x7] =	stream.linear.gather [spmem:s8], $0x800, $0x38;
	[tilespmem:$0x1C280] =	vst v63  }
0xaa: {  	s9 =	smov.u32 s7;
	s7 =	sadd.s32 $0x100, s7;
	_ =	swait.ge [sflag:s19], $0x800  }
.Ltmp3:
0xab: {  	[sflag:s19] =	ssyncset.done $0x0;
	(pc) =	sbr.rel @p1 .LBB2_8-.Ltmp3, $4  }
0xac: {  	s9 =	sadd.s32 s9, s17;
	[sflag:s19] =	ssyncadd.s32 $0xFFFFF800  }
0xad: {  	[hbm4b:s9+s2] =	stream.linear.scatter [tilespmem:s18], [sflag:$0x7], $0x800, $0x38;
	[tilespmem:$0x1C280] =	vst v63  }
0xae: {  	_ =	swait.ge [sflag:s19], $0x800  }
0xaf: {  	[sflag:s19] =	ssyncset.done $0x0  }
0xb0: {  	[sflag:s19] =	ssyncadd.s32 $0xFFFFF800;
	s7 =	simm.s32 @!p0 $0x8200;
	s8 =	simm.s32 @!p0 $0x7  }
0xb1: {  	[tilespmem:s7], [sflag:$0x7] =	stream.linear.gather @!p0 [spmem:s6], $0x800, $0x38;
	[tilespmem:$0x1C280] =	vst v63  }
0xb2: {  	s3 =	sadd.s32 $0x1, s3;
	_ =	swait.ge @!p0 [sflag:s8], $0x800  }
0xb3: {  	p1 =	sne.s32 s3, s12;
	[sflag:s8] =	ssyncset.done @!p0 $0x0  }
.Ltmp4:
0xb4: {  	s9 =	simm.s32 @!p0 $0x0;
	[sflag:s8] =	ssyncadd.s32 @!p0 $0xFFFFF800;
	(pc) =	sbr.rel @p1 .LBB2_1-.Ltmp4, $4  }
0xb5: {  	[hbm4b:s11+s9] =	stream.linear.scatter @!p0 [tilespmem:s7], [sflag:$0x7], $0x800, $0x38;
	[tilespmem:$0x1C280] =	vst v63  }
0xb6: {  	_ =	swait.ge @!p0 [sflag:s8], $0x800  }
0xb7: {  	[sflag:s8] =	ssyncset.done @!p0 $0x0  }
0xb8: {  	[sflag:s8] =	ssyncadd.s32 @!p0 $0xFFFFF800  }
0xb9: {  	_ =	sfence.sel $0x180000  }
0xba: {  	[bflag:$0x0] =	sbarrier.arrive $0xFFFF  }
0xbb: {  	_ =	strace $0x9000004D  }
0xbc: {  	s0 =	stileid.u32;
	[bflag:$0x2] =	sbarrier.arrive $0xFFFF  }
0xbd: {  	p0 =	sne.s32 s0, $0x0;
	s0 =	rddreg [dreg:$0x2]  }
0xbe: {  	s0 =	sadd.s32 @!p0 $0x100000, s0  }
0xbf: {  	[sflag:s0] =	ssyncadd.tile.s32 @!p0 $0x1;
	_ =	shalt  }
.Lfunc_end2:
_tile_overlayer_lowered:
.L_overlay_start_2:
0xc0: {  	(tag) =	ssettag $0x2  }
0xc1: {  	s0 =	rddreg [dreg:$0x0];
	s2 =	stileid.u32  }
0xc2: {  	s1 =	rddreg [dreg:$0x1];
	p0 =	sne.s32 s2, $0x0  }
0xc3: {  	s3 =	rddreg [dreg:$0x2];
	[bflag:$0x3] =	sbarrier.arrive $0xFFFF;
	s2 =	simm.s32 @!p0 $0x1C07  }
0xc4: {  	[timem:s3], [sflag:s2] =	dma.local @!p0 [hbm:s0], s1  }
0xc5: {  	s0 =	simm.s32 @!p0 $0x7  }
0xc6: {  	_ =	swait.ge @!p0 [sflag:s0], s1  }
0xc7: {  	s1 =	ssub.s32 @!p0 $0x0, s1;
	[sflag:s0] =	ssyncset.done @!p0 $0x0  }
0xc8: {  	[sflag:s0] =	ssyncadd.s32 @!p0 s1  }
0xc9: {  	[bflag:$0x3] =	sbarrier.arrive $0xFFFF  }
0xca: {  	_ =	shalt  }

// kernel: kernel.19.cloned.1.call-start
scs
__scs_entry_jumppad:
0x0: {  	(pc) =	sbr.rel $0x88, $3  }
0x1: {  	(tag) =	ssettag $0x0;
	lr =	simm.s32 $0x1  }
0x2: {  	[smem:$0x3F97] =	sst lr;
	_ =	strace $0xD0000000  }
0x3: {  	_ = 	snop  }
0x4: {  	_ = 	snop  }
0x5: {  	_ = 	snop  }
0x6: {  	_ = 	snop  }
0x7: {  	_ = 	snop  }
__scs_overlays_trampoline_lowered:
0x8: {  	[smem:$0x3FA6] =	sst s0  }
0x9: {  	[smem:$0x3FA7] =	sst s1  }
0xa: {  	[smem:$0x3FA8] =	sst s2  }
0xb: {  	[smem:$0x3FA9] =	sst s3  }
0xc: {  	[smem:$0x3FAA] =	sst s4  }
0xd: {  	[smem:$0x3FAB] =	sst s5  }
0xe: {  	[smem:$0x3FAC] =	sst s6  }
0xf: {  	[smem:$0x3FAD] =	sst s7  }
0x10: {  	[smem:$0x3FAE] =	sst s8  }
0x11: {  	[smem:$0x3FAF] =	sst s9;
	s0 =	simm.s32 @!p0 $0x0  }
0x12: {  	s1 =	sld [smem:$0x3F95];
	s0 =	simm.s32 @p0 $0x1  }
0x13: {  	[smem:$0x3FB0] =	sst s0;
	s0 =	simm.s32 @!p1 $0x0  }
0x14: {  	s2 =	sld [smem:$0x3F94];
	s0 =	simm.s32 @p1 $0x1  }
0x15: {  	[smem:$0x3FB1] =	sst s0;
	s0 =	simm.s32 @!p2 $0x0  }
0x16: {  	s3 =	sld [smem:$0x3FDB];
	s0 =	simm.s32 @p2 $0x1  }
0x17: {  	s4 =	simm.s32 $0x1BF5;
	[smem:$0x3FB3] =	sst s0  }
0x18: {  	s0 =	sld [smem:$0x3F96];
	_ =	swait.ge [sflag:s4], $0x0  }
0x19: {  	s7 =	sld [smem:$0x3F97]  }
0x1a: {  	s8 =	sadd.s32 $0xFFFFE003, lr  }
0x1b: {  	s9 =	sadd.s32 $0xFFFFFEF7, lr;
	s5 =	simm.s32 $0xFFFFFFFF;
	p2 =	slt.u32 s8, $0xFFFFF086  }
0x1c: {  	p1 =	slt.u32 s9, $0xF7A;
	s5 =	simm.s32 @!p2 $0x0  }
0x1d: {  	s5 =	simm.s32 @p1 $0x1;
	p0 =	seq.s32 s7, s2  }
0x1e: {  	s7 =	smul.u32 @!p0 $0xF7A, s2;
	p2 =	seq.s32 @!p0 s5, $0x0  }
0x1f: {  	s9 =	smul.u32 $0xF7A, s1;
	s8 =	simm.s32 @!p0 $0x1BF5;
	p2 =	por !p2, p0  }
0x20: {  	[sflag:s8] =	ssyncset.s32 @!p0 $0xFFFFF086;
	s6 =	sadd.s32 @!p0 s3, s7;
	s7 =	simm.s32 @!p0 $0x108  }
0x21: {  	s3 =	sadd.s32 s3, s9;
	s6 =	sadd.s32 @!p0 $0x88, s6;
	s7 =	simm.s32 @p2 $0x1082  }
0x22: {  	[simem:s7], [sflag:s8] =	dma.local @!p0 [hbm:s6], $0xF7A  }
0x23: {  	s9 =	sor.u32 $0xD0000000, s2;
	s6 =	simm.s32 $0x108;
	_ =	swait.ge @!p0 [sflag:s8], $0x0  }
0x24: {  	s3 =	sadd.s32 $0x88, s3;
	s6 =	simm.s32 @!p1 $0x1082;
	[sflag:s4] =	ssyncset.s32 $0xFFFFF086  }
0x25: {  	[simem:s6], [sflag:s4] =	dma.local [hbm:s3], $0xF7A  }
0x26: {  	[smem:$0x3F97] =	sst s1;
	(tag) =	ssettag s2;
	_ =	strace s9  }
0x27: {  	s1 =	sld [smem:$0x3FA7]  }
0x28: {  	s2 =	sld [smem:$0x3FA8]  }
0x29: {  	s4 =	sld [smem:$0x3FAA]  }
0x2a: {  	p0 =	seq.s32 s5, $0x0;
	s5 =	sld [smem:$0x3FAB]  }
0x2b: {  	s6 =	sld [smem:$0x3FAC]  }
0x2c: {  	s7 =	sld [smem:$0x3FAD]  }
0x2d: {  	s3 =	simm.s32 $0x108;
	s8 =	sld [smem:$0x3FAE]  }
0x2e: {  	s3 =	simm.s32 @!p0 $0x1082;
	s9 =	sld [smem:$0x3FAF]  }
0x2f: {  	lr =	sadd.s32 s0, s3;
	s0 =	sld [smem:$0x3FA6]  }
0x30: {  	s3 =	sld [smem:$0x3FA9]  }
0x31: {  	[smem:$0x3FB2] =	sst s10  }
0x32: {  	s10 =	sld [smem:$0x3FB0];
	_ =	sdelay $0x3  }
0x33: {  	p0 =	seq.s32 s10, $0x1;
	s10 =	sld [smem:$0x3FB2];
	_ =	sdelay $0x3  }
0x34: {  	[smem:$0x3FB2] =	sst s10  }
0x35: {  	s10 =	sld [smem:$0x3FB1];
	_ =	sdelay $0x3  }
0x36: {  	p1 =	seq.s32 s10, $0x1;
	s10 =	sld [smem:$0x3FB2];
	_ =	sdelay $0x3  }
0x37: {  	[smem:$0x3FB2] =	sst s10  }
0x38: {  	s10 =	sld [smem:$0x3FB3]  }
0x39: {  	_ = 	snop;
	(pc) =	sbr.ind lr, $3  }
0x3a: {  	_ = 	snop  }
0x3b: {  	_ = 	snop  }
0x3c: {  	p2 =	seq.s32 s10, $0x1;
	s10 =	sld [smem:$0x3FB2]  }
0x3d: {  	_ =	shalt  }
0x3e: {  	_ =	shalt  }
0x3f: {  	_ =	shalt  }
0x40: {  	_ =	shalt  }
0x41: {  	_ =	shalt  }
0x42: {  	_ =	shalt  }
0x43: {  	_ =	shalt  }
0x44: {  	_ =	shalt  }
0x45: {  	_ =	shalt  }
0x46: {  	_ =	shalt  }
0x47: {  	_ =	shalt  }
0x48: {  	_ =	shalt  }
0x49: {  	_ =	shalt  }
0x4a: {  	_ =	shalt  }
0x4b: {  	_ =	shalt  }
0x4c: {  	_ =	shalt  }
0x4d: {  	_ =	shalt  }
0x4e: {  	_ =	shalt  }
0x4f: {  	_ =	shalt  }
0x50: {  	_ =	shalt  }
0x51: {  	_ =	shalt  }
0x52: {  	_ =	shalt  }
0x53: {  	_ =	shalt  }
0x54: {  	_ =	shalt  }
0x55: {  	_ =	shalt  }
0x56: {  	_ =	shalt  }
0x57: {  	_ =	shalt  }
0x58: {  	_ =	shalt  }
0x59: {  	_ =	shalt  }
0x5a: {  	_ =	shalt  }
0x5b: {  	_ =	shalt  }
0x5c: {  	_ =	shalt  }
0x5d: {  	_ =	shalt  }
0x5e: {  	_ =	shalt  }
0x5f: {  	_ =	shalt  }
0x60: {  	_ =	shalt  }
0x61: {  	_ =	shalt  }
0x62: {  	_ =	shalt  }
0x63: {  	_ =	shalt  }
0x64: {  	_ =	shalt  }
0x65: {  	_ =	shalt  }
0x66: {  	_ =	shalt  }
0x67: {  	_ =	shalt  }
0x68: {  	_ =	shalt  }
0x69: {  	_ =	shalt  }
0x6a: {  	_ =	shalt  }
0x6b: {  	_ =	shalt  }
0x6c: {  	_ =	shalt  }
0x6d: {  	_ =	shalt  }
0x6e: {  	_ =	shalt  }
0x6f: {  	_ =	shalt  }
0x70: {  	_ =	shalt  }
0x71: {  	_ =	shalt  }
0x72: {  	_ =	shalt  }
0x73: {  	_ =	shalt  }
0x74: {  	_ =	shalt  }
0x75: {  	_ =	shalt  }
0x76: {  	_ =	shalt  }
0x77: {  	_ =	shalt  }
0x78: {  	_ =	shalt  }
0x79: {  	_ =	shalt  }
0x7a: {  	_ =	shalt  }
0x7b: {  	_ =	shalt  }
0x7c: {  	_ =	shalt  }
0x7d: {  	_ =	shalt  }
0x7e: {  	_ =	shalt  }
0x7f: {  	_ =	shalt  }
0x80: {  	_ =	shalt  }
0x81: {  	_ =	shalt  }
0x82: {  	_ =	shalt  }
0x83: {  	_ =	shalt  }
0x84: {  	_ =	shalt  }
0x85: {  	_ =	shalt  }
0x86: {  	_ =	shalt  }
0x87: {  	_ =	shalt  }
.Lfunc_end0:
.L_simem_size_0:
called_computation.3_lowered:
.L_overlay_start_0:
0x88: {  	s2 =	sld [smem:$0x3FD9]  }
0x89: {  	s3 =	sld [smem:$0x3FFE];
	_ =	sdelay $0x1  }
0x8a: {  	s1 =	srdreg.scid  }
0x8b: {  	s0 =	sand.u32 $0x1, s1  }
0x8c: {  	s16 =	sshll.u32 s0, $0xA;
	s2 =	sadd.s32 s3, s2  }
0x8d: {  	s2 =	sadd.s32 s2, s16  }
0x8e: {  	[smem:$0x3FBE] =	sst s2  }
0x8f: {  	_ = 	snop  }
0x90: {  	(tm) =	ssettm $0x1  }
0x91: {  	s17 =	sld [smem:$0x3FFB];
	_ =	sdelay $0x3  }
0x92: {  	_ =	strace s17  }
0x93: {  	s2 =	sld [smem:$0x3FFC];
	_ =	sdelay $0x3  }
0x94: {  	_ =	strace s2  }
0x95: {  	s2 =	sld [smem:$0x3FFD];
	_ =	sdelay $0x3  }
0x96: {  	_ =	strace s2  }
0x97: {  	_ =	strace $0x8FFFFFFF  }
0x98: {  	s18 =	sld [smem:$0x3FDB];
	_ =	sdelay $0x1  }
0x99: {  	s19 =	simm.s32 $_scs_section_size  }
0x9a: {  	s4 =	simm.s32 $_size__tile_overlayer_lowered;
	s5 =	simm.s32 $_tile_overlayer_lowered  }
0x9b: {  	s22 =	simm.s32 $0x1BFF;
	s21 =	sshll.u32 s5, $0x1;
	s2 =	sadd.s32 s19, s18  }
0x9c: {  	s6 =	simm.s32 $0x0;
	s20 =	sshll.u32 s4, $0x1;
	s4 =	sadd.s32 s21, s2  }
0x9d: {  	[timem:s6], [sflag:s22] =	dma.local [hbm:s4], s20  }
0x9e: {  	_ =	swait.ge [sflag:s22], s20  }
0x9f: {  	s3 =	ssub.s32 $0x0, s20;
	[sflag:s22] =	ssyncset.done $0x0  }
0xa0: {  	[sflag:s22] =	ssyncadd.s32 s3;
	_ =	sdelay $0x1  }
0xa1: {  	s23 =	simm.s32 $0x1B8B  }
0xa2: {  	_ =	swait.ge [sflag:s23], $0x1  }
0xa3: {  	[sflag:s23] =	ssyncset.done $0x0  }
0xa4: {  	s25 =	simm.s32 $0x1B8E;
	s24 =	sld [smem:$0x3FFE];
	[sflag:s23] =	ssyncadd.s32 $0xFFFFFFFF  }
0xa5: {  	s26 =	simm.s32 $execute0_lowered;
	[smem:$0x3FD2] =	sst s25  }
0xa6: {  	s4 =	sshll.u32 s26, $0x1;
	_ =	strace $0x8000004F;
	[dreg:$0x1] =	wrdreg $0xFFFFFFFF  }
0xa7: {  	s28 =	simm.s32 $_size_execute0_lowered;
	s2 =	sadd.s32 s2, s4;
	[dreg:$0x0] =	wrdreg $0x0  }
0xa8: {  	s4 =	sshll.u32 s28, $0x1;
	[dreg:$0x2] =	wrdreg s2  }
0xa9: {  	[dreg:$0x3] =	wrdreg s4  }
0xaa: {  	[dreg:$0x4] =	wrdreg $0xC0  }
0xab: {  	_ =	task [dreg:s6], $0x5FFFF  }
0xac: {  	[dreg:$0x1] =	wrdreg $0xFFFFFFFF  }
0xad: {  	[dreg:$0x0] =	wrdreg $0x60  }
0xae: {  	[dreg:$0x2] =	wrdreg s24  }
0xaf: {  	[dreg:$0x3] =	wrdreg $0x8A000  }
0xb0: {  	[dreg:$0x4] =	wrdreg $0x9  }
0xb1: {  	_ =	task.clear_ibuf [dreg:s6], $0x5FFFF;
	_ =	strace $0x9000004F  }
0xb2: {  	s29 =	simm.s32 $0x9;
	_ =	strace $0x80000051  }
0xb3: {  	_ =	swait.ge [sflag:s29], $0x1  }
0xb4: {  	[sflag:s29] =	ssyncadd.s32 $0xFFFFFFFF  }
0xb5: {  	_ =	strace $0x90000051  }
0xb6: {  	_ =	sfence  }
0xb7: {  	s30 =	sld [smem:$0x0];
	_ =	sdelay $0x2  }
0xb8: {  	s31 =	sshll.u32 s1, $0xD;
	s1 =	sshrl.u32 s1, $0x2  }
0xb9: {  	s3 =	sand.u32 $0x4000, s31;
	s1 =	sadd.s32 s1, s30  }
0xba: {  	s0 =	sor.u32 s3, s0;
	s1 =	sshll.u32 s1, $0x11  }
0xbb: {  	s0 =	sor.u32 s1, s0  }
0xbc: {  	s0 =	sadd.s32 $0x8F2B, s0  }
0xbd: {  	[sflag:s0] =	ssyncadd.remote.s32 $0x1  }
0xbe: {  	_ =	sfence.sel $0xFFFF  }
0xbf: {  	[dreg:$0x0] =	wrdreg $0xFFFFFFFF;
	(pc) =	sbr.abs _section_cstart, $3  }
0xc0: {  	[dreg:$0x1] =	wrdreg $0xFFFFFFFF  }
0xc1: {  	_ =	task.clear_ibuf [dreg:s6], $0x2FFFF;
	_ =	strace $0x9FFFFFFF  }
0xc2: {  	(tm) =	ssettm $0x7FFFFFFF  }
0xc3: {  	_ =	shalt  }
tec
execute0_lowered:
.L_overlay_start_1:
0x0: {  	(tag) =	ssettag $0x1  }
0x1: {  	s0 =	rddreg [dreg:$0x0]  }
0x2: {  	s1 =	rddreg [dreg:$0x1];
	s2 =	simm.s32 $0x0;
	s3 =	srdreg.scid  }
0x3: {  	s20 =	stileid.u32;
	s18 =	simm.s32 $0x8200;
	s19 =	simm.s32 $0x7  }
0x4: {  	s21 =	simm.s32 $0x7D;
	s28 =	simm.s32 $0x4200;
	s29 =	simm.s32 $0x5  }
0x5: {  	s30 =	simm.s32 $0x2;
	s31 =	simm.s32 $0x3;
	[smem:$0x7FF] =	sst s2  }
0x6: {  	s3 =	sand.u32 $0x1, s3;
	s4 =	sadd.s32 $0xCC00, s0;
	s8 =	smul.u32 $0x2800, s20  }
0x7: {  	s7 =	sadd.s32 $0x5AE00, s0;
	s15 =	sadd.s32 $0x2C00, s0;
	s10 =	smul.u32 $0x4E000, s20  }
0x8: {  	s0 =	sadd.s32 $0x64E00, s0;
	s14 =	smul.u32 $0x13800, s20;
	p0 =	sne.s32 s20, $0xF  }
0x9: {  	s20 =	simm.s32 $0x100;
	s5 =	smul.u32 $0x28000, s3;
	s6 =	ssub.s32 $0x2, s3  }
0xa: {  	_ =	strace $0x80000050;
	s3 =	smul.u32 $0x138800, s3;
	s9 =	sshrl.u32 s6, $0x1  }
0xb: {  	s22 =	sshrl.u32 s10, $0x2;
	s12 =	ssub.s32 s6, s9;
	s8 =	sadd.s32 s8, s5  }
0xc: {  	s5 =	sadd.s32 s22, s1;
	s6 =	sadd.s32 $0x138000, s1;
	s11 =	sshrl.u32 s3, $0x3  }
0xd: {  	s3 =	sadd.s32 s14, s3;
	s22 =	simm.s32 $0x200;
	s23 =	sshrl.u32 s8, $0x3  }
0xe: {  	s11 =	sadd.s32 s0, s11;
	s13 =	sor.u32 $0x180, s8;
	s12 =	smax.u32 s12, $0x1  }
0xf: {  	s8 =	sor.u32 $0x100, s8;
	s3 =	sshrl.u32 s3, $0x3;
	s24 =	sadd.s32 s7, s23  }
0x10: {  	s25 =	sadd.s32 s15, s23;
	s26 =	sor.u32 $0x10, s23;
	s11 =	sadd.s32 $0x27000, s11  }
0x11: {  	s16 =	sshrl.u32 s13, $0x3;
	s8 =	sshrl.u32 s8, $0x3;
	s17 =	sadd.s32 s3, s0  }
0x12: {  	s23 =	simm.s32 $0x80;
	s0 =	simm.s32 $0x6;
	[dreg:$0x3] =	wrdreg s24  }
0x13: {  	s3 =	simm.s32 $0x0;
	[dreg:$0x4] =	wrdreg s25;
	s9 =	sadd.s32 s7, s26  }
0x14: {  	s10 =	sadd.s32 s15, s26;
	s13 =	sadd.s32 s16, s15;
	s14 =	sadd.s32 s16, s7  }
0x15: {  	s15 =	sadd.s32 s8, s15;
	s16 =	sadd.s32 s8, s7;
	s24 =	simm.s32 $0x180  }
0x16: {  	v0 =	vimm.f32 $0.0e+00;
	s25 =	simm.s32 $0x1;
	s26 =	simm.s32 $0x4;
	[dreg:$0x5] =	wrdreg s9  }
.LBB2_1:
0x17: {  	s7 =	simm.s32 $0x0;
	s8 =	simm.s32 $0x200  }
.LBB2_2:
0x18: {  	p1 =	sne.s32 s8, $0x1E00;
	[tilespmem:s7+$0x8270] =	vst v0  }
0x19: {  	[tilespmem:s7+$0x8200] =	vst v0  }
0x1a: {  	[tilespmem:s7+$0x8210] =	vst v0  }
.Ltmp0:
0x1b: {  	[tilespmem:s7+$0x8220] =	vst v0;
	(pc) =	sbr.rel @p1 .LBB2_2-.Ltmp0, $4  }
0x1c: {  	[tilespmem:s7+$0x8230] =	vst v0  }
0x1d: {  	[tilespmem:s7+$0x8240] =	vst v0  }
0x1e: {  	[tilespmem:s7+$0x8250] =	vst v0  }
0x1f: {  	[tilespmem:s7+$0x8260] =	vst v0;
	s7 =	sshra.s32 s8, $0x2;
	s8 =	sadd.s32 $0x200, s8  }
0x20: {  	[tilespmem:s7+$0x8270] =	vst v0  }
0x21: {  	[tilespmem:s7+$0x8200] =	vst v0  }
0x22: {  	[tilespmem:s7+$0x8210] =	vst v0  }
0x23: {  	[tilespmem:s7+$0x8220] =	vst v0  }
0x24: {  	[tilespmem:s7+$0x8230] =	vst v0  }
0x25: {  	[tilespmem:s7+$0x8240] =	vst v0  }
0x26: {  	[tilespmem:s7+$0x8250] =	vst v0  }
0x27: {  	[tilespmem:s7+$0x8260] =	vst v0;
	s9 =	sadd.s32 $0x0, s5  }
0x28: {  	[spmem:s9] =	stream.linear.scatter [tilespmem:s18], [sflag:$0x7], $0x800, $0x38;
	[tilespmem:$0x1C280] =	vst v63  }
0x29: {  	s7 =	simm.s32 $0x2000;
	_ =	swait.ge [sflag:s19], $0x800  }
.LBB2_4:
0x2a: {  	s8 =	sshra.s32 s7, $0x2;
	[sflag:s19] =	ssyncset.done $0x0;
	p1 =	sne.s32 s7, $0x4C000  }
.Ltmp1:
0x2b: {  	s8 =	sadd.s32 s8, s5;
	[sflag:s19] =	ssyncadd.s32 $0xFFFFF800;
	(pc) =	sbr.rel @p1 .LBB2_4-.Ltmp1, $3  }
0x2c: {  	[spmem:s8] =	stream.linear.scatter [tilespmem:s18], [sflag:$0x7], $0x800, $0x38;
	[tilespmem:$0x1C280] =	vst v63  }
0x2d: {  	s7 =	sadd.s32 $0x2000, s7;
	_ =	sdelay $0x1  }
0x2e: {  	_ =	swait.ge [sflag:s19], $0x800  }
0x2f: {  	[sflag:s19] =	ssyncset.done $0x0  }
0x30: {  	s7 =	simm.s32 @!p0 $0x8200;
	[sflag:s19] =	ssyncadd.s32 $0xFFFFF800  }
0x31: {  	[spmem:s6] =	stream.linear.scatter @!p0 [tilespmem:s7], [sflag:$0x7], $0x800, $0x38;
	[tilespmem:$0x1C280] =	vst v63  }
0x32: {  	s7 =	simm.s32 @!p0 $0x7  }
0x33: {  	_ =	swait.ge @!p0 [sflag:s7], $0x800  }
0x34: {  	[sflag:s7] =	ssyncset.done @!p0 $0x0  }
0x35: {  	[sflag:s7] =	ssyncadd.s32 @!p0 $0xFFFFF800  }
0x36: {  	[bflag:$0x0] =	sbarrier.arrive $0xFFFF  }
0x37: {  	s7 =	simm.s32 $0x0;
	s8 =	rddreg [dreg:$0x3]  }
0x38: {  	[tilespmem:s7], [sflag:$0x7] =	stream.linear.gather [hbm4b:s8+s7], $0x80, $0x38;
	[tilespmem:$0x1C280] =	vst v63  }
0x39: {  	_ =	swait.ge [sflag:s19], $0x80  }
0x3a: {  	[sflag:s19] =	ssyncset.done $0x0  }
0x3b: {  	s9 =	rddreg [dreg:$0x4];
	[sflag:s19] =	ssyncadd.s32 $0xFFFFFF80  }
0x3c: {  	[tilespmem:s20], [sflag:$0x5] =	stream.linear.gather [hbm4b:s9+s7], $0x80, $0x38;
	[tilespmem:$0x1C280] =	vst v63  }
0x3d: {  	_ = 	snop  }
0x3e: {  	[tilespmem:s22], [sflag:$0x1] =	stream.indirect.gather [hbm4b:s4+s21], $0x80, s7, s21, $0xb8;
	[tilespmem:$0x1C280] =	vst v63  }
0x3f: {  	s9 =	rddreg [dreg:$0x5]  }
0x40: {  	[tilespmem:s23], [sflag:$0x4] =	stream.linear.gather [hbm4b:s9+s7], $0x80, $0x38;
	[tilespmem:$0x1C280] =	vst v63  }
0x41: {  	_ = 	snop  }
0x42: {  	[tilespmem:s24], [sflag:$0x6] =	stream.linear.gather [hbm4b:s10+s7], $0x80, $0x38;
	[tilespmem:$0x1C280] =	vst v63  }
0x43: {  	_ =	swait.ge [sflag:s25], $0x3E80  }
0x44: {  	[sflag:s25] =	ssyncset.done $0x0  }
0x45: {  	[sflag:s25] =	ssyncadd.s32 $0xFFFFC180  }
0x46: {  	_ =	swait.ge [sflag:s26], $0x80  }
0x47: {  	[sflag:s26] =	ssyncset.done $0x0  }
0x48: {  	[sflag:s26] =	ssyncadd.s32 $0xFFFFFF80  }
0x49: {  	[tilespmem:s28], [sflag:$0x2] =	stream.indirect.gather [hbm4b:s4+s21], $0x80, s23, s21, $0xb8;
	[tilespmem:$0x1C280] =	vst v63  }
0x4a: {  	s9 =	sadd.s32 $0x0, s16  }
0x4b: {  	[tilespmem:s2], [sflag:$0x3] =	stream.linear.gather [hbm4b:s9+s2], $0x80, $0x38;
	[tilespmem:$0x1C280] =	vst v63  }
0x4c: {  	_ =	swait.ge [sflag:s29], $0x80  }
0x4d: {  	[sflag:s29] =	ssyncset.done $0x0  }
0x4e: {  	[sflag:s29] =	ssyncadd.s32 $0xFFFFFF80  }
0x4f: {  	[spmem:s1] =	stream.indirect.scatter.add.f32 [tilespmem:s22], [sflag:$0x7], $0x80, s20, s21, $0xb8;
	[tilespmem:$0x1C280] =	vst v63  }
0x50: {  	_ =	swait.ge [sflag:s19], $0x3E80  }
0x51: {  	[sflag:s19] =	ssyncset.done $0x0  }
0x52: {  	s8 =	sadd.s32 $0x0, s15;
	[sflag:s19] =	ssyncadd.s32 $0xFFFFC180  }
0x53: {  	[tilespmem:s20], [sflag:$0x5] =	stream.linear.gather [hbm4b:s8+s2], $0x80, $0x38;
	[tilespmem:$0x1C280] =	vst v63  }
0x54: {  	_ =	swait.ge [sflag:s30], $0x3E80  }
0x55: {  	[sflag:s30] =	ssyncset.done $0x0  }
0x56: {  	[sflag:s30] =	ssyncadd.s32 $0xFFFFC180  }
0x57: {  	_ =	swait.ge [sflag:s31], $0x80  }
0x58: {  	[sflag:s31] =	ssyncset.done $0x0  }
0x59: {  	[sflag:s31] =	ssyncadd.s32 $0xFFFFFF80  }
0x5a: {  	[tilespmem:s22], [sflag:$0x1] =	stream.indirect.gather [hbm4b:s4+s21], $0x80, s2, s21, $0xb8;
	[tilespmem:$0x1C280] =	vst v63  }
0x5b: {  	s9 =	sadd.s32 $0x0, s14  }
0x5c: {  	[tilespmem:s23], [sflag:$0x4] =	stream.linear.gather [hbm4b:s9+s2], $0x80, $0x38;
	[tilespmem:$0x1C280] =	vst v63  }
0x5d: {  	_ =	swait.ge [sflag:s0], $0x80  }
0x5e: {  	[sflag:s0] =	ssyncset.done $0x0  }
0x5f: {  	[sflag:s0] =	ssyncadd.s32 $0xFFFFFF80  }
0x60: {  	[spmem:s1] =	stream.indirect.scatter.add.f32 [tilespmem:s28], [sflag:$0x7], $0x80, s24, s21, $0xb8;
	[tilespmem:$0x1C280] =	vst v63  }
0x61: {  	_ =	swait.ge [sflag:s19], $0x3E80  }
0x62: {  	[sflag:s19] =	ssyncset.done $0x0  }
0x63: {  	s7 =	simm.s32 $0x20;
	s8 =	sadd.s32 $0x0, s13;
	[sflag:s19] =	ssyncadd.s32 $0xFFFFC180  }
.LBB2_6:
0x64: {  	[tilespmem:s24], [sflag:$0x6] =	stream.linear.gather [hbm4b:s8+s2], $0x80, $0x38;
	[tilespmem:$0x1C280] =	vst v63  }
0x65: {  	s8 =	smov.u32 s7  }
0x66: {  	p1 =	sne.s32 s7, $0x4C0;
	s7 =	sadd.s32 $0x20, s7;
	_ =	swait.ge [sflag:s25], $0x3E80  }
0x67: {  	[sflag:s25] =	ssyncset.done $0x0  }
0x68: {  	[sflag:s25] =	ssyncadd.s32 $0xFFFFC180  }
0x69: {  	_ =	swait.ge [sflag:s26], $0x80  }
0x6a: {  	[sflag:s26] =	ssyncset.done $0x0  }
0x6b: {  	[sflag:s26] =	ssyncadd.s32 $0xFFFFFF80  }
0x6c: {  	[tilespmem:s28], [sflag:$0x2] =	stream.indirect.gather [hbm4b:s4+s21], $0x80, s23, s21, $0xb8;
	[tilespmem:$0x1C280] =	vst v63  }
0x6d: {  	s9 =	sadd.s32 s8, s16  }
0x6e: {  	[tilespmem:s2], [sflag:$0x3] =	stream.linear.gather [hbm4b:s9+s2], $0x80, $0x38;
	[tilespmem:$0x1C280] =	vst v63  }
0x6f: {  	_ =	swait.ge [sflag:s29], $0x80  }
0x70: {  	[sflag:s29] =	ssyncset.done $0x0  }
0x71: {  	[sflag:s29] =	ssyncadd.s32 $0xFFFFFF80  }
0x72: {  	[spmem:s1] =	stream.indirect.scatter.add.f32 [tilespmem:s22], [sflag:$0x7], $0x80, s20, s21, $0xb8;
	[tilespmem:$0x1C280] =	vst v63  }
0x73: {  	_ =	swait.ge [sflag:s19], $0x3E80  }
0x74: {  	[sflag:s19] =	ssyncset.done $0x0  }
0x75: {  	s9 =	sadd.s32 s8, s15;
	[sflag:s19] =	ssyncadd.s32 $0xFFFFC180  }
0x76: {  	[tilespmem:s20], [sflag:$0x5] =	stream.linear.gather [hbm4b:s9+s2], $0x80, $0x38;
	[tilespmem:$0x1C280] =	vst v63  }
0x77: {  	_ =	swait.ge [sflag:s30], $0x3E80  }
0x78: {  	[sflag:s30] =	ssyncset.done $0x0  }
0x79: {  	[sflag:s30] =	ssyncadd.s32 $0xFFFFC180  }
0x7a: {  	_ =	swait.ge [sflag:s31], $0x80  }
0x7b: {  	[sflag:s31] =	ssyncset.done $0x0  }
0x7c: {  	[sflag:s31] =	ssyncadd.s32 $0xFFFFFF80  }
0x7d: {  	[tilespmem:s22], [sflag:$0x1] =	stream.indirect.gather [hbm4b:s4+s21], $0x80, s2, s21, $0xb8;
	[tilespmem:$0x1C280] =	vst v63  }
0x7e: {  	s9 =	sadd.s32 s8, s14  }
0x7f: {  	[tilespmem:s23], [sflag:$0x4] =	stream.linear.gather [hbm4b:s9+s2], $0x80, $0x38;
	[tilespmem:$0x1C280] =	vst v63  }
0x80: {  	_ =	swait.ge [sflag:s0], $0x80  }
0x81: {  	[sflag:s0] =	ssyncset.done $0x0  }
.Ltmp2:
0x82: {  	[sflag:s0] =	ssyncadd.s32 $0xFFFFFF80;
	(pc) =	sbr.rel @p1 .LBB2_6-.Ltmp2, $4  }
0x83: {  	[spmem:s1] =	stream.indirect.scatter.add.f32 [tilespmem:s28], [sflag:$0x7], $0x80, s24, s21, $0xb8;
	[tilespmem:$0x1C280] =	vst v63  }
0x84: {  	_ =	swait.ge [sflag:s19], $0x3E80  }
0x85: {  	[sflag:s19] =	ssyncset.done $0x0  }
0x86: {  	s8 =	sadd.s32 s8, s13;
	[sflag:s19] =	ssyncadd.s32 $0xFFFFC180  }
0x87: {  	[tilespmem:s24], [sflag:$0x6] =	stream.linear.gather [hbm4b:s8+s2], $0x80, $0x38;
	[tilespmem:$0x1C280] =	vst v63  }
0x88: {  	_ =	swait.ge [sflag:s25], $0x3E80  }
0x89: {  	[sflag:s25] =	ssyncset.done $0x0  }
0x8a: {  	[sflag:s25] =	ssyncadd.s32 $0xFFFFC180  }
0x8b: {  	_ =	swait.ge [sflag:s26], $0x80  }
0x8c: {  	[sflag:s26] =	ssyncset.done $0x0  }
0x8d: {  	[sflag:s26] =	ssyncadd.s32 $0xFFFFFF80  }
0x8e: {  	[tilespmem:s28], [sflag:$0x2] =	stream.indirect.gather [hbm4b:s4+s21], $0x80, s23, s21, $0xb8;
	[tilespmem:$0x1C280] =	vst v63  }
0x8f: {  	_ =	swait.ge [sflag:s29], $0x80  }
0x90: {  	[sflag:s29] =	ssyncset.done $0x0  }
0x91: {  	[sflag:s29] =	ssyncadd.s32 $0xFFFFFF80  }
0x92: {  	[spmem:s1] =	stream.indirect.scatter.add.f32 [tilespmem:s22], [sflag:$0x7], $0x80, s20, s21, $0xb8;
	[tilespmem:$0x1C280] =	vst v63  }
0x93: {  	_ =	swait.ge [sflag:s19], $0x3E80  }
0x94: {  	[sflag:s19] =	ssyncset.done $0x0  }
0x95: {  	[sflag:s19] =	ssyncadd.s32 $0xFFFFC180  }
0x96: {  	_ =	swait.ge [sflag:s30], $0x3E80  }
0x97: {  	[sflag:s30] =	ssyncset.done $0x0  }
0x98: {  	[sflag:s30] =	ssyncadd.s32 $0xFFFFC180  }
0x99: {  	_ =	swait.ge [sflag:s0], $0x80  }
0x9a: {  	[sflag:s0] =	ssyncset.done $0x0  }
0x9b: {  	[sflag:s0] =	ssyncadd.s32 $0xFFFFFF80  }
0x9c: {  	[spmem:s1] =	stream.indirect.scatter.add.f32 [tilespmem:s28], [sflag:$0x7], $0x80, s24, s21, $0xb8;
	[tilespmem:$0x1C280] =	vst v63  }
0x9d: {  	_ =	swait.ge [sflag:s19], $0x3E80  }
0x9e: {  	[sflag:s19] =	ssyncset.done $0x0  }
0x9f: {  	[sflag:s19] =	ssyncadd.s32 $0xFFFFC180  }
0xa0: {  	[bflag:$0x0] =	sbarrier.arrive $0xFFFF  }
0xa1: {  	[tilespmem:s18], [sflag:$0x7] =	stream.linear.gather [spmem:s5], $0x800, $0x38;
	[tilespmem:$0x1C280] =	vst v63  }
0xa2: {  	_ =	swait.ge [sflag:s19], $0x800  }
0xa3: {  	[sflag:s19] =	ssyncset.done $0x0  }
0xa4: {  	s7 =	sadd.s32 $0x0, s17;
	[sflag:s19] =	ssyncadd.s32 $0xFFFFF800  }
0xa5: {  	[hbm4b:s7+s2] =	stream.linear.scatter [tilespmem:s18], [sflag:$0x7], $0x800, $0x38;
	[tilespmem:$0x1C280] =	vst v63  }
0xa6: {  	_ =	swait.ge [sflag:s19], $0x800  }
0xa7: {  	s8 =	smov.u32 s5;
	s7 =	simm.s32 $0x100;
	[sflag:s19] =	ssyncset.done $0x0  }
.LBB2_8:
0xa8: {  	p1 =	sne.s32 s7, $0x2600;
	[sflag:s19] =	ssyncadd.s32 $0xFFFFF800;
	s8 =	sadd.s32 $0x800, s8  }
0xa9: {  	[tilespmem:s18], [sflag:$0x7] =	stream.linear.gather [spmem:s8], $0x800, $0x38;
	[tilespmem:$0x1C280] =	vst v63  }
0xaa: {  	s9 =	smov.u32 s7;
	s7 =	sadd.s32 $0x100, s7;
	_ =	swait.ge [sflag:s19], $0x800  }
.Ltmp3:
0xab: {  	[sflag:s19] =	ssyncset.done $0x0;
	(pc) =	sbr.rel @p1 .LBB2_8-.Ltmp3, $4  }
0xac: {  	s9 =	sadd.s32 s9, s17;
	[sflag:s19] =	ssyncadd.s32 $0xFFFFF800  }
0xad: {  	[hbm4b:s9+s2] =	stream.linear.scatter [tilespmem:s18], [sflag:$0x7], $0x800, $0x38;
	[tilespmem:$0x1C280] =	vst v63  }
0xae: {  	_ =	swait.ge [sflag:s19], $0x800  }
0xaf: {  	[sflag:s19] =	ssyncset.done $0x0  }
0xb0: {  	[sflag:s19] =	ssyncadd.s32 $0xFFFFF800;
	s7 =	simm.s32 @!p0 $0x8200;
	s8 =	simm.s32 @!p0 $0x7  }
0xb1: {  	[tilespmem:s7], [sflag:$0x7] =	stream.linear.gather @!p0 [spmem:s6], $0x800, $0x38;
	[tilespmem:$0x1C280] =	vst v63  }
0xb2: {  	s3 =	sadd.s32 $0x1, s3;
	_ =	swait.ge @!p0 [sflag:s8], $0x800  }
0xb3: {  	p1 =	sne.s32 s3, s12;
	[sflag:s8] =	ssyncset.done @!p0 $0x0  }
.Ltmp4:
0xb4: {  	s9 =	simm.s32 @!p0 $0x0;
	[sflag:s8] =	ssyncadd.s32 @!p0 $0xFFFFF800;
	(pc) =	sbr.rel @p1 .LBB2_1-.Ltmp4, $4  }
0xb5: {  	[hbm4b:s11+s9] =	stream.linear.scatter @!p0 [tilespmem:s7], [sflag:$0x7], $0x800, $0x38;
	[tilespmem:$0x1C280] =	vst v63  }
0xb6: {  	_ =	swait.ge @!p0 [sflag:s8], $0x800  }
0xb7: {  	[sflag:s8] =	ssyncset.done @!p0 $0x0  }
0xb8: {  	[sflag:s8] =	ssyncadd.s32 @!p0 $0xFFFFF800  }
0xb9: {  	_ =	sfence.sel $0x180000  }
0xba: {  	[bflag:$0x0] =	sbarrier.arrive $0xFFFF  }
0xbb: {  	_ =	strace $0x90000050  }
0xbc: {  	s0 =	stileid.u32;
	[bflag:$0x2] =	sbarrier.arrive $0xFFFF  }
0xbd: {  	p0 =	sne.s32 s0, $0x0;
	s0 =	rddreg [dreg:$0x2]  }
0xbe: {  	s0 =	sadd.s32 @!p0 $0x100000, s0  }
0xbf: {  	[sflag:s0] =	ssyncadd.tile.s32 @!p0 $0x1;
	_ =	shalt  }
.Lfunc_end2:
_tile_overlayer_lowered:
.L_overlay_start_2:
0xc0: {  	(tag) =	ssettag $0x2  }
0xc1: {  	s0 =	rddreg [dreg:$0x0];
	s2 =	stileid.u32  }
0xc2: {  	s1 =	rddreg [dreg:$0x1];
	p0 =	sne.s32 s2, $0x0  }
0xc3: {  	s3 =	rddreg [dreg:$0x2];
	[bflag:$0x3] =	sbarrier.arrive $0xFFFF;
	s2 =	simm.s32 @!p0 $0x1C07  }
0xc4: {  	[timem:s3], [sflag:s2] =	dma.local @!p0 [hbm:s0], s1  }
0xc5: {  	s0 =	simm.s32 @!p0 $0x7  }
0xc6: {  	_ =	swait.ge @!p0 [sflag:s0], s1  }
0xc7: {  	s1 =	ssub.s32 @!p0 $0x0, s1;
	[sflag:s0] =	ssyncset.done @!p0 $0x0  }
0xc8: {  	[sflag:s0] =	ssyncadd.s32 @!p0 s1  }
0xc9: {  	[bflag:$0x3] =	sbarrier.arrive $0xFFFF  }
0xca: {  	_ =	shalt  }

</sc_bundles>
